<compile_context>
chip_gen: v7x
topology: tpu7x:2x2x1
jax: 0.10.2.dev20260603
libtpu: 0.0.44.dev20260713+nightly
codegen_flags: <defaults>
</compile_context>

<pallas_src>
import functools

import jax
import jax.numpy as jnp
from jax import lax
from jax.experimental import pallas as pl
from jax.experimental.pallas import tpu as pltpu
from jax.experimental.pallas import tpu_sc as plsc

BS = 32
QN = 32
FD = 256
NROW = BS * QN
NSEL = 4
LANES = 16
LOGN = 128
NEG_FILL = -1e30
BIG = 9999


def _f16_roundtrip(x):
    c = jnp.float32(8193.0)
    m = jnp.float32(0.75)
    y = x * c
    hi = y - (y - x)
    lo = (x + m) - m
    return jnp.where(jnp.abs(x) >= jnp.float32(2.0 ** -14), hi, lo)


def _prep_body(v_ref, l_ref, g_ref, sim_ref, diff_ref, sel0_ref):
    V = v_ref[...]
    L = l_ref[...]
    n2 = jnp.sum(V * V, axis=1, keepdims=True)
    nrm = jnp.maximum(jnp.sqrt(n2), 1e-12)
    Uh = _f16_roundtrip(V / nrm)
    G = lax.dot_general(Uh, Uh, (((1,), (1,)), ((), ())),
                        preferred_element_type=jnp.float32)
    c = jnp.float32(8193.0)
    y = G * c
    g_ref[...] = y - (y - G)
    sim = lax.dot_general(L, V, (((1,), (1,)), ((), ())),
                          preferred_element_type=jnp.float32)
    sim_ref[...] = sim
    sim3 = sim.reshape(BS, BS, QN)
    mn = jnp.min(sim3, axis=2, keepdims=True)
    mx = jnp.max(sim3, axis=2, keepdims=True)
    diff_ref[...] = ((sim3 - mn) / (mx - mn)).reshape(BS, NROW)
    qio = lax.broadcasted_iota(jnp.int32, (BS, BS, QN), 2)
    qmin = jnp.min(jnp.where(sim3 == mx, qio, BIG), axis=2)
    sel0_ref[...] = qmin + lax.broadcasted_iota(jnp.int32, (BS, BS), 1) * QN


def _prep(V, L):
    return pl.pallas_call(
        _prep_body,
        out_shape=[
            jax.ShapeDtypeStruct((NROW, NROW), jnp.float32),
            jax.ShapeDtypeStruct((BS, NROW), jnp.float32),
            jax.ShapeDtypeStruct((BS, NROW), jnp.float32),
            jax.ShapeDtypeStruct((BS, BS), jnp.int32),
        ],
    )(V, L)


def _sc_mine(G, sim, diff, sel0):
    info = plsc.get_sparse_core_info()
    nc = info.num_cores

    mesh = plsc.VectorSubcoreMesh(core_axis_name="c", subcore_axis_name="s")

    @functools.partial(
        pl.kernel,
        mesh=mesh,
        compiler_params=pltpu.CompilerParams(needs_layout_passes=False),
        out_type=jax.ShapeDtypeStruct((BS, LOGN), jnp.float32),
        scratch_types=[
            pltpu.VMEM((NROW,), jnp.float32),
            pltpu.VMEM((NROW,), jnp.float32),
            pltpu.VMEM((NROW,), jnp.float32),
            pltpu.VMEM((BS,), jnp.int32),
            pltpu.VMEM((NSEL, BS), jnp.int32),
            pltpu.VMEM((BS, NROW), jnp.float32),
            pltpu.VMEM((BS, NROW), jnp.float32),
            pltpu.VMEM((LOGN,), jnp.float32),
            pltpu.SemaphoreType.DMA,
        ],
    )
    def body(g_hbm, sim_hbm, diff_hbm, sel0_hbm, out_hbm, sim_v, diff_v,
             uniq_v, selidx, selhist, gbuf_a, gbuf_b, logits_v, sem):
        b = lax.axis_index("s") * nc + lax.axis_index("c")
        iota = lax.iota(jnp.int32, LANES)

        pltpu.sync_copy(sel0_hbm.at[b], selidx)

        def fix_lane_b(sv0, sv1, repl):
            sv0 = jnp.where(iota == b, repl, sv0)
            sv1 = jnp.where(iota == b - LANES, repl, sv1)
            return sv0, sv1

        dupe = plsc.load_gather(selidx, [iota * 0 + (b + 1) % BS])
        sv0, sv1 = fix_lane_b(selidx[pl.ds(0, LANES)],
                              selidx[pl.ds(LANES, LANES)], dupe)
        selidx[pl.ds(0, LANES)] = sv0
        selidx[pl.ds(LANES, LANES)] = sv1
        selhist[0, pl.ds(0, LANES)] = sv0
        selhist[0, pl.ds(LANES, LANES)] = sv1

        gbufs = (gbuf_a, gbuf_b, gbuf_a)
        pending = [pltpu.async_copy(g_hbm.at[selidx], gbuf_a, sem)]
        pltpu.sync_copy(sim_hbm.at[b], sim_v)
        pltpu.sync_copy(diff_hbm.at[b], diff_v)

        for it in range(NSEL - 1):
            gbuf = gbufs[it]
            nxt = gbufs[it + 1] if it < NSEL - 2 else None
            for cp in pending:
                cp.wait()
            pending = []

            def seg_a(a, carry):
                sv0, sv1, first = carry
                base = a * QN
                subs = []
                for half in range(2):
                    sl = pl.ds(base + half * LANES, LANES)
                    ms = [jnp.maximum(gbuf[2 * j, sl], gbuf[2 * j + 1, sl])
                          for j in range(BS // 2)]
                    while len(ms) > 1:
                        ms = [jnp.maximum(ms[2 * j], ms[2 * j + 1])
                              for j in range(len(ms) // 2)]
                    qv = (1.0 - ms[0]) * 0.5
                    u = qv if it == 0 else jnp.minimum(uniq_v[sl], qv)
                    uniq_v[sl] = u
                    subs.append(u * diff_v[sl])
                s0, s1 = subs
                m = jnp.maximum(jnp.max(s0), jnp.max(s1))
                q0 = jnp.min(jnp.where(s0 == m, iota, jnp.int32(BIG)))
                q1 = jnp.min(jnp.where(s1 == m, iota + LANES, jnp.int32(BIG)))
                sel = base + jnp.minimum(q0, q1)
                upd = a != b
                sv0 = jnp.where(jnp.logical_and(iota == a, upd), sel, sv0)
                sv1 = jnp.where(jnp.logical_and(iota == a - LANES, upd),
                                sel, sv1)
                first = jnp.where(jnp.logical_and(upd, first < 0), sel, first)
                return sv0, sv1, first

            z16 = jnp.zeros((LANES,), jnp.int32)
            carry = (z16, z16, jnp.int32(-1))
            last = it == NSEL - 2
            if last:
                sv0, sv1, first = lax.fori_loop(0, BS, seg_a, carry)
            else:
                sv0, sv1, first = lax.fori_loop(0, BS // 2, seg_a, carry)
                sv0 = jnp.where(iota == b, first, sv0)
                selidx[pl.ds(0, LANES)] = sv0
                pending.append(pltpu.async_copy(
                    g_hbm.at[selidx.at[pl.ds(0, LANES)]],
                    nxt.at[pl.ds(0, LANES)], sem))
                sv0, sv1, first = lax.fori_loop(BS // 2, BS, seg_a,
                                                (sv0, sv1, first))
            sv0, sv1 = fix_lane_b(sv0, sv1, first)
            selidx[pl.ds(0, LANES)] = sv0
            selidx[pl.ds(LANES, LANES)] = sv1
            selhist[it + 1, pl.ds(0, LANES)] = sv0
            selhist[it + 1, pl.ds(LANES, LANES)] = sv1
            if not last:
                pending.append(pltpu.async_copy(
                    g_hbm.at[selidx.at[pl.ds(LANES, LANES)]],
                    nxt.at[pl.ds(LANES, LANES)], sem))

        fill = jnp.full((LANES,), NEG_FILL, jnp.float32)
        for c in range(LOGN // LANES):
            logits_v[pl.ds(c * LANES, LANES)] = fill

        for it in range(NSEL):
            for h in range(2):
                nvec = iota + h * LANES
                live = nvec < BS - 1
                avec = jnp.minimum(nvec + (nvec >= b).astype(jnp.int32),
                                   jnp.int32(BS - 1))
                rows = plsc.load_gather(
                    selhist, [jnp.full((LANES,), it, jnp.int32), avec],
                    mask=live)
                rows = jnp.where(live, rows, 0)
                vals = plsc.load_gather(sim_v, [rows], mask=live)
                posn = jnp.where(live, 1 + nvec * NSEL + it, 0)
                plsc.store_scatter(logits_v, [posn], vals, mask=live)

        p0 = sim_v[pl.ds(b * QN, LANES)]
        p1 = sim_v[pl.ds(b * QN + LANES, LANES)]
        pos = jnp.maximum(jnp.max(p0), jnp.max(p1))
        l0 = logits_v[pl.ds(0, LANES)]
        logits_v[pl.ds(0, LANES)] = jnp.where(iota == 0, pos, l0)

        pltpu.sync_copy(logits_v, out_hbm.at[b])

    return body(G, sim, diff, sel0)


def _loss_body(lg_ref, out_ref):
    lg = lg_ref[...]
    m = jnp.max(lg, axis=1, keepdims=True)
    s = jnp.sum(jnp.exp(lg - m), axis=1, keepdims=True)
    lse = m + jnp.log(s)
    logp0 = lg[:, 0:1] - lse
    out_ref[...] = jnp.full((1, 1), -jnp.mean(logp0), jnp.float32)


def _loss(logits):
    return pl.pallas_call(
        _loss_body,
        out_shape=jax.ShapeDtypeStruct((1, 1), jnp.float32),
    )(logits)


def kernel(vis_fs, lan_fs):
    V = vis_fs.reshape(NROW, FD)
    L = lan_fs.reshape(BS, FD)
    G, sim, diff, sel0 = _prep(V, L)
    logits = _sc_mine(G, sim, diff, sel0)
    return _loss(logits).reshape(())

# --- scband reference (transcript-rebuilt; emitter-appended) ---
"""Pipeline reference for scband-weak-reshead-31559419691040 (READ-ONLY COPY).

The authoritative reference and input builder live on the scoring server;
editing this copy changes nothing except your own understanding.
"""

import jax, jax.numpy as jnp
import numpy as np

EACH_SELECT = 4

def _l2norm(x, axis=-1):
    n = jnp.linalg.norm(x, axis=axis, keepdims=True)
    return x / jnp.maximum(n, 1e-12)

def min_max_normalize(matrix, min_vals=None, max_vals=None, axis=1):
    if min_vals is None:
        min_vals = jnp.min(matrix, axis=axis, keepdims=True)
    if max_vals is None:
        max_vals = jnp.max(matrix, axis=axis, keepdims=True)
    return (matrix - min_vals) / (max_vals - min_vals)

def batch_get_hq_negqr(candi_vec, lan_emb, each_select=4):
    bs, negn, qn, fd = candi_vec.shape
    norm_candi = _l2norm(candi_vec, axis=-1)
    norm_all = _l2norm(candi_vec.reshape(bs, negn * qn, fd), axis=-1)
    a = norm_candi[:, :, :, None, :].astype(jnp.float16)
    b = jnp.swapaxes(norm_all[:, None, None, :, :], -1, -2).astype(jnp.float16)
    self_similarity = jnp.squeeze(jnp.matmul(a, b), axis=3).astype(jnp.float32)
    uniqueness = jnp.ones((bs, negn, qn), dtype=jnp.float32)
    max_vals = jnp.ones((bs, 1), dtype=jnp.float32)
    self_sim_norm = min_max_normalize(-self_similarity,
                                      (max_vals * -1.0)[:, :, None, None],
                                      max_vals[:, :, None, None])
    lan_similarity = jnp.einsum('bnvd,bd->bnv', candi_vec, jnp.squeeze(lan_emb, axis=1))
    difficulty = min_max_normalize(lan_similarity, axis=2)
    select_score = uniqueness * difficulty
    res_indices = None
    for i in range(each_select):
        indices = jnp.argmax(select_score, axis=-1)  # [bs, negn]
        mul_indices = indices + jnp.arange(negn)[None, :] * qn
        mul_idx = jnp.broadcast_to(mul_indices[:, None, None, :], (bs, negn, qn, negn))
        query_value = jnp.take_along_axis(self_sim_norm, mul_idx, axis=3)
        query_value = jnp.min(query_value, axis=-1)
        uniqueness = jnp.minimum(uniqueness, query_value)
        select_score = uniqueness * difficulty
        idx_e = indices[:, :, None]
        res_indices = idx_e if i == 0 else jnp.concatenate([res_indices, idx_e], axis=2)
    return res_indices

def get_contrast(vis_emb, lan_emb, each_select=4):
    bs, qn, fd = vis_emb.shape
    vis_emb_bs = jnp.broadcast_to(vis_emb[None, :, :, :], (bs, bs, qn, fd))
    sim_map = jnp.einsum('avd,bqd->baqv', vis_emb, lan_emb)  # [bs, bs, 1, qn]
    max_sims, indices = jax.lax.top_k(sim_map, qn)
    indices = jnp.squeeze(indices, axis=2)  # [bs, bs, qn]
    n_negqn = indices.shape[-1]
    gather_idx = jnp.broadcast_to(indices[:, :, :, None], (bs, bs, n_negqn, fd))
    neg_q = jnp.take_along_axis(vis_emb_bs, gather_idx, axis=2)
    mask = ~np.eye(bs, dtype=bool)
    neg_queries = neg_q[mask].reshape(bs, bs - 1, n_negqn, fd)
    candidate_queries = neg_queries
    hq_indices = batch_get_hq_negqr(candidate_queries, lan_emb, each_select=each_select)
    es = hq_indices.shape[2]
    hq_gidx = jnp.broadcast_to(hq_indices[:, :, :, None], (bs, bs - 1, es, fd))
    hq_negqr = jnp.take_along_axis(candidate_queries, hq_gidx, axis=2).reshape(bs, (bs - 1) * es, fd)
    sim_neg_map = jnp.squeeze(jnp.einsum('bkd,byd->byk', hq_negqr, lan_emb), axis=1)
    max_sims_s = jnp.squeeze(max_sims, axis=2)  # [bs, bs, qn]
    max_sim_0 = max_sims_s[..., 0]
    max_sim_0_pos = max_sim_0[jnp.arange(bs), jnp.arange(bs)][:, None]
    new_logits = jnp.concatenate([max_sim_0_pos, sim_neg_map], axis=1)
    logp = jax.nn.log_softmax(new_logits, axis=1)
    loss_contra = -jnp.mean(logp[:, 0])
    return loss_contra

def setup_inputs(seed: int = 0) -> dict:
    key = jax.random.key(seed)
    k1, k2 = jax.random.split(key)
    vis_fs = jax.random.normal(k1, (32, 32, 256), dtype=jnp.float32)
    lan_fs = jax.random.normal(k2, (32, 1, 256), dtype=jnp.float32)
    return {"vis_fs": vis_fs, "lan_fs": lan_fs}

def reference(vis_fs, lan_fs):
    # training-mode forward of WeakREShead (self.training == True by default)
    return get_contrast(vis_fs, lan_fs, each_select=EACH_SELECT)

if __name__ == "__main__":
    import jax
    _d = setup_inputs()
    print(jax.jit(kernel)(*tuple(_d.values())))

</pallas_src>

<mosaic_0001>
#map = affine_map<(d0, d1) -> (0, 0)>
module attributes {stable_mosaic.version = 14 : i64} {
  func.func @body(%arg0: i32, %arg1: i32, %arg2: memref<1024x1024xf32, #tpu.memory_space<hbm>>, %arg3: memref<32x1024xf32, #tpu.memory_space<hbm>>, %arg4: memref<32x1024xf32, #tpu.memory_space<hbm>>, %arg5: memref<32x32xi32, #tpu.memory_space<hbm>>, %arg6: memref<32x128xf32, #tpu.memory_space<hbm>>, %arg7: memref<1024xf32, #tpu.memory_space<vmem>>, %arg8: memref<1024xf32, #tpu.memory_space<vmem>>, %arg9: memref<1024xf32, #tpu.memory_space<vmem>>, %arg10: memref<32xi32, #tpu.memory_space<vmem>>, %arg11: memref<4x32xi32, #tpu.memory_space<vmem>>, %arg12: memref<32x1024xf32, #tpu.memory_space<vmem>>, %arg13: memref<32x1024xf32, #tpu.memory_space<vmem>>, %arg14: memref<128xf32, #tpu.memory_space<vmem>>, %arg15: memref<!tpu.dma_semaphore, #tpu.memory_space<semaphore_mem>>) attributes {dimension_semantics = [#tpu.dimension_semantics<core_parallel>, #tpu.dimension_semantics<subcore_parallel>], iteration_bounds = array<i64: 2, 16>, scalar_prefetch = 0 : i64, scratch_operands = 9 : i64, tpu.core_type = #tpu.core_type<sc_vector_subcore>, window_params = [{transform_indices = #map}, {transform_indices = #map}, {transform_indices = #map}, {transform_indices = #map}, {transform_indices = #map}]} {
    %mul3A = arith.constant 2 : i32
    %mul3A_0 = arith.muli %arg1, %mul3A : i32
    %add3A = arith.addi %mul3A_0, %arg0 : i32
    %iota3A = tpu.iota {dimensions = array<i32: 0>} : vector<16xi32>
    "tpu.region"() ({
      %run_scoped3A = tpu.sem_alloc : memref<!tpu.dma_semaphore, #tpu.memory_space<semaphore_mem>>
      %dma_start3A_518 = arith.constant 0 : i32
      %dma_start3A_519 = tpu.memref_slice %arg5[%add3A, %dma_start3A_518] : memref<32x32xi32, #tpu.memory_space<hbm>> -> memref<1x32xi32, #tpu.memory_space<hbm>>
      %dma_start3A_520 = tpu.memref_squeeze %dma_start3A_519 : memref<1x32xi32, #tpu.memory_space<hbm>> -> memref<32xi32, #tpu.memory_space<hbm>>
      %dma_start3A_521 = arith.constant 0 : i32
      %dma_start3A_522 = tpu.memref_slice %arg5[%add3A, %dma_start3A_521] : memref<32x32xi32, #tpu.memory_space<hbm>> -> memref<1x32xi32, #tpu.memory_space<hbm>>
      %dma_start3A_523 = tpu.memref_squeeze %dma_start3A_522 : memref<1x32xi32, #tpu.memory_space<hbm>> -> memref<32xi32, #tpu.memory_space<hbm>>
      tpu.enqueue_dma source(%dma_start3A_523 : memref<32xi32, #tpu.memory_space<hbm>>) target(%arg10 : memref<32xi32, #tpu.memory_space<vmem>>) target_semaphore(%run_scoped3A : memref<!tpu.dma_semaphore, #tpu.memory_space<semaphore_mem>>)
      %dma_wait3A_524 = arith.constant 0 : i32
      %dma_wait3A_525 = tpu.memref_slice %arg5[%add3A, %dma_wait3A_524] : memref<32x32xi32, #tpu.memory_space<hbm>> -> memref<1x32xi32, #tpu.memory_space<hbm>>
      %dma_wait3A_526 = tpu.memref_squeeze %dma_wait3A_525 : memref<1x32xi32, #tpu.memory_space<hbm>> -> memref<32xi32, #tpu.memory_space<hbm>>
      %dma_wait3A_527 = arith.constant 0 : i32
      %dma_wait3A_528 = tpu.memref_slice %arg5[%add3A, %dma_wait3A_527] : memref<32x32xi32, #tpu.memory_space<hbm>> -> memref<1x32xi32, #tpu.memory_space<hbm>>
      %dma_wait3A_529 = tpu.memref_squeeze %dma_wait3A_528 : memref<1x32xi32, #tpu.memory_space<hbm>> -> memref<32xi32, #tpu.memory_space<hbm>>
      tpu.wait_dma2 semaphore(%run_scoped3A : memref<!tpu.dma_semaphore, #tpu.memory_space<semaphore_mem>>) src(%dma_wait3A_529 : memref<32xi32, #tpu.memory_space<hbm>>) dst(%arg10 : memref<32xi32, #tpu.memory_space<vmem>>)
      tpu.yield
    }) : () -> ()
    %mul3A_1 = arith.constant 0 : i32
    %mul3A_2 = vector.broadcast %mul3A_1 : i32 to vector<16xi32>
    %mul3A_3 = arith.muli %iota3A, %mul3A_2 : vector<16xi32>
    %add3A_4 = arith.constant 1 : i32
    %add3A_5 = arith.addi %add3A, %add3A_4 : i32
    %jit3A = arith.constant 32 : i32
    %eq3A = arith.constant 0 : i32
    %eq3A_6 = arith.cmpi eq, %jit3A, %eq3A : i32
    %jit3A_7 = arith.constant 1 : i32
    %select_n3A = arith.select %eq3A_6, %jit3A_7, %jit3A : i32
    %rem3A = arith.remsi %add3A_5, %select_n3A : i32
    %ne3A = arith.constant 0 : i32
    %ne3A_8 = arith.cmpi ne, %rem3A, %ne3A : i32
    %lt3A = arith.constant 0 : i32
    %lt3A_9 = arith.cmpi slt, %rem3A, %lt3A : i32
    %lt3A_10 = arith.constant 0 : i32
    %lt3A_11 = arith.cmpi slt, %select_n3A, %lt3A_10 : i32
    %ne3A_12 = arith.xori %lt3A_9, %lt3A_11 : i1
    %and3A = arith.andi %ne3A_12, %ne3A_8 : i1
    %add3A_13 = arith.addi %rem3A, %select_n3A : i32
    %select_n3A_14 = arith.select %and3A, %add3A_13, %rem3A : i32
    %add3A_15 = vector.broadcast %select_n3A_14 : i32 to vector<16xi32>
    %add3A_16 = arith.addi %mul3A_3, %add3A_15 : vector<16xi32>
    %gather3A = tpu.vector_load_idx %arg10[%add3A_16] : memref<32xi32, #tpu.memory_space<vmem>>[vector<16xi32>], vector<16xi32>,
    %get3A = arith.constant 0 : index
    %get3A_17 = tpu.vector_load %arg10[%get3A] {strides = array<i32>} : memref<32xi32, #tpu.memory_space<vmem>>, vector<16xi32>,
    %get3A_18 = arith.constant 16 : index
    %get3A_19 = tpu.vector_load %arg10[%get3A_18] {strides = array<i32>} : memref<32xi32, #tpu.memory_space<vmem>>, vector<16xi32>,
    %eq3A_20 = vector.broadcast %add3A : i32 to vector<16xi32>
    %eq3A_21 = arith.cmpi eq, %iota3A, %eq3A_20 : vector<16xi32>
    %select_n3A_22 = arith.select %eq3A_21, %gather3A, %get3A_17 : vector<16xi1>, vector<16xi32>
    %sub3A = arith.constant 16 : i32
    %sub3A_23 = arith.subi %add3A, %sub3A : i32
    %eq3A_24 = vector.broadcast %sub3A_23 : i32 to vector<16xi32>
    %eq3A_25 = arith.cmpi eq, %iota3A, %eq3A_24 : vector<16xi32>
    %select_n3A_26 = arith.select %eq3A_25, %gather3A, %get3A_19 : vector<16xi1>, vector<16xi32>
    %swap3A = arith.constant 0 : index
    %swap3A_27 = tpu.vector_load %arg10[%swap3A] {strides = array<i32>} : memref<32xi32, #tpu.memory_space<vmem>>, vector<16xi32>,
    tpu.vector_store %arg10[%swap3A], %select_n3A_22 {strides = array<i32>} : memref<32xi32, #tpu.memory_space<vmem>>, vector<16xi32>,
    %swap3A_28 = arith.constant 16 : index
    %swap3A_29 = tpu.vector_load %arg10[%swap3A_28] {strides = array<i32>} : memref<32xi32, #tpu.memory_space<vmem>>, vector<16xi32>,
    tpu.vector_store %arg10[%swap3A_28], %select_n3A_26 {strides = array<i32>} : memref<32xi32, #tpu.memory_space<vmem>>, vector<16xi32>,
    %swap3A_30 = arith.constant 0 : i32
    %swap3A_31 = arith.index_cast %swap3A_30 : i32 to index
    %swap3A_32 = arith.constant 0 : index
    %swap3A_33 = tpu.vector_load %arg11[%swap3A_31, %swap3A_32] {strides = array<i32>} : memref<4x32xi32, #tpu.memory_space<vmem>>, vector<16xi32>,
    tpu.vector_store %arg11[%swap3A_31, %swap3A_32], %select_n3A_22 {strides = array<i32>} : memref<4x32xi32, #tpu.memory_space<vmem>>, vector<16xi32>,
    %swap3A_34 = arith.constant 0 : i32
    %swap3A_35 = arith.index_cast %swap3A_34 : i32 to index
    %swap3A_36 = arith.constant 16 : index
    %swap3A_37 = tpu.vector_load %arg11[%swap3A_35, %swap3A_36] {strides = array<i32>} : memref<4x32xi32, #tpu.memory_space<vmem>>, vector<16xi32>,
    tpu.vector_store %arg11[%swap3A_35, %swap3A_36], %select_n3A_26 {strides = array<i32>} : memref<4x32xi32, #tpu.memory_space<vmem>>, vector<16xi32>,
    %dma_start3A = arith.constant 0 : i32
    %dma_start3A_38 = arith.constant 0 : i32
    %dma_start3A_39 = tpu.memref_slice %arg2[%dma_start3A, %dma_start3A_38] : memref<1024x1024xf32, #tpu.memory_space<hbm>> -> memref<1024x1024xf32, #tpu.memory_space<hbm>>
    tpu.enqueue_indirect_dma source(%dma_start3A_39 : memref<1024x1024xf32, #tpu.memory_space<hbm>>) target(%arg12 : memref<32x1024xf32, #tpu.memory_space<vmem>>) offsets(%arg10 : memref<32xi32, #tpu.memory_space<vmem>>) semaphore(%arg15 : memref<!tpu.dma_semaphore, #tpu.memory_space<semaphore_mem>>)
    "tpu.region"() ({
      %run_scoped3A = tpu.sem_alloc : memref<!tpu.dma_semaphore, #tpu.memory_space<semaphore_mem>>
      %dma_start3A_518 = arith.constant 0 : i32
      %dma_start3A_519 = tpu.memref_slice %arg3[%add3A, %dma_start3A_518] : memref<32x1024xf32, #tpu.memory_space<hbm>> -> memref<1x1024xf32, #tpu.memory_space<hbm>>
      %dma_start3A_520 = tpu.memref_squeeze %dma_start3A_519 : memref<1x1024xf32, #tpu.memory_space<hbm>> -> memref<1024xf32, #tpu.memory_space<hbm>>
      %dma_start3A_521 = arith.constant 0 : i32
      %dma_start3A_522 = tpu.memref_slice %arg3[%add3A, %dma_start3A_521] : memref<32x1024xf32, #tpu.memory_space<hbm>> -> memref<1x1024xf32, #tpu.memory_space<hbm>>
      %dma_start3A_523 = tpu.memref_squeeze %dma_start3A_522 : memref<1x1024xf32, #tpu.memory_space<hbm>> -> memref<1024xf32, #tpu.memory_space<hbm>>
      tpu.enqueue_dma source(%dma_start3A_523 : memref<1024xf32, #tpu.memory_space<hbm>>) target(%arg7 : memref<1024xf32, #tpu.memory_space<vmem>>) target_semaphore(%run_scoped3A : memref<!tpu.dma_semaphore, #tpu.memory_space<semaphore_mem>>)
      %dma_wait3A_524 = arith.constant 0 : i32
      %dma_wait3A_525 = tpu.memref_slice %arg3[%add3A, %dma_wait3A_524] : memref<32x1024xf32, #tpu.memory_space<hbm>> -> memref<1x1024xf32, #tpu.memory_space<hbm>>
      %dma_wait3A_526 = tpu.memref_squeeze %dma_wait3A_525 : memref<1x1024xf32, #tpu.memory_space<hbm>> -> memref<1024xf32, #tpu.memory_space<hbm>>
      %dma_wait3A_527 = arith.constant 0 : i32
      %dma_wait3A_528 = tpu.memref_slice %arg3[%add3A, %dma_wait3A_527] : memref<32x1024xf32, #tpu.memory_space<hbm>> -> memref<1x1024xf32, #tpu.memory_space<hbm>>
      %dma_wait3A_529 = tpu.memref_squeeze %dma_wait3A_528 : memref<1x1024xf32, #tpu.memory_space<hbm>> -> memref<1024xf32, #tpu.memory_space<hbm>>
      tpu.wait_dma2 semaphore(%run_scoped3A : memref<!tpu.dma_semaphore, #tpu.memory_space<semaphore_mem>>) src(%dma_wait3A_529 : memref<1024xf32, #tpu.memory_space<hbm>>) dst(%arg7 : memref<1024xf32, #tpu.memory_space<vmem>>)
      tpu.yield
    }) : () -> ()
    "tpu.region"() ({
      %run_scoped3A = tpu.sem_alloc : memref<!tpu.dma_semaphore, #tpu.memory_space<semaphore_mem>>
      %dma_start3A_518 = arith.constant 0 : i32
      %dma_start3A_519 = tpu.memref_slice %arg4[%add3A, %dma_start3A_518] : memref<32x1024xf32, #tpu.memory_space<hbm>> -> memref<1x1024xf32, #tpu.memory_space<hbm>>
      %dma_start3A_520 = tpu.memref_squeeze %dma_start3A_519 : memref<1x1024xf32, #tpu.memory_space<hbm>> -> memref<1024xf32, #tpu.memory_space<hbm>>
      %dma_start3A_521 = arith.constant 0 : i32
      %dma_start3A_522 = tpu.memref_slice %arg4[%add3A, %dma_start3A_521] : memref<32x1024xf32, #tpu.memory_space<hbm>> -> memref<1x1024xf32, #tpu.memory_space<hbm>>
      %dma_start3A_523 = tpu.memref_squeeze %dma_start3A_522 : memref<1x1024xf32, #tpu.memory_space<hbm>> -> memref<1024xf32, #tpu.memory_space<hbm>>
      tpu.enqueue_dma source(%dma_start3A_523 : memref<1024xf32, #tpu.memory_space<hbm>>) target(%arg8 : memref<1024xf32, #tpu.memory_space<vmem>>) target_semaphore(%run_scoped3A : memref<!tpu.dma_semaphore, #tpu.memory_space<semaphore_mem>>)
      %dma_wait3A_524 = arith.constant 0 : i32
      %dma_wait3A_525 = tpu.memref_slice %arg4[%add3A, %dma_wait3A_524] : memref<32x1024xf32, #tpu.memory_space<hbm>> -> memref<1x1024xf32, #tpu.memory_space<hbm>>
      %dma_wait3A_526 = tpu.memref_squeeze %dma_wait3A_525 : memref<1x1024xf32, #tpu.memory_space<hbm>> -> memref<1024xf32, #tpu.memory_space<hbm>>
      %dma_wait3A_527 = arith.constant 0 : i32
      %dma_wait3A_528 = tpu.memref_slice %arg4[%add3A, %dma_wait3A_527] : memref<32x1024xf32, #tpu.memory_space<hbm>> -> memref<1x1024xf32, #tpu.memory_space<hbm>>
      %dma_wait3A_529 = tpu.memref_squeeze %dma_wait3A_528 : memref<1x1024xf32, #tpu.memory_space<hbm>> -> memref<1024xf32, #tpu.memory_space<hbm>>
      tpu.wait_dma2 semaphore(%run_scoped3A : memref<!tpu.dma_semaphore, #tpu.memory_space<semaphore_mem>>) src(%dma_wait3A_529 : memref<1024xf32, #tpu.memory_space<hbm>>) dst(%arg8 : memref<1024xf32, #tpu.memory_space<vmem>>)
      tpu.yield
    }) : () -> ()
    %dma_wait3A = arith.constant 0 : i32
    %dma_wait3A_40 = arith.constant 0 : i32
    %dma_wait3A_41 = tpu.memref_slice %arg2[%dma_wait3A, %dma_wait3A_40] : memref<1024x1024xf32, #tpu.memory_space<hbm>> -> memref<1024x1024xf32, #tpu.memory_space<hbm>>
    tpu.wait_indirect_dma semaphore(%arg15 : memref<!tpu.dma_semaphore, #tpu.memory_space<semaphore_mem>>) src(%dma_wait3A_41 : memref<1024x1024xf32, #tpu.memory_space<hbm>>) dst(%arg12 : memref<32x1024xf32, #tpu.memory_space<vmem>>)
    %broadcast_in_dim3A = arith.constant 0 : i32
    %broadcast_in_dim3A_42 = vector.broadcast %broadcast_in_dim3A : i32 to vector<16xi32>
    %scan3A = arith.constant -1 : i32
    %scan3A_43 = arith.constant 0 : i32
    %scan3A_44 = arith.constant 16 : i32
    %scan3A_45 = arith.addi %scan3A_43, %scan3A_44 : i32
    %scan3A_46 = arith.constant 1 : i32
    %scan3A_47:3 = scf.for %scan3A_518 = %scan3A_43 to %scan3A_45 step %scan3A_46 iter_args(%scan3A_519 = %broadcast_in_dim3A_42, %scan3A_520 = %broadcast_in_dim3A_42, %scan3A_521 = %scan3A) -> (vector<16xi32>, vector<16xi32>, i32)  : i32 {
      %mul3A_522 = arith.constant 32 : i32
      %mul3A_523 = arith.muli %scan3A_518, %mul3A_522 : i32
      %add3A_524 = arith.constant 0 : i32
      %add3A_525 = arith.addi %mul3A_523, %add3A_524 : i32
      %get3A_526 = arith.constant 0 : i32
      %get3A_527 = arith.index_cast %get3A_526 : i32 to index
      %get3A_528 = arith.index_cast %add3A_525 : i32 to index
      %get3A_529 = tpu.vector_load %arg12[%get3A_527, %get3A_528] {strides = array<i32>} : memref<32x1024xf32, #tpu.memory_space<vmem>>, vector<16xf32>,
      %get3A_530 = arith.constant 1 : i32
      %get3A_531 = arith.index_cast %get3A_530 : i32 to index
      %get3A_532 = arith.index_cast %add3A_525 : i32 to index
      %get3A_533 = tpu.vector_load %arg12[%get3A_531, %get3A_532] {strides = array<i32>} : memref<32x1024xf32, #tpu.memory_space<vmem>>, vector<16xf32>,
      %max3A_534 = arith.maximumf %get3A_529, %get3A_533 : vector<16xf32>
      %get3A_535 = arith.constant 2 : i32
      %get3A_536 = arith.index_cast %get3A_535 : i32 to index
      %get3A_537 = arith.index_cast %add3A_525 : i32 to index
      %get3A_538 = tpu.vector_load %arg12[%get3A_536, %get3A_537] {strides = array<i32>} : memref<32x1024xf32, #tpu.memory_space<vmem>>, vector<16xf32>,
      %get3A_539 = arith.constant 3 : i32
      %get3A_540 = arith.index_cast %get3A_539 : i32 to index
      %get3A_541 = arith.index_cast %add3A_525 : i32 to index
      %get3A_542 = tpu.vector_load %arg12[%get3A_540, %get3A_541] {strides = array<i32>} : memref<32x1024xf32, #tpu.memory_space<vmem>>, vector<16xf32>,
      %max3A_543 = arith.maximumf %get3A_538, %get3A_542 : vector<16xf32>
      %get3A_544 = arith.constant 4 : i32
      %get3A_545 = arith.index_cast %get3A_544 : i32 to index
      %get3A_546 = arith.index_cast %add3A_525 : i32 to index
      %get3A_547 = tpu.vector_load %arg12[%get3A_545, %get3A_546] {strides = array<i32>} : memref<32x1024xf32, #tpu.memory_space<vmem>>, vector<16xf32>,
      %get3A_548 = arith.constant 5 : i32
      %get3A_549 = arith.index_cast %get3A_548 : i32 to index
      %get3A_550 = arith.index_cast %add3A_525 : i32 to index
      %get3A_551 = tpu.vector_load %arg12[%get3A_549, %get3A_550] {strides = array<i32>} : memref<32x1024xf32, #tpu.memory_space<vmem>>, vector<16xf32>,
      %max3A_552 = arith.maximumf %get3A_547, %get3A_551 : vector<16xf32>
      %get3A_553 = arith.constant 6 : i32
      %get3A_554 = arith.index_cast %get3A_553 : i32 to index
      %get3A_555 = arith.index_cast %add3A_525 : i32 to index
      %get3A_556 = tpu.vector_load %arg12[%get3A_554, %get3A_555] {strides = array<i32>} : memref<32x1024xf32, #tpu.memory_space<vmem>>, vector<16xf32>,
      %get3A_557 = arith.constant 7 : i32
      %get3A_558 = arith.index_cast %get3A_557 : i32 to index
      %get3A_559 = arith.index_cast %add3A_525 : i32 to index
      %get3A_560 = tpu.vector_load %arg12[%get3A_558, %get3A_559] {strides = array<i32>} : memref<32x1024xf32, #tpu.memory_space<vmem>>, vector<16xf32>,
      %max3A_561 = arith.maximumf %get3A_556, %get3A_560 : vector<16xf32>
      %get3A_562 = arith.constant 8 : i32
      %get3A_563 = arith.index_cast %get3A_562 : i32 to index
      %get3A_564 = arith.index_cast %add3A_525 : i32 to index
      %get3A_565 = tpu.vector_load %arg12[%get3A_563, %get3A_564] {strides = array<i32>} : memref<32x1024xf32, #tpu.memory_space<vmem>>, vector<16xf32>,
      %get3A_566 = arith.constant 9 : i32
      %get3A_567 = arith.index_cast %get3A_566 : i32 to index
      %get3A_568 = arith.index_cast %add3A_525 : i32 to index
      %get3A_569 = tpu.vector_load %arg12[%get3A_567, %get3A_568] {strides = array<i32>} : memref<32x1024xf32, #tpu.memory_space<vmem>>, vector<16xf32>,
      %max3A_570 = arith.maximumf %get3A_565, %get3A_569 : vector<16xf32>
      %get3A_571 = arith.constant 10 : i32
      %get3A_572 = arith.index_cast %get3A_571 : i32 to index
      %get3A_573 = arith.index_cast %add3A_525 : i32 to index
      %get3A_574 = tpu.vector_load %arg12[%get3A_572, %get3A_573] {strides = array<i32>} : memref<32x1024xf32, #tpu.memory_space<vmem>>, vector<16xf32>,
      %get3A_575 = arith.constant 11 : i32
      %get3A_576 = arith.index_cast %get3A_575 : i32 to index
      %get3A_577 = arith.index_cast %add3A_525 : i32 to index
      %get3A_578 = tpu.vector_load %arg12[%get3A_576, %get3A_577] {strides = array<i32>} : memref<32x1024xf32, #tpu.memory_space<vmem>>, vector<16xf32>,
      %max3A_579 = arith.maximumf %get3A_574, %get3A_578 : vector<16xf32>
      %get3A_580 = arith.constant 12 : i32
      %get3A_581 = arith.index_cast %get3A_580 : i32 to index
      %get3A_582 = arith.index_cast %add3A_525 : i32 to index
      %get3A_583 = tpu.vector_load %arg12[%get3A_581, %get3A_582] {strides = array<i32>} : memref<32x1024xf32, #tpu.memory_space<vmem>>, vector<16xf32>,
      %get3A_584 = arith.constant 13 : i32
      %get3A_585 = arith.index_cast %get3A_584 : i32 to index
      %get3A_586 = arith.index_cast %add3A_525 : i32 to index
      %get3A_587 = tpu.vector_load %arg12[%get3A_585, %get3A_586] {strides = array<i32>} : memref<32x1024xf32, #tpu.memory_space<vmem>>, vector<16xf32>,
      %max3A_588 = arith.maximumf %get3A_583, %get3A_587 : vector<16xf32>
      %get3A_589 = arith.constant 14 : i32
      %get3A_590 = arith.index_cast %get3A_589 : i32 to index
      %get3A_591 = arith.index_cast %add3A_525 : i32 to index
      %get3A_592 = tpu.vector_load %arg12[%get3A_590, %get3A_591] {strides = array<i32>} : memref<32x1024xf32, #tpu.memory_space<vmem>>, vector<16xf32>,
      %get3A_593 = arith.constant 15 : i32
      %get3A_594 = arith.index_cast %get3A_593 : i32 to index
      %get3A_595 = arith.index_cast %add3A_525 : i32 to index
      %get3A_596 = tpu.vector_load %arg12[%get3A_594, %get3A_595] {strides = array<i32>} : memref<32x1024xf32, #tpu.memory_space<vmem>>, vector<16xf32>,
      %max3A_597 = arith.maximumf %get3A_592, %get3A_596 : vector<16xf32>
      %get3A_598 = arith.constant 16 : i32
      %get3A_599 = arith.index_cast %get3A_598 : i32 to index
      %get3A_600 = arith.index_cast %add3A_525 : i32 to index
      %get3A_601 = tpu.vector_load %arg12[%get3A_599, %get3A_600] {strides = array<i32>} : memref<32x1024xf32, #tpu.memory_space<vmem>>, vector<16xf32>,
      %get3A_602 = arith.constant 17 : i32
      %get3A_603 = arith.index_cast %get3A_602 : i32 to index
      %get3A_604 = arith.index_cast %add3A_525 : i32 to index
      %get3A_605 = tpu.vector_load %arg12[%get3A_603, %get3A_604] {strides = array<i32>} : memref<32x1024xf32, #tpu.memory_space<vmem>>, vector<16xf32>,
      %max3A_606 = arith.maximumf %get3A_601, %get3A_605 : vector<16xf32>
      %get3A_607 = arith.constant 18 : i32
      %get3A_608 = arith.index_cast %get3A_607 : i32 to index
      %get3A_609 = arith.index_cast %add3A_525 : i32 to index
      %get3A_610 = tpu.vector_load %arg12[%get3A_608, %get3A_609] {strides = array<i32>} : memref<32x1024xf32, #tpu.memory_space<vmem>>, vector<16xf32>,
      %get3A_611 = arith.constant 19 : i32
      %get3A_612 = arith.index_cast %get3A_611 : i32 to index
      %get3A_613 = arith.index_cast %add3A_525 : i32 to index
      %get3A_614 = tpu.vector_load %arg12[%get3A_612, %get3A_613] {strides = array<i32>} : memref<32x1024xf32, #tpu.memory_space<vmem>>, vector<16xf32>,
      %max3A_615 = arith.maximumf %get3A_610, %get3A_614 : vector<16xf32>
      %get3A_616 = arith.constant 20 : i32
      %get3A_617 = arith.index_cast %get3A_616 : i32 to index
      %get3A_618 = arith.index_cast %add3A_525 : i32 to index
      %get3A_619 = tpu.vector_load %arg12[%get3A_617, %get3A_618] {strides = array<i32>} : memref<32x1024xf32, #tpu.memory_space<vmem>>, vector<16xf32>,
      %get3A_620 = arith.constant 21 : i32
      %get3A_621 = arith.index_cast %get3A_620 : i32 to index
      %get3A_622 = arith.index_cast %add3A_525 : i32 to index
      %get3A_623 = tpu.vector_load %arg12[%get3A_621, %get3A_622] {strides = array<i32>} : memref<32x1024xf32, #tpu.memory_space<vmem>>, vector<16xf32>,
      %max3A_624 = arith.maximumf %get3A_619, %get3A_623 : vector<16xf32>
      %get3A_625 = arith.constant 22 : i32
      %get3A_626 = arith.index_cast %get3A_625 : i32 to index
      %get3A_627 = arith.index_cast %add3A_525 : i32 to index
      %get3A_628 = tpu.vector_load %arg12[%get3A_626, %get3A_627] {strides = array<i32>} : memref<32x1024xf32, #tpu.memory_space<vmem>>, vector<16xf32>,
      %get3A_629 = arith.constant 23 : i32
      %get3A_630 = arith.index_cast %get3A_629 : i32 to index
      %get3A_631 = arith.index_cast %add3A_525 : i32 to index
      %get3A_632 = tpu.vector_load %arg12[%get3A_630, %get3A_631] {strides = array<i32>} : memref<32x1024xf32, #tpu.memory_space<vmem>>, vector<16xf32>,
      %max3A_633 = arith.maximumf %get3A_628, %get3A_632 : vector<16xf32>
      %get3A_634 = arith.constant 24 : i32
      %get3A_635 = arith.index_cast %get3A_634 : i32 to index
      %get3A_636 = arith.index_cast %add3A_525 : i32 to index
      %get3A_637 = tpu.vector_load %arg12[%get3A_635, %get3A_636] {strides = array<i32>} : memref<32x1024xf32, #tpu.memory_space<vmem>>, vector<16xf32>,
      %get3A_638 = arith.constant 25 : i32
      %get3A_639 = arith.index_cast %get3A_638 : i32 to index
      %get3A_640 = arith.index_cast %add3A_525 : i32 to index
      %get3A_641 = tpu.vector_load %arg12[%get3A_639, %get3A_640] {strides = array<i32>} : memref<32x1024xf32, #tpu.memory_space<vmem>>, vector<16xf32>,
      %max3A_642 = arith.maximumf %get3A_637, %get3A_641 : vector<16xf32>
      %get3A_643 = arith.constant 26 : i32
      %get3A_644 = arith.index_cast %get3A_643 : i32 to index
      %get3A_645 = arith.index_cast %add3A_525 : i32 to index
      %get3A_646 = tpu.vector_load %arg12[%get3A_644, %get3A_645] {strides = array<i32>} : memref<32x1024xf32, #tpu.memory_space<vmem>>, vector<16xf32>,
      %get3A_647 = arith.constant 27 : i32
      %get3A_648 = arith.index_cast %get3A_647 : i32 to index
      %get3A_649 = arith.index_cast %add3A_525 : i32 to index
      %get3A_650 = tpu.vector_load %arg12[%get3A_648, %get3A_649] {strides = array<i32>} : memref<32x1024xf32, #tpu.memory_space<vmem>>, vector<16xf32>,
      %max3A_651 = arith.maximumf %get3A_646, %get3A_650 : vector<16xf32>
      %get3A_652 = arith.constant 28 : i32
      %get3A_653 = arith.index_cast %get3A_652 : i32 to index
      %get3A_654 = arith.index_cast %add3A_525 : i32 to index
      %get3A_655 = tpu.vector_load %arg12[%get3A_653, %get3A_654] {strides = array<i32>} : memref<32x1024xf32, #tpu.memory_space<vmem>>, vector<16xf32>,
      %get3A_656 = arith.constant 29 : i32
      %get3A_657 = arith.index_cast %get3A_656 : i32 to index
      %get3A_658 = arith.index_cast %add3A_525 : i32 to index
      %get3A_659 = tpu.vector_load %arg12[%get3A_657, %get3A_658] {strides = array<i32>} : memref<32x1024xf32, #tpu.memory_space<vmem>>, vector<16xf32>,
      %max3A_660 = arith.maximumf %get3A_655, %get3A_659 : vector<16xf32>
      %get3A_661 = arith.constant 30 : i32
      %get3A_662 = arith.index_cast %get3A_661 : i32 to index
      %get3A_663 = arith.index_cast %add3A_525 : i32 to index
      %get3A_664 = tpu.vector_load %arg12[%get3A_662, %get3A_663] {strides = array<i32>} : memref<32x1024xf32, #tpu.memory_space<vmem>>, vector<16xf32>,
      %get3A_665 = arith.constant 31 : i32
      %get3A_666 = arith.index_cast %get3A_665 : i32 to index
      %get3A_667 = arith.index_cast %add3A_525 : i32 to index
      %get3A_668 = tpu.vector_load %arg12[%get3A_666, %get3A_667] {strides = array<i32>} : memref<32x1024xf32, #tpu.memory_space<vmem>>, vector<16xf32>,
      %max3A_669 = arith.maximumf %get3A_664, %get3A_668 : vector<16xf32>
      %max3A_670 = arith.maximumf %max3A_534, %max3A_543 : vector<16xf32>
      %max3A_671 = arith.maximumf %max3A_552, %max3A_561 : vector<16xf32>
      %max3A_672 = arith.maximumf %max3A_570, %max3A_579 : vector<16xf32>
      %max3A_673 = arith.maximumf %max3A_588, %max3A_597 : vector<16xf32>
      %max3A_674 = arith.maximumf %max3A_606, %max3A_615 : vector<16xf32>
      %max3A_675 = arith.maximumf %max3A_624, %max3A_633 : vector<16xf32>
      %max3A_676 = arith.maximumf %max3A_642, %max3A_651 : vector<16xf32>
      %max3A_677 = arith.maximumf %max3A_660, %max3A_669 : vector<16xf32>
      %max3A_678 = arith.maximumf %max3A_670, %max3A_671 : vector<16xf32>
      %max3A_679 = arith.maximumf %max3A_672, %max3A_673 : vector<16xf32>
      %max3A_680 = arith.maximumf %max3A_674, %max3A_675 : vector<16xf32>
      %max3A_681 = arith.maximumf %max3A_676, %max3A_677 : vector<16xf32>
      %max3A_682 = arith.maximumf %max3A_678, %max3A_679 : vector<16xf32>
      %max3A_683 = arith.maximumf %max3A_680, %max3A_681 : vector<16xf32>
      %max3A_684 = arith.maximumf %max3A_682, %max3A_683 : vector<16xf32>
      %sub3A_685 = arith.constant 1.000000e+00 : f32
      %sub3A_686 = vector.broadcast %sub3A_685 : f32 to vector<16xf32>
      %sub3A_687 = arith.subf %sub3A_686, %max3A_684 : vector<16xf32>
      %mul3A_688 = arith.constant 5.000000e-01 : f32
      %mul3A_689 = vector.broadcast %mul3A_688 : f32 to vector<16xf32>
      %mul3A_690 = arith.mulf %sub3A_687, %mul3A_689 : vector<16xf32>
      %swap3A_691 = arith.index_cast %add3A_525 : i32 to index
      %swap3A_692 = tpu.vector_load %arg9[%swap3A_691] {strides = array<i32>} : memref<1024xf32, #tpu.memory_space<vmem>>, vector<16xf32>,
      tpu.vector_store %arg9[%swap3A_691], %mul3A_690 {strides = array<i32>} : memref<1024xf32, #tpu.memory_space<vmem>>, vector<16xf32>,
      %get3A_693 = arith.index_cast %add3A_525 : i32 to index
      %get3A_694 = tpu.vector_load %arg8[%get3A_693] {strides = array<i32>} : memref<1024xf32, #tpu.memory_space<vmem>>, vector<16xf32>,
      %mul3A_695 = arith.mulf %mul3A_690, %get3A_694 : vector<16xf32>
      %add3A_696 = arith.constant 16 : i32
      %add3A_697 = arith.addi %mul3A_523, %add3A_696 : i32
      %get3A_698 = arith.constant 0 : i32
      %get3A_699 = arith.index_cast %get3A_698 : i32 to index
      %get3A_700 = arith.index_cast %add3A_697 : i32 to index
      %get3A_701 = tpu.vector_load %arg12[%get3A_699, %get3A_700] {strides = array<i32>} : memref<32x1024xf32, #tpu.memory_space<vmem>>, vector<16xf32>,
      %get3A_702 = arith.constant 1 : i32
      %get3A_703 = arith.index_cast %get3A_702 : i32 to index
      %get3A_704 = arith.index_cast %add3A_697 : i32 to index
      %get3A_705 = tpu.vector_load %arg12[%get3A_703, %get3A_704] {strides = array<i32>} : memref<32x1024xf32, #tpu.memory_space<vmem>>, vector<16xf32>,
      %max3A_706 = arith.maximumf %get3A_701, %get3A_705 : vector<16xf32>
      %get3A_707 = arith.constant 2 : i32
      %get3A_708 = arith.index_cast %get3A_707 : i32 to index
      %get3A_709 = arith.index_cast %add3A_697 : i32 to index
      %get3A_710 = tpu.vector_load %arg12[%get3A_708, %get3A_709] {strides = array<i32>} : memref<32x1024xf32, #tpu.memory_space<vmem>>, vector<16xf32>,
      %get3A_711 = arith.constant 3 : i32
      %get3A_712 = arith.index_cast %get3A_711 : i32 to index
      %get3A_713 = arith.index_cast %add3A_697 : i32 to index
      %get3A_714 = tpu.vector_load %arg12[%get3A_712, %get3A_713] {strides = array<i32>} : memref<32x1024xf32, #tpu.memory_space<vmem>>, vector<16xf32>,
      %max3A_715 = arith.maximumf %get3A_710, %get3A_714 : vector<16xf32>
      %get3A_716 = arith.constant 4 : i32
      %get3A_717 = arith.index_cast %get3A_716 : i32 to index
      %get3A_718 = arith.index_cast %add3A_697 : i32 to index
      %get3A_719 = tpu.vector_load %arg12[%get3A_717, %get3A_718] {strides = array<i32>} : memref<32x1024xf32, #tpu.memory_space<vmem>>, vector<16xf32>,
      %get3A_720 = arith.constant 5 : i32
      %get3A_721 = arith.index_cast %get3A_720 : i32 to index
      %get3A_722 = arith.index_cast %add3A_697 : i32 to index
      %get3A_723 = tpu.vector_load %arg12[%get3A_721, %get3A_722] {strides = array<i32>} : memref<32x1024xf32, #tpu.memory_space<vmem>>, vector<16xf32>,
      %max3A_724 = arith.maximumf %get3A_719, %get3A_723 : vector<16xf32>
      %get3A_725 = arith.constant 6 : i32
      %get3A_726 = arith.index_cast %get3A_725 : i32 to index
      %get3A_727 = arith.index_cast %add3A_697 : i32 to index
      %get3A_728 = tpu.vector_load %arg12[%get3A_726, %get3A_727] {strides = array<i32>} : memref<32x1024xf32, #tpu.memory_space<vmem>>, vector<16xf32>,
      %get3A_729 = arith.constant 7 : i32
      %get3A_730 = arith.index_cast %get3A_729 : i32 to index
      %get3A_731 = arith.index_cast %add3A_697 : i32 to index
      %get3A_732 = tpu.vector_load %arg12[%get3A_730, %get3A_731] {strides = array<i32>} : memref<32x1024xf32, #tpu.memory_space<vmem>>, vector<16xf32>,
      %max3A_733 = arith.maximumf %get3A_728, %get3A_732 : vector<16xf32>
      %get3A_734 = arith.constant 8 : i32
      %get3A_735 = arith.index_cast %get3A_734 : i32 to index
      %get3A_736 = arith.index_cast %add3A_697 : i32 to index
      %get3A_737 = tpu.vector_load %arg12[%get3A_735, %get3A_736] {strides = array<i32>} : memref<32x1024xf32, #tpu.memory_space<vmem>>, vector<16xf32>,
      %get3A_738 = arith.constant 9 : i32
      %get3A_739 = arith.index_cast %get3A_738 : i32 to index
      %get3A_740 = arith.index_cast %add3A_697 : i32 to index
      %get3A_741 = tpu.vector_load %arg12[%get3A_739, %get3A_740] {strides = array<i32>} : memref<32x1024xf32, #tpu.memory_space<vmem>>, vector<16xf32>,
      %max3A_742 = arith.maximumf %get3A_737, %get3A_741 : vector<16xf32>
      %get3A_743 = arith.constant 10 : i32
      %get3A_744 = arith.index_cast %get3A_743 : i32 to index
      %get3A_745 = arith.index_cast %add3A_697 : i32 to index
      %get3A_746 = tpu.vector_load %arg12[%get3A_744, %get3A_745] {strides = array<i32>} : memref<32x1024xf32, #tpu.memory_space<vmem>>, vector<16xf32>,
      %get3A_747 = arith.constant 11 : i32
      %get3A_748 = arith.index_cast %get3A_747 : i32 to index
      %get3A_749 = arith.index_cast %add3A_697 : i32 to index
      %get3A_750 = tpu.vector_load %arg12[%get3A_748, %get3A_749] {strides = array<i32>} : memref<32x1024xf32, #tpu.memory_space<vmem>>, vector<16xf32>,
      %max3A_751 = arith.maximumf %get3A_746, %get3A_750 : vector<16xf32>
      %get3A_752 = arith.constant 12 : i32
      %get3A_753 = arith.index_cast %get3A_752 : i32 to index
      %get3A_754 = arith.index_cast %add3A_697 : i32 to index
      %get3A_755 = tpu.vector_load %arg12[%get3A_753, %get3A_754] {strides = array<i32>} : memref<32x1024xf32, #tpu.memory_space<vmem>>, vector<16xf32>,
      %get3A_756 = arith.constant 13 : i32
      %get3A_757 = arith.index_cast %get3A_756 : i32 to index
      %get3A_758 = arith.index_cast %add3A_697 : i32 to index
      %get3A_759 = tpu.vector_load %arg12[%get3A_757, %get3A_758] {strides = array<i32>} : memref<32x1024xf32, #tpu.memory_space<vmem>>, vector<16xf32>,
      %max3A_760 = arith.maximumf %get3A_755, %get3A_759 : vector<16xf32>
      %get3A_761 = arith.constant 14 : i32
      %get3A_762 = arith.index_cast %get3A_761 : i32 to index
      %get3A_763 = arith.index_cast %add3A_697 : i32 to index
      %get3A_764 = tpu.vector_load %arg12[%get3A_762, %get3A_763] {strides = array<i32>} : memref<32x1024xf32, #tpu.memory_space<vmem>>, vector<16xf32>,
      %get3A_765 = arith.constant 15 : i32
      %get3A_766 = arith.index_cast %get3A_765 : i32 to index
      %get3A_767 = arith.index_cast %add3A_697 : i32 to index
      %get3A_768 = tpu.vector_load %arg12[%get3A_766, %get3A_767] {strides = array<i32>} : memref<32x1024xf32, #tpu.memory_space<vmem>>, vector<16xf32>,
      %max3A_769 = arith.maximumf %get3A_764, %get3A_768 : vector<16xf32>
      %get3A_770 = arith.constant 16 : i32
      %get3A_771 = arith.index_cast %get3A_770 : i32 to index
      %get3A_772 = arith.index_cast %add3A_697 : i32 to index
      %get3A_773 = tpu.vector_load %arg12[%get3A_771, %get3A_772] {strides = array<i32>} : memref<32x1024xf32, #tpu.memory_space<vmem>>, vector<16xf32>,
      %get3A_774 = arith.constant 17 : i32
      %get3A_775 = arith.index_cast %get3A_774 : i32 to index
      %get3A_776 = arith.index_cast %add3A_697 : i32 to index
      %get3A_777 = tpu.vector_load %arg12[%get3A_775, %get3A_776] {strides = array<i32>} : memref<32x1024xf32, #tpu.memory_space<vmem>>, vector<16xf32>,
      %max3A_778 = arith.maximumf %get3A_773, %get3A_777 : vector<16xf32>
      %get3A_779 = arith.constant 18 : i32
      %get3A_780 = arith.index_cast %get3A_779 : i32 to index
      %get3A_781 = arith.index_cast %add3A_697 : i32 to index
      %get3A_782 = tpu.vector_load %arg12[%get3A_780, %get3A_781] {strides = array<i32>} : memref<32x1024xf32, #tpu.memory_space<vmem>>, vector<16xf32>,
      %get3A_783 = arith.constant 19 : i32
      %get3A_784 = arith.index_cast %get3A_783 : i32 to index
      %get3A_785 = arith.index_cast %add3A_697 : i32 to index
      %get3A_786 = tpu.vector_load %arg12[%get3A_784, %get3A_785] {strides = array<i32>} : memref<32x1024xf32, #tpu.memory_space<vmem>>, vector<16xf32>,
      %max3A_787 = arith.maximumf %get3A_782, %get3A_786 : vector<16xf32>
      %get3A_788 = arith.constant 20 : i32
      %get3A_789 = arith.index_cast %get3A_788 : i32 to index
      %get3A_790 = arith.index_cast %add3A_697 : i32 to index
      %get3A_791 = tpu.vector_load %arg12[%get3A_789, %get3A_790] {strides = array<i32>} : memref<32x1024xf32, #tpu.memory_space<vmem>>, vector<16xf32>,
      %get3A_792 = arith.constant 21 : i32
      %get3A_793 = arith.index_cast %get3A_792 : i32 to index
      %get3A_794 = arith.index_cast %add3A_697 : i32 to index
      %get3A_795 = tpu.vector_load %arg12[%get3A_793, %get3A_794] {strides = array<i32>} : memref<32x1024xf32, #tpu.memory_space<vmem>>, vector<16xf32>,
      %max3A_796 = arith.maximumf %get3A_791, %get3A_795 : vector<16xf32>
      %get3A_797 = arith.constant 22 : i32
      %get3A_798 = arith.index_cast %get3A_797 : i32 to index
      %get3A_799 = arith.index_cast %add3A_697 : i32 to index
      %get3A_800 = tpu.vector_load %arg12[%get3A_798, %get3A_799] {strides = array<i32>} : memref<32x1024xf32, #tpu.memory_space<vmem>>, vector<16xf32>,
      %get3A_801 = arith.constant 23 : i32
      %get3A_802 = arith.index_cast %get3A_801 : i32 to index
      %get3A_803 = arith.index_cast %add3A_697 : i32 to index
      %get3A_804 = tpu.vector_load %arg12[%get3A_802, %get3A_803] {strides = array<i32>} : memref<32x1024xf32, #tpu.memory_space<vmem>>, vector<16xf32>,
      %max3A_805 = arith.maximumf %get3A_800, %get3A_804 : vector<16xf32>
      %get3A_806 = arith.constant 24 : i32
      %get3A_807 = arith.index_cast %get3A_806 : i32 to index
      %get3A_808 = arith.index_cast %add3A_697 : i32 to index
      %get3A_809 = tpu.vector_load %arg12[%get3A_807, %get3A_808] {strides = array<i32>} : memref<32x1024xf32, #tpu.memory_space<vmem>>, vector<16xf32>,
      %get3A_810 = arith.constant 25 : i32
      %get3A_811 = arith.index_cast %get3A_810 : i32 to index
      %get3A_812 = arith.index_cast %add3A_697 : i32 to index
      %get3A_813 = tpu.vector_load %arg12[%get3A_811, %get3A_812] {strides = array<i32>} : memref<32x1024xf32, #tpu.memory_space<vmem>>, vector<16xf32>,
      %max3A_814 = arith.maximumf %get3A_809, %get3A_813 : vector<16xf32>
      %get3A_815 = arith.constant 26 : i32
      %get3A_816 = arith.index_cast %get3A_815 : i32 to index
      %get3A_817 = arith.index_cast %add3A_697 : i32 to index
      %get3A_818 = tpu.vector_load %arg12[%get3A_816, %get3A_817] {strides = array<i32>} : memref<32x1024xf32, #tpu.memory_space<vmem>>, vector<16xf32>,
      %get3A_819 = arith.constant 27 : i32
      %get3A_820 = arith.index_cast %get3A_819 : i32 to index
      %get3A_821 = arith.index_cast %add3A_697 : i32 to index
      %get3A_822 = tpu.vector_load %arg12[%get3A_820, %get3A_821] {strides = array<i32>} : memref<32x1024xf32, #tpu.memory_space<vmem>>, vector<16xf32>,
      %max3A_823 = arith.maximumf %get3A_818, %get3A_822 : vector<16xf32>
      %get3A_824 = arith.constant 28 : i32
      %get3A_825 = arith.index_cast %get3A_824 : i32 to index
      %get3A_826 = arith.index_cast %add3A_697 : i32 to index
      %get3A_827 = tpu.vector_load %arg12[%get3A_825, %get3A_826] {strides = array<i32>} : memref<32x1024xf32, #tpu.memory_space<vmem>>, vector<16xf32>,
      %get3A_828 = arith.constant 29 : i32
      %get3A_829 = arith.index_cast %get3A_828 : i32 to index
      %get3A_830 = arith.index_cast %add3A_697 : i32 to index
      %get3A_831 = tpu.vector_load %arg12[%get3A_829, %get3A_830] {strides = array<i32>} : memref<32x1024xf32, #tpu.memory_space<vmem>>, vector<16xf32>,
      %max3A_832 = arith.maximumf %get3A_827, %get3A_831 : vector<16xf32>
      %get3A_833 = arith.constant 30 : i32
      %get3A_834 = arith.index_cast %get3A_833 : i32 to index
      %get3A_835 = arith.index_cast %add3A_697 : i32 to index
      %get3A_836 = tpu.vector_load %arg12[%get3A_834, %get3A_835] {strides = array<i32>} : memref<32x1024xf32, #tpu.memory_space<vmem>>, vector<16xf32>,
      %get3A_837 = arith.constant 31 : i32
      %get3A_838 = arith.index_cast %get3A_837 : i32 to index
      %get3A_839 = arith.index_cast %add3A_697 : i32 to index
      %get3A_840 = tpu.vector_load %arg12[%get3A_838, %get3A_839] {strides = array<i32>} : memref<32x1024xf32, #tpu.memory_space<vmem>>, vector<16xf32>,
      %max3A_841 = arith.maximumf %get3A_836, %get3A_840 : vector<16xf32>
      %max3A_842 = arith.maximumf %max3A_706, %max3A_715 : vector<16xf32>
      %max3A_843 = arith.maximumf %max3A_724, %max3A_733 : vector<16xf32>
      %max3A_844 = arith.maximumf %max3A_742, %max3A_751 : vector<16xf32>
      %max3A_845 = arith.maximumf %max3A_760, %max3A_769 : vector<16xf32>
      %max3A_846 = arith.maximumf %max3A_778, %max3A_787 : vector<16xf32>
      %max3A_847 = arith.maximumf %max3A_796, %max3A_805 : vector<16xf32>
      %max3A_848 = arith.maximumf %max3A_814, %max3A_823 : vector<16xf32>
      %max3A_849 = arith.maximumf %max3A_832, %max3A_841 : vector<16xf32>
      %max3A_850 = arith.maximumf %max3A_842, %max3A_843 : vector<16xf32>
      %max3A_851 = arith.maximumf %max3A_844, %max3A_845 : vector<16xf32>
      %max3A_852 = arith.maximumf %max3A_846, %max3A_847 : vector<16xf32>
      %max3A_853 = arith.maximumf %max3A_848, %max3A_849 : vector<16xf32>
      %max3A_854 = arith.maximumf %max3A_850, %max3A_851 : vector<16xf32>
      %max3A_855 = arith.maximumf %max3A_852, %max3A_853 : vector<16xf32>
      %max3A_856 = arith.maximumf %max3A_854, %max3A_855 : vector<16xf32>
      %sub3A_857 = arith.constant 1.000000e+00 : f32
      %sub3A_858 = vector.broadcast %sub3A_857 : f32 to vector<16xf32>
      %sub3A_859 = arith.subf %sub3A_858, %max3A_856 : vector<16xf32>
      %mul3A_860 = arith.constant 5.000000e-01 : f32
      %mul3A_861 = vector.broadcast %mul3A_860 : f32 to vector<16xf32>
      %mul3A_862 = arith.mulf %sub3A_859, %mul3A_861 : vector<16xf32>
      %swap3A_863 = arith.index_cast %add3A_697 : i32 to index
      %swap3A_864 = tpu.vector_load %arg9[%swap3A_863] {strides = array<i32>} : memref<1024xf32, #tpu.memory_space<vmem>>, vector<16xf32>,
      tpu.vector_store %arg9[%swap3A_863], %mul3A_862 {strides = array<i32>} : memref<1024xf32, #tpu.memory_space<vmem>>, vector<16xf32>,
      %get3A_865 = arith.index_cast %add3A_697 : i32 to index
      %get3A_866 = tpu.vector_load %arg8[%get3A_865] {strides = array<i32>} : memref<1024xf32, #tpu.memory_space<vmem>>, vector<16xf32>,
      %mul3A_867 = arith.mulf %mul3A_862, %get3A_866 : vector<16xf32>
      %reduce_max3A_868 = arith.constant true
      %reduce_max3A_869 = vector.broadcast %reduce_max3A_868 : i1 to vector<16xi1>
      %reduce_max3A_870 = tpu.scan <max>, %mul3A_695 masked %reduce_max3A_869 : vector<16xf32>, vector<16xi1> -> vector<16xf32>
      %reduce_max3A_871 = vector.extract %reduce_max3A_870[15] : f32 from vector<16xf32>
      %reduce_max3A_872 = arith.constant true
      %reduce_max3A_873 = vector.broadcast %reduce_max3A_872 : i1 to vector<16xi1>
      %reduce_max3A_874 = tpu.scan <max>, %mul3A_867 masked %reduce_max3A_873 : vector<16xf32>, vector<16xi1> -> vector<16xf32>
      %reduce_max3A_875 = vector.extract %reduce_max3A_874[15] : f32 from vector<16xf32>
      %max3A_876 = arith.maximumf %reduce_max3A_871, %reduce_max3A_875 : f32
      %eq3A_877 = vector.broadcast %max3A_876 : f32 to vector<16xf32>
      %eq3A_878 = arith.cmpf oeq, %mul3A_695, %eq3A_877 : vector<16xf32>
      %jit3A_879 = arith.constant 9999 : i32
      %broadcast_in_dim3A_880 = vector.broadcast %jit3A_879 : i32 to vector<16xi32>
      %select_n3A_881 = arith.select %eq3A_878, %iota3A, %broadcast_in_dim3A_880 : vector<16xi1>, vector<16xi32>
      %reduce_min3A = arith.constant true
      %reduce_min3A_882 = vector.broadcast %reduce_min3A : i1 to vector<16xi1>
      %reduce_min3A_883 = arith.constant -2147483648 : i32
      %reduce_min3A_884 = vector.broadcast %reduce_min3A_883 : i32 to vector<16xi32>
      %reduce_min3A_885 = arith.xori %select_n3A_881, %reduce_min3A_884 : vector<16xi32>
      %reduce_min3A_886 = tpu.scan <min>, %reduce_min3A_885 masked %reduce_min3A_882 : vector<16xi32>, vector<16xi1> -> vector<16xi32>
      %reduce_min3A_887 = arith.xori %reduce_min3A_886, %reduce_min3A_884 : vector<16xi32>
      %reduce_min3A_888 = vector.extract %reduce_min3A_887[15] : i32 from vector<16xi32>
      %eq3A_889 = vector.broadcast %max3A_876 : f32 to vector<16xf32>
      %eq3A_890 = arith.cmpf oeq, %mul3A_867, %eq3A_889 : vector<16xf32>
      %add3A_891 = arith.constant 16 : i32
      %add3A_892 = vector.broadcast %add3A_891 : i32 to vector<16xi32>
      %add3A_893 = arith.addi %iota3A, %add3A_892 : vector<16xi32>
      %jit3A_894 = arith.constant 9999 : i32
      %broadcast_in_dim3A_895 = vector.broadcast %jit3A_894 : i32 to vector<16xi32>
      %select_n3A_896 = arith.select %eq3A_890, %add3A_893, %broadcast_in_dim3A_895 : vector<16xi1>, vector<16xi32>
      %reduce_min3A_897 = arith.constant true
      %reduce_min3A_898 = vector.broadcast %reduce_min3A_897 : i1 to vector<16xi1>
      %reduce_min3A_899 = arith.constant -2147483648 : i32
      %reduce_min3A_900 = vector.broadcast %reduce_min3A_899 : i32 to vector<16xi32>
      %reduce_min3A_901 = arith.xori %select_n3A_896, %reduce_min3A_900 : vector<16xi32>
      %reduce_min3A_902 = tpu.scan <min>, %reduce_min3A_901 masked %reduce_min3A_898 : vector<16xi32>, vector<16xi1> -> vector<16xi32>
      %reduce_min3A_903 = arith.xori %reduce_min3A_902, %reduce_min3A_900 : vector<16xi32>
      %reduce_min3A_904 = vector.extract %reduce_min3A_903[15] : i32 from vector<16xi32>
      %min3A_905 = arith.minsi %reduce_min3A_888, %reduce_min3A_904 : i32
      %add3A_906 = arith.addi %mul3A_523, %min3A_905 : i32
      %ne3A_907 = arith.cmpi ne, %scan3A_518, %add3A : i32
      %eq3A_908 = vector.broadcast %scan3A_518 : i32 to vector<16xi32>
      %eq3A_909 = arith.cmpi eq, %iota3A, %eq3A_908 : vector<16xi32>
      %and3A_910 = vector.broadcast %ne3A_907 : i1 to vector<16xi1>
      %and3A_911 = arith.andi %eq3A_909, %and3A_910 : vector<16xi1>
      %broadcast_in_dim3A_912 = vector.broadcast %add3A_906 : i32 to vector<16xi32>
      %select_n3A_913 = arith.select %and3A_911, %broadcast_in_dim3A_912, %scan3A_519 : vector<16xi1>, vector<16xi32>
      %sub3A_914 = arith.constant 16 : i32
      %sub3A_915 = arith.subi %scan3A_518, %sub3A_914 : i32
      %eq3A_916 = vector.broadcast %sub3A_915 : i32 to vector<16xi32>
      %eq3A_917 = arith.cmpi eq, %iota3A, %eq3A_916 : vector<16xi32>
      %and3A_918 = vector.broadcast %ne3A_907 : i1 to vector<16xi1>
      %and3A_919 = arith.andi %eq3A_917, %and3A_918 : vector<16xi1>
      %broadcast_in_dim3A_920 = vector.broadcast %add3A_906 : i32 to vector<16xi32>
      %select_n3A_921 = arith.select %and3A_919, %broadcast_in_dim3A_920, %scan3A_520 : vector<16xi1>, vector<16xi32>
      %lt3A_922 = arith.constant 0 : i32
      %lt3A_923 = arith.cmpi slt, %scan3A_521, %lt3A_922 : i32
      %and3A_924 = arith.andi %ne3A_907, %lt3A_923 : i1
      %select_n3A_925 = arith.select %and3A_924, %add3A_906, %scan3A_521 : i32
      scf.yield %select_n3A_913, %select_n3A_921, %select_n3A_925 : vector<16xi32>, vector<16xi32>, i32
    }
    %scan3A_48 = arith.constant 16 : i32
    %eq3A_49 = vector.broadcast %add3A : i32 to vector<16xi32>
    %eq3A_50 = arith.cmpi eq, %iota3A, %eq3A_49 : vector<16xi32>
    %broadcast_in_dim3A_51 = vector.broadcast %scan3A_47#2 : i32 to vector<16xi32>
    %select_n3A_52 = arith.select %eq3A_50, %broadcast_in_dim3A_51, %scan3A_47#0 : vector<16xi1>, vector<16xi32>
    %swap3A_53 = arith.constant 0 : index
    %swap3A_54 = tpu.vector_load %arg10[%swap3A_53] {strides = array<i32>} : memref<32xi32, #tpu.memory_space<vmem>>, vector<16xi32>,
    tpu.vector_store %arg10[%swap3A_53], %select_n3A_52 {strides = array<i32>} : memref<32xi32, #tpu.memory_space<vmem>>, vector<16xi32>,
    %dma_start3A_55 = arith.constant 0 : i32
    %dma_start3A_56 = arith.constant 0 : i32
    %dma_start3A_57 = tpu.memref_slice %arg13[%dma_start3A_55, %dma_start3A_56] : memref<32x1024xf32, #tpu.memory_space<vmem>> -> memref<16x1024xf32, #tpu.memory_space<vmem>>
    %dma_start3A_58 = arith.constant 0 : i32
    %dma_start3A_59 = tpu.memref_slice %arg10[%dma_start3A_58] : memref<32xi32, #tpu.memory_space<vmem>> -> memref<16xi32, #tpu.memory_space<vmem>>
    %dma_start3A_60 = arith.constant 0 : i32
    %dma_start3A_61 = arith.constant 0 : i32
    %dma_start3A_62 = tpu.memref_slice %arg2[%dma_start3A_60, %dma_start3A_61] : memref<1024x1024xf32, #tpu.memory_space<hbm>> -> memref<1024x1024xf32, #tpu.memory_space<hbm>>
    tpu.enqueue_indirect_dma source(%dma_start3A_62 : memref<1024x1024xf32, #tpu.memory_space<hbm>>) target(%dma_start3A_57 : memref<16x1024xf32, #tpu.memory_space<vmem>>) offsets(%dma_start3A_59 : memref<16xi32, #tpu.memory_space<vmem>>) semaphore(%arg15 : memref<!tpu.dma_semaphore, #tpu.memory_space<semaphore_mem>>)
    %scan3A_63 = arith.constant 16 : i32
    %scan3A_64 = arith.constant 16 : i32
    %scan3A_65 = arith.addi %scan3A_63, %scan3A_64 : i32
    %scan3A_66 = arith.constant 1 : i32
    %scan3A_67:3 = scf.for %scan3A_518 = %scan3A_63 to %scan3A_65 step %scan3A_66 iter_args(%scan3A_519 = %select_n3A_52, %scan3A_520 = %scan3A_47#1, %scan3A_521 = %scan3A_47#2) -> (vector<16xi32>, vector<16xi32>, i32)  : i32 {
      %mul3A_522 = arith.constant 32 : i32
      %mul3A_523 = arith.muli %scan3A_518, %mul3A_522 : i32
      %add3A_524 = arith.constant 0 : i32
      %add3A_525 = arith.addi %mul3A_523, %add3A_524 : i32
      %get3A_526 = arith.constant 0 : i32
      %get3A_527 = arith.index_cast %get3A_526 : i32 to index
      %get3A_528 = arith.index_cast %add3A_525 : i32 to index
      %get3A_529 = tpu.vector_load %arg12[%get3A_527, %get3A_528] {strides = array<i32>} : memref<32x1024xf32, #tpu.memory_space<vmem>>, vector<16xf32>,
      %get3A_530 = arith.constant 1 : i32
      %get3A_531 = arith.index_cast %get3A_530 : i32 to index
      %get3A_532 = arith.index_cast %add3A_525 : i32 to index
      %get3A_533 = tpu.vector_load %arg12[%get3A_531, %get3A_532] {strides = array<i32>} : memref<32x1024xf32, #tpu.memory_space<vmem>>, vector<16xf32>,
      %max3A_534 = arith.maximumf %get3A_529, %get3A_533 : vector<16xf32>
      %get3A_535 = arith.constant 2 : i32
      %get3A_536 = arith.index_cast %get3A_535 : i32 to index
      %get3A_537 = arith.index_cast %add3A_525 : i32 to index
      %get3A_538 = tpu.vector_load %arg12[%get3A_536, %get3A_537] {strides = array<i32>} : memref<32x1024xf32, #tpu.memory_space<vmem>>, vector<16xf32>,
      %get3A_539 = arith.constant 3 : i32
      %get3A_540 = arith.index_cast %get3A_539 : i32 to index
      %get3A_541 = arith.index_cast %add3A_525 : i32 to index
      %get3A_542 = tpu.vector_load %arg12[%get3A_540, %get3A_541] {strides = array<i32>} : memref<32x1024xf32, #tpu.memory_space<vmem>>, vector<16xf32>,
      %max3A_543 = arith.maximumf %get3A_538, %get3A_542 : vector<16xf32>
      %get3A_544 = arith.constant 4 : i32
      %get3A_545 = arith.index_cast %get3A_544 : i32 to index
      %get3A_546 = arith.index_cast %add3A_525 : i32 to index
      %get3A_547 = tpu.vector_load %arg12[%get3A_545, %get3A_546] {strides = array<i32>} : memref<32x1024xf32, #tpu.memory_space<vmem>>, vector<16xf32>,
      %get3A_548 = arith.constant 5 : i32
      %get3A_549 = arith.index_cast %get3A_548 : i32 to index
      %get3A_550 = arith.index_cast %add3A_525 : i32 to index
      %get3A_551 = tpu.vector_load %arg12[%get3A_549, %get3A_550] {strides = array<i32>} : memref<32x1024xf32, #tpu.memory_space<vmem>>, vector<16xf32>,
      %max3A_552 = arith.maximumf %get3A_547, %get3A_551 : vector<16xf32>
      %get3A_553 = arith.constant 6 : i32
      %get3A_554 = arith.index_cast %get3A_553 : i32 to index
      %get3A_555 = arith.index_cast %add3A_525 : i32 to index
      %get3A_556 = tpu.vector_load %arg12[%get3A_554, %get3A_555] {strides = array<i32>} : memref<32x1024xf32, #tpu.memory_space<vmem>>, vector<16xf32>,
      %get3A_557 = arith.constant 7 : i32
      %get3A_558 = arith.index_cast %get3A_557 : i32 to index
      %get3A_559 = arith.index_cast %add3A_525 : i32 to index
      %get3A_560 = tpu.vector_load %arg12[%get3A_558, %get3A_559] {strides = array<i32>} : memref<32x1024xf32, #tpu.memory_space<vmem>>, vector<16xf32>,
      %max3A_561 = arith.maximumf %get3A_556, %get3A_560 : vector<16xf32>
      %get3A_562 = arith.constant 8 : i32
      %get3A_563 = arith.index_cast %get3A_562 : i32 to index
      %get3A_564 = arith.index_cast %add3A_525 : i32 to index
      %get3A_565 = tpu.vector_load %arg12[%get3A_563, %get3A_564] {strides = array<i32>} : memref<32x1024xf32, #tpu.memory_space<vmem>>, vector<16xf32>,
      %get3A_566 = arith.constant 9 : i32
      %get3A_567 = arith.index_cast %get3A_566 : i32 to index
      %get3A_568 = arith.index_cast %add3A_525 : i32 to index
      %get3A_569 = tpu.vector_load %arg12[%get3A_567, %get3A_568] {strides = array<i32>} : memref<32x1024xf32, #tpu.memory_space<vmem>>, vector<16xf32>,
      %max3A_570 = arith.maximumf %get3A_565, %get3A_569 : vector<16xf32>
      %get3A_571 = arith.constant 10 : i32
      %get3A_572 = arith.index_cast %get3A_571 : i32 to index
      %get3A_573 = arith.index_cast %add3A_525 : i32 to index
      %get3A_574 = tpu.vector_load %arg12[%get3A_572, %get3A_573] {strides = array<i32>} : memref<32x1024xf32, #tpu.memory_space<vmem>>, vector<16xf32>,
      %get3A_575 = arith.constant 11 : i32
      %get3A_576 = arith.index_cast %get3A_575 : i32 to index
      %get3A_577 = arith.index_cast %add3A_525 : i32 to index
      %get3A_578 = tpu.vector_load %arg12[%get3A_576, %get3A_577] {strides = array<i32>} : memref<32x1024xf32, #tpu.memory_space<vmem>>, vector<16xf32>,
      %max3A_579 = arith.maximumf %get3A_574, %get3A_578 : vector<16xf32>
      %get3A_580 = arith.constant 12 : i32
      %get3A_581 = arith.index_cast %get3A_580 : i32 to index
      %get3A_582 = arith.index_cast %add3A_525 : i32 to index
      %get3A_583 = tpu.vector_load %arg12[%get3A_581, %get3A_582] {strides = array<i32>} : memref<32x1024xf32, #tpu.memory_space<vmem>>, vector<16xf32>,
      %get3A_584 = arith.constant 13 : i32
      %get3A_585 = arith.index_cast %get3A_584 : i32 to index
      %get3A_586 = arith.index_cast %add3A_525 : i32 to index
      %get3A_587 = tpu.vector_load %arg12[%get3A_585, %get3A_586] {strides = array<i32>} : memref<32x1024xf32, #tpu.memory_space<vmem>>, vector<16xf32>,
      %max3A_588 = arith.maximumf %get3A_583, %get3A_587 : vector<16xf32>
      %get3A_589 = arith.constant 14 : i32
      %get3A_590 = arith.index_cast %get3A_589 : i32 to index
      %get3A_591 = arith.index_cast %add3A_525 : i32 to index
      %get3A_592 = tpu.vector_load %arg12[%get3A_590, %get3A_591] {strides = array<i32>} : memref<32x1024xf32, #tpu.memory_space<vmem>>, vector<16xf32>,
      %get3A_593 = arith.constant 15 : i32
      %get3A_594 = arith.index_cast %get3A_593 : i32 to index
      %get3A_595 = arith.index_cast %add3A_525 : i32 to index
      %get3A_596 = tpu.vector_load %arg12[%get3A_594, %get3A_595] {strides = array<i32>} : memref<32x1024xf32, #tpu.memory_space<vmem>>, vector<16xf32>,
      %max3A_597 = arith.maximumf %get3A_592, %get3A_596 : vector<16xf32>
      %get3A_598 = arith.constant 16 : i32
      %get3A_599 = arith.index_cast %get3A_598 : i32 to index
      %get3A_600 = arith.index_cast %add3A_525 : i32 to index
      %get3A_601 = tpu.vector_load %arg12[%get3A_599, %get3A_600] {strides = array<i32>} : memref<32x1024xf32, #tpu.memory_space<vmem>>, vector<16xf32>,
      %get3A_602 = arith.constant 17 : i32
      %get3A_603 = arith.index_cast %get3A_602 : i32 to index
      %get3A_604 = arith.index_cast %add3A_525 : i32 to index
      %get3A_605 = tpu.vector_load %arg12[%get3A_603, %get3A_604] {strides = array<i32>} : memref<32x1024xf32, #tpu.memory_space<vmem>>, vector<16xf32>,
      %max3A_606 = arith.maximumf %get3A_601, %get3A_605 : vector<16xf32>
      %get3A_607 = arith.constant 18 : i32
      %get3A_608 = arith.index_cast %get3A_607 : i32 to index
      %get3A_609 = arith.index_cast %add3A_525 : i32 to index
      %get3A_610 = tpu.vector_load %arg12[%get3A_608, %get3A_609] {strides = array<i32>} : memref<32x1024xf32, #tpu.memory_space<vmem>>, vector<16xf32>,
      %get3A_611 = arith.constant 19 : i32
      %get3A_612 = arith.index_cast %get3A_611 : i32 to index
      %get3A_613 = arith.index_cast %add3A_525 : i32 to index
      %get3A_614 = tpu.vector_load %arg12[%get3A_612, %get3A_613] {strides = array<i32>} : memref<32x1024xf32, #tpu.memory_space<vmem>>, vector<16xf32>,
      %max3A_615 = arith.maximumf %get3A_610, %get3A_614 : vector<16xf32>
      %get3A_616 = arith.constant 20 : i32
      %get3A_617 = arith.index_cast %get3A_616 : i32 to index
      %get3A_618 = arith.index_cast %add3A_525 : i32 to index
      %get3A_619 = tpu.vector_load %arg12[%get3A_617, %get3A_618] {strides = array<i32>} : memref<32x1024xf32, #tpu.memory_space<vmem>>, vector<16xf32>,
      %get3A_620 = arith.constant 21 : i32
      %get3A_621 = arith.index_cast %get3A_620 : i32 to index
      %get3A_622 = arith.index_cast %add3A_525 : i32 to index
      %get3A_623 = tpu.vector_load %arg12[%get3A_621, %get3A_622] {strides = array<i32>} : memref<32x1024xf32, #tpu.memory_space<vmem>>, vector<16xf32>,
      %max3A_624 = arith.maximumf %get3A_619, %get3A_623 : vector<16xf32>
      %get3A_625 = arith.constant 22 : i32
      %get3A_626 = arith.index_cast %get3A_625 : i32 to index
      %get3A_627 = arith.index_cast %add3A_525 : i32 to index
      %get3A_628 = tpu.vector_load %arg12[%get3A_626, %get3A_627] {strides = array<i32>} : memref<32x1024xf32, #tpu.memory_space<vmem>>, vector<16xf32>,
      %get3A_629 = arith.constant 23 : i32
      %get3A_630 = arith.index_cast %get3A_629 : i32 to index
      %get3A_631 = arith.index_cast %add3A_525 : i32 to index
      %get3A_632 = tpu.vector_load %arg12[%get3A_630, %get3A_631] {strides = array<i32>} : memref<32x1024xf32, #tpu.memory_space<vmem>>, vector<16xf32>,
      %max3A_633 = arith.maximumf %get3A_628, %get3A_632 : vector<16xf32>
      %get3A_634 = arith.constant 24 : i32
      %get3A_635 = arith.index_cast %get3A_634 : i32 to index
      %get3A_636 = arith.index_cast %add3A_525 : i32 to index
      %get3A_637 = tpu.vector_load %arg12[%get3A_635, %get3A_636] {strides = array<i32>} : memref<32x1024xf32, #tpu.memory_space<vmem>>, vector<16xf32>,
      %get3A_638 = arith.constant 25 : i32
      %get3A_639 = arith.index_cast %get3A_638 : i32 to index
      %get3A_640 = arith.index_cast %add3A_525 : i32 to index
      %get3A_641 = tpu.vector_load %arg12[%get3A_639, %get3A_640] {strides = array<i32>} : memref<32x1024xf32, #tpu.memory_space<vmem>>, vector<16xf32>,
      %max3A_642 = arith.maximumf %get3A_637, %get3A_641 : vector<16xf32>
      %get3A_643 = arith.constant 26 : i32
      %get3A_644 = arith.index_cast %get3A_643 : i32 to index
      %get3A_645 = arith.index_cast %add3A_525 : i32 to index
      %get3A_646 = tpu.vector_load %arg12[%get3A_644, %get3A_645] {strides = array<i32>} : memref<32x1024xf32, #tpu.memory_space<vmem>>, vector<16xf32>,
      %get3A_647 = arith.constant 27 : i32
      %get3A_648 = arith.index_cast %get3A_647 : i32 to index
      %get3A_649 = arith.index_cast %add3A_525 : i32 to index
      %get3A_650 = tpu.vector_load %arg12[%get3A_648, %get3A_649] {strides = array<i32>} : memref<32x1024xf32, #tpu.memory_space<vmem>>, vector<16xf32>,
      %max3A_651 = arith.maximumf %get3A_646, %get3A_650 : vector<16xf32>
      %get3A_652 = arith.constant 28 : i32
      %get3A_653 = arith.index_cast %get3A_652 : i32 to index
      %get3A_654 = arith.index_cast %add3A_525 : i32 to index
      %get3A_655 = tpu.vector_load %arg12[%get3A_653, %get3A_654] {strides = array<i32>} : memref<32x1024xf32, #tpu.memory_space<vmem>>, vector<16xf32>,
      %get3A_656 = arith.constant 29 : i32
      %get3A_657 = arith.index_cast %get3A_656 : i32 to index
      %get3A_658 = arith.index_cast %add3A_525 : i32 to index
      %get3A_659 = tpu.vector_load %arg12[%get3A_657, %get3A_658] {strides = array<i32>} : memref<32x1024xf32, #tpu.memory_space<vmem>>, vector<16xf32>,
      %max3A_660 = arith.maximumf %get3A_655, %get3A_659 : vector<16xf32>
      %get3A_661 = arith.constant 30 : i32
      %get3A_662 = arith.index_cast %get3A_661 : i32 to index
      %get3A_663 = arith.index_cast %add3A_525 : i32 to index
      %get3A_664 = tpu.vector_load %arg12[%get3A_662, %get3A_663] {strides = array<i32>} : memref<32x1024xf32, #tpu.memory_space<vmem>>, vector<16xf32>,
      %get3A_665 = arith.constant 31 : i32
      %get3A_666 = arith.index_cast %get3A_665 : i32 to index
      %get3A_667 = arith.index_cast %add3A_525 : i32 to index
      %get3A_668 = tpu.vector_load %arg12[%get3A_666, %get3A_667] {strides = array<i32>} : memref<32x1024xf32, #tpu.memory_space<vmem>>, vector<16xf32>,
      %max3A_669 = arith.maximumf %get3A_664, %get3A_668 : vector<16xf32>
      %max3A_670 = arith.maximumf %max3A_534, %max3A_543 : vector<16xf32>
      %max3A_671 = arith.maximumf %max3A_552, %max3A_561 : vector<16xf32>
      %max3A_672 = arith.maximumf %max3A_570, %max3A_579 : vector<16xf32>
      %max3A_673 = arith.maximumf %max3A_588, %max3A_597 : vector<16xf32>
      %max3A_674 = arith.maximumf %max3A_606, %max3A_615 : vector<16xf32>
      %max3A_675 = arith.maximumf %max3A_624, %max3A_633 : vector<16xf32>
      %max3A_676 = arith.maximumf %max3A_642, %max3A_651 : vector<16xf32>
      %max3A_677 = arith.maximumf %max3A_660, %max3A_669 : vector<16xf32>
      %max3A_678 = arith.maximumf %max3A_670, %max3A_671 : vector<16xf32>
      %max3A_679 = arith.maximumf %max3A_672, %max3A_673 : vector<16xf32>
      %max3A_680 = arith.maximumf %max3A_674, %max3A_675 : vector<16xf32>
      %max3A_681 = arith.maximumf %max3A_676, %max3A_677 : vector<16xf32>
      %max3A_682 = arith.maximumf %max3A_678, %max3A_679 : vector<16xf32>
      %max3A_683 = arith.maximumf %max3A_680, %max3A_681 : vector<16xf32>
      %max3A_684 = arith.maximumf %max3A_682, %max3A_683 : vector<16xf32>
      %sub3A_685 = arith.constant 1.000000e+00 : f32
      %sub3A_686 = vector.broadcast %sub3A_685 : f32 to vector<16xf32>
      %sub3A_687 = arith.subf %sub3A_686, %max3A_684 : vector<16xf32>
      %mul3A_688 = arith.constant 5.000000e-01 : f32
      %mul3A_689 = vector.broadcast %mul3A_688 : f32 to vector<16xf32>
      %mul3A_690 = arith.mulf %sub3A_687, %mul3A_689 : vector<16xf32>
      %swap3A_691 = arith.index_cast %add3A_525 : i32 to index
      %swap3A_692 = tpu.vector_load %arg9[%swap3A_691] {strides = array<i32>} : memref<1024xf32, #tpu.memory_space<vmem>>, vector<16xf32>,
      tpu.vector_store %arg9[%swap3A_691], %mul3A_690 {strides = array<i32>} : memref<1024xf32, #tpu.memory_space<vmem>>, vector<16xf32>,
      %get3A_693 = arith.index_cast %add3A_525 : i32 to index
      %get3A_694 = tpu.vector_load %arg8[%get3A_693] {strides = array<i32>} : memref<1024xf32, #tpu.memory_space<vmem>>, vector<16xf32>,
      %mul3A_695 = arith.mulf %mul3A_690, %get3A_694 : vector<16xf32>
      %add3A_696 = arith.constant 16 : i32
      %add3A_697 = arith.addi %mul3A_523, %add3A_696 : i32
      %get3A_698 = arith.constant 0 : i32
      %get3A_699 = arith.index_cast %get3A_698 : i32 to index
      %get3A_700 = arith.index_cast %add3A_697 : i32 to index
      %get3A_701 = tpu.vector_load %arg12[%get3A_699, %get3A_700] {strides = array<i32>} : memref<32x1024xf32, #tpu.memory_space<vmem>>, vector<16xf32>,
      %get3A_702 = arith.constant 1 : i32
      %get3A_703 = arith.index_cast %get3A_702 : i32 to index
      %get3A_704 = arith.index_cast %add3A_697 : i32 to index
      %get3A_705 = tpu.vector_load %arg12[%get3A_703, %get3A_704] {strides = array<i32>} : memref<32x1024xf32, #tpu.memory_space<vmem>>, vector<16xf32>,
      %max3A_706 = arith.maximumf %get3A_701, %get3A_705 : vector<16xf32>
      %get3A_707 = arith.constant 2 : i32
      %get3A_708 = arith.index_cast %get3A_707 : i32 to index
      %get3A_709 = arith.index_cast %add3A_697 : i32 to index
      %get3A_710 = tpu.vector_load %arg12[%get3A_708, %get3A_709] {strides = array<i32>} : memref<32x1024xf32, #tpu.memory_space<vmem>>, vector<16xf32>,
      %get3A_711 = arith.constant 3 : i32
      %get3A_712 = arith.index_cast %get3A_711 : i32 to index
      %get3A_713 = arith.index_cast %add3A_697 : i32 to index
      %get3A_714 = tpu.vector_load %arg12[%get3A_712, %get3A_713] {strides = array<i32>} : memref<32x1024xf32, #tpu.memory_space<vmem>>, vector<16xf32>,
      %max3A_715 = arith.maximumf %get3A_710, %get3A_714 : vector<16xf32>
      %get3A_716 = arith.constant 4 : i32
      %get3A_717 = arith.index_cast %get3A_716 : i32 to index
      %get3A_718 = arith.index_cast %add3A_697 : i32 to index
      %get3A_719 = tpu.vector_load %arg12[%get3A_717, %get3A_718] {strides = array<i32>} : memref<32x1024xf32, #tpu.memory_space<vmem>>, vector<16xf32>,
      %get3A_720 = arith.constant 5 : i32
      %get3A_721 = arith.index_cast %get3A_720 : i32 to index
      %get3A_722 = arith.index_cast %add3A_697 : i32 to index
      %get3A_723 = tpu.vector_load %arg12[%get3A_721, %get3A_722] {strides = array<i32>} : memref<32x1024xf32, #tpu.memory_space<vmem>>, vector<16xf32>,
      %max3A_724 = arith.maximumf %get3A_719, %get3A_723 : vector<16xf32>
      %get3A_725 = arith.constant 6 : i32
      %get3A_726 = arith.index_cast %get3A_725 : i32 to index
      %get3A_727 = arith.index_cast %add3A_697 : i32 to index
      %get3A_728 = tpu.vector_load %arg12[%get3A_726, %get3A_727] {strides = array<i32>} : memref<32x1024xf32, #tpu.memory_space<vmem>>, vector<16xf32>,
      %get3A_729 = arith.constant 7 : i32
      %get3A_730 = arith.index_cast %get3A_729 : i32 to index
      %get3A_731 = arith.index_cast %add3A_697 : i32 to index
      %get3A_732 = tpu.vector_load %arg12[%get3A_730, %get3A_731] {strides = array<i32>} : memref<32x1024xf32, #tpu.memory_space<vmem>>, vector<16xf32>,
      %max3A_733 = arith.maximumf %get3A_728, %get3A_732 : vector<16xf32>
      %get3A_734 = arith.constant 8 : i32
      %get3A_735 = arith.index_cast %get3A_734 : i32 to index
      %get3A_736 = arith.index_cast %add3A_697 : i32 to index
      %get3A_737 = tpu.vector_load %arg12[%get3A_735, %get3A_736] {strides = array<i32>} : memref<32x1024xf32, #tpu.memory_space<vmem>>, vector<16xf32>,
      %get3A_738 = arith.constant 9 : i32
      %get3A_739 = arith.index_cast %get3A_738 : i32 to index
      %get3A_740 = arith.index_cast %add3A_697 : i32 to index
      %get3A_741 = tpu.vector_load %arg12[%get3A_739, %get3A_740] {strides = array<i32>} : memref<32x1024xf32, #tpu.memory_space<vmem>>, vector<16xf32>,
      %max3A_742 = arith.maximumf %get3A_737, %get3A_741 : vector<16xf32>
      %get3A_743 = arith.constant 10 : i32
      %get3A_744 = arith.index_cast %get3A_743 : i32 to index
      %get3A_745 = arith.index_cast %add3A_697 : i32 to index
      %get3A_746 = tpu.vector_load %arg12[%get3A_744, %get3A_745] {strides = array<i32>} : memref<32x1024xf32, #tpu.memory_space<vmem>>, vector<16xf32>,
      %get3A_747 = arith.constant 11 : i32
      %get3A_748 = arith.index_cast %get3A_747 : i32 to index
      %get3A_749 = arith.index_cast %add3A_697 : i32 to index
      %get3A_750 = tpu.vector_load %arg12[%get3A_748, %get3A_749] {strides = array<i32>} : memref<32x1024xf32, #tpu.memory_space<vmem>>, vector<16xf32>,
      %max3A_751 = arith.maximumf %get3A_746, %get3A_750 : vector<16xf32>
      %get3A_752 = arith.constant 12 : i32
      %get3A_753 = arith.index_cast %get3A_752 : i32 to index
      %get3A_754 = arith.index_cast %add3A_697 : i32 to index
      %get3A_755 = tpu.vector_load %arg12[%get3A_753, %get3A_754] {strides = array<i32>} : memref<32x1024xf32, #tpu.memory_space<vmem>>, vector<16xf32>,
      %get3A_756 = arith.constant 13 : i32
      %get3A_757 = arith.index_cast %get3A_756 : i32 to index
      %get3A_758 = arith.index_cast %add3A_697 : i32 to index
      %get3A_759 = tpu.vector_load %arg12[%get3A_757, %get3A_758] {strides = array<i32>} : memref<32x1024xf32, #tpu.memory_space<vmem>>, vector<16xf32>,
      %max3A_760 = arith.maximumf %get3A_755, %get3A_759 : vector<16xf32>
      %get3A_761 = arith.constant 14 : i32
      %get3A_762 = arith.index_cast %get3A_761 : i32 to index
      %get3A_763 = arith.index_cast %add3A_697 : i32 to index
      %get3A_764 = tpu.vector_load %arg12[%get3A_762, %get3A_763] {strides = array<i32>} : memref<32x1024xf32, #tpu.memory_space<vmem>>, vector<16xf32>,
      %get3A_765 = arith.constant 15 : i32
      %get3A_766 = arith.index_cast %get3A_765 : i32 to index
      %get3A_767 = arith.index_cast %add3A_697 : i32 to index
      %get3A_768 = tpu.vector_load %arg12[%get3A_766, %get3A_767] {strides = array<i32>} : memref<32x1024xf32, #tpu.memory_space<vmem>>, vector<16xf32>,
      %max3A_769 = arith.maximumf %get3A_764, %get3A_768 : vector<16xf32>
      %get3A_770 = arith.constant 16 : i32
      %get3A_771 = arith.index_cast %get3A_770 : i32 to index
      %get3A_772 = arith.index_cast %add3A_697 : i32 to index
      %get3A_773 = tpu.vector_load %arg12[%get3A_771, %get3A_772] {strides = array<i32>} : memref<32x1024xf32, #tpu.memory_space<vmem>>, vector<16xf32>,
      %get3A_774 = arith.constant 17 : i32
      %get3A_775 = arith.index_cast %get3A_774 : i32 to index
      %get3A_776 = arith.index_cast %add3A_697 : i32 to index
      %get3A_777 = tpu.vector_load %arg12[%get3A_775, %get3A_776] {strides = array<i32>} : memref<32x1024xf32, #tpu.memory_space<vmem>>, vector<16xf32>,
      %max3A_778 = arith.maximumf %get3A_773, %get3A_777 : vector<16xf32>
      %get3A_779 = arith.constant 18 : i32
      %get3A_780 = arith.index_cast %get3A_779 : i32 to index
      %get3A_781 = arith.index_cast %add3A_697 : i32 to index
      %get3A_782 = tpu.vector_load %arg12[%get3A_780, %get3A_781] {strides = array<i32>} : memref<32x1024xf32, #tpu.memory_space<vmem>>, vector<16xf32>,
      %get3A_783 = arith.constant 19 : i32
      %get3A_784 = arith.index_cast %get3A_783 : i32 to index
      %get3A_785 = arith.index_cast %add3A_697 : i32 to index
      %get3A_786 = tpu.vector_load %arg12[%get3A_784, %get3A_785] {strides = array<i32>} : memref<32x1024xf32, #tpu.memory_space<vmem>>, vector<16xf32>,
      %max3A_787 = arith.maximumf %get3A_782, %get3A_786 : vector<16xf32>
      %get3A_788 = arith.constant 20 : i32
      %get3A_789 = arith.index_cast %get3A_788 : i32 to index
      %get3A_790 = arith.index_cast %add3A_697 : i32 to index
      %get3A_791 = tpu.vector_load %arg12[%get3A_789, %get3A_790] {strides = array<i32>} : memref<32x1024xf32, #tpu.memory_space<vmem>>, vector<16xf32>,
      %get3A_792 = arith.constant 21 : i32
      %get3A_793 = arith.index_cast %get3A_792 : i32 to index
      %get3A_794 = arith.index_cast %add3A_697 : i32 to index
      %get3A_795 = tpu.vector_load %arg12[%get3A_793, %get3A_794] {strides = array<i32>} : memref<32x1024xf32, #tpu.memory_space<vmem>>, vector<16xf32>,
      %max3A_796 = arith.maximumf %get3A_791, %get3A_795 : vector<16xf32>
      %get3A_797 = arith.constant 22 : i32
      %get3A_798 = arith.index_cast %get3A_797 : i32 to index
      %get3A_799 = arith.index_cast %add3A_697 : i32 to index
      %get3A_800 = tpu.vector_load %arg12[%get3A_798, %get3A_799] {strides = array<i32>} : memref<32x1024xf32, #tpu.memory_space<vmem>>, vector<16xf32>,
      %get3A_801 = arith.constant 23 : i32
      %get3A_802 = arith.index_cast %get3A_801 : i32 to index
      %get3A_803 = arith.index_cast %add3A_697 : i32 to index
      %get3A_804 = tpu.vector_load %arg12[%get3A_802, %get3A_803] {strides = array<i32>} : memref<32x1024xf32, #tpu.memory_space<vmem>>, vector<16xf32>,
      %max3A_805 = arith.maximumf %get3A_800, %get3A_804 : vector<16xf32>
      %get3A_806 = arith.constant 24 : i32
      %get3A_807 = arith.index_cast %get3A_806 : i32 to index
      %get3A_808 = arith.index_cast %add3A_697 : i32 to index
      %get3A_809 = tpu.vector_load %arg12[%get3A_807, %get3A_808] {strides = array<i32>} : memref<32x1024xf32, #tpu.memory_space<vmem>>, vector<16xf32>,
      %get3A_810 = arith.constant 25 : i32
      %get3A_811 = arith.index_cast %get3A_810 : i32 to index
      %get3A_812 = arith.index_cast %add3A_697 : i32 to index
      %get3A_813 = tpu.vector_load %arg12[%get3A_811, %get3A_812] {strides = array<i32>} : memref<32x1024xf32, #tpu.memory_space<vmem>>, vector<16xf32>,
      %max3A_814 = arith.maximumf %get3A_809, %get3A_813 : vector<16xf32>
      %get3A_815 = arith.constant 26 : i32
      %get3A_816 = arith.index_cast %get3A_815 : i32 to index
      %get3A_817 = arith.index_cast %add3A_697 : i32 to index
      %get3A_818 = tpu.vector_load %arg12[%get3A_816, %get3A_817] {strides = array<i32>} : memref<32x1024xf32, #tpu.memory_space<vmem>>, vector<16xf32>,
      %get3A_819 = arith.constant 27 : i32
      %get3A_820 = arith.index_cast %get3A_819 : i32 to index
      %get3A_821 = arith.index_cast %add3A_697 : i32 to index
      %get3A_822 = tpu.vector_load %arg12[%get3A_820, %get3A_821] {strides = array<i32>} : memref<32x1024xf32, #tpu.memory_space<vmem>>, vector<16xf32>,
      %max3A_823 = arith.maximumf %get3A_818, %get3A_822 : vector<16xf32>
      %get3A_824 = arith.constant 28 : i32
      %get3A_825 = arith.index_cast %get3A_824 : i32 to index
      %get3A_826 = arith.index_cast %add3A_697 : i32 to index
      %get3A_827 = tpu.vector_load %arg12[%get3A_825, %get3A_826] {strides = array<i32>} : memref<32x1024xf32, #tpu.memory_space<vmem>>, vector<16xf32>,
      %get3A_828 = arith.constant 29 : i32
      %get3A_829 = arith.index_cast %get3A_828 : i32 to index
      %get3A_830 = arith.index_cast %add3A_697 : i32 to index
      %get3A_831 = tpu.vector_load %arg12[%get3A_829, %get3A_830] {strides = array<i32>} : memref<32x1024xf32, #tpu.memory_space<vmem>>, vector<16xf32>,
      %max3A_832 = arith.maximumf %get3A_827, %get3A_831 : vector<16xf32>
      %get3A_833 = arith.constant 30 : i32
      %get3A_834 = arith.index_cast %get3A_833 : i32 to index
      %get3A_835 = arith.index_cast %add3A_697 : i32 to index
      %get3A_836 = tpu.vector_load %arg12[%get3A_834, %get3A_835] {strides = array<i32>} : memref<32x1024xf32, #tpu.memory_space<vmem>>, vector<16xf32>,
      %get3A_837 = arith.constant 31 : i32
      %get3A_838 = arith.index_cast %get3A_837 : i32 to index
      %get3A_839 = arith.index_cast %add3A_697 : i32 to index
      %get3A_840 = tpu.vector_load %arg12[%get3A_838, %get3A_839] {strides = array<i32>} : memref<32x1024xf32, #tpu.memory_space<vmem>>, vector<16xf32>,
      %max3A_841 = arith.maximumf %get3A_836, %get3A_840 : vector<16xf32>
      %max3A_842 = arith.maximumf %max3A_706, %max3A_715 : vector<16xf32>
      %max3A_843 = arith.maximumf %max3A_724, %max3A_733 : vector<16xf32>
      %max3A_844 = arith.maximumf %max3A_742, %max3A_751 : vector<16xf32>
      %max3A_845 = arith.maximumf %max3A_760, %max3A_769 : vector<16xf32>
      %max3A_846 = arith.maximumf %max3A_778, %max3A_787 : vector<16xf32>
      %max3A_847 = arith.maximumf %max3A_796, %max3A_805 : vector<16xf32>
      %max3A_848 = arith.maximumf %max3A_814, %max3A_823 : vector<16xf32>
      %max3A_849 = arith.maximumf %max3A_832, %max3A_841 : vector<16xf32>
      %max3A_850 = arith.maximumf %max3A_842, %max3A_843 : vector<16xf32>
      %max3A_851 = arith.maximumf %max3A_844, %max3A_845 : vector<16xf32>
      %max3A_852 = arith.maximumf %max3A_846, %max3A_847 : vector<16xf32>
      %max3A_853 = arith.maximumf %max3A_848, %max3A_849 : vector<16xf32>
      %max3A_854 = arith.maximumf %max3A_850, %max3A_851 : vector<16xf32>
      %max3A_855 = arith.maximumf %max3A_852, %max3A_853 : vector<16xf32>
      %max3A_856 = arith.maximumf %max3A_854, %max3A_855 : vector<16xf32>
      %sub3A_857 = arith.constant 1.000000e+00 : f32
      %sub3A_858 = vector.broadcast %sub3A_857 : f32 to vector<16xf32>
      %sub3A_859 = arith.subf %sub3A_858, %max3A_856 : vector<16xf32>
      %mul3A_860 = arith.constant 5.000000e-01 : f32
      %mul3A_861 = vector.broadcast %mul3A_860 : f32 to vector<16xf32>
      %mul3A_862 = arith.mulf %sub3A_859, %mul3A_861 : vector<16xf32>
      %swap3A_863 = arith.index_cast %add3A_697 : i32 to index
      %swap3A_864 = tpu.vector_load %arg9[%swap3A_863] {strides = array<i32>} : memref<1024xf32, #tpu.memory_space<vmem>>, vector<16xf32>,
      tpu.vector_store %arg9[%swap3A_863], %mul3A_862 {strides = array<i32>} : memref<1024xf32, #tpu.memory_space<vmem>>, vector<16xf32>,
      %get3A_865 = arith.index_cast %add3A_697 : i32 to index
      %get3A_866 = tpu.vector_load %arg8[%get3A_865] {strides = array<i32>} : memref<1024xf32, #tpu.memory_space<vmem>>, vector<16xf32>,
      %mul3A_867 = arith.mulf %mul3A_862, %get3A_866 : vector<16xf32>
      %reduce_max3A_868 = arith.constant true
      %reduce_max3A_869 = vector.broadcast %reduce_max3A_868 : i1 to vector<16xi1>
      %reduce_max3A_870 = tpu.scan <max>, %mul3A_695 masked %reduce_max3A_869 : vector<16xf32>, vector<16xi1> -> vector<16xf32>
      %reduce_max3A_871 = vector.extract %reduce_max3A_870[15] : f32 from vector<16xf32>
      %reduce_max3A_872 = arith.constant true
      %reduce_max3A_873 = vector.broadcast %reduce_max3A_872 : i1 to vector<16xi1>
      %reduce_max3A_874 = tpu.scan <max>, %mul3A_867 masked %reduce_max3A_873 : vector<16xf32>, vector<16xi1> -> vector<16xf32>
      %reduce_max3A_875 = vector.extract %reduce_max3A_874[15] : f32 from vector<16xf32>
      %max3A_876 = arith.maximumf %reduce_max3A_871, %reduce_max3A_875 : f32
      %eq3A_877 = vector.broadcast %max3A_876 : f32 to vector<16xf32>
      %eq3A_878 = arith.cmpf oeq, %mul3A_695, %eq3A_877 : vector<16xf32>
      %jit3A_879 = arith.constant 9999 : i32
      %broadcast_in_dim3A_880 = vector.broadcast %jit3A_879 : i32 to vector<16xi32>
      %select_n3A_881 = arith.select %eq3A_878, %iota3A, %broadcast_in_dim3A_880 : vector<16xi1>, vector<16xi32>
      %reduce_min3A = arith.constant true
      %reduce_min3A_882 = vector.broadcast %reduce_min3A : i1 to vector<16xi1>
      %reduce_min3A_883 = arith.constant -2147483648 : i32
      %reduce_min3A_884 = vector.broadcast %reduce_min3A_883 : i32 to vector<16xi32>
      %reduce_min3A_885 = arith.xori %select_n3A_881, %reduce_min3A_884 : vector<16xi32>
      %reduce_min3A_886 = tpu.scan <min>, %reduce_min3A_885 masked %reduce_min3A_882 : vector<16xi32>, vector<16xi1> -> vector<16xi32>
      %reduce_min3A_887 = arith.xori %reduce_min3A_886, %reduce_min3A_884 : vector<16xi32>
      %reduce_min3A_888 = vector.extract %reduce_min3A_887[15] : i32 from vector<16xi32>
      %eq3A_889 = vector.broadcast %max3A_876 : f32 to vector<16xf32>
      %eq3A_890 = arith.cmpf oeq, %mul3A_867, %eq3A_889 : vector<16xf32>
      %add3A_891 = arith.constant 16 : i32
      %add3A_892 = vector.broadcast %add3A_891 : i32 to vector<16xi32>
      %add3A_893 = arith.addi %iota3A, %add3A_892 : vector<16xi32>
      %jit3A_894 = arith.constant 9999 : i32
      %broadcast_in_dim3A_895 = vector.broadcast %jit3A_894 : i32 to vector<16xi32>
      %select_n3A_896 = arith.select %eq3A_890, %add3A_893, %broadcast_in_dim3A_895 : vector<16xi1>, vector<16xi32>
      %reduce_min3A_897 = arith.constant true
      %reduce_min3A_898 = vector.broadcast %reduce_min3A_897 : i1 to vector<16xi1>
      %reduce_min3A_899 = arith.constant -2147483648 : i32
      %reduce_min3A_900 = vector.broadcast %reduce_min3A_899 : i32 to vector<16xi32>
      %reduce_min3A_901 = arith.xori %select_n3A_896, %reduce_min3A_900 : vector<16xi32>
      %reduce_min3A_902 = tpu.scan <min>, %reduce_min3A_901 masked %reduce_min3A_898 : vector<16xi32>, vector<16xi1> -> vector<16xi32>
      %reduce_min3A_903 = arith.xori %reduce_min3A_902, %reduce_min3A_900 : vector<16xi32>
      %reduce_min3A_904 = vector.extract %reduce_min3A_903[15] : i32 from vector<16xi32>
      %min3A_905 = arith.minsi %reduce_min3A_888, %reduce_min3A_904 : i32
      %add3A_906 = arith.addi %mul3A_523, %min3A_905 : i32
      %ne3A_907 = arith.cmpi ne, %scan3A_518, %add3A : i32
      %eq3A_908 = vector.broadcast %scan3A_518 : i32 to vector<16xi32>
      %eq3A_909 = arith.cmpi eq, %iota3A, %eq3A_908 : vector<16xi32>
      %and3A_910 = vector.broadcast %ne3A_907 : i1 to vector<16xi1>
      %and3A_911 = arith.andi %eq3A_909, %and3A_910 : vector<16xi1>
      %broadcast_in_dim3A_912 = vector.broadcast %add3A_906 : i32 to vector<16xi32>
      %select_n3A_913 = arith.select %and3A_911, %broadcast_in_dim3A_912, %scan3A_519 : vector<16xi1>, vector<16xi32>
      %sub3A_914 = arith.constant 16 : i32
      %sub3A_915 = arith.subi %scan3A_518, %sub3A_914 : i32
      %eq3A_916 = vector.broadcast %sub3A_915 : i32 to vector<16xi32>
      %eq3A_917 = arith.cmpi eq, %iota3A, %eq3A_916 : vector<16xi32>
      %and3A_918 = vector.broadcast %ne3A_907 : i1 to vector<16xi1>
      %and3A_919 = arith.andi %eq3A_917, %and3A_918 : vector<16xi1>
      %broadcast_in_dim3A_920 = vector.broadcast %add3A_906 : i32 to vector<16xi32>
      %select_n3A_921 = arith.select %and3A_919, %broadcast_in_dim3A_920, %scan3A_520 : vector<16xi1>, vector<16xi32>
      %lt3A_922 = arith.constant 0 : i32
      %lt3A_923 = arith.cmpi slt, %scan3A_521, %lt3A_922 : i32
      %and3A_924 = arith.andi %ne3A_907, %lt3A_923 : i1
      %select_n3A_925 = arith.select %and3A_924, %add3A_906, %scan3A_521 : i32
      scf.yield %select_n3A_913, %select_n3A_921, %select_n3A_925 : vector<16xi32>, vector<16xi32>, i32
    }
    %scan3A_68 = arith.constant 16 : i32
    %eq3A_69 = vector.broadcast %add3A : i32 to vector<16xi32>
    %eq3A_70 = arith.cmpi eq, %iota3A, %eq3A_69 : vector<16xi32>
    %broadcast_in_dim3A_71 = vector.broadcast %scan3A_67#2 : i32 to vector<16xi32>
    %select_n3A_72 = arith.select %eq3A_70, %broadcast_in_dim3A_71, %scan3A_67#0 : vector<16xi1>, vector<16xi32>
    %sub3A_73 = arith.constant 16 : i32
    %sub3A_74 = arith.subi %add3A, %sub3A_73 : i32
    %eq3A_75 = vector.broadcast %sub3A_74 : i32 to vector<16xi32>
    %eq3A_76 = arith.cmpi eq, %iota3A, %eq3A_75 : vector<16xi32>
    %broadcast_in_dim3A_77 = vector.broadcast %scan3A_67#2 : i32 to vector<16xi32>
    %select_n3A_78 = arith.select %eq3A_76, %broadcast_in_dim3A_77, %scan3A_67#1 : vector<16xi1>, vector<16xi32>
    %swap3A_79 = arith.constant 0 : index
    %swap3A_80 = tpu.vector_load %arg10[%swap3A_79] {strides = array<i32>} : memref<32xi32, #tpu.memory_space<vmem>>, vector<16xi32>,
    tpu.vector_store %arg10[%swap3A_79], %select_n3A_72 {strides = array<i32>} : memref<32xi32, #tpu.memory_space<vmem>>, vector<16xi32>,
    %swap3A_81 = arith.constant 16 : index
    %swap3A_82 = tpu.vector_load %arg10[%swap3A_81] {strides = array<i32>} : memref<32xi32, #tpu.memory_space<vmem>>, vector<16xi32>,
    tpu.vector_store %arg10[%swap3A_81], %select_n3A_78 {strides = array<i32>} : memref<32xi32, #tpu.memory_space<vmem>>, vector<16xi32>,
    %swap3A_83 = arith.constant 1 : i32
    %swap3A_84 = arith.index_cast %swap3A_83 : i32 to index
    %swap3A_85 = arith.constant 0 : index
    %swap3A_86 = tpu.vector_load %arg11[%swap3A_84, %swap3A_85] {strides = array<i32>} : memref<4x32xi32, #tpu.memory_space<vmem>>, vector<16xi32>,
    tpu.vector_store %arg11[%swap3A_84, %swap3A_85], %select_n3A_72 {strides = array<i32>} : memref<4x32xi32, #tpu.memory_space<vmem>>, vector<16xi32>,
    %swap3A_87 = arith.constant 1 : i32
    %swap3A_88 = arith.index_cast %swap3A_87 : i32 to index
    %swap3A_89 = arith.constant 16 : index
    %swap3A_90 = tpu.vector_load %arg11[%swap3A_88, %swap3A_89] {strides = array<i32>} : memref<4x32xi32, #tpu.memory_space<vmem>>, vector<16xi32>,
    tpu.vector_store %arg11[%swap3A_88, %swap3A_89], %select_n3A_78 {strides = array<i32>} : memref<4x32xi32, #tpu.memory_space<vmem>>, vector<16xi32>,
    %dma_start3A_91 = arith.constant 16 : i32
    %dma_start3A_92 = arith.constant 0 : i32
    %dma_start3A_93 = tpu.memref_slice %arg13[%dma_start3A_91, %dma_start3A_92] : memref<32x1024xf32, #tpu.memory_space<vmem>> -> memref<16x1024xf32, #tpu.memory_space<vmem>>
    %dma_start3A_94 = arith.constant 16 : i32
    %dma_start3A_95 = tpu.memref_slice %arg10[%dma_start3A_94] : memref<32xi32, #tpu.memory_space<vmem>> -> memref<16xi32, #tpu.memory_space<vmem>>
    %dma_start3A_96 = arith.constant 0 : i32
    %dma_start3A_97 = arith.constant 0 : i32
    %dma_start3A_98 = tpu.memref_slice %arg2[%dma_start3A_96, %dma_start3A_97] : memref<1024x1024xf32, #tpu.memory_space<hbm>> -> memref<1024x1024xf32, #tpu.memory_space<hbm>>
    tpu.enqueue_indirect_dma source(%dma_start3A_98 : memref<1024x1024xf32, #tpu.memory_space<hbm>>) target(%dma_start3A_93 : memref<16x1024xf32, #tpu.memory_space<vmem>>) offsets(%dma_start3A_95 : memref<16xi32, #tpu.memory_space<vmem>>) semaphore(%arg15 : memref<!tpu.dma_semaphore, #tpu.memory_space<semaphore_mem>>)
    %dma_wait3A_99 = arith.constant 0 : i32
    %dma_wait3A_100 = arith.constant 0 : i32
    %dma_wait3A_101 = tpu.memref_slice %arg13[%dma_wait3A_99, %dma_wait3A_100] : memref<32x1024xf32, #tpu.memory_space<vmem>> -> memref<16x1024xf32, #tpu.memory_space<vmem>>
    %dma_wait3A_102 = arith.constant 0 : i32
    %dma_wait3A_103 = tpu.memref_slice %arg10[%dma_wait3A_102] : memref<32xi32, #tpu.memory_space<vmem>> -> memref<16xi32, #tpu.memory_space<vmem>>
    %dma_wait3A_104 = arith.constant 0 : i32
    %dma_wait3A_105 = arith.constant 0 : i32
    %dma_wait3A_106 = tpu.memref_slice %arg2[%dma_wait3A_104, %dma_wait3A_105] : memref<1024x1024xf32, #tpu.memory_space<hbm>> -> memref<1024x1024xf32, #tpu.memory_space<hbm>>
    tpu.wait_indirect_dma semaphore(%arg15 : memref<!tpu.dma_semaphore, #tpu.memory_space<semaphore_mem>>) src(%dma_wait3A_106 : memref<1024x1024xf32, #tpu.memory_space<hbm>>) dst(%dma_wait3A_101 : memref<16x1024xf32, #tpu.memory_space<vmem>>)
    %dma_wait3A_107 = arith.constant 16 : i32
    %dma_wait3A_108 = arith.constant 0 : i32
    %dma_wait3A_109 = tpu.memref_slice %arg13[%dma_wait3A_107, %dma_wait3A_108] : memref<32x1024xf32, #tpu.memory_space<vmem>> -> memref<16x1024xf32, #tpu.memory_space<vmem>>
    %dma_wait3A_110 = arith.constant 16 : i32
    %dma_wait3A_111 = tpu.memref_slice %arg10[%dma_wait3A_110] : memref<32xi32, #tpu.memory_space<vmem>> -> memref<16xi32, #tpu.memory_space<vmem>>
    %dma_wait3A_112 = arith.constant 0 : i32
    %dma_wait3A_113 = arith.constant 0 : i32
    %dma_wait3A_114 = tpu.memref_slice %arg2[%dma_wait3A_112, %dma_wait3A_113] : memref<1024x1024xf32, #tpu.memory_space<hbm>> -> memref<1024x1024xf32, #tpu.memory_space<hbm>>
    tpu.wait_indirect_dma semaphore(%arg15 : memref<!tpu.dma_semaphore, #tpu.memory_space<semaphore_mem>>) src(%dma_wait3A_114 : memref<1024x1024xf32, #tpu.memory_space<hbm>>) dst(%dma_wait3A_109 : memref<16x1024xf32, #tpu.memory_space<vmem>>)
    %broadcast_in_dim3A_115 = arith.constant 0 : i32
    %broadcast_in_dim3A_116 = vector.broadcast %broadcast_in_dim3A_115 : i32 to vector<16xi32>
    %scan3A_117 = arith.constant -1 : i32
    %scan3A_118 = arith.constant 0 : i32
    %scan3A_119 = arith.constant 16 : i32
    %scan3A_120 = arith.addi %scan3A_118, %scan3A_119 : i32
    %scan3A_121 = arith.constant 1 : i32
    %scan3A_122:3 = scf.for %scan3A_518 = %scan3A_118 to %scan3A_120 step %scan3A_121 iter_args(%scan3A_519 = %broadcast_in_dim3A_116, %scan3A_520 = %broadcast_in_dim3A_116, %scan3A_521 = %scan3A_117) -> (vector<16xi32>, vector<16xi32>, i32)  : i32 {
      %mul3A_522 = arith.constant 32 : i32
      %mul3A_523 = arith.muli %scan3A_518, %mul3A_522 : i32
      %add3A_524 = arith.constant 0 : i32
      %add3A_525 = arith.addi %mul3A_523, %add3A_524 : i32
      %get3A_526 = arith.constant 0 : i32
      %get3A_527 = arith.index_cast %get3A_526 : i32 to index
      %get3A_528 = arith.index_cast %add3A_525 : i32 to index
      %get3A_529 = tpu.vector_load %arg13[%get3A_527, %get3A_528] {strides = array<i32>} : memref<32x1024xf32, #tpu.memory_space<vmem>>, vector<16xf32>,
      %get3A_530 = arith.constant 1 : i32
      %get3A_531 = arith.index_cast %get3A_530 : i32 to index
      %get3A_532 = arith.index_cast %add3A_525 : i32 to index
      %get3A_533 = tpu.vector_load %arg13[%get3A_531, %get3A_532] {strides = array<i32>} : memref<32x1024xf32, #tpu.memory_space<vmem>>, vector<16xf32>,
      %max3A_534 = arith.maximumf %get3A_529, %get3A_533 : vector<16xf32>
      %get3A_535 = arith.constant 2 : i32
      %get3A_536 = arith.index_cast %get3A_535 : i32 to index
      %get3A_537 = arith.index_cast %add3A_525 : i32 to index
      %get3A_538 = tpu.vector_load %arg13[%get3A_536, %get3A_537] {strides = array<i32>} : memref<32x1024xf32, #tpu.memory_space<vmem>>, vector<16xf32>,
      %get3A_539 = arith.constant 3 : i32
      %get3A_540 = arith.index_cast %get3A_539 : i32 to index
      %get3A_541 = arith.index_cast %add3A_525 : i32 to index
      %get3A_542 = tpu.vector_load %arg13[%get3A_540, %get3A_541] {strides = array<i32>} : memref<32x1024xf32, #tpu.memory_space<vmem>>, vector<16xf32>,
      %max3A_543 = arith.maximumf %get3A_538, %get3A_542 : vector<16xf32>
      %get3A_544 = arith.constant 4 : i32
      %get3A_545 = arith.index_cast %get3A_544 : i32 to index
      %get3A_546 = arith.index_cast %add3A_525 : i32 to index
      %get3A_547 = tpu.vector_load %arg13[%get3A_545, %get3A_546] {strides = array<i32>} : memref<32x1024xf32, #tpu.memory_space<vmem>>, vector<16xf32>,
      %get3A_548 = arith.constant 5 : i32
      %get3A_549 = arith.index_cast %get3A_548 : i32 to index
      %get3A_550 = arith.index_cast %add3A_525 : i32 to index
      %get3A_551 = tpu.vector_load %arg13[%get3A_549, %get3A_550] {strides = array<i32>} : memref<32x1024xf32, #tpu.memory_space<vmem>>, vector<16xf32>,
      %max3A_552 = arith.maximumf %get3A_547, %get3A_551 : vector<16xf32>
      %get3A_553 = arith.constant 6 : i32
      %get3A_554 = arith.index_cast %get3A_553 : i32 to index
      %get3A_555 = arith.index_cast %add3A_525 : i32 to index
      %get3A_556 = tpu.vector_load %arg13[%get3A_554, %get3A_555] {strides = array<i32>} : memref<32x1024xf32, #tpu.memory_space<vmem>>, vector<16xf32>,
      %get3A_557 = arith.constant 7 : i32
      %get3A_558 = arith.index_cast %get3A_557 : i32 to index
      %get3A_559 = arith.index_cast %add3A_525 : i32 to index
      %get3A_560 = tpu.vector_load %arg13[%get3A_558, %get3A_559] {strides = array<i32>} : memref<32x1024xf32, #tpu.memory_space<vmem>>, vector<16xf32>,
      %max3A_561 = arith.maximumf %get3A_556, %get3A_560 : vector<16xf32>
      %get3A_562 = arith.constant 8 : i32
      %get3A_563 = arith.index_cast %get3A_562 : i32 to index
      %get3A_564 = arith.index_cast %add3A_525 : i32 to index
      %get3A_565 = tpu.vector_load %arg13[%get3A_563, %get3A_564] {strides = array<i32>} : memref<32x1024xf32, #tpu.memory_space<vmem>>, vector<16xf32>,
      %get3A_566 = arith.constant 9 : i32
      %get3A_567 = arith.index_cast %get3A_566 : i32 to index
      %get3A_568 = arith.index_cast %add3A_525 : i32 to index
      %get3A_569 = tpu.vector_load %arg13[%get3A_567, %get3A_568] {strides = array<i32>} : memref<32x1024xf32, #tpu.memory_space<vmem>>, vector<16xf32>,
      %max3A_570 = arith.maximumf %get3A_565, %get3A_569 : vector<16xf32>
      %get3A_571 = arith.constant 10 : i32
      %get3A_572 = arith.index_cast %get3A_571 : i32 to index
      %get3A_573 = arith.index_cast %add3A_525 : i32 to index
      %get3A_574 = tpu.vector_load %arg13[%get3A_572, %get3A_573] {strides = array<i32>} : memref<32x1024xf32, #tpu.memory_space<vmem>>, vector<16xf32>,
      %get3A_575 = arith.constant 11 : i32
      %get3A_576 = arith.index_cast %get3A_575 : i32 to index
      %get3A_577 = arith.index_cast %add3A_525 : i32 to index
      %get3A_578 = tpu.vector_load %arg13[%get3A_576, %get3A_577] {strides = array<i32>} : memref<32x1024xf32, #tpu.memory_space<vmem>>, vector<16xf32>,
      %max3A_579 = arith.maximumf %get3A_574, %get3A_578 : vector<16xf32>
      %get3A_580 = arith.constant 12 : i32
      %get3A_581 = arith.index_cast %get3A_580 : i32 to index
      %get3A_582 = arith.index_cast %add3A_525 : i32 to index
      %get3A_583 = tpu.vector_load %arg13[%get3A_581, %get3A_582] {strides = array<i32>} : memref<32x1024xf32, #tpu.memory_space<vmem>>, vector<16xf32>,
      %get3A_584 = arith.constant 13 : i32
      %get3A_585 = arith.index_cast %get3A_584 : i32 to index
      %get3A_586 = arith.index_cast %add3A_525 : i32 to index
      %get3A_587 = tpu.vector_load %arg13[%get3A_585, %get3A_586] {strides = array<i32>} : memref<32x1024xf32, #tpu.memory_space<vmem>>, vector<16xf32>,
      %max3A_588 = arith.maximumf %get3A_583, %get3A_587 : vector<16xf32>
      %get3A_589 = arith.constant 14 : i32
      %get3A_590 = arith.index_cast %get3A_589 : i32 to index
      %get3A_591 = arith.index_cast %add3A_525 : i32 to index
      %get3A_592 = tpu.vector_load %arg13[%get3A_590, %get3A_591] {strides = array<i32>} : memref<32x1024xf32, #tpu.memory_space<vmem>>, vector<16xf32>,
      %get3A_593 = arith.constant 15 : i32
      %get3A_594 = arith.index_cast %get3A_593 : i32 to index
      %get3A_595 = arith.index_cast %add3A_525 : i32 to index
      %get3A_596 = tpu.vector_load %arg13[%get3A_594, %get3A_595] {strides = array<i32>} : memref<32x1024xf32, #tpu.memory_space<vmem>>, vector<16xf32>,
      %max3A_597 = arith.maximumf %get3A_592, %get3A_596 : vector<16xf32>
      %get3A_598 = arith.constant 16 : i32
      %get3A_599 = arith.index_cast %get3A_598 : i32 to index
      %get3A_600 = arith.index_cast %add3A_525 : i32 to index
      %get3A_601 = tpu.vector_load %arg13[%get3A_599, %get3A_600] {strides = array<i32>} : memref<32x1024xf32, #tpu.memory_space<vmem>>, vector<16xf32>,
      %get3A_602 = arith.constant 17 : i32
      %get3A_603 = arith.index_cast %get3A_602 : i32 to index
      %get3A_604 = arith.index_cast %add3A_525 : i32 to index
      %get3A_605 = tpu.vector_load %arg13[%get3A_603, %get3A_604] {strides = array<i32>} : memref<32x1024xf32, #tpu.memory_space<vmem>>, vector<16xf32>,
      %max3A_606 = arith.maximumf %get3A_601, %get3A_605 : vector<16xf32>
      %get3A_607 = arith.constant 18 : i32
      %get3A_608 = arith.index_cast %get3A_607 : i32 to index
      %get3A_609 = arith.index_cast %add3A_525 : i32 to index
      %get3A_610 = tpu.vector_load %arg13[%get3A_608, %get3A_609] {strides = array<i32>} : memref<32x1024xf32, #tpu.memory_space<vmem>>, vector<16xf32>,
      %get3A_611 = arith.constant 19 : i32
      %get3A_612 = arith.index_cast %get3A_611 : i32 to index
      %get3A_613 = arith.index_cast %add3A_525 : i32 to index
      %get3A_614 = tpu.vector_load %arg13[%get3A_612, %get3A_613] {strides = array<i32>} : memref<32x1024xf32, #tpu.memory_space<vmem>>, vector<16xf32>,
      %max3A_615 = arith.maximumf %get3A_610, %get3A_614 : vector<16xf32>
      %get3A_616 = arith.constant 20 : i32
      %get3A_617 = arith.index_cast %get3A_616 : i32 to index
      %get3A_618 = arith.index_cast %add3A_525 : i32 to index
      %get3A_619 = tpu.vector_load %arg13[%get3A_617, %get3A_618] {strides = array<i32>} : memref<32x1024xf32, #tpu.memory_space<vmem>>, vector<16xf32>,
      %get3A_620 = arith.constant 21 : i32
      %get3A_621 = arith.index_cast %get3A_620 : i32 to index
      %get3A_622 = arith.index_cast %add3A_525 : i32 to index
      %get3A_623 = tpu.vector_load %arg13[%get3A_621, %get3A_622] {strides = array<i32>} : memref<32x1024xf32, #tpu.memory_space<vmem>>, vector<16xf32>,
      %max3A_624 = arith.maximumf %get3A_619, %get3A_623 : vector<16xf32>
      %get3A_625 = arith.constant 22 : i32
      %get3A_626 = arith.index_cast %get3A_625 : i32 to index
      %get3A_627 = arith.index_cast %add3A_525 : i32 to index
      %get3A_628 = tpu.vector_load %arg13[%get3A_626, %get3A_627] {strides = array<i32>} : memref<32x1024xf32, #tpu.memory_space<vmem>>, vector<16xf32>,
      %get3A_629 = arith.constant 23 : i32
      %get3A_630 = arith.index_cast %get3A_629 : i32 to index
      %get3A_631 = arith.index_cast %add3A_525 : i32 to index
      %get3A_632 = tpu.vector_load %arg13[%get3A_630, %get3A_631] {strides = array<i32>} : memref<32x1024xf32, #tpu.memory_space<vmem>>, vector<16xf32>,
      %max3A_633 = arith.maximumf %get3A_628, %get3A_632 : vector<16xf32>
      %get3A_634 = arith.constant 24 : i32
      %get3A_635 = arith.index_cast %get3A_634 : i32 to index
      %get3A_636 = arith.index_cast %add3A_525 : i32 to index
      %get3A_637 = tpu.vector_load %arg13[%get3A_635, %get3A_636] {strides = array<i32>} : memref<32x1024xf32, #tpu.memory_space<vmem>>, vector<16xf32>,
      %get3A_638 = arith.constant 25 : i32
      %get3A_639 = arith.index_cast %get3A_638 : i32 to index
      %get3A_640 = arith.index_cast %add3A_525 : i32 to index
      %get3A_641 = tpu.vector_load %arg13[%get3A_639, %get3A_640] {strides = array<i32>} : memref<32x1024xf32, #tpu.memory_space<vmem>>, vector<16xf32>,
      %max3A_642 = arith.maximumf %get3A_637, %get3A_641 : vector<16xf32>
      %get3A_643 = arith.constant 26 : i32
      %get3A_644 = arith.index_cast %get3A_643 : i32 to index
      %get3A_645 = arith.index_cast %add3A_525 : i32 to index
      %get3A_646 = tpu.vector_load %arg13[%get3A_644, %get3A_645] {strides = array<i32>} : memref<32x1024xf32, #tpu.memory_space<vmem>>, vector<16xf32>,
      %get3A_647 = arith.constant 27 : i32
      %get3A_648 = arith.index_cast %get3A_647 : i32 to index
      %get3A_649 = arith.index_cast %add3A_525 : i32 to index
      %get3A_650 = tpu.vector_load %arg13[%get3A_648, %get3A_649] {strides = array<i32>} : memref<32x1024xf32, #tpu.memory_space<vmem>>, vector<16xf32>,
      %max3A_651 = arith.maximumf %get3A_646, %get3A_650 : vector<16xf32>
      %get3A_652 = arith.constant 28 : i32
      %get3A_653 = arith.index_cast %get3A_652 : i32 to index
      %get3A_654 = arith.index_cast %add3A_525 : i32 to index
      %get3A_655 = tpu.vector_load %arg13[%get3A_653, %get3A_654] {strides = array<i32>} : memref<32x1024xf32, #tpu.memory_space<vmem>>, vector<16xf32>,
      %get3A_656 = arith.constant 29 : i32
      %get3A_657 = arith.index_cast %get3A_656 : i32 to index
      %get3A_658 = arith.index_cast %add3A_525 : i32 to index
      %get3A_659 = tpu.vector_load %arg13[%get3A_657, %get3A_658] {strides = array<i32>} : memref<32x1024xf32, #tpu.memory_space<vmem>>, vector<16xf32>,
      %max3A_660 = arith.maximumf %get3A_655, %get3A_659 : vector<16xf32>
      %get3A_661 = arith.constant 30 : i32
      %get3A_662 = arith.index_cast %get3A_661 : i32 to index
      %get3A_663 = arith.index_cast %add3A_525 : i32 to index
      %get3A_664 = tpu.vector_load %arg13[%get3A_662, %get3A_663] {strides = array<i32>} : memref<32x1024xf32, #tpu.memory_space<vmem>>, vector<16xf32>,
      %get3A_665 = arith.constant 31 : i32
      %get3A_666 = arith.index_cast %get3A_665 : i32 to index
      %get3A_667 = arith.index_cast %add3A_525 : i32 to index
      %get3A_668 = tpu.vector_load %arg13[%get3A_666, %get3A_667] {strides = array<i32>} : memref<32x1024xf32, #tpu.memory_space<vmem>>, vector<16xf32>,
      %max3A_669 = arith.maximumf %get3A_664, %get3A_668 : vector<16xf32>
      %max3A_670 = arith.maximumf %max3A_534, %max3A_543 : vector<16xf32>
      %max3A_671 = arith.maximumf %max3A_552, %max3A_561 : vector<16xf32>
      %max3A_672 = arith.maximumf %max3A_570, %max3A_579 : vector<16xf32>
      %max3A_673 = arith.maximumf %max3A_588, %max3A_597 : vector<16xf32>
      %max3A_674 = arith.maximumf %max3A_606, %max3A_615 : vector<16xf32>
      %max3A_675 = arith.maximumf %max3A_624, %max3A_633 : vector<16xf32>
      %max3A_676 = arith.maximumf %max3A_642, %max3A_651 : vector<16xf32>
      %max3A_677 = arith.maximumf %max3A_660, %max3A_669 : vector<16xf32>
      %max3A_678 = arith.maximumf %max3A_670, %max3A_671 : vector<16xf32>
      %max3A_679 = arith.maximumf %max3A_672, %max3A_673 : vector<16xf32>
      %max3A_680 = arith.maximumf %max3A_674, %max3A_675 : vector<16xf32>
      %max3A_681 = arith.maximumf %max3A_676, %max3A_677 : vector<16xf32>
      %max3A_682 = arith.maximumf %max3A_678, %max3A_679 : vector<16xf32>
      %max3A_683 = arith.maximumf %max3A_680, %max3A_681 : vector<16xf32>
      %max3A_684 = arith.maximumf %max3A_682, %max3A_683 : vector<16xf32>
      %sub3A_685 = arith.constant 1.000000e+00 : f32
      %sub3A_686 = vector.broadcast %sub3A_685 : f32 to vector<16xf32>
      %sub3A_687 = arith.subf %sub3A_686, %max3A_684 : vector<16xf32>
      %mul3A_688 = arith.constant 5.000000e-01 : f32
      %mul3A_689 = vector.broadcast %mul3A_688 : f32 to vector<16xf32>
      %mul3A_690 = arith.mulf %sub3A_687, %mul3A_689 : vector<16xf32>
      %get3A_691 = arith.index_cast %add3A_525 : i32 to index
      %get3A_692 = tpu.vector_load %arg9[%get3A_691] {strides = array<i32>} : memref<1024xf32, #tpu.memory_space<vmem>>, vector<16xf32>,
      %min3A_693 = arith.minimumf %get3A_692, %mul3A_690 : vector<16xf32>
      %swap3A_694 = arith.index_cast %add3A_525 : i32 to index
      %swap3A_695 = tpu.vector_load %arg9[%swap3A_694] {strides = array<i32>} : memref<1024xf32, #tpu.memory_space<vmem>>, vector<16xf32>,
      tpu.vector_store %arg9[%swap3A_694], %min3A_693 {strides = array<i32>} : memref<1024xf32, #tpu.memory_space<vmem>>, vector<16xf32>,
      %get3A_696 = arith.index_cast %add3A_525 : i32 to index
      %get3A_697 = tpu.vector_load %arg8[%get3A_696] {strides = array<i32>} : memref<1024xf32, #tpu.memory_space<vmem>>, vector<16xf32>,
      %mul3A_698 = arith.mulf %min3A_693, %get3A_697 : vector<16xf32>
      %add3A_699 = arith.constant 16 : i32
      %add3A_700 = arith.addi %mul3A_523, %add3A_699 : i32
      %get3A_701 = arith.constant 0 : i32
      %get3A_702 = arith.index_cast %get3A_701 : i32 to index
      %get3A_703 = arith.index_cast %add3A_700 : i32 to index
      %get3A_704 = tpu.vector_load %arg13[%get3A_702, %get3A_703] {strides = array<i32>} : memref<32x1024xf32, #tpu.memory_space<vmem>>, vector<16xf32>,
      %get3A_705 = arith.constant 1 : i32
      %get3A_706 = arith.index_cast %get3A_705 : i32 to index
      %get3A_707 = arith.index_cast %add3A_700 : i32 to index
      %get3A_708 = tpu.vector_load %arg13[%get3A_706, %get3A_707] {strides = array<i32>} : memref<32x1024xf32, #tpu.memory_space<vmem>>, vector<16xf32>,
      %max3A_709 = arith.maximumf %get3A_704, %get3A_708 : vector<16xf32>
      %get3A_710 = arith.constant 2 : i32
      %get3A_711 = arith.index_cast %get3A_710 : i32 to index
      %get3A_712 = arith.index_cast %add3A_700 : i32 to index
      %get3A_713 = tpu.vector_load %arg13[%get3A_711, %get3A_712] {strides = array<i32>} : memref<32x1024xf32, #tpu.memory_space<vmem>>, vector<16xf32>,
      %get3A_714 = arith.constant 3 : i32
      %get3A_715 = arith.index_cast %get3A_714 : i32 to index
      %get3A_716 = arith.index_cast %add3A_700 : i32 to index
      %get3A_717 = tpu.vector_load %arg13[%get3A_715, %get3A_716] {strides = array<i32>} : memref<32x1024xf32, #tpu.memory_space<vmem>>, vector<16xf32>,
      %max3A_718 = arith.maximumf %get3A_713, %get3A_717 : vector<16xf32>
      %get3A_719 = arith.constant 4 : i32
      %get3A_720 = arith.index_cast %get3A_719 : i32 to index
      %get3A_721 = arith.index_cast %add3A_700 : i32 to index
      %get3A_722 = tpu.vector_load %arg13[%get3A_720, %get3A_721] {strides = array<i32>} : memref<32x1024xf32, #tpu.memory_space<vmem>>, vector<16xf32>,
      %get3A_723 = arith.constant 5 : i32
      %get3A_724 = arith.index_cast %get3A_723 : i32 to index
      %get3A_725 = arith.index_cast %add3A_700 : i32 to index
      %get3A_726 = tpu.vector_load %arg13[%get3A_724, %get3A_725] {strides = array<i32>} : memref<32x1024xf32, #tpu.memory_space<vmem>>, vector<16xf32>,
      %max3A_727 = arith.maximumf %get3A_722, %get3A_726 : vector<16xf32>
      %get3A_728 = arith.constant 6 : i32
      %get3A_729 = arith.index_cast %get3A_728 : i32 to index
      %get3A_730 = arith.index_cast %add3A_700 : i32 to index
      %get3A_731 = tpu.vector_load %arg13[%get3A_729, %get3A_730] {strides = array<i32>} : memref<32x1024xf32, #tpu.memory_space<vmem>>, vector<16xf32>,
      %get3A_732 = arith.constant 7 : i32
      %get3A_733 = arith.index_cast %get3A_732 : i32 to index
      %get3A_734 = arith.index_cast %add3A_700 : i32 to index
      %get3A_735 = tpu.vector_load %arg13[%get3A_733, %get3A_734] {strides = array<i32>} : memref<32x1024xf32, #tpu.memory_space<vmem>>, vector<16xf32>,
      %max3A_736 = arith.maximumf %get3A_731, %get3A_735 : vector<16xf32>
      %get3A_737 = arith.constant 8 : i32
      %get3A_738 = arith.index_cast %get3A_737 : i32 to index
      %get3A_739 = arith.index_cast %add3A_700 : i32 to index
      %get3A_740 = tpu.vector_load %arg13[%get3A_738, %get3A_739] {strides = array<i32>} : memref<32x1024xf32, #tpu.memory_space<vmem>>, vector<16xf32>,
      %get3A_741 = arith.constant 9 : i32
      %get3A_742 = arith.index_cast %get3A_741 : i32 to index
      %get3A_743 = arith.index_cast %add3A_700 : i32 to index
      %get3A_744 = tpu.vector_load %arg13[%get3A_742, %get3A_743] {strides = array<i32>} : memref<32x1024xf32, #tpu.memory_space<vmem>>, vector<16xf32>,
      %max3A_745 = arith.maximumf %get3A_740, %get3A_744 : vector<16xf32>
      %get3A_746 = arith.constant 10 : i32
      %get3A_747 = arith.index_cast %get3A_746 : i32 to index
      %get3A_748 = arith.index_cast %add3A_700 : i32 to index
      %get3A_749 = tpu.vector_load %arg13[%get3A_747, %get3A_748] {strides = array<i32>} : memref<32x1024xf32, #tpu.memory_space<vmem>>, vector<16xf32>,
      %get3A_750 = arith.constant 11 : i32
      %get3A_751 = arith.index_cast %get3A_750 : i32 to index
      %get3A_752 = arith.index_cast %add3A_700 : i32 to index
      %get3A_753 = tpu.vector_load %arg13[%get3A_751, %get3A_752] {strides = array<i32>} : memref<32x1024xf32, #tpu.memory_space<vmem>>, vector<16xf32>,
      %max3A_754 = arith.maximumf %get3A_749, %get3A_753 : vector<16xf32>
      %get3A_755 = arith.constant 12 : i32
      %get3A_756 = arith.index_cast %get3A_755 : i32 to index
      %get3A_757 = arith.index_cast %add3A_700 : i32 to index
      %get3A_758 = tpu.vector_load %arg13[%get3A_756, %get3A_757] {strides = array<i32>} : memref<32x1024xf32, #tpu.memory_space<vmem>>, vector<16xf32>,
      %get3A_759 = arith.constant 13 : i32
      %get3A_760 = arith.index_cast %get3A_759 : i32 to index
      %get3A_761 = arith.index_cast %add3A_700 : i32 to index
      %get3A_762 = tpu.vector_load %arg13[%get3A_760, %get3A_761] {strides = array<i32>} : memref<32x1024xf32, #tpu.memory_space<vmem>>, vector<16xf32>,
      %max3A_763 = arith.maximumf %get3A_758, %get3A_762 : vector<16xf32>
      %get3A_764 = arith.constant 14 : i32
      %get3A_765 = arith.index_cast %get3A_764 : i32 to index
      %get3A_766 = arith.index_cast %add3A_700 : i32 to index
      %get3A_767 = tpu.vector_load %arg13[%get3A_765, %get3A_766] {strides = array<i32>} : memref<32x1024xf32, #tpu.memory_space<vmem>>, vector<16xf32>,
      %get3A_768 = arith.constant 15 : i32
      %get3A_769 = arith.index_cast %get3A_768 : i32 to index
      %get3A_770 = arith.index_cast %add3A_700 : i32 to index
      %get3A_771 = tpu.vector_load %arg13[%get3A_769, %get3A_770] {strides = array<i32>} : memref<32x1024xf32, #tpu.memory_space<vmem>>, vector<16xf32>,
      %max3A_772 = arith.maximumf %get3A_767, %get3A_771 : vector<16xf32>
      %get3A_773 = arith.constant 16 : i32
      %get3A_774 = arith.index_cast %get3A_773 : i32 to index
      %get3A_775 = arith.index_cast %add3A_700 : i32 to index
      %get3A_776 = tpu.vector_load %arg13[%get3A_774, %get3A_775] {strides = array<i32>} : memref<32x1024xf32, #tpu.memory_space<vmem>>, vector<16xf32>,
      %get3A_777 = arith.constant 17 : i32
      %get3A_778 = arith.index_cast %get3A_777 : i32 to index
      %get3A_779 = arith.index_cast %add3A_700 : i32 to index
      %get3A_780 = tpu.vector_load %arg13[%get3A_778, %get3A_779] {strides = array<i32>} : memref<32x1024xf32, #tpu.memory_space<vmem>>, vector<16xf32>,
      %max3A_781 = arith.maximumf %get3A_776, %get3A_780 : vector<16xf32>
      %get3A_782 = arith.constant 18 : i32
      %get3A_783 = arith.index_cast %get3A_782 : i32 to index
      %get3A_784 = arith.index_cast %add3A_700 : i32 to index
      %get3A_785 = tpu.vector_load %arg13[%get3A_783, %get3A_784] {strides = array<i32>} : memref<32x1024xf32, #tpu.memory_space<vmem>>, vector<16xf32>,
      %get3A_786 = arith.constant 19 : i32
      %get3A_787 = arith.index_cast %get3A_786 : i32 to index
      %get3A_788 = arith.index_cast %add3A_700 : i32 to index
      %get3A_789 = tpu.vector_load %arg13[%get3A_787, %get3A_788] {strides = array<i32>} : memref<32x1024xf32, #tpu.memory_space<vmem>>, vector<16xf32>,
      %max3A_790 = arith.maximumf %get3A_785, %get3A_789 : vector<16xf32>
      %get3A_791 = arith.constant 20 : i32
      %get3A_792 = arith.index_cast %get3A_791 : i32 to index
      %get3A_793 = arith.index_cast %add3A_700 : i32 to index
      %get3A_794 = tpu.vector_load %arg13[%get3A_792, %get3A_793] {strides = array<i32>} : memref<32x1024xf32, #tpu.memory_space<vmem>>, vector<16xf32>,
      %get3A_795 = arith.constant 21 : i32
      %get3A_796 = arith.index_cast %get3A_795 : i32 to index
      %get3A_797 = arith.index_cast %add3A_700 : i32 to index
      %get3A_798 = tpu.vector_load %arg13[%get3A_796, %get3A_797] {strides = array<i32>} : memref<32x1024xf32, #tpu.memory_space<vmem>>, vector<16xf32>,
      %max3A_799 = arith.maximumf %get3A_794, %get3A_798 : vector<16xf32>
      %get3A_800 = arith.constant 22 : i32
      %get3A_801 = arith.index_cast %get3A_800 : i32 to index
      %get3A_802 = arith.index_cast %add3A_700 : i32 to index
      %get3A_803 = tpu.vector_load %arg13[%get3A_801, %get3A_802] {strides = array<i32>} : memref<32x1024xf32, #tpu.memory_space<vmem>>, vector<16xf32>,
      %get3A_804 = arith.constant 23 : i32
      %get3A_805 = arith.index_cast %get3A_804 : i32 to index
      %get3A_806 = arith.index_cast %add3A_700 : i32 to index
      %get3A_807 = tpu.vector_load %arg13[%get3A_805, %get3A_806] {strides = array<i32>} : memref<32x1024xf32, #tpu.memory_space<vmem>>, vector<16xf32>,
      %max3A_808 = arith.maximumf %get3A_803, %get3A_807 : vector<16xf32>
      %get3A_809 = arith.constant 24 : i32
      %get3A_810 = arith.index_cast %get3A_809 : i32 to index
      %get3A_811 = arith.index_cast %add3A_700 : i32 to index
      %get3A_812 = tpu.vector_load %arg13[%get3A_810, %get3A_811] {strides = array<i32>} : memref<32x1024xf32, #tpu.memory_space<vmem>>, vector<16xf32>,
      %get3A_813 = arith.constant 25 : i32
      %get3A_814 = arith.index_cast %get3A_813 : i32 to index
      %get3A_815 = arith.index_cast %add3A_700 : i32 to index
      %get3A_816 = tpu.vector_load %arg13[%get3A_814, %get3A_815] {strides = array<i32>} : memref<32x1024xf32, #tpu.memory_space<vmem>>, vector<16xf32>,
      %max3A_817 = arith.maximumf %get3A_812, %get3A_816 : vector<16xf32>
      %get3A_818 = arith.constant 26 : i32
      %get3A_819 = arith.index_cast %get3A_818 : i32 to index
      %get3A_820 = arith.index_cast %add3A_700 : i32 to index
      %get3A_821 = tpu.vector_load %arg13[%get3A_819, %get3A_820] {strides = array<i32>} : memref<32x1024xf32, #tpu.memory_space<vmem>>, vector<16xf32>,
      %get3A_822 = arith.constant 27 : i32
      %get3A_823 = arith.index_cast %get3A_822 : i32 to index
      %get3A_824 = arith.index_cast %add3A_700 : i32 to index
      %get3A_825 = tpu.vector_load %arg13[%get3A_823, %get3A_824] {strides = array<i32>} : memref<32x1024xf32, #tpu.memory_space<vmem>>, vector<16xf32>,
      %max3A_826 = arith.maximumf %get3A_821, %get3A_825 : vector<16xf32>
      %get3A_827 = arith.constant 28 : i32
      %get3A_828 = arith.index_cast %get3A_827 : i32 to index
      %get3A_829 = arith.index_cast %add3A_700 : i32 to index
      %get3A_830 = tpu.vector_load %arg13[%get3A_828, %get3A_829] {strides = array<i32>} : memref<32x1024xf32, #tpu.memory_space<vmem>>, vector<16xf32>,
      %get3A_831 = arith.constant 29 : i32
      %get3A_832 = arith.index_cast %get3A_831 : i32 to index
      %get3A_833 = arith.index_cast %add3A_700 : i32 to index
      %get3A_834 = tpu.vector_load %arg13[%get3A_832, %get3A_833] {strides = array<i32>} : memref<32x1024xf32, #tpu.memory_space<vmem>>, vector<16xf32>,
      %max3A_835 = arith.maximumf %get3A_830, %get3A_834 : vector<16xf32>
      %get3A_836 = arith.constant 30 : i32
      %get3A_837 = arith.index_cast %get3A_836 : i32 to index
      %get3A_838 = arith.index_cast %add3A_700 : i32 to index
      %get3A_839 = tpu.vector_load %arg13[%get3A_837, %get3A_838] {strides = array<i32>} : memref<32x1024xf32, #tpu.memory_space<vmem>>, vector<16xf32>,
      %get3A_840 = arith.constant 31 : i32
      %get3A_841 = arith.index_cast %get3A_840 : i32 to index
      %get3A_842 = arith.index_cast %add3A_700 : i32 to index
      %get3A_843 = tpu.vector_load %arg13[%get3A_841, %get3A_842] {strides = array<i32>} : memref<32x1024xf32, #tpu.memory_space<vmem>>, vector<16xf32>,
      %max3A_844 = arith.maximumf %get3A_839, %get3A_843 : vector<16xf32>
      %max3A_845 = arith.maximumf %max3A_709, %max3A_718 : vector<16xf32>
      %max3A_846 = arith.maximumf %max3A_727, %max3A_736 : vector<16xf32>
      %max3A_847 = arith.maximumf %max3A_745, %max3A_754 : vector<16xf32>
      %max3A_848 = arith.maximumf %max3A_763, %max3A_772 : vector<16xf32>
      %max3A_849 = arith.maximumf %max3A_781, %max3A_790 : vector<16xf32>
      %max3A_850 = arith.maximumf %max3A_799, %max3A_808 : vector<16xf32>
      %max3A_851 = arith.maximumf %max3A_817, %max3A_826 : vector<16xf32>
      %max3A_852 = arith.maximumf %max3A_835, %max3A_844 : vector<16xf32>
      %max3A_853 = arith.maximumf %max3A_845, %max3A_846 : vector<16xf32>
      %max3A_854 = arith.maximumf %max3A_847, %max3A_848 : vector<16xf32>
      %max3A_855 = arith.maximumf %max3A_849, %max3A_850 : vector<16xf32>
      %max3A_856 = arith.maximumf %max3A_851, %max3A_852 : vector<16xf32>
      %max3A_857 = arith.maximumf %max3A_853, %max3A_854 : vector<16xf32>
      %max3A_858 = arith.maximumf %max3A_855, %max3A_856 : vector<16xf32>
      %max3A_859 = arith.maximumf %max3A_857, %max3A_858 : vector<16xf32>
      %sub3A_860 = arith.constant 1.000000e+00 : f32
      %sub3A_861 = vector.broadcast %sub3A_860 : f32 to vector<16xf32>
      %sub3A_862 = arith.subf %sub3A_861, %max3A_859 : vector<16xf32>
      %mul3A_863 = arith.constant 5.000000e-01 : f32
      %mul3A_864 = vector.broadcast %mul3A_863 : f32 to vector<16xf32>
      %mul3A_865 = arith.mulf %sub3A_862, %mul3A_864 : vector<16xf32>
      %get3A_866 = arith.index_cast %add3A_700 : i32 to index
      %get3A_867 = tpu.vector_load %arg9[%get3A_866] {strides = array<i32>} : memref<1024xf32, #tpu.memory_space<vmem>>, vector<16xf32>,
      %min3A_868 = arith.minimumf %get3A_867, %mul3A_865 : vector<16xf32>
      %swap3A_869 = arith.index_cast %add3A_700 : i32 to index
      %swap3A_870 = tpu.vector_load %arg9[%swap3A_869] {strides = array<i32>} : memref<1024xf32, #tpu.memory_space<vmem>>, vector<16xf32>,
      tpu.vector_store %arg9[%swap3A_869], %min3A_868 {strides = array<i32>} : memref<1024xf32, #tpu.memory_space<vmem>>, vector<16xf32>,
      %get3A_871 = arith.index_cast %add3A_700 : i32 to index
      %get3A_872 = tpu.vector_load %arg8[%get3A_871] {strides = array<i32>} : memref<1024xf32, #tpu.memory_space<vmem>>, vector<16xf32>,
      %mul3A_873 = arith.mulf %min3A_868, %get3A_872 : vector<16xf32>
      %reduce_max3A_874 = arith.constant true
      %reduce_max3A_875 = vector.broadcast %reduce_max3A_874 : i1 to vector<16xi1>
      %reduce_max3A_876 = tpu.scan <max>, %mul3A_698 masked %reduce_max3A_875 : vector<16xf32>, vector<16xi1> -> vector<16xf32>
      %reduce_max3A_877 = vector.extract %reduce_max3A_876[15] : f32 from vector<16xf32>
      %reduce_max3A_878 = arith.constant true
      %reduce_max3A_879 = vector.broadcast %reduce_max3A_878 : i1 to vector<16xi1>
      %reduce_max3A_880 = tpu.scan <max>, %mul3A_873 masked %reduce_max3A_879 : vector<16xf32>, vector<16xi1> -> vector<16xf32>
      %reduce_max3A_881 = vector.extract %reduce_max3A_880[15] : f32 from vector<16xf32>
      %max3A_882 = arith.maximumf %reduce_max3A_877, %reduce_max3A_881 : f32
      %eq3A_883 = vector.broadcast %max3A_882 : f32 to vector<16xf32>
      %eq3A_884 = arith.cmpf oeq, %mul3A_698, %eq3A_883 : vector<16xf32>
      %jit3A_885 = arith.constant 9999 : i32
      %broadcast_in_dim3A_886 = vector.broadcast %jit3A_885 : i32 to vector<16xi32>
      %select_n3A_887 = arith.select %eq3A_884, %iota3A, %broadcast_in_dim3A_886 : vector<16xi1>, vector<16xi32>
      %reduce_min3A = arith.constant true
      %reduce_min3A_888 = vector.broadcast %reduce_min3A : i1 to vector<16xi1>
      %reduce_min3A_889 = arith.constant -2147483648 : i32
      %reduce_min3A_890 = vector.broadcast %reduce_min3A_889 : i32 to vector<16xi32>
      %reduce_min3A_891 = arith.xori %select_n3A_887, %reduce_min3A_890 : vector<16xi32>
      %reduce_min3A_892 = tpu.scan <min>, %reduce_min3A_891 masked %reduce_min3A_888 : vector<16xi32>, vector<16xi1> -> vector<16xi32>
      %reduce_min3A_893 = arith.xori %reduce_min3A_892, %reduce_min3A_890 : vector<16xi32>
      %reduce_min3A_894 = vector.extract %reduce_min3A_893[15] : i32 from vector<16xi32>
      %eq3A_895 = vector.broadcast %max3A_882 : f32 to vector<16xf32>
      %eq3A_896 = arith.cmpf oeq, %mul3A_873, %eq3A_895 : vector<16xf32>
      %add3A_897 = arith.constant 16 : i32
      %add3A_898 = vector.broadcast %add3A_897 : i32 to vector<16xi32>
      %add3A_899 = arith.addi %iota3A, %add3A_898 : vector<16xi32>
      %jit3A_900 = arith.constant 9999 : i32
      %broadcast_in_dim3A_901 = vector.broadcast %jit3A_900 : i32 to vector<16xi32>
      %select_n3A_902 = arith.select %eq3A_896, %add3A_899, %broadcast_in_dim3A_901 : vector<16xi1>, vector<16xi32>
      %reduce_min3A_903 = arith.constant true
      %reduce_min3A_904 = vector.broadcast %reduce_min3A_903 : i1 to vector<16xi1>
      %reduce_min3A_905 = arith.constant -2147483648 : i32
      %reduce_min3A_906 = vector.broadcast %reduce_min3A_905 : i32 to vector<16xi32>
      %reduce_min3A_907 = arith.xori %select_n3A_902, %reduce_min3A_906 : vector<16xi32>
      %reduce_min3A_908 = tpu.scan <min>, %reduce_min3A_907 masked %reduce_min3A_904 : vector<16xi32>, vector<16xi1> -> vector<16xi32>
      %reduce_min3A_909 = arith.xori %reduce_min3A_908, %reduce_min3A_906 : vector<16xi32>
      %reduce_min3A_910 = vector.extract %reduce_min3A_909[15] : i32 from vector<16xi32>
      %min3A_911 = arith.minsi %reduce_min3A_894, %reduce_min3A_910 : i32
      %add3A_912 = arith.addi %mul3A_523, %min3A_911 : i32
      %ne3A_913 = arith.cmpi ne, %scan3A_518, %add3A : i32
      %eq3A_914 = vector.broadcast %scan3A_518 : i32 to vector<16xi32>
      %eq3A_915 = arith.cmpi eq, %iota3A, %eq3A_914 : vector<16xi32>
      %and3A_916 = vector.broadcast %ne3A_913 : i1 to vector<16xi1>
      %and3A_917 = arith.andi %eq3A_915, %and3A_916 : vector<16xi1>
      %broadcast_in_dim3A_918 = vector.broadcast %add3A_912 : i32 to vector<16xi32>
      %select_n3A_919 = arith.select %and3A_917, %broadcast_in_dim3A_918, %scan3A_519 : vector<16xi1>, vector<16xi32>
      %sub3A_920 = arith.constant 16 : i32
      %sub3A_921 = arith.subi %scan3A_518, %sub3A_920 : i32
      %eq3A_922 = vector.broadcast %sub3A_921 : i32 to vector<16xi32>
      %eq3A_923 = arith.cmpi eq, %iota3A, %eq3A_922 : vector<16xi32>
      %and3A_924 = vector.broadcast %ne3A_913 : i1 to vector<16xi1>
      %and3A_925 = arith.andi %eq3A_923, %and3A_924 : vector<16xi1>
      %broadcast_in_dim3A_926 = vector.broadcast %add3A_912 : i32 to vector<16xi32>
      %select_n3A_927 = arith.select %and3A_925, %broadcast_in_dim3A_926, %scan3A_520 : vector<16xi1>, vector<16xi32>
      %lt3A_928 = arith.constant 0 : i32
      %lt3A_929 = arith.cmpi slt, %scan3A_521, %lt3A_928 : i32
      %and3A_930 = arith.andi %ne3A_913, %lt3A_929 : i1
      %select_n3A_931 = arith.select %and3A_930, %add3A_912, %scan3A_521 : i32
      scf.yield %select_n3A_919, %select_n3A_927, %select_n3A_931 : vector<16xi32>, vector<16xi32>, i32
    }
    %scan3A_123 = arith.constant 16 : i32
    %eq3A_124 = vector.broadcast %add3A : i32 to vector<16xi32>
    %eq3A_125 = arith.cmpi eq, %iota3A, %eq3A_124 : vector<16xi32>
    %broadcast_in_dim3A_126 = vector.broadcast %scan3A_122#2 : i32 to vector<16xi32>
    %select_n3A_127 = arith.select %eq3A_125, %broadcast_in_dim3A_126, %scan3A_122#0 : vector<16xi1>, vector<16xi32>
    %swap3A_128 = arith.constant 0 : index
    %swap3A_129 = tpu.vector_load %arg10[%swap3A_128] {strides = array<i32>} : memref<32xi32, #tpu.memory_space<vmem>>, vector<16xi32>,
    tpu.vector_store %arg10[%swap3A_128], %select_n3A_127 {strides = array<i32>} : memref<32xi32, #tpu.memory_space<vmem>>, vector<16xi32>,
    %dma_start3A_130 = arith.constant 0 : i32
    %dma_start3A_131 = arith.constant 0 : i32
    %dma_start3A_132 = tpu.memref_slice %arg12[%dma_start3A_130, %dma_start3A_131] : memref<32x1024xf32, #tpu.memory_space<vmem>> -> memref<16x1024xf32, #tpu.memory_space<vmem>>
    %dma_start3A_133 = arith.constant 0 : i32
    %dma_start3A_134 = tpu.memref_slice %arg10[%dma_start3A_133] : memref<32xi32, #tpu.memory_space<vmem>> -> memref<16xi32, #tpu.memory_space<vmem>>
    %dma_start3A_135 = arith.constant 0 : i32
    %dma_start3A_136 = arith.constant 0 : i32
    %dma_start3A_137 = tpu.memref_slice %arg2[%dma_start3A_135, %dma_start3A_136] : memref<1024x1024xf32, #tpu.memory_space<hbm>> -> memref<1024x1024xf32, #tpu.memory_space<hbm>>
    tpu.enqueue_indirect_dma source(%dma_start3A_137 : memref<1024x1024xf32, #tpu.memory_space<hbm>>) target(%dma_start3A_132 : memref<16x1024xf32, #tpu.memory_space<vmem>>) offsets(%dma_start3A_134 : memref<16xi32, #tpu.memory_space<vmem>>) semaphore(%arg15 : memref<!tpu.dma_semaphore, #tpu.memory_space<semaphore_mem>>)
    %scan3A_138 = arith.constant 16 : i32
    %scan3A_139 = arith.constant 16 : i32
    %scan3A_140 = arith.addi %scan3A_138, %scan3A_139 : i32
    %scan3A_141 = arith.constant 1 : i32
    %scan3A_142:3 = scf.for %scan3A_518 = %scan3A_138 to %scan3A_140 step %scan3A_141 iter_args(%scan3A_519 = %select_n3A_127, %scan3A_520 = %scan3A_122#1, %scan3A_521 = %scan3A_122#2) -> (vector<16xi32>, vector<16xi32>, i32)  : i32 {
      %mul3A_522 = arith.constant 32 : i32
      %mul3A_523 = arith.muli %scan3A_518, %mul3A_522 : i32
      %add3A_524 = arith.constant 0 : i32
      %add3A_525 = arith.addi %mul3A_523, %add3A_524 : i32
      %get3A_526 = arith.constant 0 : i32
      %get3A_527 = arith.index_cast %get3A_526 : i32 to index
      %get3A_528 = arith.index_cast %add3A_525 : i32 to index
      %get3A_529 = tpu.vector_load %arg13[%get3A_527, %get3A_528] {strides = array<i32>} : memref<32x1024xf32, #tpu.memory_space<vmem>>, vector<16xf32>,
      %get3A_530 = arith.constant 1 : i32
      %get3A_531 = arith.index_cast %get3A_530 : i32 to index
      %get3A_532 = arith.index_cast %add3A_525 : i32 to index
      %get3A_533 = tpu.vector_load %arg13[%get3A_531, %get3A_532] {strides = array<i32>} : memref<32x1024xf32, #tpu.memory_space<vmem>>, vector<16xf32>,
      %max3A_534 = arith.maximumf %get3A_529, %get3A_533 : vector<16xf32>
      %get3A_535 = arith.constant 2 : i32
      %get3A_536 = arith.index_cast %get3A_535 : i32 to index
      %get3A_537 = arith.index_cast %add3A_525 : i32 to index
      %get3A_538 = tpu.vector_load %arg13[%get3A_536, %get3A_537] {strides = array<i32>} : memref<32x1024xf32, #tpu.memory_space<vmem>>, vector<16xf32>,
      %get3A_539 = arith.constant 3 : i32
      %get3A_540 = arith.index_cast %get3A_539 : i32 to index
      %get3A_541 = arith.index_cast %add3A_525 : i32 to index
      %get3A_542 = tpu.vector_load %arg13[%get3A_540, %get3A_541] {strides = array<i32>} : memref<32x1024xf32, #tpu.memory_space<vmem>>, vector<16xf32>,
      %max3A_543 = arith.maximumf %get3A_538, %get3A_542 : vector<16xf32>
      %get3A_544 = arith.constant 4 : i32
      %get3A_545 = arith.index_cast %get3A_544 : i32 to index
      %get3A_546 = arith.index_cast %add3A_525 : i32 to index
      %get3A_547 = tpu.vector_load %arg13[%get3A_545, %get3A_546] {strides = array<i32>} : memref<32x1024xf32, #tpu.memory_space<vmem>>, vector<16xf32>,
      %get3A_548 = arith.constant 5 : i32
      %get3A_549 = arith.index_cast %get3A_548 : i32 to index
      %get3A_550 = arith.index_cast %add3A_525 : i32 to index
      %get3A_551 = tpu.vector_load %arg13[%get3A_549, %get3A_550] {strides = array<i32>} : memref<32x1024xf32, #tpu.memory_space<vmem>>, vector<16xf32>,
      %max3A_552 = arith.maximumf %get3A_547, %get3A_551 : vector<16xf32>
      %get3A_553 = arith.constant 6 : i32
      %get3A_554 = arith.index_cast %get3A_553 : i32 to index
      %get3A_555 = arith.index_cast %add3A_525 : i32 to index
      %get3A_556 = tpu.vector_load %arg13[%get3A_554, %get3A_555] {strides = array<i32>} : memref<32x1024xf32, #tpu.memory_space<vmem>>, vector<16xf32>,
      %get3A_557 = arith.constant 7 : i32
      %get3A_558 = arith.index_cast %get3A_557 : i32 to index
      %get3A_559 = arith.index_cast %add3A_525 : i32 to index
      %get3A_560 = tpu.vector_load %arg13[%get3A_558, %get3A_559] {strides = array<i32>} : memref<32x1024xf32, #tpu.memory_space<vmem>>, vector<16xf32>,
      %max3A_561 = arith.maximumf %get3A_556, %get3A_560 : vector<16xf32>
      %get3A_562 = arith.constant 8 : i32
      %get3A_563 = arith.index_cast %get3A_562 : i32 to index
      %get3A_564 = arith.index_cast %add3A_525 : i32 to index
      %get3A_565 = tpu.vector_load %arg13[%get3A_563, %get3A_564] {strides = array<i32>} : memref<32x1024xf32, #tpu.memory_space<vmem>>, vector<16xf32>,
      %get3A_566 = arith.constant 9 : i32
      %get3A_567 = arith.index_cast %get3A_566 : i32 to index
      %get3A_568 = arith.index_cast %add3A_525 : i32 to index
      %get3A_569 = tpu.vector_load %arg13[%get3A_567, %get3A_568] {strides = array<i32>} : memref<32x1024xf32, #tpu.memory_space<vmem>>, vector<16xf32>,
      %max3A_570 = arith.maximumf %get3A_565, %get3A_569 : vector<16xf32>
      %get3A_571 = arith.constant 10 : i32
      %get3A_572 = arith.index_cast %get3A_571 : i32 to index
      %get3A_573 = arith.index_cast %add3A_525 : i32 to index
      %get3A_574 = tpu.vector_load %arg13[%get3A_572, %get3A_573] {strides = array<i32>} : memref<32x1024xf32, #tpu.memory_space<vmem>>, vector<16xf32>,
      %get3A_575 = arith.constant 11 : i32
      %get3A_576 = arith.index_cast %get3A_575 : i32 to index
      %get3A_577 = arith.index_cast %add3A_525 : i32 to index
      %get3A_578 = tpu.vector_load %arg13[%get3A_576, %get3A_577] {strides = array<i32>} : memref<32x1024xf32, #tpu.memory_space<vmem>>, vector<16xf32>,
      %max3A_579 = arith.maximumf %get3A_574, %get3A_578 : vector<16xf32>
      %get3A_580 = arith.constant 12 : i32
      %get3A_581 = arith.index_cast %get3A_580 : i32 to index
      %get3A_582 = arith.index_cast %add3A_525 : i32 to index
      %get3A_583 = tpu.vector_load %arg13[%get3A_581, %get3A_582] {strides = array<i32>} : memref<32x1024xf32, #tpu.memory_space<vmem>>, vector<16xf32>,
      %get3A_584 = arith.constant 13 : i32
      %get3A_585 = arith.index_cast %get3A_584 : i32 to index
      %get3A_586 = arith.index_cast %add3A_525 : i32 to index
      %get3A_587 = tpu.vector_load %arg13[%get3A_585, %get3A_586] {strides = array<i32>} : memref<32x1024xf32, #tpu.memory_space<vmem>>, vector<16xf32>,
      %max3A_588 = arith.maximumf %get3A_583, %get3A_587 : vector<16xf32>
      %get3A_589 = arith.constant 14 : i32
      %get3A_590 = arith.index_cast %get3A_589 : i32 to index
      %get3A_591 = arith.index_cast %add3A_525 : i32 to index
      %get3A_592 = tpu.vector_load %arg13[%get3A_590, %get3A_591] {strides = array<i32>} : memref<32x1024xf32, #tpu.memory_space<vmem>>, vector<16xf32>,
      %get3A_593 = arith.constant 15 : i32
      %get3A_594 = arith.index_cast %get3A_593 : i32 to index
      %get3A_595 = arith.index_cast %add3A_525 : i32 to index
      %get3A_596 = tpu.vector_load %arg13[%get3A_594, %get3A_595] {strides = array<i32>} : memref<32x1024xf32, #tpu.memory_space<vmem>>, vector<16xf32>,
      %max3A_597 = arith.maximumf %get3A_592, %get3A_596 : vector<16xf32>
      %get3A_598 = arith.constant 16 : i32
      %get3A_599 = arith.index_cast %get3A_598 : i32 to index
      %get3A_600 = arith.index_cast %add3A_525 : i32 to index
      %get3A_601 = tpu.vector_load %arg13[%get3A_599, %get3A_600] {strides = array<i32>} : memref<32x1024xf32, #tpu.memory_space<vmem>>, vector<16xf32>,
      %get3A_602 = arith.constant 17 : i32
      %get3A_603 = arith.index_cast %get3A_602 : i32 to index
      %get3A_604 = arith.index_cast %add3A_525 : i32 to index
      %get3A_605 = tpu.vector_load %arg13[%get3A_603, %get3A_604] {strides = array<i32>} : memref<32x1024xf32, #tpu.memory_space<vmem>>, vector<16xf32>,
      %max3A_606 = arith.maximumf %get3A_601, %get3A_605 : vector<16xf32>
      %get3A_607 = arith.constant 18 : i32
      %get3A_608 = arith.index_cast %get3A_607 : i32 to index
      %get3A_609 = arith.index_cast %add3A_525 : i32 to index
      %get3A_610 = tpu.vector_load %arg13[%get3A_608, %get3A_609] {strides = array<i32>} : memref<32x1024xf32, #tpu.memory_space<vmem>>, vector<16xf32>,
      %get3A_611 = arith.constant 19 : i32
      %get3A_612 = arith.index_cast %get3A_611 : i32 to index
      %get3A_613 = arith.index_cast %add3A_525 : i32 to index
      %get3A_614 = tpu.vector_load %arg13[%get3A_612, %get3A_613] {strides = array<i32>} : memref<32x1024xf32, #tpu.memory_space<vmem>>, vector<16xf32>,
      %max3A_615 = arith.maximumf %get3A_610, %get3A_614 : vector<16xf32>
      %get3A_616 = arith.constant 20 : i32
      %get3A_617 = arith.index_cast %get3A_616 : i32 to index
      %get3A_618 = arith.index_cast %add3A_525 : i32 to index
      %get3A_619 = tpu.vector_load %arg13[%get3A_617, %get3A_618] {strides = array<i32>} : memref<32x1024xf32, #tpu.memory_space<vmem>>, vector<16xf32>,
      %get3A_620 = arith.constant 21 : i32
      %get3A_621 = arith.index_cast %get3A_620 : i32 to index
      %get3A_622 = arith.index_cast %add3A_525 : i32 to index
      %get3A_623 = tpu.vector_load %arg13[%get3A_621, %get3A_622] {strides = array<i32>} : memref<32x1024xf32, #tpu.memory_space<vmem>>, vector<16xf32>,
      %max3A_624 = arith.maximumf %get3A_619, %get3A_623 : vector<16xf32>
      %get3A_625 = arith.constant 22 : i32
      %get3A_626 = arith.index_cast %get3A_625 : i32 to index
      %get3A_627 = arith.index_cast %add3A_525 : i32 to index
      %get3A_628 = tpu.vector_load %arg13[%get3A_626, %get3A_627] {strides = array<i32>} : memref<32x1024xf32, #tpu.memory_space<vmem>>, vector<16xf32>,
      %get3A_629 = arith.constant 23 : i32
      %get3A_630 = arith.index_cast %get3A_629 : i32 to index
      %get3A_631 = arith.index_cast %add3A_525 : i32 to index
      %get3A_632 = tpu.vector_load %arg13[%get3A_630, %get3A_631] {strides = array<i32>} : memref<32x1024xf32, #tpu.memory_space<vmem>>, vector<16xf32>,
      %max3A_633 = arith.maximumf %get3A_628, %get3A_632 : vector<16xf32>
      %get3A_634 = arith.constant 24 : i32
      %get3A_635 = arith.index_cast %get3A_634 : i32 to index
      %get3A_636 = arith.index_cast %add3A_525 : i32 to index
      %get3A_637 = tpu.vector_load %arg13[%get3A_635, %get3A_636] {strides = array<i32>} : memref<32x1024xf32, #tpu.memory_space<vmem>>, vector<16xf32>,
      %get3A_638 = arith.constant 25 : i32
      %get3A_639 = arith.index_cast %get3A_638 : i32 to index
      %get3A_640 = arith.index_cast %add3A_525 : i32 to index
      %get3A_641 = tpu.vector_load %arg13[%get3A_639, %get3A_640] {strides = array<i32>} : memref<32x1024xf32, #tpu.memory_space<vmem>>, vector<16xf32>,
      %max3A_642 = arith.maximumf %get3A_637, %get3A_641 : vector<16xf32>
      %get3A_643 = arith.constant 26 : i32
      %get3A_644 = arith.index_cast %get3A_643 : i32 to index
      %get3A_645 = arith.index_cast %add3A_525 : i32 to index
      %get3A_646 = tpu.vector_load %arg13[%get3A_644, %get3A_645] {strides = array<i32>} : memref<32x1024xf32, #tpu.memory_space<vmem>>, vector<16xf32>,
      %get3A_647 = arith.constant 27 : i32
      %get3A_648 = arith.index_cast %get3A_647 : i32 to index
      %get3A_649 = arith.index_cast %add3A_525 : i32 to index
      %get3A_650 = tpu.vector_load %arg13[%get3A_648, %get3A_649] {strides = array<i32>} : memref<32x1024xf32, #tpu.memory_space<vmem>>, vector<16xf32>,
      %max3A_651 = arith.maximumf %get3A_646, %get3A_650 : vector<16xf32>
      %get3A_652 = arith.constant 28 : i32
      %get3A_653 = arith.index_cast %get3A_652 : i32 to index
      %get3A_654 = arith.index_cast %add3A_525 : i32 to index
      %get3A_655 = tpu.vector_load %arg13[%get3A_653, %get3A_654] {strides = array<i32>} : memref<32x1024xf32, #tpu.memory_space<vmem>>, vector<16xf32>,
      %get3A_656 = arith.constant 29 : i32
      %get3A_657 = arith.index_cast %get3A_656 : i32 to index
      %get3A_658 = arith.index_cast %add3A_525 : i32 to index
      %get3A_659 = tpu.vector_load %arg13[%get3A_657, %get3A_658] {strides = array<i32>} : memref<32x1024xf32, #tpu.memory_space<vmem>>, vector<16xf32>,
      %max3A_660 = arith.maximumf %get3A_655, %get3A_659 : vector<16xf32>
      %get3A_661 = arith.constant 30 : i32
      %get3A_662 = arith.index_cast %get3A_661 : i32 to index
      %get3A_663 = arith.index_cast %add3A_525 : i32 to index
      %get3A_664 = tpu.vector_load %arg13[%get3A_662, %get3A_663] {strides = array<i32>} : memref<32x1024xf32, #tpu.memory_space<vmem>>, vector<16xf32>,
      %get3A_665 = arith.constant 31 : i32
      %get3A_666 = arith.index_cast %get3A_665 : i32 to index
      %get3A_667 = arith.index_cast %add3A_525 : i32 to index
      %get3A_668 = tpu.vector_load %arg13[%get3A_666, %get3A_667] {strides = array<i32>} : memref<32x1024xf32, #tpu.memory_space<vmem>>, vector<16xf32>,
      %max3A_669 = arith.maximumf %get3A_664, %get3A_668 : vector<16xf32>
      %max3A_670 = arith.maximumf %max3A_534, %max3A_543 : vector<16xf32>
      %max3A_671 = arith.maximumf %max3A_552, %max3A_561 : vector<16xf32>
      %max3A_672 = arith.maximumf %max3A_570, %max3A_579 : vector<16xf32>
      %max3A_673 = arith.maximumf %max3A_588, %max3A_597 : vector<16xf32>
      %max3A_674 = arith.maximumf %max3A_606, %max3A_615 : vector<16xf32>
      %max3A_675 = arith.maximumf %max3A_624, %max3A_633 : vector<16xf32>
      %max3A_676 = arith.maximumf %max3A_642, %max3A_651 : vector<16xf32>
      %max3A_677 = arith.maximumf %max3A_660, %max3A_669 : vector<16xf32>
      %max3A_678 = arith.maximumf %max3A_670, %max3A_671 : vector<16xf32>
      %max3A_679 = arith.maximumf %max3A_672, %max3A_673 : vector<16xf32>
      %max3A_680 = arith.maximumf %max3A_674, %max3A_675 : vector<16xf32>
      %max3A_681 = arith.maximumf %max3A_676, %max3A_677 : vector<16xf32>
      %max3A_682 = arith.maximumf %max3A_678, %max3A_679 : vector<16xf32>
      %max3A_683 = arith.maximumf %max3A_680, %max3A_681 : vector<16xf32>
      %max3A_684 = arith.maximumf %max3A_682, %max3A_683 : vector<16xf32>
      %sub3A_685 = arith.constant 1.000000e+00 : f32
      %sub3A_686 = vector.broadcast %sub3A_685 : f32 to vector<16xf32>
      %sub3A_687 = arith.subf %sub3A_686, %max3A_684 : vector<16xf32>
      %mul3A_688 = arith.constant 5.000000e-01 : f32
      %mul3A_689 = vector.broadcast %mul3A_688 : f32 to vector<16xf32>
      %mul3A_690 = arith.mulf %sub3A_687, %mul3A_689 : vector<16xf32>
      %get3A_691 = arith.index_cast %add3A_525 : i32 to index
      %get3A_692 = tpu.vector_load %arg9[%get3A_691] {strides = array<i32>} : memref<1024xf32, #tpu.memory_space<vmem>>, vector<16xf32>,
      %min3A_693 = arith.minimumf %get3A_692, %mul3A_690 : vector<16xf32>
      %swap3A_694 = arith.index_cast %add3A_525 : i32 to index
      %swap3A_695 = tpu.vector_load %arg9[%swap3A_694] {strides = array<i32>} : memref<1024xf32, #tpu.memory_space<vmem>>, vector<16xf32>,
      tpu.vector_store %arg9[%swap3A_694], %min3A_693 {strides = array<i32>} : memref<1024xf32, #tpu.memory_space<vmem>>, vector<16xf32>,
      %get3A_696 = arith.index_cast %add3A_525 : i32 to index
      %get3A_697 = tpu.vector_load %arg8[%get3A_696] {strides = array<i32>} : memref<1024xf32, #tpu.memory_space<vmem>>, vector<16xf32>,
      %mul3A_698 = arith.mulf %min3A_693, %get3A_697 : vector<16xf32>
      %add3A_699 = arith.constant 16 : i32
      %add3A_700 = arith.addi %mul3A_523, %add3A_699 : i32
      %get3A_701 = arith.constant 0 : i32
      %get3A_702 = arith.index_cast %get3A_701 : i32 to index
      %get3A_703 = arith.index_cast %add3A_700 : i32 to index
      %get3A_704 = tpu.vector_load %arg13[%get3A_702, %get3A_703] {strides = array<i32>} : memref<32x1024xf32, #tpu.memory_space<vmem>>, vector<16xf32>,
      %get3A_705 = arith.constant 1 : i32
      %get3A_706 = arith.index_cast %get3A_705 : i32 to index
      %get3A_707 = arith.index_cast %add3A_700 : i32 to index
      %get3A_708 = tpu.vector_load %arg13[%get3A_706, %get3A_707] {strides = array<i32>} : memref<32x1024xf32, #tpu.memory_space<vmem>>, vector<16xf32>,
      %max3A_709 = arith.maximumf %get3A_704, %get3A_708 : vector<16xf32>
      %get3A_710 = arith.constant 2 : i32
      %get3A_711 = arith.index_cast %get3A_710 : i32 to index
      %get3A_712 = arith.index_cast %add3A_700 : i32 to index
      %get3A_713 = tpu.vector_load %arg13[%get3A_711, %get3A_712] {strides = array<i32>} : memref<32x1024xf32, #tpu.memory_space<vmem>>, vector<16xf32>,
      %get3A_714 = arith.constant 3 : i32
      %get3A_715 = arith.index_cast %get3A_714 : i32 to index
      %get3A_716 = arith.index_cast %add3A_700 : i32 to index
      %get3A_717 = tpu.vector_load %arg13[%get3A_715, %get3A_716] {strides = array<i32>} : memref<32x1024xf32, #tpu.memory_space<vmem>>, vector<16xf32>,
      %max3A_718 = arith.maximumf %get3A_713, %get3A_717 : vector<16xf32>
      %get3A_719 = arith.constant 4 : i32
      %get3A_720 = arith.index_cast %get3A_719 : i32 to index
      %get3A_721 = arith.index_cast %add3A_700 : i32 to index
      %get3A_722 = tpu.vector_load %arg13[%get3A_720, %get3A_721] {strides = array<i32>} : memref<32x1024xf32, #tpu.memory_space<vmem>>, vector<16xf32>,
      %get3A_723 = arith.constant 5 : i32
      %get3A_724 = arith.index_cast %get3A_723 : i32 to index
      %get3A_725 = arith.index_cast %add3A_700 : i32 to index
      %get3A_726 = tpu.vector_load %arg13[%get3A_724, %get3A_725] {strides = array<i32>} : memref<32x1024xf32, #tpu.memory_space<vmem>>, vector<16xf32>,
      %max3A_727 = arith.maximumf %get3A_722, %get3A_726 : vector<16xf32>
      %get3A_728 = arith.constant 6 : i32
      %get3A_729 = arith.index_cast %get3A_728 : i32 to index
      %get3A_730 = arith.index_cast %add3A_700 : i32 to index
      %get3A_731 = tpu.vector_load %arg13[%get3A_729, %get3A_730] {strides = array<i32>} : memref<32x1024xf32, #tpu.memory_space<vmem>>, vector<16xf32>,
      %get3A_732 = arith.constant 7 : i32
      %get3A_733 = arith.index_cast %get3A_732 : i32 to index
      %get3A_734 = arith.index_cast %add3A_700 : i32 to index
      %get3A_735 = tpu.vector_load %arg13[%get3A_733, %get3A_734] {strides = array<i32>} : memref<32x1024xf32, #tpu.memory_space<vmem>>, vector<16xf32>,
      %max3A_736 = arith.maximumf %get3A_731, %get3A_735 : vector<16xf32>
      %get3A_737 = arith.constant 8 : i32
      %get3A_738 = arith.index_cast %get3A_737 : i32 to index
      %get3A_739 = arith.index_cast %add3A_700 : i32 to index
      %get3A_740 = tpu.vector_load %arg13[%get3A_738, %get3A_739] {strides = array<i32>} : memref<32x1024xf32, #tpu.memory_space<vmem>>, vector<16xf32>,
      %get3A_741 = arith.constant 9 : i32
      %get3A_742 = arith.index_cast %get3A_741 : i32 to index
      %get3A_743 = arith.index_cast %add3A_700 : i32 to index
      %get3A_744 = tpu.vector_load %arg13[%get3A_742, %get3A_743] {strides = array<i32>} : memref<32x1024xf32, #tpu.memory_space<vmem>>, vector<16xf32>,
      %max3A_745 = arith.maximumf %get3A_740, %get3A_744 : vector<16xf32>
      %get3A_746 = arith.constant 10 : i32
      %get3A_747 = arith.index_cast %get3A_746 : i32 to index
      %get3A_748 = arith.index_cast %add3A_700 : i32 to index
      %get3A_749 = tpu.vector_load %arg13[%get3A_747, %get3A_748] {strides = array<i32>} : memref<32x1024xf32, #tpu.memory_space<vmem>>, vector<16xf32>,
      %get3A_750 = arith.constant 11 : i32
      %get3A_751 = arith.index_cast %get3A_750 : i32 to index
      %get3A_752 = arith.index_cast %add3A_700 : i32 to index
      %get3A_753 = tpu.vector_load %arg13[%get3A_751, %get3A_752] {strides = array<i32>} : memref<32x1024xf32, #tpu.memory_space<vmem>>, vector<16xf32>,
      %max3A_754 = arith.maximumf %get3A_749, %get3A_753 : vector<16xf32>
      %get3A_755 = arith.constant 12 : i32
      %get3A_756 = arith.index_cast %get3A_755 : i32 to index
      %get3A_757 = arith.index_cast %add3A_700 : i32 to index
      %get3A_758 = tpu.vector_load %arg13[%get3A_756, %get3A_757] {strides = array<i32>} : memref<32x1024xf32, #tpu.memory_space<vmem>>, vector<16xf32>,
      %get3A_759 = arith.constant 13 : i32
      %get3A_760 = arith.index_cast %get3A_759 : i32 to index
      %get3A_761 = arith.index_cast %add3A_700 : i32 to index
      %get3A_762 = tpu.vector_load %arg13[%get3A_760, %get3A_761] {strides = array<i32>} : memref<32x1024xf32, #tpu.memory_space<vmem>>, vector<16xf32>,
      %max3A_763 = arith.maximumf %get3A_758, %get3A_762 : vector<16xf32>
      %get3A_764 = arith.constant 14 : i32
      %get3A_765 = arith.index_cast %get3A_764 : i32 to index
      %get3A_766 = arith.index_cast %add3A_700 : i32 to index
      %get3A_767 = tpu.vector_load %arg13[%get3A_765, %get3A_766] {strides = array<i32>} : memref<32x1024xf32, #tpu.memory_space<vmem>>, vector<16xf32>,
      %get3A_768 = arith.constant 15 : i32
      %get3A_769 = arith.index_cast %get3A_768 : i32 to index
      %get3A_770 = arith.index_cast %add3A_700 : i32 to index
      %get3A_771 = tpu.vector_load %arg13[%get3A_769, %get3A_770] {strides = array<i32>} : memref<32x1024xf32, #tpu.memory_space<vmem>>, vector<16xf32>,
      %max3A_772 = arith.maximumf %get3A_767, %get3A_771 : vector<16xf32>
      %get3A_773 = arith.constant 16 : i32
      %get3A_774 = arith.index_cast %get3A_773 : i32 to index
      %get3A_775 = arith.index_cast %add3A_700 : i32 to index
      %get3A_776 = tpu.vector_load %arg13[%get3A_774, %get3A_775] {strides = array<i32>} : memref<32x1024xf32, #tpu.memory_space<vmem>>, vector<16xf32>,
      %get3A_777 = arith.constant 17 : i32
      %get3A_778 = arith.index_cast %get3A_777 : i32 to index
      %get3A_779 = arith.index_cast %add3A_700 : i32 to index
      %get3A_780 = tpu.vector_load %arg13[%get3A_778, %get3A_779] {strides = array<i32>} : memref<32x1024xf32, #tpu.memory_space<vmem>>, vector<16xf32>,
      %max3A_781 = arith.maximumf %get3A_776, %get3A_780 : vector<16xf32>
      %get3A_782 = arith.constant 18 : i32
      %get3A_783 = arith.index_cast %get3A_782 : i32 to index
      %get3A_784 = arith.index_cast %add3A_700 : i32 to index
      %get3A_785 = tpu.vector_load %arg13[%get3A_783, %get3A_784] {strides = array<i32>} : memref<32x1024xf32, #tpu.memory_space<vmem>>, vector<16xf32>,
      %get3A_786 = arith.constant 19 : i32
      %get3A_787 = arith.index_cast %get3A_786 : i32 to index
      %get3A_788 = arith.index_cast %add3A_700 : i32 to index
      %get3A_789 = tpu.vector_load %arg13[%get3A_787, %get3A_788] {strides = array<i32>} : memref<32x1024xf32, #tpu.memory_space<vmem>>, vector<16xf32>,
      %max3A_790 = arith.maximumf %get3A_785, %get3A_789 : vector<16xf32>
      %get3A_791 = arith.constant 20 : i32
      %get3A_792 = arith.index_cast %get3A_791 : i32 to index
      %get3A_793 = arith.index_cast %add3A_700 : i32 to index
      %get3A_794 = tpu.vector_load %arg13[%get3A_792, %get3A_793] {strides = array<i32>} : memref<32x1024xf32, #tpu.memory_space<vmem>>, vector<16xf32>,
      %get3A_795 = arith.constant 21 : i32
      %get3A_796 = arith.index_cast %get3A_795 : i32 to index
      %get3A_797 = arith.index_cast %add3A_700 : i32 to index
      %get3A_798 = tpu.vector_load %arg13[%get3A_796, %get3A_797] {strides = array<i32>} : memref<32x1024xf32, #tpu.memory_space<vmem>>, vector<16xf32>,
      %max3A_799 = arith.maximumf %get3A_794, %get3A_798 : vector<16xf32>
      %get3A_800 = arith.constant 22 : i32
      %get3A_801 = arith.index_cast %get3A_800 : i32 to index
      %get3A_802 = arith.index_cast %add3A_700 : i32 to index
      %get3A_803 = tpu.vector_load %arg13[%get3A_801, %get3A_802] {strides = array<i32>} : memref<32x1024xf32, #tpu.memory_space<vmem>>, vector<16xf32>,
      %get3A_804 = arith.constant 23 : i32
      %get3A_805 = arith.index_cast %get3A_804 : i32 to index
      %get3A_806 = arith.index_cast %add3A_700 : i32 to index
      %get3A_807 = tpu.vector_load %arg13[%get3A_805, %get3A_806] {strides = array<i32>} : memref<32x1024xf32, #tpu.memory_space<vmem>>, vector<16xf32>,
      %max3A_808 = arith.maximumf %get3A_803, %get3A_807 : vector<16xf32>
      %get3A_809 = arith.constant 24 : i32
      %get3A_810 = arith.index_cast %get3A_809 : i32 to index
      %get3A_811 = arith.index_cast %add3A_700 : i32 to index
      %get3A_812 = tpu.vector_load %arg13[%get3A_810, %get3A_811] {strides = array<i32>} : memref<32x1024xf32, #tpu.memory_space<vmem>>, vector<16xf32>,
      %get3A_813 = arith.constant 25 : i32
      %get3A_814 = arith.index_cast %get3A_813 : i32 to index
      %get3A_815 = arith.index_cast %add3A_700 : i32 to index
      %get3A_816 = tpu.vector_load %arg13[%get3A_814, %get3A_815] {strides = array<i32>} : memref<32x1024xf32, #tpu.memory_space<vmem>>, vector<16xf32>,
      %max3A_817 = arith.maximumf %get3A_812, %get3A_816 : vector<16xf32>
      %get3A_818 = arith.constant 26 : i32
      %get3A_819 = arith.index_cast %get3A_818 : i32 to index
      %get3A_820 = arith.index_cast %add3A_700 : i32 to index
      %get3A_821 = tpu.vector_load %arg13[%get3A_819, %get3A_820] {strides = array<i32>} : memref<32x1024xf32, #tpu.memory_space<vmem>>, vector<16xf32>,
      %get3A_822 = arith.constant 27 : i32
      %get3A_823 = arith.index_cast %get3A_822 : i32 to index
      %get3A_824 = arith.index_cast %add3A_700 : i32 to index
      %get3A_825 = tpu.vector_load %arg13[%get3A_823, %get3A_824] {strides = array<i32>} : memref<32x1024xf32, #tpu.memory_space<vmem>>, vector<16xf32>,
      %max3A_826 = arith.maximumf %get3A_821, %get3A_825 : vector<16xf32>
      %get3A_827 = arith.constant 28 : i32
      %get3A_828 = arith.index_cast %get3A_827 : i32 to index
      %get3A_829 = arith.index_cast %add3A_700 : i32 to index
      %get3A_830 = tpu.vector_load %arg13[%get3A_828, %get3A_829] {strides = array<i32>} : memref<32x1024xf32, #tpu.memory_space<vmem>>, vector<16xf32>,
      %get3A_831 = arith.constant 29 : i32
      %get3A_832 = arith.index_cast %get3A_831 : i32 to index
      %get3A_833 = arith.index_cast %add3A_700 : i32 to index
      %get3A_834 = tpu.vector_load %arg13[%get3A_832, %get3A_833] {strides = array<i32>} : memref<32x1024xf32, #tpu.memory_space<vmem>>, vector<16xf32>,
      %max3A_835 = arith.maximumf %get3A_830, %get3A_834 : vector<16xf32>
      %get3A_836 = arith.constant 30 : i32
      %get3A_837 = arith.index_cast %get3A_836 : i32 to index
      %get3A_838 = arith.index_cast %add3A_700 : i32 to index
      %get3A_839 = tpu.vector_load %arg13[%get3A_837, %get3A_838] {strides = array<i32>} : memref<32x1024xf32, #tpu.memory_space<vmem>>, vector<16xf32>,
      %get3A_840 = arith.constant 31 : i32
      %get3A_841 = arith.index_cast %get3A_840 : i32 to index
      %get3A_842 = arith.index_cast %add3A_700 : i32 to index
      %get3A_843 = tpu.vector_load %arg13[%get3A_841, %get3A_842] {strides = array<i32>} : memref<32x1024xf32, #tpu.memory_space<vmem>>, vector<16xf32>,
      %max3A_844 = arith.maximumf %get3A_839, %get3A_843 : vector<16xf32>
      %max3A_845 = arith.maximumf %max3A_709, %max3A_718 : vector<16xf32>
      %max3A_846 = arith.maximumf %max3A_727, %max3A_736 : vector<16xf32>
      %max3A_847 = arith.maximumf %max3A_745, %max3A_754 : vector<16xf32>
      %max3A_848 = arith.maximumf %max3A_763, %max3A_772 : vector<16xf32>
      %max3A_849 = arith.maximumf %max3A_781, %max3A_790 : vector<16xf32>
      %max3A_850 = arith.maximumf %max3A_799, %max3A_808 : vector<16xf32>
      %max3A_851 = arith.maximumf %max3A_817, %max3A_826 : vector<16xf32>
      %max3A_852 = arith.maximumf %max3A_835, %max3A_844 : vector<16xf32>
      %max3A_853 = arith.maximumf %max3A_845, %max3A_846 : vector<16xf32>
      %max3A_854 = arith.maximumf %max3A_847, %max3A_848 : vector<16xf32>
      %max3A_855 = arith.maximumf %max3A_849, %max3A_850 : vector<16xf32>
      %max3A_856 = arith.maximumf %max3A_851, %max3A_852 : vector<16xf32>
      %max3A_857 = arith.maximumf %max3A_853, %max3A_854 : vector<16xf32>
      %max3A_858 = arith.maximumf %max3A_855, %max3A_856 : vector<16xf32>
      %max3A_859 = arith.maximumf %max3A_857, %max3A_858 : vector<16xf32>
      %sub3A_860 = arith.constant 1.000000e+00 : f32
      %sub3A_861 = vector.broadcast %sub3A_860 : f32 to vector<16xf32>
      %sub3A_862 = arith.subf %sub3A_861, %max3A_859 : vector<16xf32>
      %mul3A_863 = arith.constant 5.000000e-01 : f32
      %mul3A_864 = vector.broadcast %mul3A_863 : f32 to vector<16xf32>
      %mul3A_865 = arith.mulf %sub3A_862, %mul3A_864 : vector<16xf32>
      %get3A_866 = arith.index_cast %add3A_700 : i32 to index
      %get3A_867 = tpu.vector_load %arg9[%get3A_866] {strides = array<i32>} : memref<1024xf32, #tpu.memory_space<vmem>>, vector<16xf32>,
      %min3A_868 = arith.minimumf %get3A_867, %mul3A_865 : vector<16xf32>
      %swap3A_869 = arith.index_cast %add3A_700 : i32 to index
      %swap3A_870 = tpu.vector_load %arg9[%swap3A_869] {strides = array<i32>} : memref<1024xf32, #tpu.memory_space<vmem>>, vector<16xf32>,
      tpu.vector_store %arg9[%swap3A_869], %min3A_868 {strides = array<i32>} : memref<1024xf32, #tpu.memory_space<vmem>>, vector<16xf32>,
      %get3A_871 = arith.index_cast %add3A_700 : i32 to index
      %get3A_872 = tpu.vector_load %arg8[%get3A_871] {strides = array<i32>} : memref<1024xf32, #tpu.memory_space<vmem>>, vector<16xf32>,
      %mul3A_873 = arith.mulf %min3A_868, %get3A_872 : vector<16xf32>
      %reduce_max3A_874 = arith.constant true
      %reduce_max3A_875 = vector.broadcast %reduce_max3A_874 : i1 to vector<16xi1>
      %reduce_max3A_876 = tpu.scan <max>, %mul3A_698 masked %reduce_max3A_875 : vector<16xf32>, vector<16xi1> -> vector<16xf32>
      %reduce_max3A_877 = vector.extract %reduce_max3A_876[15] : f32 from vector<16xf32>
      %reduce_max3A_878 = arith.constant true
      %reduce_max3A_879 = vector.broadcast %reduce_max3A_878 : i1 to vector<16xi1>
      %reduce_max3A_880 = tpu.scan <max>, %mul3A_873 masked %reduce_max3A_879 : vector<16xf32>, vector<16xi1> -> vector<16xf32>
      %reduce_max3A_881 = vector.extract %reduce_max3A_880[15] : f32 from vector<16xf32>
      %max3A_882 = arith.maximumf %reduce_max3A_877, %reduce_max3A_881 : f32
      %eq3A_883 = vector.broadcast %max3A_882 : f32 to vector<16xf32>
      %eq3A_884 = arith.cmpf oeq, %mul3A_698, %eq3A_883 : vector<16xf32>
      %jit3A_885 = arith.constant 9999 : i32
      %broadcast_in_dim3A_886 = vector.broadcast %jit3A_885 : i32 to vector<16xi32>
      %select_n3A_887 = arith.select %eq3A_884, %iota3A, %broadcast_in_dim3A_886 : vector<16xi1>, vector<16xi32>
      %reduce_min3A = arith.constant true
      %reduce_min3A_888 = vector.broadcast %reduce_min3A : i1 to vector<16xi1>
      %reduce_min3A_889 = arith.constant -2147483648 : i32
      %reduce_min3A_890 = vector.broadcast %reduce_min3A_889 : i32 to vector<16xi32>
      %reduce_min3A_891 = arith.xori %select_n3A_887, %reduce_min3A_890 : vector<16xi32>
      %reduce_min3A_892 = tpu.scan <min>, %reduce_min3A_891 masked %reduce_min3A_888 : vector<16xi32>, vector<16xi1> -> vector<16xi32>
      %reduce_min3A_893 = arith.xori %reduce_min3A_892, %reduce_min3A_890 : vector<16xi32>
      %reduce_min3A_894 = vector.extract %reduce_min3A_893[15] : i32 from vector<16xi32>
      %eq3A_895 = vector.broadcast %max3A_882 : f32 to vector<16xf32>
      %eq3A_896 = arith.cmpf oeq, %mul3A_873, %eq3A_895 : vector<16xf32>
      %add3A_897 = arith.constant 16 : i32
      %add3A_898 = vector.broadcast %add3A_897 : i32 to vector<16xi32>
      %add3A_899 = arith.addi %iota3A, %add3A_898 : vector<16xi32>
      %jit3A_900 = arith.constant 9999 : i32
      %broadcast_in_dim3A_901 = vector.broadcast %jit3A_900 : i32 to vector<16xi32>
      %select_n3A_902 = arith.select %eq3A_896, %add3A_899, %broadcast_in_dim3A_901 : vector<16xi1>, vector<16xi32>
      %reduce_min3A_903 = arith.constant true
      %reduce_min3A_904 = vector.broadcast %reduce_min3A_903 : i1 to vector<16xi1>
      %reduce_min3A_905 = arith.constant -2147483648 : i32
      %reduce_min3A_906 = vector.broadcast %reduce_min3A_905 : i32 to vector<16xi32>
      %reduce_min3A_907 = arith.xori %select_n3A_902, %reduce_min3A_906 : vector<16xi32>
      %reduce_min3A_908 = tpu.scan <min>, %reduce_min3A_907 masked %reduce_min3A_904 : vector<16xi32>, vector<16xi1> -> vector<16xi32>
      %reduce_min3A_909 = arith.xori %reduce_min3A_908, %reduce_min3A_906 : vector<16xi32>
      %reduce_min3A_910 = vector.extract %reduce_min3A_909[15] : i32 from vector<16xi32>
      %min3A_911 = arith.minsi %reduce_min3A_894, %reduce_min3A_910 : i32
      %add3A_912 = arith.addi %mul3A_523, %min3A_911 : i32
      %ne3A_913 = arith.cmpi ne, %scan3A_518, %add3A : i32
      %eq3A_914 = vector.broadcast %scan3A_518 : i32 to vector<16xi32>
      %eq3A_915 = arith.cmpi eq, %iota3A, %eq3A_914 : vector<16xi32>
      %and3A_916 = vector.broadcast %ne3A_913 : i1 to vector<16xi1>
      %and3A_917 = arith.andi %eq3A_915, %and3A_916 : vector<16xi1>
      %broadcast_in_dim3A_918 = vector.broadcast %add3A_912 : i32 to vector<16xi32>
      %select_n3A_919 = arith.select %and3A_917, %broadcast_in_dim3A_918, %scan3A_519 : vector<16xi1>, vector<16xi32>
      %sub3A_920 = arith.constant 16 : i32
      %sub3A_921 = arith.subi %scan3A_518, %sub3A_920 : i32
      %eq3A_922 = vector.broadcast %sub3A_921 : i32 to vector<16xi32>
      %eq3A_923 = arith.cmpi eq, %iota3A, %eq3A_922 : vector<16xi32>
      %and3A_924 = vector.broadcast %ne3A_913 : i1 to vector<16xi1>
      %and3A_925 = arith.andi %eq3A_923, %and3A_924 : vector<16xi1>
      %broadcast_in_dim3A_926 = vector.broadcast %add3A_912 : i32 to vector<16xi32>
      %select_n3A_927 = arith.select %and3A_925, %broadcast_in_dim3A_926, %scan3A_520 : vector<16xi1>, vector<16xi32>
      %lt3A_928 = arith.constant 0 : i32
      %lt3A_929 = arith.cmpi slt, %scan3A_521, %lt3A_928 : i32
      %and3A_930 = arith.andi %ne3A_913, %lt3A_929 : i1
      %select_n3A_931 = arith.select %and3A_930, %add3A_912, %scan3A_521 : i32
      scf.yield %select_n3A_919, %select_n3A_927, %select_n3A_931 : vector<16xi32>, vector<16xi32>, i32
    }
    %scan3A_143 = arith.constant 16 : i32
    %eq3A_144 = vector.broadcast %add3A : i32 to vector<16xi32>
    %eq3A_145 = arith.cmpi eq, %iota3A, %eq3A_144 : vector<16xi32>
    %broadcast_in_dim3A_146 = vector.broadcast %scan3A_142#2 : i32 to vector<16xi32>
    %select_n3A_147 = arith.select %eq3A_145, %broadcast_in_dim3A_146, %scan3A_142#0 : vector<16xi1>, vector<16xi32>
    %sub3A_148 = arith.constant 16 : i32
    %sub3A_149 = arith.subi %add3A, %sub3A_148 : i32
    %eq3A_150 = vector.broadcast %sub3A_149 : i32 to vector<16xi32>
    %eq3A_151 = arith.cmpi eq, %iota3A, %eq3A_150 : vector<16xi32>
    %broadcast_in_dim3A_152 = vector.broadcast %scan3A_142#2 : i32 to vector<16xi32>
    %select_n3A_153 = arith.select %eq3A_151, %broadcast_in_dim3A_152, %scan3A_142#1 : vector<16xi1>, vector<16xi32>
    %swap3A_154 = arith.constant 0 : index
    %swap3A_155 = tpu.vector_load %arg10[%swap3A_154] {strides = array<i32>} : memref<32xi32, #tpu.memory_space<vmem>>, vector<16xi32>,
    tpu.vector_store %arg10[%swap3A_154], %select_n3A_147 {strides = array<i32>} : memref<32xi32, #tpu.memory_space<vmem>>, vector<16xi32>,
    %swap3A_156 = arith.constant 16 : index
    %swap3A_157 = tpu.vector_load %arg10[%swap3A_156] {strides = array<i32>} : memref<32xi32, #tpu.memory_space<vmem>>, vector<16xi32>,
    tpu.vector_store %arg10[%swap3A_156], %select_n3A_153 {strides = array<i32>} : memref<32xi32, #tpu.memory_space<vmem>>, vector<16xi32>,
    %swap3A_158 = arith.constant 2 : i32
    %swap3A_159 = arith.index_cast %swap3A_158 : i32 to index
    %swap3A_160 = arith.constant 0 : index
    %swap3A_161 = tpu.vector_load %arg11[%swap3A_159, %swap3A_160] {strides = array<i32>} : memref<4x32xi32, #tpu.memory_space<vmem>>, vector<16xi32>,
    tpu.vector_store %arg11[%swap3A_159, %swap3A_160], %select_n3A_147 {strides = array<i32>} : memref<4x32xi32, #tpu.memory_space<vmem>>, vector<16xi32>,
    %swap3A_162 = arith.constant 2 : i32
    %swap3A_163 = arith.index_cast %swap3A_162 : i32 to index
    %swap3A_164 = arith.constant 16 : index
    %swap3A_165 = tpu.vector_load %arg11[%swap3A_163, %swap3A_164] {strides = array<i32>} : memref<4x32xi32, #tpu.memory_space<vmem>>, vector<16xi32>,
    tpu.vector_store %arg11[%swap3A_163, %swap3A_164], %select_n3A_153 {strides = array<i32>} : memref<4x32xi32, #tpu.memory_space<vmem>>, vector<16xi32>,
    %dma_start3A_166 = arith.constant 16 : i32
    %dma_start3A_167 = arith.constant 0 : i32
    %dma_start3A_168 = tpu.memref_slice %arg12[%dma_start3A_166, %dma_start3A_167] : memref<32x1024xf32, #tpu.memory_space<vmem>> -> memref<16x1024xf32, #tpu.memory_space<vmem>>
    %dma_start3A_169 = arith.constant 16 : i32
    %dma_start3A_170 = tpu.memref_slice %arg10[%dma_start3A_169] : memref<32xi32, #tpu.memory_space<vmem>> -> memref<16xi32, #tpu.memory_space<vmem>>
    %dma_start3A_171 = arith.constant 0 : i32
    %dma_start3A_172 = arith.constant 0 : i32
    %dma_start3A_173 = tpu.memref_slice %arg2[%dma_start3A_171, %dma_start3A_172] : memref<1024x1024xf32, #tpu.memory_space<hbm>> -> memref<1024x1024xf32, #tpu.memory_space<hbm>>
    tpu.enqueue_indirect_dma source(%dma_start3A_173 : memref<1024x1024xf32, #tpu.memory_space<hbm>>) target(%dma_start3A_168 : memref<16x1024xf32, #tpu.memory_space<vmem>>) offsets(%dma_start3A_170 : memref<16xi32, #tpu.memory_space<vmem>>) semaphore(%arg15 : memref<!tpu.dma_semaphore, #tpu.memory_space<semaphore_mem>>)
    %dma_wait3A_174 = arith.constant 0 : i32
    %dma_wait3A_175 = arith.constant 0 : i32
    %dma_wait3A_176 = tpu.memref_slice %arg12[%dma_wait3A_174, %dma_wait3A_175] : memref<32x1024xf32, #tpu.memory_space<vmem>> -> memref<16x1024xf32, #tpu.memory_space<vmem>>
    %dma_wait3A_177 = arith.constant 0 : i32
    %dma_wait3A_178 = tpu.memref_slice %arg10[%dma_wait3A_177] : memref<32xi32, #tpu.memory_space<vmem>> -> memref<16xi32, #tpu.memory_space<vmem>>
    %dma_wait3A_179 = arith.constant 0 : i32
    %dma_wait3A_180 = arith.constant 0 : i32
    %dma_wait3A_181 = tpu.memref_slice %arg2[%dma_wait3A_179, %dma_wait3A_180] : memref<1024x1024xf32, #tpu.memory_space<hbm>> -> memref<1024x1024xf32, #tpu.memory_space<hbm>>
    tpu.wait_indirect_dma semaphore(%arg15 : memref<!tpu.dma_semaphore, #tpu.memory_space<semaphore_mem>>) src(%dma_wait3A_181 : memref<1024x1024xf32, #tpu.memory_space<hbm>>) dst(%dma_wait3A_176 : memref<16x1024xf32, #tpu.memory_space<vmem>>)
    %dma_wait3A_182 = arith.constant 16 : i32
    %dma_wait3A_183 = arith.constant 0 : i32
    %dma_wait3A_184 = tpu.memref_slice %arg12[%dma_wait3A_182, %dma_wait3A_183] : memref<32x1024xf32, #tpu.memory_space<vmem>> -> memref<16x1024xf32, #tpu.memory_space<vmem>>
    %dma_wait3A_185 = arith.constant 16 : i32
    %dma_wait3A_186 = tpu.memref_slice %arg10[%dma_wait3A_185] : memref<32xi32, #tpu.memory_space<vmem>> -> memref<16xi32, #tpu.memory_space<vmem>>
    %dma_wait3A_187 = arith.constant 0 : i32
    %dma_wait3A_188 = arith.constant 0 : i32
    %dma_wait3A_189 = tpu.memref_slice %arg2[%dma_wait3A_187, %dma_wait3A_188] : memref<1024x1024xf32, #tpu.memory_space<hbm>> -> memref<1024x1024xf32, #tpu.memory_space<hbm>>
    tpu.wait_indirect_dma semaphore(%arg15 : memref<!tpu.dma_semaphore, #tpu.memory_space<semaphore_mem>>) src(%dma_wait3A_189 : memref<1024x1024xf32, #tpu.memory_space<hbm>>) dst(%dma_wait3A_184 : memref<16x1024xf32, #tpu.memory_space<vmem>>)
    %broadcast_in_dim3A_190 = arith.constant 0 : i32
    %broadcast_in_dim3A_191 = vector.broadcast %broadcast_in_dim3A_190 : i32 to vector<16xi32>
    %scan3A_192 = arith.constant -1 : i32
    %scan3A_193 = arith.constant 0 : i32
    %scan3A_194 = arith.constant 32 : i32
    %scan3A_195 = arith.addi %scan3A_193, %scan3A_194 : i32
    %scan3A_196 = arith.constant 1 : i32
    %scan3A_197:3 = scf.for %scan3A_518 = %scan3A_193 to %scan3A_195 step %scan3A_196 iter_args(%scan3A_519 = %broadcast_in_dim3A_191, %scan3A_520 = %broadcast_in_dim3A_191, %scan3A_521 = %scan3A_192) -> (vector<16xi32>, vector<16xi32>, i32)  : i32 {
      %mul3A_522 = arith.constant 32 : i32
      %mul3A_523 = arith.muli %scan3A_518, %mul3A_522 : i32
      %add3A_524 = arith.constant 0 : i32
      %add3A_525 = arith.addi %mul3A_523, %add3A_524 : i32
      %get3A_526 = arith.constant 0 : i32
      %get3A_527 = arith.index_cast %get3A_526 : i32 to index
      %get3A_528 = arith.index_cast %add3A_525 : i32 to index
      %get3A_529 = tpu.vector_load %arg12[%get3A_527, %get3A_528] {strides = array<i32>} : memref<32x1024xf32, #tpu.memory_space<vmem>>, vector<16xf32>,
      %get3A_530 = arith.constant 1 : i32
      %get3A_531 = arith.index_cast %get3A_530 : i32 to index
      %get3A_532 = arith.index_cast %add3A_525 : i32 to index
      %get3A_533 = tpu.vector_load %arg12[%get3A_531, %get3A_532] {strides = array<i32>} : memref<32x1024xf32, #tpu.memory_space<vmem>>, vector<16xf32>,
      %max3A_534 = arith.maximumf %get3A_529, %get3A_533 : vector<16xf32>
      %get3A_535 = arith.constant 2 : i32
      %get3A_536 = arith.index_cast %get3A_535 : i32 to index
      %get3A_537 = arith.index_cast %add3A_525 : i32 to index
      %get3A_538 = tpu.vector_load %arg12[%get3A_536, %get3A_537] {strides = array<i32>} : memref<32x1024xf32, #tpu.memory_space<vmem>>, vector<16xf32>,
      %get3A_539 = arith.constant 3 : i32
      %get3A_540 = arith.index_cast %get3A_539 : i32 to index
      %get3A_541 = arith.index_cast %add3A_525 : i32 to index
      %get3A_542 = tpu.vector_load %arg12[%get3A_540, %get3A_541] {strides = array<i32>} : memref<32x1024xf32, #tpu.memory_space<vmem>>, vector<16xf32>,
      %max3A_543 = arith.maximumf %get3A_538, %get3A_542 : vector<16xf32>
      %get3A_544 = arith.constant 4 : i32
      %get3A_545 = arith.index_cast %get3A_544 : i32 to index
      %get3A_546 = arith.index_cast %add3A_525 : i32 to index
      %get3A_547 = tpu.vector_load %arg12[%get3A_545, %get3A_546] {strides = array<i32>} : memref<32x1024xf32, #tpu.memory_space<vmem>>, vector<16xf32>,
      %get3A_548 = arith.constant 5 : i32
      %get3A_549 = arith.index_cast %get3A_548 : i32 to index
      %get3A_550 = arith.index_cast %add3A_525 : i32 to index
      %get3A_551 = tpu.vector_load %arg12[%get3A_549, %get3A_550] {strides = array<i32>} : memref<32x1024xf32, #tpu.memory_space<vmem>>, vector<16xf32>,
      %max3A_552 = arith.maximumf %get3A_547, %get3A_551 : vector<16xf32>
      %get3A_553 = arith.constant 6 : i32
      %get3A_554 = arith.index_cast %get3A_553 : i32 to index
      %get3A_555 = arith.index_cast %add3A_525 : i32 to index
      %get3A_556 = tpu.vector_load %arg12[%get3A_554, %get3A_555] {strides = array<i32>} : memref<32x1024xf32, #tpu.memory_space<vmem>>, vector<16xf32>,
      %get3A_557 = arith.constant 7 : i32
      %get3A_558 = arith.index_cast %get3A_557 : i32 to index
      %get3A_559 = arith.index_cast %add3A_525 : i32 to index
      %get3A_560 = tpu.vector_load %arg12[%get3A_558, %get3A_559] {strides = array<i32>} : memref<32x1024xf32, #tpu.memory_space<vmem>>, vector<16xf32>,
      %max3A_561 = arith.maximumf %get3A_556, %get3A_560 : vector<16xf32>
      %get3A_562 = arith.constant 8 : i32
      %get3A_563 = arith.index_cast %get3A_562 : i32 to index
      %get3A_564 = arith.index_cast %add3A_525 : i32 to index
      %get3A_565 = tpu.vector_load %arg12[%get3A_563, %get3A_564] {strides = array<i32>} : memref<32x1024xf32, #tpu.memory_space<vmem>>, vector<16xf32>,
      %get3A_566 = arith.constant 9 : i32
      %get3A_567 = arith.index_cast %get3A_566 : i32 to index
      %get3A_568 = arith.index_cast %add3A_525 : i32 to index
      %get3A_569 = tpu.vector_load %arg12[%get3A_567, %get3A_568] {strides = array<i32>} : memref<32x1024xf32, #tpu.memory_space<vmem>>, vector<16xf32>,
      %max3A_570 = arith.maximumf %get3A_565, %get3A_569 : vector<16xf32>
      %get3A_571 = arith.constant 10 : i32
      %get3A_572 = arith.index_cast %get3A_571 : i32 to index
      %get3A_573 = arith.index_cast %add3A_525 : i32 to index
      %get3A_574 = tpu.vector_load %arg12[%get3A_572, %get3A_573] {strides = array<i32>} : memref<32x1024xf32, #tpu.memory_space<vmem>>, vector<16xf32>,
      %get3A_575 = arith.constant 11 : i32
      %get3A_576 = arith.index_cast %get3A_575 : i32 to index
      %get3A_577 = arith.index_cast %add3A_525 : i32 to index
      %get3A_578 = tpu.vector_load %arg12[%get3A_576, %get3A_577] {strides = array<i32>} : memref<32x1024xf32, #tpu.memory_space<vmem>>, vector<16xf32>,
      %max3A_579 = arith.maximumf %get3A_574, %get3A_578 : vector<16xf32>
      %get3A_580 = arith.constant 12 : i32
      %get3A_581 = arith.index_cast %get3A_580 : i32 to index
      %get3A_582 = arith.index_cast %add3A_525 : i32 to index
      %get3A_583 = tpu.vector_load %arg12[%get3A_581, %get3A_582] {strides = array<i32>} : memref<32x1024xf32, #tpu.memory_space<vmem>>, vector<16xf32>,
      %get3A_584 = arith.constant 13 : i32
      %get3A_585 = arith.index_cast %get3A_584 : i32 to index
      %get3A_586 = arith.index_cast %add3A_525 : i32 to index
      %get3A_587 = tpu.vector_load %arg12[%get3A_585, %get3A_586] {strides = array<i32>} : memref<32x1024xf32, #tpu.memory_space<vmem>>, vector<16xf32>,
      %max3A_588 = arith.maximumf %get3A_583, %get3A_587 : vector<16xf32>
      %get3A_589 = arith.constant 14 : i32
      %get3A_590 = arith.index_cast %get3A_589 : i32 to index
      %get3A_591 = arith.index_cast %add3A_525 : i32 to index
      %get3A_592 = tpu.vector_load %arg12[%get3A_590, %get3A_591] {strides = array<i32>} : memref<32x1024xf32, #tpu.memory_space<vmem>>, vector<16xf32>,
      %get3A_593 = arith.constant 15 : i32
      %get3A_594 = arith.index_cast %get3A_593 : i32 to index
      %get3A_595 = arith.index_cast %add3A_525 : i32 to index
      %get3A_596 = tpu.vector_load %arg12[%get3A_594, %get3A_595] {strides = array<i32>} : memref<32x1024xf32, #tpu.memory_space<vmem>>, vector<16xf32>,
      %max3A_597 = arith.maximumf %get3A_592, %get3A_596 : vector<16xf32>
      %get3A_598 = arith.constant 16 : i32
      %get3A_599 = arith.index_cast %get3A_598 : i32 to index
      %get3A_600 = arith.index_cast %add3A_525 : i32 to index
      %get3A_601 = tpu.vector_load %arg12[%get3A_599, %get3A_600] {strides = array<i32>} : memref<32x1024xf32, #tpu.memory_space<vmem>>, vector<16xf32>,
      %get3A_602 = arith.constant 17 : i32
      %get3A_603 = arith.index_cast %get3A_602 : i32 to index
      %get3A_604 = arith.index_cast %add3A_525 : i32 to index
      %get3A_605 = tpu.vector_load %arg12[%get3A_603, %get3A_604] {strides = array<i32>} : memref<32x1024xf32, #tpu.memory_space<vmem>>, vector<16xf32>,
      %max3A_606 = arith.maximumf %get3A_601, %get3A_605 : vector<16xf32>
      %get3A_607 = arith.constant 18 : i32
      %get3A_608 = arith.index_cast %get3A_607 : i32 to index
      %get3A_609 = arith.index_cast %add3A_525 : i32 to index
      %get3A_610 = tpu.vector_load %arg12[%get3A_608, %get3A_609] {strides = array<i32>} : memref<32x1024xf32, #tpu.memory_space<vmem>>, vector<16xf32>,
      %get3A_611 = arith.constant 19 : i32
      %get3A_612 = arith.index_cast %get3A_611 : i32 to index
      %get3A_613 = arith.index_cast %add3A_525 : i32 to index
      %get3A_614 = tpu.vector_load %arg12[%get3A_612, %get3A_613] {strides = array<i32>} : memref<32x1024xf32, #tpu.memory_space<vmem>>, vector<16xf32>,
      %max3A_615 = arith.maximumf %get3A_610, %get3A_614 : vector<16xf32>
      %get3A_616 = arith.constant 20 : i32
      %get3A_617 = arith.index_cast %get3A_616 : i32 to index
      %get3A_618 = arith.index_cast %add3A_525 : i32 to index
      %get3A_619 = tpu.vector_load %arg12[%get3A_617, %get3A_618] {strides = array<i32>} : memref<32x1024xf32, #tpu.memory_space<vmem>>, vector<16xf32>,
      %get3A_620 = arith.constant 21 : i32
      %get3A_621 = arith.index_cast %get3A_620 : i32 to index
      %get3A_622 = arith.index_cast %add3A_525 : i32 to index
      %get3A_623 = tpu.vector_load %arg12[%get3A_621, %get3A_622] {strides = array<i32>} : memref<32x1024xf32, #tpu.memory_space<vmem>>, vector<16xf32>,
      %max3A_624 = arith.maximumf %get3A_619, %get3A_623 : vector<16xf32>
      %get3A_625 = arith.constant 22 : i32
      %get3A_626 = arith.index_cast %get3A_625 : i32 to index
      %get3A_627 = arith.index_cast %add3A_525 : i32 to index
      %get3A_628 = tpu.vector_load %arg12[%get3A_626, %get3A_627] {strides = array<i32>} : memref<32x1024xf32, #tpu.memory_space<vmem>>, vector<16xf32>,
      %get3A_629 = arith.constant 23 : i32
      %get3A_630 = arith.index_cast %get3A_629 : i32 to index
      %get3A_631 = arith.index_cast %add3A_525 : i32 to index
      %get3A_632 = tpu.vector_load %arg12[%get3A_630, %get3A_631] {strides = array<i32>} : memref<32x1024xf32, #tpu.memory_space<vmem>>, vector<16xf32>,
      %max3A_633 = arith.maximumf %get3A_628, %get3A_632 : vector<16xf32>
      %get3A_634 = arith.constant 24 : i32
      %get3A_635 = arith.index_cast %get3A_634 : i32 to index
      %get3A_636 = arith.index_cast %add3A_525 : i32 to index
      %get3A_637 = tpu.vector_load %arg12[%get3A_635, %get3A_636] {strides = array<i32>} : memref<32x1024xf32, #tpu.memory_space<vmem>>, vector<16xf32>,
      %get3A_638 = arith.constant 25 : i32
      %get3A_639 = arith.index_cast %get3A_638 : i32 to index
      %get3A_640 = arith.index_cast %add3A_525 : i32 to index
      %get3A_641 = tpu.vector_load %arg12[%get3A_639, %get3A_640] {strides = array<i32>} : memref<32x1024xf32, #tpu.memory_space<vmem>>, vector<16xf32>,
      %max3A_642 = arith.maximumf %get3A_637, %get3A_641 : vector<16xf32>
      %get3A_643 = arith.constant 26 : i32
      %get3A_644 = arith.index_cast %get3A_643 : i32 to index
      %get3A_645 = arith.index_cast %add3A_525 : i32 to index
      %get3A_646 = tpu.vector_load %arg12[%get3A_644, %get3A_645] {strides = array<i32>} : memref<32x1024xf32, #tpu.memory_space<vmem>>, vector<16xf32>,
      %get3A_647 = arith.constant 27 : i32
      %get3A_648 = arith.index_cast %get3A_647 : i32 to index
      %get3A_649 = arith.index_cast %add3A_525 : i32 to index
      %get3A_650 = tpu.vector_load %arg12[%get3A_648, %get3A_649] {strides = array<i32>} : memref<32x1024xf32, #tpu.memory_space<vmem>>, vector<16xf32>,
      %max3A_651 = arith.maximumf %get3A_646, %get3A_650 : vector<16xf32>
      %get3A_652 = arith.constant 28 : i32
      %get3A_653 = arith.index_cast %get3A_652 : i32 to index
      %get3A_654 = arith.index_cast %add3A_525 : i32 to index
      %get3A_655 = tpu.vector_load %arg12[%get3A_653, %get3A_654] {strides = array<i32>} : memref<32x1024xf32, #tpu.memory_space<vmem>>, vector<16xf32>,
      %get3A_656 = arith.constant 29 : i32
      %get3A_657 = arith.index_cast %get3A_656 : i32 to index
      %get3A_658 = arith.index_cast %add3A_525 : i32 to index
      %get3A_659 = tpu.vector_load %arg12[%get3A_657, %get3A_658] {strides = array<i32>} : memref<32x1024xf32, #tpu.memory_space<vmem>>, vector<16xf32>,
      %max3A_660 = arith.maximumf %get3A_655, %get3A_659 : vector<16xf32>
      %get3A_661 = arith.constant 30 : i32
      %get3A_662 = arith.index_cast %get3A_661 : i32 to index
      %get3A_663 = arith.index_cast %add3A_525 : i32 to index
      %get3A_664 = tpu.vector_load %arg12[%get3A_662, %get3A_663] {strides = array<i32>} : memref<32x1024xf32, #tpu.memory_space<vmem>>, vector<16xf32>,
      %get3A_665 = arith.constant 31 : i32
      %get3A_666 = arith.index_cast %get3A_665 : i32 to index
      %get3A_667 = arith.index_cast %add3A_525 : i32 to index
      %get3A_668 = tpu.vector_load %arg12[%get3A_666, %get3A_667] {strides = array<i32>} : memref<32x1024xf32, #tpu.memory_space<vmem>>, vector<16xf32>,
      %max3A_669 = arith.maximumf %get3A_664, %get3A_668 : vector<16xf32>
      %max3A_670 = arith.maximumf %max3A_534, %max3A_543 : vector<16xf32>
      %max3A_671 = arith.maximumf %max3A_552, %max3A_561 : vector<16xf32>
      %max3A_672 = arith.maximumf %max3A_570, %max3A_579 : vector<16xf32>
      %max3A_673 = arith.maximumf %max3A_588, %max3A_597 : vector<16xf32>
      %max3A_674 = arith.maximumf %max3A_606, %max3A_615 : vector<16xf32>
      %max3A_675 = arith.maximumf %max3A_624, %max3A_633 : vector<16xf32>
      %max3A_676 = arith.maximumf %max3A_642, %max3A_651 : vector<16xf32>
      %max3A_677 = arith.maximumf %max3A_660, %max3A_669 : vector<16xf32>
      %max3A_678 = arith.maximumf %max3A_670, %max3A_671 : vector<16xf32>
      %max3A_679 = arith.maximumf %max3A_672, %max3A_673 : vector<16xf32>
      %max3A_680 = arith.maximumf %max3A_674, %max3A_675 : vector<16xf32>
      %max3A_681 = arith.maximumf %max3A_676, %max3A_677 : vector<16xf32>
      %max3A_682 = arith.maximumf %max3A_678, %max3A_679 : vector<16xf32>
      %max3A_683 = arith.maximumf %max3A_680, %max3A_681 : vector<16xf32>
      %max3A_684 = arith.maximumf %max3A_682, %max3A_683 : vector<16xf32>
      %sub3A_685 = arith.constant 1.000000e+00 : f32
      %sub3A_686 = vector.broadcast %sub3A_685 : f32 to vector<16xf32>
      %sub3A_687 = arith.subf %sub3A_686, %max3A_684 : vector<16xf32>
      %mul3A_688 = arith.constant 5.000000e-01 : f32
      %mul3A_689 = vector.broadcast %mul3A_688 : f32 to vector<16xf32>
      %mul3A_690 = arith.mulf %sub3A_687, %mul3A_689 : vector<16xf32>
      %get3A_691 = arith.index_cast %add3A_525 : i32 to index
      %get3A_692 = tpu.vector_load %arg9[%get3A_691] {strides = array<i32>} : memref<1024xf32, #tpu.memory_space<vmem>>, vector<16xf32>,
      %min3A_693 = arith.minimumf %get3A_692, %mul3A_690 : vector<16xf32>
      %swap3A_694 = arith.index_cast %add3A_525 : i32 to index
      %swap3A_695 = tpu.vector_load %arg9[%swap3A_694] {strides = array<i32>} : memref<1024xf32, #tpu.memory_space<vmem>>, vector<16xf32>,
      tpu.vector_store %arg9[%swap3A_694], %min3A_693 {strides = array<i32>} : memref<1024xf32, #tpu.memory_space<vmem>>, vector<16xf32>,
      %get3A_696 = arith.index_cast %add3A_525 : i32 to index
      %get3A_697 = tpu.vector_load %arg8[%get3A_696] {strides = array<i32>} : memref<1024xf32, #tpu.memory_space<vmem>>, vector<16xf32>,
      %mul3A_698 = arith.mulf %min3A_693, %get3A_697 : vector<16xf32>
      %add3A_699 = arith.constant 16 : i32
      %add3A_700 = arith.addi %mul3A_523, %add3A_699 : i32
      %get3A_701 = arith.constant 0 : i32
      %get3A_702 = arith.index_cast %get3A_701 : i32 to index
      %get3A_703 = arith.index_cast %add3A_700 : i32 to index
      %get3A_704 = tpu.vector_load %arg12[%get3A_702, %get3A_703] {strides = array<i32>} : memref<32x1024xf32, #tpu.memory_space<vmem>>, vector<16xf32>,
      %get3A_705 = arith.constant 1 : i32
      %get3A_706 = arith.index_cast %get3A_705 : i32 to index
      %get3A_707 = arith.index_cast %add3A_700 : i32 to index
      %get3A_708 = tpu.vector_load %arg12[%get3A_706, %get3A_707] {strides = array<i32>} : memref<32x1024xf32, #tpu.memory_space<vmem>>, vector<16xf32>,
      %max3A_709 = arith.maximumf %get3A_704, %get3A_708 : vector<16xf32>
      %get3A_710 = arith.constant 2 : i32
      %get3A_711 = arith.index_cast %get3A_710 : i32 to index
      %get3A_712 = arith.index_cast %add3A_700 : i32 to index
      %get3A_713 = tpu.vector_load %arg12[%get3A_711, %get3A_712] {strides = array<i32>} : memref<32x1024xf32, #tpu.memory_space<vmem>>, vector<16xf32>,
      %get3A_714 = arith.constant 3 : i32
      %get3A_715 = arith.index_cast %get3A_714 : i32 to index
      %get3A_716 = arith.index_cast %add3A_700 : i32 to index
      %get3A_717 = tpu.vector_load %arg12[%get3A_715, %get3A_716] {strides = array<i32>} : memref<32x1024xf32, #tpu.memory_space<vmem>>, vector<16xf32>,
      %max3A_718 = arith.maximumf %get3A_713, %get3A_717 : vector<16xf32>
      %get3A_719 = arith.constant 4 : i32
      %get3A_720 = arith.index_cast %get3A_719 : i32 to index
      %get3A_721 = arith.index_cast %add3A_700 : i32 to index
      %get3A_722 = tpu.vector_load %arg12[%get3A_720, %get3A_721] {strides = array<i32>} : memref<32x1024xf32, #tpu.memory_space<vmem>>, vector<16xf32>,
      %get3A_723 = arith.constant 5 : i32
      %get3A_724 = arith.index_cast %get3A_723 : i32 to index
      %get3A_725 = arith.index_cast %add3A_700 : i32 to index
      %get3A_726 = tpu.vector_load %arg12[%get3A_724, %get3A_725] {strides = array<i32>} : memref<32x1024xf32, #tpu.memory_space<vmem>>, vector<16xf32>,
      %max3A_727 = arith.maximumf %get3A_722, %get3A_726 : vector<16xf32>
      %get3A_728 = arith.constant 6 : i32
      %get3A_729 = arith.index_cast %get3A_728 : i32 to index
      %get3A_730 = arith.index_cast %add3A_700 : i32 to index
      %get3A_731 = tpu.vector_load %arg12[%get3A_729, %get3A_730] {strides = array<i32>} : memref<32x1024xf32, #tpu.memory_space<vmem>>, vector<16xf32>,
      %get3A_732 = arith.constant 7 : i32
      %get3A_733 = arith.index_cast %get3A_732 : i32 to index
      %get3A_734 = arith.index_cast %add3A_700 : i32 to index
      %get3A_735 = tpu.vector_load %arg12[%get3A_733, %get3A_734] {strides = array<i32>} : memref<32x1024xf32, #tpu.memory_space<vmem>>, vector<16xf32>,
      %max3A_736 = arith.maximumf %get3A_731, %get3A_735 : vector<16xf32>
      %get3A_737 = arith.constant 8 : i32
      %get3A_738 = arith.index_cast %get3A_737 : i32 to index
      %get3A_739 = arith.index_cast %add3A_700 : i32 to index
      %get3A_740 = tpu.vector_load %arg12[%get3A_738, %get3A_739] {strides = array<i32>} : memref<32x1024xf32, #tpu.memory_space<vmem>>, vector<16xf32>,
      %get3A_741 = arith.constant 9 : i32
      %get3A_742 = arith.index_cast %get3A_741 : i32 to index
      %get3A_743 = arith.index_cast %add3A_700 : i32 to index
      %get3A_744 = tpu.vector_load %arg12[%get3A_742, %get3A_743] {strides = array<i32>} : memref<32x1024xf32, #tpu.memory_space<vmem>>, vector<16xf32>,
      %max3A_745 = arith.maximumf %get3A_740, %get3A_744 : vector<16xf32>
      %get3A_746 = arith.constant 10 : i32
      %get3A_747 = arith.index_cast %get3A_746 : i32 to index
      %get3A_748 = arith.index_cast %add3A_700 : i32 to index
      %get3A_749 = tpu.vector_load %arg12[%get3A_747, %get3A_748] {strides = array<i32>} : memref<32x1024xf32, #tpu.memory_space<vmem>>, vector<16xf32>,
      %get3A_750 = arith.constant 11 : i32
      %get3A_751 = arith.index_cast %get3A_750 : i32 to index
      %get3A_752 = arith.index_cast %add3A_700 : i32 to index
      %get3A_753 = tpu.vector_load %arg12[%get3A_751, %get3A_752] {strides = array<i32>} : memref<32x1024xf32, #tpu.memory_space<vmem>>, vector<16xf32>,
      %max3A_754 = arith.maximumf %get3A_749, %get3A_753 : vector<16xf32>
      %get3A_755 = arith.constant 12 : i32
      %get3A_756 = arith.index_cast %get3A_755 : i32 to index
      %get3A_757 = arith.index_cast %add3A_700 : i32 to index
      %get3A_758 = tpu.vector_load %arg12[%get3A_756, %get3A_757] {strides = array<i32>} : memref<32x1024xf32, #tpu.memory_space<vmem>>, vector<16xf32>,
      %get3A_759 = arith.constant 13 : i32
      %get3A_760 = arith.index_cast %get3A_759 : i32 to index
      %get3A_761 = arith.index_cast %add3A_700 : i32 to index
      %get3A_762 = tpu.vector_load %arg12[%get3A_760, %get3A_761] {strides = array<i32>} : memref<32x1024xf32, #tpu.memory_space<vmem>>, vector<16xf32>,
      %max3A_763 = arith.maximumf %get3A_758, %get3A_762 : vector<16xf32>
      %get3A_764 = arith.constant 14 : i32
      %get3A_765 = arith.index_cast %get3A_764 : i32 to index
      %get3A_766 = arith.index_cast %add3A_700 : i32 to index
      %get3A_767 = tpu.vector_load %arg12[%get3A_765, %get3A_766] {strides = array<i32>} : memref<32x1024xf32, #tpu.memory_space<vmem>>, vector<16xf32>,
      %get3A_768 = arith.constant 15 : i32
      %get3A_769 = arith.index_cast %get3A_768 : i32 to index
      %get3A_770 = arith.index_cast %add3A_700 : i32 to index
      %get3A_771 = tpu.vector_load %arg12[%get3A_769, %get3A_770] {strides = array<i32>} : memref<32x1024xf32, #tpu.memory_space<vmem>>, vector<16xf32>,
      %max3A_772 = arith.maximumf %get3A_767, %get3A_771 : vector<16xf32>
      %get3A_773 = arith.constant 16 : i32
      %get3A_774 = arith.index_cast %get3A_773 : i32 to index
      %get3A_775 = arith.index_cast %add3A_700 : i32 to index
      %get3A_776 = tpu.vector_load %arg12[%get3A_774, %get3A_775] {strides = array<i32>} : memref<32x1024xf32, #tpu.memory_space<vmem>>, vector<16xf32>,
      %get3A_777 = arith.constant 17 : i32
      %get3A_778 = arith.index_cast %get3A_777 : i32 to index
      %get3A_779 = arith.index_cast %add3A_700 : i32 to index
      %get3A_780 = tpu.vector_load %arg12[%get3A_778, %get3A_779] {strides = array<i32>} : memref<32x1024xf32, #tpu.memory_space<vmem>>, vector<16xf32>,
      %max3A_781 = arith.maximumf %get3A_776, %get3A_780 : vector<16xf32>
      %get3A_782 = arith.constant 18 : i32
      %get3A_783 = arith.index_cast %get3A_782 : i32 to index
      %get3A_784 = arith.index_cast %add3A_700 : i32 to index
      %get3A_785 = tpu.vector_load %arg12[%get3A_783, %get3A_784] {strides = array<i32>} : memref<32x1024xf32, #tpu.memory_space<vmem>>, vector<16xf32>,
      %get3A_786 = arith.constant 19 : i32
      %get3A_787 = arith.index_cast %get3A_786 : i32 to index
      %get3A_788 = arith.index_cast %add3A_700 : i32 to index
      %get3A_789 = tpu.vector_load %arg12[%get3A_787, %get3A_788] {strides = array<i32>} : memref<32x1024xf32, #tpu.memory_space<vmem>>, vector<16xf32>,
      %max3A_790 = arith.maximumf %get3A_785, %get3A_789 : vector<16xf32>
      %get3A_791 = arith.constant 20 : i32
      %get3A_792 = arith.index_cast %get3A_791 : i32 to index
      %get3A_793 = arith.index_cast %add3A_700 : i32 to index
      %get3A_794 = tpu.vector_load %arg12[%get3A_792, %get3A_793] {strides = array<i32>} : memref<32x1024xf32, #tpu.memory_space<vmem>>, vector<16xf32>,
      %get3A_795 = arith.constant 21 : i32
      %get3A_796 = arith.index_cast %get3A_795 : i32 to index
      %get3A_797 = arith.index_cast %add3A_700 : i32 to index
      %get3A_798 = tpu.vector_load %arg12[%get3A_796, %get3A_797] {strides = array<i32>} : memref<32x1024xf32, #tpu.memory_space<vmem>>, vector<16xf32>,
      %max3A_799 = arith.maximumf %get3A_794, %get3A_798 : vector<16xf32>
      %get3A_800 = arith.constant 22 : i32
      %get3A_801 = arith.index_cast %get3A_800 : i32 to index
      %get3A_802 = arith.index_cast %add3A_700 : i32 to index
      %get3A_803 = tpu.vector_load %arg12[%get3A_801, %get3A_802] {strides = array<i32>} : memref<32x1024xf32, #tpu.memory_space<vmem>>, vector<16xf32>,
      %get3A_804 = arith.constant 23 : i32
      %get3A_805 = arith.index_cast %get3A_804 : i32 to index
      %get3A_806 = arith.index_cast %add3A_700 : i32 to index
      %get3A_807 = tpu.vector_load %arg12[%get3A_805, %get3A_806] {strides = array<i32>} : memref<32x1024xf32, #tpu.memory_space<vmem>>, vector<16xf32>,
      %max3A_808 = arith.maximumf %get3A_803, %get3A_807 : vector<16xf32>
      %get3A_809 = arith.constant 24 : i32
      %get3A_810 = arith.index_cast %get3A_809 : i32 to index
      %get3A_811 = arith.index_cast %add3A_700 : i32 to index
      %get3A_812 = tpu.vector_load %arg12[%get3A_810, %get3A_811] {strides = array<i32>} : memref<32x1024xf32, #tpu.memory_space<vmem>>, vector<16xf32>,
      %get3A_813 = arith.constant 25 : i32
      %get3A_814 = arith.index_cast %get3A_813 : i32 to index
      %get3A_815 = arith.index_cast %add3A_700 : i32 to index
      %get3A_816 = tpu.vector_load %arg12[%get3A_814, %get3A_815] {strides = array<i32>} : memref<32x1024xf32, #tpu.memory_space<vmem>>, vector<16xf32>,
      %max3A_817 = arith.maximumf %get3A_812, %get3A_816 : vector<16xf32>
      %get3A_818 = arith.constant 26 : i32
      %get3A_819 = arith.index_cast %get3A_818 : i32 to index
      %get3A_820 = arith.index_cast %add3A_700 : i32 to index
      %get3A_821 = tpu.vector_load %arg12[%get3A_819, %get3A_820] {strides = array<i32>} : memref<32x1024xf32, #tpu.memory_space<vmem>>, vector<16xf32>,
      %get3A_822 = arith.constant 27 : i32
      %get3A_823 = arith.index_cast %get3A_822 : i32 to index
      %get3A_824 = arith.index_cast %add3A_700 : i32 to index
      %get3A_825 = tpu.vector_load %arg12[%get3A_823, %get3A_824] {strides = array<i32>} : memref<32x1024xf32, #tpu.memory_space<vmem>>, vector<16xf32>,
      %max3A_826 = arith.maximumf %get3A_821, %get3A_825 : vector<16xf32>
      %get3A_827 = arith.constant 28 : i32
      %get3A_828 = arith.index_cast %get3A_827 : i32 to index
      %get3A_829 = arith.index_cast %add3A_700 : i32 to index
      %get3A_830 = tpu.vector_load %arg12[%get3A_828, %get3A_829] {strides = array<i32>} : memref<32x1024xf32, #tpu.memory_space<vmem>>, vector<16xf32>,
      %get3A_831 = arith.constant 29 : i32
      %get3A_832 = arith.index_cast %get3A_831 : i32 to index
      %get3A_833 = arith.index_cast %add3A_700 : i32 to index
      %get3A_834 = tpu.vector_load %arg12[%get3A_832, %get3A_833] {strides = array<i32>} : memref<32x1024xf32, #tpu.memory_space<vmem>>, vector<16xf32>,
      %max3A_835 = arith.maximumf %get3A_830, %get3A_834 : vector<16xf32>
      %get3A_836 = arith.constant 30 : i32
      %get3A_837 = arith.index_cast %get3A_836 : i32 to index
      %get3A_838 = arith.index_cast %add3A_700 : i32 to index
      %get3A_839 = tpu.vector_load %arg12[%get3A_837, %get3A_838] {strides = array<i32>} : memref<32x1024xf32, #tpu.memory_space<vmem>>, vector<16xf32>,
      %get3A_840 = arith.constant 31 : i32
      %get3A_841 = arith.index_cast %get3A_840 : i32 to index
      %get3A_842 = arith.index_cast %add3A_700 : i32 to index
      %get3A_843 = tpu.vector_load %arg12[%get3A_841, %get3A_842] {strides = array<i32>} : memref<32x1024xf32, #tpu.memory_space<vmem>>, vector<16xf32>,
      %max3A_844 = arith.maximumf %get3A_839, %get3A_843 : vector<16xf32>
      %max3A_845 = arith.maximumf %max3A_709, %max3A_718 : vector<16xf32>
      %max3A_846 = arith.maximumf %max3A_727, %max3A_736 : vector<16xf32>
      %max3A_847 = arith.maximumf %max3A_745, %max3A_754 : vector<16xf32>
      %max3A_848 = arith.maximumf %max3A_763, %max3A_772 : vector<16xf32>
      %max3A_849 = arith.maximumf %max3A_781, %max3A_790 : vector<16xf32>
      %max3A_850 = arith.maximumf %max3A_799, %max3A_808 : vector<16xf32>
      %max3A_851 = arith.maximumf %max3A_817, %max3A_826 : vector<16xf32>
      %max3A_852 = arith.maximumf %max3A_835, %max3A_844 : vector<16xf32>
      %max3A_853 = arith.maximumf %max3A_845, %max3A_846 : vector<16xf32>
      %max3A_854 = arith.maximumf %max3A_847, %max3A_848 : vector<16xf32>
      %max3A_855 = arith.maximumf %max3A_849, %max3A_850 : vector<16xf32>
      %max3A_856 = arith.maximumf %max3A_851, %max3A_852 : vector<16xf32>
      %max3A_857 = arith.maximumf %max3A_853, %max3A_854 : vector<16xf32>
      %max3A_858 = arith.maximumf %max3A_855, %max3A_856 : vector<16xf32>
      %max3A_859 = arith.maximumf %max3A_857, %max3A_858 : vector<16xf32>
      %sub3A_860 = arith.constant 1.000000e+00 : f32
      %sub3A_861 = vector.broadcast %sub3A_860 : f32 to vector<16xf32>
      %sub3A_862 = arith.subf %sub3A_861, %max3A_859 : vector<16xf32>
      %mul3A_863 = arith.constant 5.000000e-01 : f32
      %mul3A_864 = vector.broadcast %mul3A_863 : f32 to vector<16xf32>
      %mul3A_865 = arith.mulf %sub3A_862, %mul3A_864 : vector<16xf32>
      %get3A_866 = arith.index_cast %add3A_700 : i32 to index
      %get3A_867 = tpu.vector_load %arg9[%get3A_866] {strides = array<i32>} : memref<1024xf32, #tpu.memory_space<vmem>>, vector<16xf32>,
      %min3A_868 = arith.minimumf %get3A_867, %mul3A_865 : vector<16xf32>
      %swap3A_869 = arith.index_cast %add3A_700 : i32 to index
      %swap3A_870 = tpu.vector_load %arg9[%swap3A_869] {strides = array<i32>} : memref<1024xf32, #tpu.memory_space<vmem>>, vector<16xf32>,
      tpu.vector_store %arg9[%swap3A_869], %min3A_868 {strides = array<i32>} : memref<1024xf32, #tpu.memory_space<vmem>>, vector<16xf32>,
      %get3A_871 = arith.index_cast %add3A_700 : i32 to index
      %get3A_872 = tpu.vector_load %arg8[%get3A_871] {strides = array<i32>} : memref<1024xf32, #tpu.memory_space<vmem>>, vector<16xf32>,
      %mul3A_873 = arith.mulf %min3A_868, %get3A_872 : vector<16xf32>
      %reduce_max3A_874 = arith.constant true
      %reduce_max3A_875 = vector.broadcast %reduce_max3A_874 : i1 to vector<16xi1>
      %reduce_max3A_876 = tpu.scan <max>, %mul3A_698 masked %reduce_max3A_875 : vector<16xf32>, vector<16xi1> -> vector<16xf32>
      %reduce_max3A_877 = vector.extract %reduce_max3A_876[15] : f32 from vector<16xf32>
      %reduce_max3A_878 = arith.constant true
      %reduce_max3A_879 = vector.broadcast %reduce_max3A_878 : i1 to vector<16xi1>
      %reduce_max3A_880 = tpu.scan <max>, %mul3A_873 masked %reduce_max3A_879 : vector<16xf32>, vector<16xi1> -> vector<16xf32>
      %reduce_max3A_881 = vector.extract %reduce_max3A_880[15] : f32 from vector<16xf32>
      %max3A_882 = arith.maximumf %reduce_max3A_877, %reduce_max3A_881 : f32
      %eq3A_883 = vector.broadcast %max3A_882 : f32 to vector<16xf32>
      %eq3A_884 = arith.cmpf oeq, %mul3A_698, %eq3A_883 : vector<16xf32>
      %jit3A_885 = arith.constant 9999 : i32
      %broadcast_in_dim3A_886 = vector.broadcast %jit3A_885 : i32 to vector<16xi32>
      %select_n3A_887 = arith.select %eq3A_884, %iota3A, %broadcast_in_dim3A_886 : vector<16xi1>, vector<16xi32>
      %reduce_min3A = arith.constant true
      %reduce_min3A_888 = vector.broadcast %reduce_min3A : i1 to vector<16xi1>
      %reduce_min3A_889 = arith.constant -2147483648 : i32
      %reduce_min3A_890 = vector.broadcast %reduce_min3A_889 : i32 to vector<16xi32>
      %reduce_min3A_891 = arith.xori %select_n3A_887, %reduce_min3A_890 : vector<16xi32>
      %reduce_min3A_892 = tpu.scan <min>, %reduce_min3A_891 masked %reduce_min3A_888 : vector<16xi32>, vector<16xi1> -> vector<16xi32>
      %reduce_min3A_893 = arith.xori %reduce_min3A_892, %reduce_min3A_890 : vector<16xi32>
      %reduce_min3A_894 = vector.extract %reduce_min3A_893[15] : i32 from vector<16xi32>
      %eq3A_895 = vector.broadcast %max3A_882 : f32 to vector<16xf32>
      %eq3A_896 = arith.cmpf oeq, %mul3A_873, %eq3A_895 : vector<16xf32>
      %add3A_897 = arith.constant 16 : i32
      %add3A_898 = vector.broadcast %add3A_897 : i32 to vector<16xi32>
      %add3A_899 = arith.addi %iota3A, %add3A_898 : vector<16xi32>
      %jit3A_900 = arith.constant 9999 : i32
      %broadcast_in_dim3A_901 = vector.broadcast %jit3A_900 : i32 to vector<16xi32>
      %select_n3A_902 = arith.select %eq3A_896, %add3A_899, %broadcast_in_dim3A_901 : vector<16xi1>, vector<16xi32>
      %reduce_min3A_903 = arith.constant true
      %reduce_min3A_904 = vector.broadcast %reduce_min3A_903 : i1 to vector<16xi1>
      %reduce_min3A_905 = arith.constant -2147483648 : i32
      %reduce_min3A_906 = vector.broadcast %reduce_min3A_905 : i32 to vector<16xi32>
      %reduce_min3A_907 = arith.xori %select_n3A_902, %reduce_min3A_906 : vector<16xi32>
      %reduce_min3A_908 = tpu.scan <min>, %reduce_min3A_907 masked %reduce_min3A_904 : vector<16xi32>, vector<16xi1> -> vector<16xi32>
      %reduce_min3A_909 = arith.xori %reduce_min3A_908, %reduce_min3A_906 : vector<16xi32>
      %reduce_min3A_910 = vector.extract %reduce_min3A_909[15] : i32 from vector<16xi32>
      %min3A_911 = arith.minsi %reduce_min3A_894, %reduce_min3A_910 : i32
      %add3A_912 = arith.addi %mul3A_523, %min3A_911 : i32
      %ne3A_913 = arith.cmpi ne, %scan3A_518, %add3A : i32
      %eq3A_914 = vector.broadcast %scan3A_518 : i32 to vector<16xi32>
      %eq3A_915 = arith.cmpi eq, %iota3A, %eq3A_914 : vector<16xi32>
      %and3A_916 = vector.broadcast %ne3A_913 : i1 to vector<16xi1>
      %and3A_917 = arith.andi %eq3A_915, %and3A_916 : vector<16xi1>
      %broadcast_in_dim3A_918 = vector.broadcast %add3A_912 : i32 to vector<16xi32>
      %select_n3A_919 = arith.select %and3A_917, %broadcast_in_dim3A_918, %scan3A_519 : vector<16xi1>, vector<16xi32>
      %sub3A_920 = arith.constant 16 : i32
      %sub3A_921 = arith.subi %scan3A_518, %sub3A_920 : i32
      %eq3A_922 = vector.broadcast %sub3A_921 : i32 to vector<16xi32>
      %eq3A_923 = arith.cmpi eq, %iota3A, %eq3A_922 : vector<16xi32>
      %and3A_924 = vector.broadcast %ne3A_913 : i1 to vector<16xi1>
      %and3A_925 = arith.andi %eq3A_923, %and3A_924 : vector<16xi1>
      %broadcast_in_dim3A_926 = vector.broadcast %add3A_912 : i32 to vector<16xi32>
      %select_n3A_927 = arith.select %and3A_925, %broadcast_in_dim3A_926, %scan3A_520 : vector<16xi1>, vector<16xi32>
      %lt3A_928 = arith.constant 0 : i32
      %lt3A_929 = arith.cmpi slt, %scan3A_521, %lt3A_928 : i32
      %and3A_930 = arith.andi %ne3A_913, %lt3A_929 : i1
      %select_n3A_931 = arith.select %and3A_930, %add3A_912, %scan3A_521 : i32
      scf.yield %select_n3A_919, %select_n3A_927, %select_n3A_931 : vector<16xi32>, vector<16xi32>, i32
    }
    %scan3A_198 = arith.constant 32 : i32
    %eq3A_199 = vector.broadcast %add3A : i32 to vector<16xi32>
    %eq3A_200 = arith.cmpi eq, %iota3A, %eq3A_199 : vector<16xi32>
    %broadcast_in_dim3A_201 = vector.broadcast %scan3A_197#2 : i32 to vector<16xi32>
    %select_n3A_202 = arith.select %eq3A_200, %broadcast_in_dim3A_201, %scan3A_197#0 : vector<16xi1>, vector<16xi32>
    %sub3A_203 = arith.constant 16 : i32
    %sub3A_204 = arith.subi %add3A, %sub3A_203 : i32
    %eq3A_205 = vector.broadcast %sub3A_204 : i32 to vector<16xi32>
    %eq3A_206 = arith.cmpi eq, %iota3A, %eq3A_205 : vector<16xi32>
    %broadcast_in_dim3A_207 = vector.broadcast %scan3A_197#2 : i32 to vector<16xi32>
    %select_n3A_208 = arith.select %eq3A_206, %broadcast_in_dim3A_207, %scan3A_197#1 : vector<16xi1>, vector<16xi32>
    %swap3A_209 = arith.constant 0 : index
    %swap3A_210 = tpu.vector_load %arg10[%swap3A_209] {strides = array<i32>} : memref<32xi32, #tpu.memory_space<vmem>>, vector<16xi32>,
    tpu.vector_store %arg10[%swap3A_209], %select_n3A_202 {strides = array<i32>} : memref<32xi32, #tpu.memory_space<vmem>>, vector<16xi32>,
    %swap3A_211 = arith.constant 16 : index
    %swap3A_212 = tpu.vector_load %arg10[%swap3A_211] {strides = array<i32>} : memref<32xi32, #tpu.memory_space<vmem>>, vector<16xi32>,
    tpu.vector_store %arg10[%swap3A_211], %select_n3A_208 {strides = array<i32>} : memref<32xi32, #tpu.memory_space<vmem>>, vector<16xi32>,
    %swap3A_213 = arith.constant 3 : i32
    %swap3A_214 = arith.index_cast %swap3A_213 : i32 to index
    %swap3A_215 = arith.constant 0 : index
    %swap3A_216 = tpu.vector_load %arg11[%swap3A_214, %swap3A_215] {strides = array<i32>} : memref<4x32xi32, #tpu.memory_space<vmem>>, vector<16xi32>,
    tpu.vector_store %arg11[%swap3A_214, %swap3A_215], %select_n3A_202 {strides = array<i32>} : memref<4x32xi32, #tpu.memory_space<vmem>>, vector<16xi32>,
    %swap3A_217 = arith.constant 3 : i32
    %swap3A_218 = arith.index_cast %swap3A_217 : i32 to index
    %swap3A_219 = arith.constant 16 : index
    %swap3A_220 = tpu.vector_load %arg11[%swap3A_218, %swap3A_219] {strides = array<i32>} : memref<4x32xi32, #tpu.memory_space<vmem>>, vector<16xi32>,
    tpu.vector_store %arg11[%swap3A_218, %swap3A_219], %select_n3A_208 {strides = array<i32>} : memref<4x32xi32, #tpu.memory_space<vmem>>, vector<16xi32>,
    %broadcast_in_dim3A_221 = arith.constant -1.000000e+30 : f32
    %broadcast_in_dim3A_222 = vector.broadcast %broadcast_in_dim3A_221 : f32 to vector<16xf32>
    %swap3A_223 = arith.constant 0 : index
    %swap3A_224 = tpu.vector_load %arg14[%swap3A_223] {strides = array<i32>} : memref<128xf32, #tpu.memory_space<vmem>>, vector<16xf32>,
    tpu.vector_store %arg14[%swap3A_223], %broadcast_in_dim3A_222 {strides = array<i32>} : memref<128xf32, #tpu.memory_space<vmem>>, vector<16xf32>,
    %swap3A_225 = arith.constant 16 : index
    %swap3A_226 = tpu.vector_load %arg14[%swap3A_225] {strides = array<i32>} : memref<128xf32, #tpu.memory_space<vmem>>, vector<16xf32>,
    tpu.vector_store %arg14[%swap3A_225], %broadcast_in_dim3A_222 {strides = array<i32>} : memref<128xf32, #tpu.memory_space<vmem>>, vector<16xf32>,
    %swap3A_227 = arith.constant 32 : index
    %swap3A_228 = tpu.vector_load %arg14[%swap3A_227] {strides = array<i32>} : memref<128xf32, #tpu.memory_space<vmem>>, vector<16xf32>,
    tpu.vector_store %arg14[%swap3A_227], %broadcast_in_dim3A_222 {strides = array<i32>} : memref<128xf32, #tpu.memory_space<vmem>>, vector<16xf32>,
    %swap3A_229 = arith.constant 48 : index
    %swap3A_230 = tpu.vector_load %arg14[%swap3A_229] {strides = array<i32>} : memref<128xf32, #tpu.memory_space<vmem>>, vector<16xf32>,
    tpu.vector_store %arg14[%swap3A_229], %broadcast_in_dim3A_222 {strides = array<i32>} : memref<128xf32, #tpu.memory_space<vmem>>, vector<16xf32>,
    %swap3A_231 = arith.constant 64 : index
    %swap3A_232 = tpu.vector_load %arg14[%swap3A_231] {strides = array<i32>} : memref<128xf32, #tpu.memory_space<vmem>>, vector<16xf32>,
    tpu.vector_store %arg14[%swap3A_231], %broadcast_in_dim3A_222 {strides = array<i32>} : memref<128xf32, #tpu.memory_space<vmem>>, vector<16xf32>,
    %swap3A_233 = arith.constant 80 : index
    %swap3A_234 = tpu.vector_load %arg14[%swap3A_233] {strides = array<i32>} : memref<128xf32, #tpu.memory_space<vmem>>, vector<16xf32>,
    tpu.vector_store %arg14[%swap3A_233], %broadcast_in_dim3A_222 {strides = array<i32>} : memref<128xf32, #tpu.memory_space<vmem>>, vector<16xf32>,
    %swap3A_235 = arith.constant 96 : index
    %swap3A_236 = tpu.vector_load %arg14[%swap3A_235] {strides = array<i32>} : memref<128xf32, #tpu.memory_space<vmem>>, vector<16xf32>,
    tpu.vector_store %arg14[%swap3A_235], %broadcast_in_dim3A_222 {strides = array<i32>} : memref<128xf32, #tpu.memory_space<vmem>>, vector<16xf32>,
    %swap3A_237 = arith.constant 112 : index
    %swap3A_238 = tpu.vector_load %arg14[%swap3A_237] {strides = array<i32>} : memref<128xf32, #tpu.memory_space<vmem>>, vector<16xf32>,
    tpu.vector_store %arg14[%swap3A_237], %broadcast_in_dim3A_222 {strides = array<i32>} : memref<128xf32, #tpu.memory_space<vmem>>, vector<16xf32>,
    %add3A_239 = arith.constant 0 : i32
    %add3A_240 = vector.broadcast %add3A_239 : i32 to vector<16xi32>
    %add3A_241 = arith.addi %iota3A, %add3A_240 : vector<16xi32>
    %lt3A_242 = arith.constant 31 : i32
    %lt3A_243 = vector.broadcast %lt3A_242 : i32 to vector<16xi32>
    %lt3A_244 = arith.cmpi slt, %add3A_241, %lt3A_243 : vector<16xi32>
    %ge3A = vector.broadcast %add3A : i32 to vector<16xi32>
    %ge3A_245 = arith.cmpi sge, %add3A_241, %ge3A : vector<16xi32>
    %convert_element_type3A = arith.extui %ge3A_245 : vector<16xi1> to vector<16xi32>
    %add3A_246 = arith.addi %add3A_241, %convert_element_type3A : vector<16xi32>
    %min3A = arith.constant 31 : i32
    %min3A_247 = vector.broadcast %min3A : i32 to vector<16xi32>
    %min3A_248 = arith.minsi %add3A_246, %min3A_247 : vector<16xi32>
    %broadcast_in_dim3A_249 = arith.constant 0 : i32
    %broadcast_in_dim3A_250 = vector.broadcast %broadcast_in_dim3A_249 : i32 to vector<16xi32>
    %gather3A_251 = tpu.vector_load_idx %arg11[%broadcast_in_dim3A_250, %min3A_248] masked %lt3A_244 : memref<4x32xi32, #tpu.memory_space<vmem>>[vector<16xi32>, vector<16xi32>], vector<16xi32>, vector<16xi1>
    %jit3A_252 = arith.constant 0 : i32
    %broadcast_in_dim3A_253 = vector.broadcast %jit3A_252 : i32 to vector<16xi32>
    %select_n3A_254 = arith.select %lt3A_244, %gather3A_251, %broadcast_in_dim3A_253 : vector<16xi1>, vector<16xi32>
    %gather3A_255 = tpu.vector_load_idx %arg7[%select_n3A_254] masked %lt3A_244 : memref<1024xf32, #tpu.memory_space<vmem>>[vector<16xi32>], vector<16xf32>, vector<16xi1>
    %mul3A_256 = arith.constant 4 : i32
    %mul3A_257 = vector.broadcast %mul3A_256 : i32 to vector<16xi32>
    %mul3A_258 = arith.muli %add3A_241, %mul3A_257 : vector<16xi32>
    %add3A_259 = arith.constant 1 : i32
    %add3A_260 = vector.broadcast %add3A_259 : i32 to vector<16xi32>
    %add3A_261 = arith.addi %add3A_260, %mul3A_258 : vector<16xi32>
    %add3A_262 = arith.constant 0 : i32
    %add3A_263 = vector.broadcast %add3A_262 : i32 to vector<16xi32>
    %add3A_264 = arith.addi %add3A_261, %add3A_263 : vector<16xi32>
    %jit3A_265 = arith.constant 0 : i32
    %broadcast_in_dim3A_266 = vector.broadcast %jit3A_265 : i32 to vector<16xi32>
    %select_n3A_267 = arith.select %lt3A_244, %add3A_264, %broadcast_in_dim3A_266 : vector<16xi1>, vector<16xi32>
    tpu.vector_store_idx %arg14[%select_n3A_267], %gather3A_255 masked %lt3A_244 : memref<128xf32, #tpu.memory_space<vmem>>[vector<16xi32>], vector<16xf32>, vector<16xi1>
    %add3A_268 = arith.constant 16 : i32
    %add3A_269 = vector.broadcast %add3A_268 : i32 to vector<16xi32>
    %add3A_270 = arith.addi %iota3A, %add3A_269 : vector<16xi32>
    %lt3A_271 = arith.constant 31 : i32
    %lt3A_272 = vector.broadcast %lt3A_271 : i32 to vector<16xi32>
    %lt3A_273 = arith.cmpi slt, %add3A_270, %lt3A_272 : vector<16xi32>
    %ge3A_274 = vector.broadcast %add3A : i32 to vector<16xi32>
    %ge3A_275 = arith.cmpi sge, %add3A_270, %ge3A_274 : vector<16xi32>
    %convert_element_type3A_276 = arith.extui %ge3A_275 : vector<16xi1> to vector<16xi32>
    %add3A_277 = arith.addi %add3A_270, %convert_element_type3A_276 : vector<16xi32>
    %min3A_278 = arith.constant 31 : i32
    %min3A_279 = vector.broadcast %min3A_278 : i32 to vector<16xi32>
    %min3A_280 = arith.minsi %add3A_277, %min3A_279 : vector<16xi32>
    %broadcast_in_dim3A_281 = arith.constant 0 : i32
    %broadcast_in_dim3A_282 = vector.broadcast %broadcast_in_dim3A_281 : i32 to vector<16xi32>
    %gather3A_283 = tpu.vector_load_idx %arg11[%broadcast_in_dim3A_282, %min3A_280] masked %lt3A_273 : memref<4x32xi32, #tpu.memory_space<vmem>>[vector<16xi32>, vector<16xi32>], vector<16xi32>, vector<16xi1>
    %jit3A_284 = arith.constant 0 : i32
    %broadcast_in_dim3A_285 = vector.broadcast %jit3A_284 : i32 to vector<16xi32>
    %select_n3A_286 = arith.select %lt3A_273, %gather3A_283, %broadcast_in_dim3A_285 : vector<16xi1>, vector<16xi32>
    %gather3A_287 = tpu.vector_load_idx %arg7[%select_n3A_286] masked %lt3A_273 : memref<1024xf32, #tpu.memory_space<vmem>>[vector<16xi32>], vector<16xf32>, vector<16xi1>
    %mul3A_288 = arith.constant 4 : i32
    %mul3A_289 = vector.broadcast %mul3A_288 : i32 to vector<16xi32>
    %mul3A_290 = arith.muli %add3A_270, %mul3A_289 : vector<16xi32>
    %add3A_291 = arith.constant 1 : i32
    %add3A_292 = vector.broadcast %add3A_291 : i32 to vector<16xi32>
    %add3A_293 = arith.addi %add3A_292, %mul3A_290 : vector<16xi32>
    %add3A_294 = arith.constant 0 : i32
    %add3A_295 = vector.broadcast %add3A_294 : i32 to vector<16xi32>
    %add3A_296 = arith.addi %add3A_293, %add3A_295 : vector<16xi32>
    %jit3A_297 = arith.constant 0 : i32
    %broadcast_in_dim3A_298 = vector.broadcast %jit3A_297 : i32 to vector<16xi32>
    %select_n3A_299 = arith.select %lt3A_273, %add3A_296, %broadcast_in_dim3A_298 : vector<16xi1>, vector<16xi32>
    tpu.vector_store_idx %arg14[%select_n3A_299], %gather3A_287 masked %lt3A_273 : memref<128xf32, #tpu.memory_space<vmem>>[vector<16xi32>], vector<16xf32>, vector<16xi1>
    %add3A_300 = arith.constant 0 : i32
    %add3A_301 = vector.broadcast %add3A_300 : i32 to vector<16xi32>
    %add3A_302 = arith.addi %iota3A, %add3A_301 : vector<16xi32>
    %lt3A_303 = arith.constant 31 : i32
    %lt3A_304 = vector.broadcast %lt3A_303 : i32 to vector<16xi32>
    %lt3A_305 = arith.cmpi slt, %add3A_302, %lt3A_304 : vector<16xi32>
    %ge3A_306 = vector.broadcast %add3A : i32 to vector<16xi32>
    %ge3A_307 = arith.cmpi sge, %add3A_302, %ge3A_306 : vector<16xi32>
    %convert_element_type3A_308 = arith.extui %ge3A_307 : vector<16xi1> to vector<16xi32>
    %add3A_309 = arith.addi %add3A_302, %convert_element_type3A_308 : vector<16xi32>
    %min3A_310 = arith.constant 31 : i32
    %min3A_311 = vector.broadcast %min3A_310 : i32 to vector<16xi32>
    %min3A_312 = arith.minsi %add3A_309, %min3A_311 : vector<16xi32>
    %broadcast_in_dim3A_313 = arith.constant 1 : i32
    %broadcast_in_dim3A_314 = vector.broadcast %broadcast_in_dim3A_313 : i32 to vector<16xi32>
    %gather3A_315 = tpu.vector_load_idx %arg11[%broadcast_in_dim3A_314, %min3A_312] masked %lt3A_305 : memref<4x32xi32, #tpu.memory_space<vmem>>[vector<16xi32>, vector<16xi32>], vector<16xi32>, vector<16xi1>
    %jit3A_316 = arith.constant 0 : i32
    %broadcast_in_dim3A_317 = vector.broadcast %jit3A_316 : i32 to vector<16xi32>
    %select_n3A_318 = arith.select %lt3A_305, %gather3A_315, %broadcast_in_dim3A_317 : vector<16xi1>, vector<16xi32>
    %gather3A_319 = tpu.vector_load_idx %arg7[%select_n3A_318] masked %lt3A_305 : memref<1024xf32, #tpu.memory_space<vmem>>[vector<16xi32>], vector<16xf32>, vector<16xi1>
    %mul3A_320 = arith.constant 4 : i32
    %mul3A_321 = vector.broadcast %mul3A_320 : i32 to vector<16xi32>
    %mul3A_322 = arith.muli %add3A_302, %mul3A_321 : vector<16xi32>
    %add3A_323 = arith.constant 1 : i32
    %add3A_324 = vector.broadcast %add3A_323 : i32 to vector<16xi32>
    %add3A_325 = arith.addi %add3A_324, %mul3A_322 : vector<16xi32>
    %add3A_326 = arith.constant 1 : i32
    %add3A_327 = vector.broadcast %add3A_326 : i32 to vector<16xi32>
    %add3A_328 = arith.addi %add3A_325, %add3A_327 : vector<16xi32>
    %jit3A_329 = arith.constant 0 : i32
    %broadcast_in_dim3A_330 = vector.broadcast %jit3A_329 : i32 to vector<16xi32>
    %select_n3A_331 = arith.select %lt3A_305, %add3A_328, %broadcast_in_dim3A_330 : vector<16xi1>, vector<16xi32>
    tpu.vector_store_idx %arg14[%select_n3A_331], %gather3A_319 masked %lt3A_305 : memref<128xf32, #tpu.memory_space<vmem>>[vector<16xi32>], vector<16xf32>, vector<16xi1>
    %add3A_332 = arith.constant 16 : i32
    %add3A_333 = vector.broadcast %add3A_332 : i32 to vector<16xi32>
    %add3A_334 = arith.addi %iota3A, %add3A_333 : vector<16xi32>
    %lt3A_335 = arith.constant 31 : i32
    %lt3A_336 = vector.broadcast %lt3A_335 : i32 to vector<16xi32>
    %lt3A_337 = arith.cmpi slt, %add3A_334, %lt3A_336 : vector<16xi32>
    %ge3A_338 = vector.broadcast %add3A : i32 to vector<16xi32>
    %ge3A_339 = arith.cmpi sge, %add3A_334, %ge3A_338 : vector<16xi32>
    %convert_element_type3A_340 = arith.extui %ge3A_339 : vector<16xi1> to vector<16xi32>
    %add3A_341 = arith.addi %add3A_334, %convert_element_type3A_340 : vector<16xi32>
    %min3A_342 = arith.constant 31 : i32
    %min3A_343 = vector.broadcast %min3A_342 : i32 to vector<16xi32>
    %min3A_344 = arith.minsi %add3A_341, %min3A_343 : vector<16xi32>
    %broadcast_in_dim3A_345 = arith.constant 1 : i32
    %broadcast_in_dim3A_346 = vector.broadcast %broadcast_in_dim3A_345 : i32 to vector<16xi32>
    %gather3A_347 = tpu.vector_load_idx %arg11[%broadcast_in_dim3A_346, %min3A_344] masked %lt3A_337 : memref<4x32xi32, #tpu.memory_space<vmem>>[vector<16xi32>, vector<16xi32>], vector<16xi32>, vector<16xi1>
    %jit3A_348 = arith.constant 0 : i32
    %broadcast_in_dim3A_349 = vector.broadcast %jit3A_348 : i32 to vector<16xi32>
    %select_n3A_350 = arith.select %lt3A_337, %gather3A_347, %broadcast_in_dim3A_349 : vector<16xi1>, vector<16xi32>
    %gather3A_351 = tpu.vector_load_idx %arg7[%select_n3A_350] masked %lt3A_337 : memref<1024xf32, #tpu.memory_space<vmem>>[vector<16xi32>], vector<16xf32>, vector<16xi1>
    %mul3A_352 = arith.constant 4 : i32
    %mul3A_353 = vector.broadcast %mul3A_352 : i32 to vector<16xi32>
    %mul3A_354 = arith.muli %add3A_334, %mul3A_353 : vector<16xi32>
    %add3A_355 = arith.constant 1 : i32
    %add3A_356 = vector.broadcast %add3A_355 : i32 to vector<16xi32>
    %add3A_357 = arith.addi %add3A_356, %mul3A_354 : vector<16xi32>
    %add3A_358 = arith.constant 1 : i32
    %add3A_359 = vector.broadcast %add3A_358 : i32 to vector<16xi32>
    %add3A_360 = arith.addi %add3A_357, %add3A_359 : vector<16xi32>
    %jit3A_361 = arith.constant 0 : i32
    %broadcast_in_dim3A_362 = vector.broadcast %jit3A_361 : i32 to vector<16xi32>
    %select_n3A_363 = arith.select %lt3A_337, %add3A_360, %broadcast_in_dim3A_362 : vector<16xi1>, vector<16xi32>
    tpu.vector_store_idx %arg14[%select_n3A_363], %gather3A_351 masked %lt3A_337 : memref<128xf32, #tpu.memory_space<vmem>>[vector<16xi32>], vector<16xf32>, vector<16xi1>
    %add3A_364 = arith.constant 0 : i32
    %add3A_365 = vector.broadcast %add3A_364 : i32 to vector<16xi32>
    %add3A_366 = arith.addi %iota3A, %add3A_365 : vector<16xi32>
    %lt3A_367 = arith.constant 31 : i32
    %lt3A_368 = vector.broadcast %lt3A_367 : i32 to vector<16xi32>
    %lt3A_369 = arith.cmpi slt, %add3A_366, %lt3A_368 : vector<16xi32>
    %ge3A_370 = vector.broadcast %add3A : i32 to vector<16xi32>
    %ge3A_371 = arith.cmpi sge, %add3A_366, %ge3A_370 : vector<16xi32>
    %convert_element_type3A_372 = arith.extui %ge3A_371 : vector<16xi1> to vector<16xi32>
    %add3A_373 = arith.addi %add3A_366, %convert_element_type3A_372 : vector<16xi32>
    %min3A_374 = arith.constant 31 : i32
    %min3A_375 = vector.broadcast %min3A_374 : i32 to vector<16xi32>
    %min3A_376 = arith.minsi %add3A_373, %min3A_375 : vector<16xi32>
    %broadcast_in_dim3A_377 = arith.constant 2 : i32
    %broadcast_in_dim3A_378 = vector.broadcast %broadcast_in_dim3A_377 : i32 to vector<16xi32>
    %gather3A_379 = tpu.vector_load_idx %arg11[%broadcast_in_dim3A_378, %min3A_376] masked %lt3A_369 : memref<4x32xi32, #tpu.memory_space<vmem>>[vector<16xi32>, vector<16xi32>], vector<16xi32>, vector<16xi1>
    %jit3A_380 = arith.constant 0 : i32
    %broadcast_in_dim3A_381 = vector.broadcast %jit3A_380 : i32 to vector<16xi32>
    %select_n3A_382 = arith.select %lt3A_369, %gather3A_379, %broadcast_in_dim3A_381 : vector<16xi1>, vector<16xi32>
    %gather3A_383 = tpu.vector_load_idx %arg7[%select_n3A_382] masked %lt3A_369 : memref<1024xf32, #tpu.memory_space<vmem>>[vector<16xi32>], vector<16xf32>, vector<16xi1>
    %mul3A_384 = arith.constant 4 : i32
    %mul3A_385 = vector.broadcast %mul3A_384 : i32 to vector<16xi32>
    %mul3A_386 = arith.muli %add3A_366, %mul3A_385 : vector<16xi32>
    %add3A_387 = arith.constant 1 : i32
    %add3A_388 = vector.broadcast %add3A_387 : i32 to vector<16xi32>
    %add3A_389 = arith.addi %add3A_388, %mul3A_386 : vector<16xi32>
    %add3A_390 = arith.constant 2 : i32
    %add3A_391 = vector.broadcast %add3A_390 : i32 to vector<16xi32>
    %add3A_392 = arith.addi %add3A_389, %add3A_391 : vector<16xi32>
    %jit3A_393 = arith.constant 0 : i32
    %broadcast_in_dim3A_394 = vector.broadcast %jit3A_393 : i32 to vector<16xi32>
    %select_n3A_395 = arith.select %lt3A_369, %add3A_392, %broadcast_in_dim3A_394 : vector<16xi1>, vector<16xi32>
    tpu.vector_store_idx %arg14[%select_n3A_395], %gather3A_383 masked %lt3A_369 : memref<128xf32, #tpu.memory_space<vmem>>[vector<16xi32>], vector<16xf32>, vector<16xi1>
    %add3A_396 = arith.constant 16 : i32
    %add3A_397 = vector.broadcast %add3A_396 : i32 to vector<16xi32>
    %add3A_398 = arith.addi %iota3A, %add3A_397 : vector<16xi32>
    %lt3A_399 = arith.constant 31 : i32
    %lt3A_400 = vector.broadcast %lt3A_399 : i32 to vector<16xi32>
    %lt3A_401 = arith.cmpi slt, %add3A_398, %lt3A_400 : vector<16xi32>
    %ge3A_402 = vector.broadcast %add3A : i32 to vector<16xi32>
    %ge3A_403 = arith.cmpi sge, %add3A_398, %ge3A_402 : vector<16xi32>
    %convert_element_type3A_404 = arith.extui %ge3A_403 : vector<16xi1> to vector<16xi32>
    %add3A_405 = arith.addi %add3A_398, %convert_element_type3A_404 : vector<16xi32>
    %min3A_406 = arith.constant 31 : i32
    %min3A_407 = vector.broadcast %min3A_406 : i32 to vector<16xi32>
    %min3A_408 = arith.minsi %add3A_405, %min3A_407 : vector<16xi32>
    %broadcast_in_dim3A_409 = arith.constant 2 : i32
    %broadcast_in_dim3A_410 = vector.broadcast %broadcast_in_dim3A_409 : i32 to vector<16xi32>
    %gather3A_411 = tpu.vector_load_idx %arg11[%broadcast_in_dim3A_410, %min3A_408] masked %lt3A_401 : memref<4x32xi32, #tpu.memory_space<vmem>>[vector<16xi32>, vector<16xi32>], vector<16xi32>, vector<16xi1>
    %jit3A_412 = arith.constant 0 : i32
    %broadcast_in_dim3A_413 = vector.broadcast %jit3A_412 : i32 to vector<16xi32>
    %select_n3A_414 = arith.select %lt3A_401, %gather3A_411, %broadcast_in_dim3A_413 : vector<16xi1>, vector<16xi32>
    %gather3A_415 = tpu.vector_load_idx %arg7[%select_n3A_414] masked %lt3A_401 : memref<1024xf32, #tpu.memory_space<vmem>>[vector<16xi32>], vector<16xf32>, vector<16xi1>
    %mul3A_416 = arith.constant 4 : i32
    %mul3A_417 = vector.broadcast %mul3A_416 : i32 to vector<16xi32>
    %mul3A_418 = arith.muli %add3A_398, %mul3A_417 : vector<16xi32>
    %add3A_419 = arith.constant 1 : i32
    %add3A_420 = vector.broadcast %add3A_419 : i32 to vector<16xi32>
    %add3A_421 = arith.addi %add3A_420, %mul3A_418 : vector<16xi32>
    %add3A_422 = arith.constant 2 : i32
    %add3A_423 = vector.broadcast %add3A_422 : i32 to vector<16xi32>
    %add3A_424 = arith.addi %add3A_421, %add3A_423 : vector<16xi32>
    %jit3A_425 = arith.constant 0 : i32
    %broadcast_in_dim3A_426 = vector.broadcast %jit3A_425 : i32 to vector<16xi32>
    %select_n3A_427 = arith.select %lt3A_401, %add3A_424, %broadcast_in_dim3A_426 : vector<16xi1>, vector<16xi32>
    tpu.vector_store_idx %arg14[%select_n3A_427], %gather3A_415 masked %lt3A_401 : memref<128xf32, #tpu.memory_space<vmem>>[vector<16xi32>], vector<16xf32>, vector<16xi1>
    %add3A_428 = arith.constant 0 : i32
    %add3A_429 = vector.broadcast %add3A_428 : i32 to vector<16xi32>
    %add3A_430 = arith.addi %iota3A, %add3A_429 : vector<16xi32>
    %lt3A_431 = arith.constant 31 : i32
    %lt3A_432 = vector.broadcast %lt3A_431 : i32 to vector<16xi32>
    %lt3A_433 = arith.cmpi slt, %add3A_430, %lt3A_432 : vector<16xi32>
    %ge3A_434 = vector.broadcast %add3A : i32 to vector<16xi32>
    %ge3A_435 = arith.cmpi sge, %add3A_430, %ge3A_434 : vector<16xi32>
    %convert_element_type3A_436 = arith.extui %ge3A_435 : vector<16xi1> to vector<16xi32>
    %add3A_437 = arith.addi %add3A_430, %convert_element_type3A_436 : vector<16xi32>
    %min3A_438 = arith.constant 31 : i32
    %min3A_439 = vector.broadcast %min3A_438 : i32 to vector<16xi32>
    %min3A_440 = arith.minsi %add3A_437, %min3A_439 : vector<16xi32>
    %broadcast_in_dim3A_441 = arith.constant 3 : i32
    %broadcast_in_dim3A_442 = vector.broadcast %broadcast_in_dim3A_441 : i32 to vector<16xi32>
    %gather3A_443 = tpu.vector_load_idx %arg11[%broadcast_in_dim3A_442, %min3A_440] masked %lt3A_433 : memref<4x32xi32, #tpu.memory_space<vmem>>[vector<16xi32>, vector<16xi32>], vector<16xi32>, vector<16xi1>
    %jit3A_444 = arith.constant 0 : i32
    %broadcast_in_dim3A_445 = vector.broadcast %jit3A_444 : i32 to vector<16xi32>
    %select_n3A_446 = arith.select %lt3A_433, %gather3A_443, %broadcast_in_dim3A_445 : vector<16xi1>, vector<16xi32>
    %gather3A_447 = tpu.vector_load_idx %arg7[%select_n3A_446] masked %lt3A_433 : memref<1024xf32, #tpu.memory_space<vmem>>[vector<16xi32>], vector<16xf32>, vector<16xi1>
    %mul3A_448 = arith.constant 4 : i32
    %mul3A_449 = vector.broadcast %mul3A_448 : i32 to vector<16xi32>
    %mul3A_450 = arith.muli %add3A_430, %mul3A_449 : vector<16xi32>
    %add3A_451 = arith.constant 1 : i32
    %add3A_452 = vector.broadcast %add3A_451 : i32 to vector<16xi32>
    %add3A_453 = arith.addi %add3A_452, %mul3A_450 : vector<16xi32>
    %add3A_454 = arith.constant 3 : i32
    %add3A_455 = vector.broadcast %add3A_454 : i32 to vector<16xi32>
    %add3A_456 = arith.addi %add3A_453, %add3A_455 : vector<16xi32>
    %jit3A_457 = arith.constant 0 : i32
    %broadcast_in_dim3A_458 = vector.broadcast %jit3A_457 : i32 to vector<16xi32>
    %select_n3A_459 = arith.select %lt3A_433, %add3A_456, %broadcast_in_dim3A_458 : vector<16xi1>, vector<16xi32>
    tpu.vector_store_idx %arg14[%select_n3A_459], %gather3A_447 masked %lt3A_433 : memref<128xf32, #tpu.memory_space<vmem>>[vector<16xi32>], vector<16xf32>, vector<16xi1>
    %add3A_460 = arith.constant 16 : i32
    %add3A_461 = vector.broadcast %add3A_460 : i32 to vector<16xi32>
    %add3A_462 = arith.addi %iota3A, %add3A_461 : vector<16xi32>
    %lt3A_463 = arith.constant 31 : i32
    %lt3A_464 = vector.broadcast %lt3A_463 : i32 to vector<16xi32>
    %lt3A_465 = arith.cmpi slt, %add3A_462, %lt3A_464 : vector<16xi32>
    %ge3A_466 = vector.broadcast %add3A : i32 to vector<16xi32>
    %ge3A_467 = arith.cmpi sge, %add3A_462, %ge3A_466 : vector<16xi32>
    %convert_element_type3A_468 = arith.extui %ge3A_467 : vector<16xi1> to vector<16xi32>
    %add3A_469 = arith.addi %add3A_462, %convert_element_type3A_468 : vector<16xi32>
    %min3A_470 = arith.constant 31 : i32
    %min3A_471 = vector.broadcast %min3A_470 : i32 to vector<16xi32>
    %min3A_472 = arith.minsi %add3A_469, %min3A_471 : vector<16xi32>
    %broadcast_in_dim3A_473 = arith.constant 3 : i32
    %broadcast_in_dim3A_474 = vector.broadcast %broadcast_in_dim3A_473 : i32 to vector<16xi32>
    %gather3A_475 = tpu.vector_load_idx %arg11[%broadcast_in_dim3A_474, %min3A_472] masked %lt3A_465 : memref<4x32xi32, #tpu.memory_space<vmem>>[vector<16xi32>, vector<16xi32>], vector<16xi32>, vector<16xi1>
    %jit3A_476 = arith.constant 0 : i32
    %broadcast_in_dim3A_477 = vector.broadcast %jit3A_476 : i32 to vector<16xi32>
    %select_n3A_478 = arith.select %lt3A_465, %gather3A_475, %broadcast_in_dim3A_477 : vector<16xi1>, vector<16xi32>
    %gather3A_479 = tpu.vector_load_idx %arg7[%select_n3A_478] masked %lt3A_465 : memref<1024xf32, #tpu.memory_space<vmem>>[vector<16xi32>], vector<16xf32>, vector<16xi1>
    %mul3A_480 = arith.constant 4 : i32
    %mul3A_481 = vector.broadcast %mul3A_480 : i32 to vector<16xi32>
    %mul3A_482 = arith.muli %add3A_462, %mul3A_481 : vector<16xi32>
    %add3A_483 = arith.constant 1 : i32
    %add3A_484 = vector.broadcast %add3A_483 : i32 to vector<16xi32>
    %add3A_485 = arith.addi %add3A_484, %mul3A_482 : vector<16xi32>
    %add3A_486 = arith.constant 3 : i32
    %add3A_487 = vector.broadcast %add3A_486 : i32 to vector<16xi32>
    %add3A_488 = arith.addi %add3A_485, %add3A_487 : vector<16xi32>
    %jit3A_489 = arith.constant 0 : i32
    %broadcast_in_dim3A_490 = vector.broadcast %jit3A_489 : i32 to vector<16xi32>
    %select_n3A_491 = arith.select %lt3A_465, %add3A_488, %broadcast_in_dim3A_490 : vector<16xi1>, vector<16xi32>
    tpu.vector_store_idx %arg14[%select_n3A_491], %gather3A_479 masked %lt3A_465 : memref<128xf32, #tpu.memory_space<vmem>>[vector<16xi32>], vector<16xf32>, vector<16xi1>
    %mul3A_492 = arith.constant 32 : i32
    %mul3A_493 = arith.muli %add3A, %mul3A_492 : i32
    %get3A_494 = arith.index_cast %mul3A_493 : i32 to index
    %get3A_495 = tpu.vector_load %arg7[%get3A_494] {strides = array<i32>} : memref<1024xf32, #tpu.memory_space<vmem>>, vector<16xf32>,
    %mul3A_496 = arith.constant 32 : i32
    %mul3A_497 = arith.muli %add3A, %mul3A_496 : i32
    %add3A_498 = arith.constant 16 : i32
    %add3A_499 = arith.addi %mul3A_497, %add3A_498 : i32
    %get3A_500 = arith.index_cast %add3A_499 : i32 to index
    %get3A_501 = tpu.vector_load %arg7[%get3A_500] {strides = array<i32>} : memref<1024xf32, #tpu.memory_space<vmem>>, vector<16xf32>,
    %reduce_max3A = arith.constant true
    %reduce_max3A_502 = vector.broadcast %reduce_max3A : i1 to vector<16xi1>
    %reduce_max3A_503 = tpu.scan <max>, %get3A_495 masked %reduce_max3A_502 : vector<16xf32>, vector<16xi1> -> vector<16xf32>
    %reduce_max3A_504 = vector.extract %reduce_max3A_503[15] : f32 from vector<16xf32>
    %reduce_max3A_505 = arith.constant true
    %reduce_max3A_506 = vector.broadcast %reduce_max3A_505 : i1 to vector<16xi1>
    %reduce_max3A_507 = tpu.scan <max>, %get3A_501 masked %reduce_max3A_506 : vector<16xf32>, vector<16xi1> -> vector<16xf32>
    %reduce_max3A_508 = vector.extract %reduce_max3A_507[15] : f32 from vector<16xf32>
    %max3A = arith.maximumf %reduce_max3A_504, %reduce_max3A_508 : f32
    %get3A_509 = arith.constant 0 : index
    %get3A_510 = tpu.vector_load %arg14[%get3A_509] {strides = array<i32>} : memref<128xf32, #tpu.memory_space<vmem>>, vector<16xf32>,
    %eq3A_511 = arith.constant 0 : i32
    %eq3A_512 = vector.broadcast %eq3A_511 : i32 to vector<16xi32>
    %eq3A_513 = arith.cmpi eq, %iota3A, %eq3A_512 : vector<16xi32>
    %broadcast_in_dim3A_514 = vector.broadcast %max3A : f32 to vector<16xf32>
    %select_n3A_515 = arith.select %eq3A_513, %broadcast_in_dim3A_514, %get3A_510 : vector<16xi1>, vector<16xf32>
    %swap3A_516 = arith.constant 0 : index
    %swap3A_517 = tpu.vector_load %arg14[%swap3A_516] {strides = array<i32>} : memref<128xf32, #tpu.memory_space<vmem>>, vector<16xf32>,
    tpu.vector_store %arg14[%swap3A_516], %select_n3A_515 {strides = array<i32>} : memref<128xf32, #tpu.memory_space<vmem>>, vector<16xf32>,
    "tpu.region"() ({
      %run_scoped3A = tpu.sem_alloc : memref<!tpu.dma_semaphore, #tpu.memory_space<semaphore_mem>>
      %dma_start3A_518 = arith.constant 0 : i32
      %dma_start3A_519 = tpu.memref_slice %arg6[%add3A, %dma_start3A_518] : memref<32x128xf32, #tpu.memory_space<hbm>> -> memref<1x128xf32, #tpu.memory_space<hbm>>
      %dma_start3A_520 = tpu.memref_squeeze %dma_start3A_519 : memref<1x128xf32, #tpu.memory_space<hbm>> -> memref<128xf32, #tpu.memory_space<hbm>>
      %dma_start3A_521 = arith.constant 0 : i32
      %dma_start3A_522 = tpu.memref_slice %arg6[%add3A, %dma_start3A_521] : memref<32x128xf32, #tpu.memory_space<hbm>> -> memref<1x128xf32, #tpu.memory_space<hbm>>
      %dma_start3A_523 = tpu.memref_squeeze %dma_start3A_522 : memref<1x128xf32, #tpu.memory_space<hbm>> -> memref<128xf32, #tpu.memory_space<hbm>>
      tpu.enqueue_dma source(%arg14 : memref<128xf32, #tpu.memory_space<vmem>>) target(%dma_start3A_523 : memref<128xf32, #tpu.memory_space<hbm>>) target_semaphore(%run_scoped3A : memref<!tpu.dma_semaphore, #tpu.memory_space<semaphore_mem>>)
      %dma_wait3A_524 = arith.constant 0 : i32
      %dma_wait3A_525 = tpu.memref_slice %arg6[%add3A, %dma_wait3A_524] : memref<32x128xf32, #tpu.memory_space<hbm>> -> memref<1x128xf32, #tpu.memory_space<hbm>>
      %dma_wait3A_526 = tpu.memref_squeeze %dma_wait3A_525 : memref<1x128xf32, #tpu.memory_space<hbm>> -> memref<128xf32, #tpu.memory_space<hbm>>
      %dma_wait3A_527 = arith.constant 0 : i32
      %dma_wait3A_528 = tpu.memref_slice %arg6[%add3A, %dma_wait3A_527] : memref<32x128xf32, #tpu.memory_space<hbm>> -> memref<1x128xf32, #tpu.memory_space<hbm>>
      %dma_wait3A_529 = tpu.memref_squeeze %dma_wait3A_528 : memref<1x128xf32, #tpu.memory_space<hbm>> -> memref<128xf32, #tpu.memory_space<hbm>>
      tpu.wait_dma2 semaphore(%run_scoped3A : memref<!tpu.dma_semaphore, #tpu.memory_space<semaphore_mem>>) src(%arg14 : memref<128xf32, #tpu.memory_space<vmem>>) dst(%dma_wait3A_529 : memref<128xf32, #tpu.memory_space<hbm>>)
      tpu.yield
    }) : () -> ()
    return
  }
}

module attributes {stable_mosaic.version = 14 : i64} {
  func.func @_loss_body(%arg0: memref<32x128xf32, #tpu.memory_space<vmem>>, %arg1: memref<1x1xf32, #tpu.memory_space<vmem>>) attributes {dimension_semantics = [], scalar_prefetch = 0 : i64, scratch_operands = 0 : i64, tpu.core_type = #tpu.core_type<tc>} {
    %get3A = arith.constant 0 : index
    %get3A_0 = arith.constant 0 : index
    %get3A_1 = vector.load %arg0[%get3A, %get3A_0] : memref<32x128xf32, #tpu.memory_space<vmem>>, vector<32x128xf32>
    %reduce_max3A = arith.constant dense<0xFF800000> : vector<32xf32>
    %reduce_max3A_2 = vector.multi_reduction <maximumf>, %get3A_1, %reduce_max3A [1] : vector<32x128xf32> to vector<32xf32>
    %broadcast_in_dim3A = vector.shape_cast %reduce_max3A_2 : vector<32xf32> to vector<32x1xf32>
    %sub3A = vector.broadcast %broadcast_in_dim3A : vector<32x1xf32> to vector<32x128xf32>
    %sub3A_3 = arith.subf %get3A_1, %sub3A : vector<32x128xf32>
    %exp3A = math.exp %sub3A_3 : vector<32x128xf32>
    %reduce_sum3A = arith.constant dense<0.000000e+00> : vector<32xf32>
    %reduce_sum3A_4 = vector.multi_reduction <add>, %exp3A, %reduce_sum3A [1] : vector<32x128xf32> to vector<32xf32>
    %broadcast_in_dim3A_5 = vector.shape_cast %reduce_sum3A_4 : vector<32xf32> to vector<32x1xf32>
    %log3A = math.log %broadcast_in_dim3A_5 : vector<32x1xf32>
    %add3A = arith.addf %broadcast_in_dim3A, %log3A : vector<32x1xf32>
    %slice3A = vector.extract_strided_slice %get3A_1 {offsets = [0, 0], sizes = [32, 1], strides = [1, 1]} : vector<32x128xf32> to vector<32x1xf32>
    %sub3A_6 = arith.subf %slice3A, %add3A : vector<32x1xf32>
    %reduce_sum3A_7 = vector.shape_cast %sub3A_6 : vector<32x1xf32> to vector<1x32x1xf32>
    %reduce_sum3A_8 = arith.constant dense<0.000000e+00> : vector<1xf32>
    %reduce_sum3A_9 = vector.multi_reduction <add>, %reduce_sum3A_7, %reduce_sum3A_8 [1, 2] : vector<1x32x1xf32> to vector<1xf32>
    %reduce_sum3A_10 = vector.shape_cast %reduce_sum3A_9 : vector<1xf32> to vector<1x1x1xf32>
    %reduce_sum3A_11 = vector.extract %reduce_sum3A_10[0, 0, 0] : f32 from vector<1x1x1xf32>
    %div3A = arith.constant 3.200000e+01 : f32
    %div3A_12 = arith.divf %reduce_sum3A_11, %div3A : f32
    %neg3A = arith.constant 0.000000e+00 : f32
    %neg3A_13 = arith.subf %neg3A, %div3A_12 : f32
    %broadcast_in_dim3A_14 = vector.broadcast %neg3A_13 : f32 to vector<1x1xf32>
    %swap3A = arith.constant 0 : index
    %swap3A_15 = arith.constant 0 : index
    %swap3A_16 = vector.load %arg1[%swap3A, %swap3A_15] : memref<1x1xf32, #tpu.memory_space<vmem>>, vector<1x1xf32>
    tpu.vector_store %arg1[%swap3A, %swap3A_15], %broadcast_in_dim3A_14 {strides = array<i32>} : memref<1x1xf32, #tpu.memory_space<vmem>>, vector<1x1xf32>,
    return
  }
}

module attributes {stable_mosaic.version = 14 : i64} {
  func.func @_prep_body(%arg0: memref<1024x256xf32, #tpu.memory_space<vmem>>, %arg1: memref<32x256xf32, #tpu.memory_space<vmem>>, %arg2: memref<1024x1024xf32, #tpu.memory_space<vmem>>, %arg3: memref<32x1024xf32, #tpu.memory_space<vmem>>, %arg4: memref<32x1024xf32, #tpu.memory_space<vmem>>, %arg5: memref<32x32xi32, #tpu.memory_space<vmem>>) attributes {dimension_semantics = [], scalar_prefetch = 0 : i64, scratch_operands = 0 : i64, tpu.core_type = #tpu.core_type<tc>} {
    %get3A = arith.constant 0 : index
    %get3A_0 = arith.constant 0 : index
    %get3A_1 = vector.load %arg0[%get3A, %get3A_0] : memref<1024x256xf32, #tpu.memory_space<vmem>>, vector<1024x256xf32>
    %get3A_2 = arith.constant 0 : index
    %get3A_3 = arith.constant 0 : index
    %get3A_4 = vector.load %arg1[%get3A_2, %get3A_3] : memref<32x256xf32, #tpu.memory_space<vmem>>, vector<32x256xf32>
    %mul3A = arith.mulf %get3A_1, %get3A_1 : vector<1024x256xf32>
    %reduce_sum3A = arith.constant dense<0.000000e+00> : vector<1024xf32>
    %reduce_sum3A_5 = vector.multi_reduction <add>, %mul3A, %reduce_sum3A [1] : vector<1024x256xf32> to vector<1024xf32>
    %broadcast_in_dim3A = vector.shape_cast %reduce_sum3A_5 : vector<1024xf32> to vector<1024x1xf32>
    %sqrt3A = math.sqrt %broadcast_in_dim3A : vector<1024x1xf32>
    %max3A = arith.constant 9.99999996E-13 : f32
    %max3A_6 = vector.broadcast %max3A : f32 to vector<1024x1xf32>
    %max3A_7 = arith.maximumf %sqrt3A, %max3A_6 : vector<1024x1xf32>
    %div3A = vector.broadcast %max3A_7 : vector<1024x1xf32> to vector<1024x256xf32>
    %div3A_8 = arith.divf %get3A_1, %div3A : vector<1024x256xf32>
    %mul3A_9 = arith.constant 8.193000e+03 : f32
    %mul3A_10 = vector.broadcast %mul3A_9 : f32 to vector<1024x256xf32>
    %mul3A_11 = arith.mulf %div3A_8, %mul3A_10 : vector<1024x256xf32>
    %sub3A = arith.subf %mul3A_11, %div3A_8 : vector<1024x256xf32>
    %sub3A_12 = arith.subf %mul3A_11, %sub3A : vector<1024x256xf32>
    %add3A = arith.constant 7.500000e-01 : f32
    %add3A_13 = vector.broadcast %add3A : f32 to vector<1024x256xf32>
    %add3A_14 = arith.addf %div3A_8, %add3A_13 : vector<1024x256xf32>
    %sub3A_15 = arith.constant 7.500000e-01 : f32
    %sub3A_16 = vector.broadcast %sub3A_15 : f32 to vector<1024x256xf32>
    %sub3A_17 = arith.subf %add3A_14, %sub3A_16 : vector<1024x256xf32>
    %abs3A = math.absf %div3A_8 : vector<1024x256xf32>
    %ge3A = arith.constant 6.10351563E-5 : f32
    %ge3A_18 = vector.broadcast %ge3A : f32 to vector<1024x256xf32>
    %ge3A_19 = arith.cmpf oge, %abs3A, %ge3A_18 : vector<1024x256xf32>
    %select_n3A = arith.select %ge3A_19, %sub3A_12, %sub3A_17 : vector<1024x256xi1>, vector<1024x256xf32>
    %dot_general3A = arith.constant dense<0.000000e+00> : vector<1024x1024xf32>
    %dot_general3A_20 = tpu.matmul %select_n3A, %select_n3A, %dot_general3A {dimension_numbers = #tpu.dot_dimension_numbers<[1], [1], [0], [0], [0, 0, 1, 0], [], []>, transpose_lhs_hint = false} : vector<1024x256xf32>, vector<1024x256xf32>, vector<1024x1024xf32> -> vector<1024x1024xf32>
    %mul3A_21 = arith.constant 8.193000e+03 : f32
    %mul3A_22 = vector.broadcast %mul3A_21 : f32 to vector<1024x1024xf32>
    %mul3A_23 = arith.mulf %dot_general3A_20, %mul3A_22 : vector<1024x1024xf32>
    %sub3A_24 = arith.subf %mul3A_23, %dot_general3A_20 : vector<1024x1024xf32>
    %sub3A_25 = arith.subf %mul3A_23, %sub3A_24 : vector<1024x1024xf32>
    %swap3A = arith.constant 0 : index
    %swap3A_26 = arith.constant 0 : index
    %swap3A_27 = vector.load %arg2[%swap3A, %swap3A_26] : memref<1024x1024xf32, #tpu.memory_space<vmem>>, vector<1024x1024xf32>
    tpu.vector_store %arg2[%swap3A, %swap3A_26], %sub3A_25 {strides = array<i32>} : memref<1024x1024xf32, #tpu.memory_space<vmem>>, vector<1024x1024xf32>,
    %dot_general3A_28 = arith.constant dense<0.000000e+00> : vector<32x1024xf32>
    %dot_general3A_29 = tpu.matmul %get3A_4, %get3A_1, %dot_general3A_28 {dimension_numbers = #tpu.dot_dimension_numbers<[1], [1], [0], [0], [0, 0, 1, 0], [], []>, transpose_lhs_hint = false} : vector<32x256xf32>, vector<1024x256xf32>, vector<32x1024xf32> -> vector<32x1024xf32>
    %swap3A_30 = arith.constant 0 : index
    %swap3A_31 = arith.constant 0 : index
    %swap3A_32 = vector.load %arg3[%swap3A_30, %swap3A_31] : memref<32x1024xf32, #tpu.memory_space<vmem>>, vector<32x1024xf32>
    tpu.vector_store %arg3[%swap3A_30, %swap3A_31], %dot_general3A_29 {strides = array<i32>} : memref<32x1024xf32, #tpu.memory_space<vmem>>, vector<32x1024xf32>,
    %reshape3A = vector.shape_cast %dot_general3A_29 : vector<32x1024xf32> to vector<32x32x32xf32>
    %reduce_min3A = arith.constant dense<0x7F800000> : vector<32x32xf32>
    %reduce_min3A_33 = vector.multi_reduction <minimumf>, %reshape3A, %reduce_min3A [2] : vector<32x32x32xf32> to vector<32x32xf32>
    %broadcast_in_dim3A_34 = vector.shape_cast %reduce_min3A_33 : vector<32x32xf32> to vector<32x32x1xf32>
    %reduce_max3A = arith.constant dense<0xFF800000> : vector<32x32xf32>
    %reduce_max3A_35 = vector.multi_reduction <maximumf>, %reshape3A, %reduce_max3A [2] : vector<32x32x32xf32> to vector<32x32xf32>
    %broadcast_in_dim3A_36 = vector.shape_cast %reduce_max3A_35 : vector<32x32xf32> to vector<32x32x1xf32>
    %sub3A_37 = vector.broadcast %broadcast_in_dim3A_34 : vector<32x32x1xf32> to vector<32x32x32xf32>
    %sub3A_38 = arith.subf %reshape3A, %sub3A_37 : vector<32x32x32xf32>
    %sub3A_39 = arith.subf %broadcast_in_dim3A_36, %broadcast_in_dim3A_34 : vector<32x32x1xf32>
    %div3A_40 = vector.broadcast %sub3A_39 : vector<32x32x1xf32> to vector<32x32x32xf32>
    %div3A_41 = arith.divf %sub3A_38, %div3A_40 : vector<32x32x32xf32>
    %reshape3A_42 = vector.shape_cast %div3A_41 : vector<32x32x32xf32> to vector<32x1024xf32>
    %swap3A_43 = arith.constant 0 : index
    %swap3A_44 = arith.constant 0 : index
    %swap3A_45 = vector.load %arg4[%swap3A_43, %swap3A_44] : memref<32x1024xf32, #tpu.memory_space<vmem>>, vector<32x1024xf32>
    tpu.vector_store %arg4[%swap3A_43, %swap3A_44], %reshape3A_42 {strides = array<i32>} : memref<32x1024xf32, #tpu.memory_space<vmem>>, vector<32x1024xf32>,
    %iota3A = tpu.iota {dimensions = array<i32: 2>} : vector<32x32x32xi32>
    %eq3A = vector.broadcast %broadcast_in_dim3A_36 : vector<32x32x1xf32> to vector<32x32x32xf32>
    %eq3A_46 = arith.cmpf oeq, %reshape3A, %eq3A : vector<32x32x32xf32>
    %jit3A = arith.constant 9999 : i32
    %broadcast_in_dim3A_47 = vector.broadcast %jit3A : i32 to vector<32x32x32xi32>
    %select_n3A_48 = arith.select %eq3A_46, %iota3A, %broadcast_in_dim3A_47 : vector<32x32x32xi1>, vector<32x32x32xi32>
    %reduce_min3A_49 = arith.constant dense<2147483647> : vector<32x32xi32>
    %reduce_min3A_50 = vector.multi_reduction <minsi>, %select_n3A_48, %reduce_min3A_49 [2] : vector<32x32x32xi32> to vector<32x32xi32>
    %iota3A_51 = tpu.iota {dimensions = array<i32: 1>} : vector<32x32xi32>
    %mul3A_52 = arith.constant 32 : i32
    %mul3A_53 = vector.broadcast %mul3A_52 : i32 to vector<32x32xi32>
    %mul3A_54 = arith.muli %iota3A_51, %mul3A_53 : vector<32x32xi32>
    %add3A_55 = arith.addi %reduce_min3A_50, %mul3A_54 : vector<32x32xi32>
    %swap3A_56 = arith.constant 0 : index
    %swap3A_57 = arith.constant 0 : index
    %swap3A_58 = vector.load %arg5[%swap3A_56, %swap3A_57] : memref<32x32xi32, #tpu.memory_space<vmem>>, vector<32x32xi32>
    tpu.vector_store %arg5[%swap3A_56, %swap3A_57], %add3A_55 {strides = array<i32>} : memref<32x32xi32, #tpu.memory_space<vmem>>, vector<32x32xi32>,
    return
  }
}

</mosaic_0001>

<sc_bundles>
// kernel: kernel.5.cloned.1.call-start
scs
__scs_entry_jumppad:
0x0: {  	(pc) =	sbr.rel $0x88, $3  }
0x1: {  	(tag) =	ssettag $0x0;
	lr =	simm.s32 $0x1  }
0x2: {  	[smem:$0x3F9F] =	sst lr;
	_ =	strace $0xD0000000  }
0x3: {  	_ = 	snop  }
0x4: {  	_ = 	snop  }
0x5: {  	_ = 	snop  }
0x6: {  	_ = 	snop  }
0x7: {  	_ = 	snop  }
__scs_overlays_trampoline_lowered:
0x8: {  	[smem:$0x3FAE] =	sst s0  }
0x9: {  	[smem:$0x3FAF] =	sst s1  }
0xa: {  	[smem:$0x3FB0] =	sst s2  }
0xb: {  	[smem:$0x3FB1] =	sst s3  }
0xc: {  	[smem:$0x3FB2] =	sst s4  }
0xd: {  	[smem:$0x3FB3] =	sst s5  }
0xe: {  	[smem:$0x3FB4] =	sst s6  }
0xf: {  	[smem:$0x3FB5] =	sst s7  }
0x10: {  	[smem:$0x3FB6] =	sst s8  }
0x11: {  	[smem:$0x3FB7] =	sst s9;
	s0 =	simm.s32 @!p0 $0x0  }
0x12: {  	s1 =	sld [smem:$0x3F9D];
	s0 =	simm.s32 @p0 $0x1  }
0x13: {  	[smem:$0x3FB8] =	sst s0;
	s0 =	simm.s32 @!p1 $0x0  }
0x14: {  	s2 =	sld [smem:$0x3F9C];
	s0 =	simm.s32 @p1 $0x1  }
0x15: {  	[smem:$0x3FB9] =	sst s0;
	s0 =	simm.s32 @!p2 $0x0  }
0x16: {  	s3 =	sld [smem:$0x3FDB];
	s0 =	simm.s32 @p2 $0x1  }
0x17: {  	s4 =	simm.s32 $0x1BF5;
	[smem:$0x3FBB] =	sst s0  }
0x18: {  	s0 =	sld [smem:$0x3F9E];
	_ =	swait.ge [sflag:s4], $0x0  }
0x19: {  	s7 =	sld [smem:$0x3F9F]  }
0x1a: {  	s8 =	sadd.s32 $0xFFFFE003, lr  }
0x1b: {  	s9 =	sadd.s32 $0xFFFFFEF7, lr;
	s5 =	simm.s32 $0xFFFFFFFF;
	p2 =	slt.u32 s8, $0xFFFFF086  }
0x1c: {  	p1 =	slt.u32 s9, $0xF7A;
	s5 =	simm.s32 @!p2 $0x0  }
0x1d: {  	s5 =	simm.s32 @p1 $0x1;
	p0 =	seq.s32 s7, s2  }
0x1e: {  	s7 =	smul.u32 @!p0 $0xF7A, s2;
	p2 =	seq.s32 @!p0 s5, $0x0  }
0x1f: {  	s9 =	smul.u32 $0xF7A, s1;
	s8 =	simm.s32 @!p0 $0x1BF5;
	p2 =	por !p2, p0  }
0x20: {  	[sflag:s8] =	ssyncset.s32 @!p0 $0xFFFFF086;
	s6 =	sadd.s32 @!p0 s3, s7;
	s7 =	simm.s32 @!p0 $0x108  }
0x21: {  	s3 =	sadd.s32 s3, s9;
	s6 =	sadd.s32 @!p0 $0x88, s6;
	s7 =	simm.s32 @p2 $0x1082  }
0x22: {  	[simem:s7], [sflag:s8] =	dma.local @!p0 [hbm:s6], $0xF7A  }
0x23: {  	s9 =	sor.u32 $0xD0000000, s2;
	s6 =	simm.s32 $0x108;
	_ =	swait.ge @!p0 [sflag:s8], $0x0  }
0x24: {  	s3 =	sadd.s32 $0x88, s3;
	s6 =	simm.s32 @!p1 $0x1082;
	[sflag:s4] =	ssyncset.s32 $0xFFFFF086  }
0x25: {  	[simem:s6], [sflag:s4] =	dma.local [hbm:s3], $0xF7A  }
0x26: {  	[smem:$0x3F9F] =	sst s1;
	(tag) =	ssettag s2;
	_ =	strace s9  }
0x27: {  	s1 =	sld [smem:$0x3FAF]  }
0x28: {  	s2 =	sld [smem:$0x3FB0]  }
0x29: {  	s4 =	sld [smem:$0x3FB2]  }
0x2a: {  	p0 =	seq.s32 s5, $0x0;
	s5 =	sld [smem:$0x3FB3]  }
0x2b: {  	s6 =	sld [smem:$0x3FB4]  }
0x2c: {  	s7 =	sld [smem:$0x3FB5]  }
0x2d: {  	s3 =	simm.s32 $0x108;
	s8 =	sld [smem:$0x3FB6]  }
0x2e: {  	s3 =	simm.s32 @!p0 $0x1082;
	s9 =	sld [smem:$0x3FB7]  }
0x2f: {  	lr =	sadd.s32 s0, s3;
	s0 =	sld [smem:$0x3FAE]  }
0x30: {  	s3 =	sld [smem:$0x3FB1]  }
0x31: {  	[smem:$0x3FBA] =	sst s10  }
0x32: {  	s10 =	sld [smem:$0x3FB8];
	_ =	sdelay $0x3  }
0x33: {  	p0 =	seq.s32 s10, $0x1;
	s10 =	sld [smem:$0x3FBA];
	_ =	sdelay $0x3  }
0x34: {  	[smem:$0x3FBA] =	sst s10  }
0x35: {  	s10 =	sld [smem:$0x3FB9];
	_ =	sdelay $0x3  }
0x36: {  	p1 =	seq.s32 s10, $0x1;
	s10 =	sld [smem:$0x3FBA];
	_ =	sdelay $0x3  }
0x37: {  	[smem:$0x3FBA] =	sst s10  }
0x38: {  	s10 =	sld [smem:$0x3FBB]  }
0x39: {  	_ = 	snop;
	(pc) =	sbr.ind lr, $3  }
0x3a: {  	_ = 	snop  }
0x3b: {  	_ = 	snop  }
0x3c: {  	p2 =	seq.s32 s10, $0x1;
	s10 =	sld [smem:$0x3FBA]  }
0x3d: {  	_ =	shalt  }
0x3e: {  	_ =	shalt  }
0x3f: {  	_ =	shalt  }
0x40: {  	_ =	shalt  }
0x41: {  	_ =	shalt  }
0x42: {  	_ =	shalt  }
0x43: {  	_ =	shalt  }
0x44: {  	_ =	shalt  }
0x45: {  	_ =	shalt  }
0x46: {  	_ =	shalt  }
0x47: {  	_ =	shalt  }
0x48: {  	_ =	shalt  }
0x49: {  	_ =	shalt  }
0x4a: {  	_ =	shalt  }
0x4b: {  	_ =	shalt  }
0x4c: {  	_ =	shalt  }
0x4d: {  	_ =	shalt  }
0x4e: {  	_ =	shalt  }
0x4f: {  	_ =	shalt  }
0x50: {  	_ =	shalt  }
0x51: {  	_ =	shalt  }
0x52: {  	_ =	shalt  }
0x53: {  	_ =	shalt  }
0x54: {  	_ =	shalt  }
0x55: {  	_ =	shalt  }
0x56: {  	_ =	shalt  }
0x57: {  	_ =	shalt  }
0x58: {  	_ =	shalt  }
0x59: {  	_ =	shalt  }
0x5a: {  	_ =	shalt  }
0x5b: {  	_ =	shalt  }
0x5c: {  	_ =	shalt  }
0x5d: {  	_ =	shalt  }
0x5e: {  	_ =	shalt  }
0x5f: {  	_ =	shalt  }
0x60: {  	_ =	shalt  }
0x61: {  	_ =	shalt  }
0x62: {  	_ =	shalt  }
0x63: {  	_ =	shalt  }
0x64: {  	_ =	shalt  }
0x65: {  	_ =	shalt  }
0x66: {  	_ =	shalt  }
0x67: {  	_ =	shalt  }
0x68: {  	_ =	shalt  }
0x69: {  	_ =	shalt  }
0x6a: {  	_ =	shalt  }
0x6b: {  	_ =	shalt  }
0x6c: {  	_ =	shalt  }
0x6d: {  	_ =	shalt  }
0x6e: {  	_ =	shalt  }
0x6f: {  	_ =	shalt  }
0x70: {  	_ =	shalt  }
0x71: {  	_ =	shalt  }
0x72: {  	_ =	shalt  }
0x73: {  	_ =	shalt  }
0x74: {  	_ =	shalt  }
0x75: {  	_ =	shalt  }
0x76: {  	_ =	shalt  }
0x77: {  	_ =	shalt  }
0x78: {  	_ =	shalt  }
0x79: {  	_ =	shalt  }
0x7a: {  	_ =	shalt  }
0x7b: {  	_ =	shalt  }
0x7c: {  	_ =	shalt  }
0x7d: {  	_ =	shalt  }
0x7e: {  	_ =	shalt  }
0x7f: {  	_ =	shalt  }
0x80: {  	_ =	shalt  }
0x81: {  	_ =	shalt  }
0x82: {  	_ =	shalt  }
0x83: {  	_ =	shalt  }
0x84: {  	_ =	shalt  }
0x85: {  	_ =	shalt  }
0x86: {  	_ =	shalt  }
0x87: {  	_ =	shalt  }
.Lfunc_end0:
.L_simem_size_0:
called_computation_lowered:
.L_overlay_start_0:
0x88: {  	s2 =	sld [smem:$0x3FD9]  }
0x89: {  	s3 =	sld [smem:$0x3FFE];
	_ =	sdelay $0x1  }
0x8a: {  	s1 =	srdreg.scid  }
0x8b: {  	s0 =	sand.u32 $0x1, s1  }
0x8c: {  	s16 =	sshll.u32 s0, $0xA;
	s2 =	sadd.s32 s3, s2  }
0x8d: {  	s2 =	sadd.s32 s2, s16  }
0x8e: {  	[smem:$0x3FC6] =	sst s2  }
0x8f: {  	_ = 	snop  }
0x90: {  	(tm) =	ssettm $0x1  }
0x91: {  	s17 =	sld [smem:$0x3FFB];
	_ =	sdelay $0x3  }
0x92: {  	_ =	strace s17  }
0x93: {  	s2 =	sld [smem:$0x3FFC];
	_ =	sdelay $0x3  }
0x94: {  	_ =	strace s2  }
0x95: {  	s2 =	sld [smem:$0x3FFD];
	_ =	sdelay $0x3  }
0x96: {  	_ =	strace s2  }
0x97: {  	_ =	strace $0x8FFFFFFF  }
0x98: {  	s18 =	sld [smem:$0x3FDB];
	_ =	sdelay $0x1  }
0x99: {  	s19 =	simm.s32 $_scs_section_size  }
0x9a: {  	s4 =	simm.s32 $_size__tile_overlayer_lowered;
	s5 =	simm.s32 $_tile_overlayer_lowered  }
0x9b: {  	s22 =	simm.s32 $0x1BFF;
	s21 =	sshll.u32 s5, $0x1;
	s2 =	sadd.s32 s19, s18  }
0x9c: {  	s6 =	simm.s32 $0x0;
	s20 =	sshll.u32 s4, $0x1;
	s4 =	sadd.s32 s21, s2  }
0x9d: {  	[timem:s6], [sflag:s22] =	dma.local [hbm:s4], s20  }
0x9e: {  	_ =	swait.ge [sflag:s22], s20  }
0x9f: {  	s3 =	ssub.s32 $0x0, s20;
	[sflag:s22] =	ssyncset.done $0x0  }
0xa0: {  	[sflag:s22] =	ssyncadd.s32 s3;
	_ =	sdelay $0x1  }
0xa1: {  	s23 =	simm.s32 $0x1B8B  }
0xa2: {  	_ =	swait.ge [sflag:s23], $0x1  }
0xa3: {  	[sflag:s23] =	ssyncset.done $0x0  }
0xa4: {  	s25 =	simm.s32 $0x1B8E;
	s24 =	sld [smem:$0x3FFE];
	[sflag:s23] =	ssyncadd.s32 $0xFFFFFFFF  }
0xa5: {  	s26 =	simm.s32 $execute0_lowered;
	[smem:$0x3FD2] =	sst s25  }
0xa6: {  	s4 =	sshll.u32 s26, $0x1;
	_ =	strace $0x80000046;
	[dreg:$0x1] =	wrdreg $0xFFFFFFFF  }
0xa7: {  	s28 =	simm.s32 $_size_execute0_lowered;
	s2 =	sadd.s32 s2, s4;
	[dreg:$0x0] =	wrdreg $0x0  }
0xa8: {  	s4 =	sshll.u32 s28, $0x1;
	[dreg:$0x2] =	wrdreg s2  }
0xa9: {  	[dreg:$0x3] =	wrdreg s4  }
0xaa: {  	[dreg:$0x4] =	wrdreg $0xC0  }
0xab: {  	_ =	task [dreg:s6], $0x5FFFF  }
0xac: {  	[dreg:$0x1] =	wrdreg $0xFFFFFFFF  }
0xad: {  	[dreg:$0x0] =	wrdreg $0x60  }
0xae: {  	[dreg:$0x2] =	wrdreg s24  }
0xaf: {  	[dreg:$0x3] =	wrdreg $0x9  }
0xb0: {  	_ =	task.clear_ibuf [dreg:s6], $0x4FFFF;
	_ =	strace $0x90000046  }
0xb1: {  	s29 =	simm.s32 $0x9;
	_ =	strace $0x80000048  }
0xb2: {  	_ =	swait.ge [sflag:s29], $0x1  }
0xb3: {  	[sflag:s29] =	ssyncadd.s32 $0xFFFFFFFF  }
0xb4: {  	_ =	strace $0x90000048  }
0xb5: {  	_ =	sfence  }
0xb6: {  	s30 =	sld [smem:$0x0];
	_ =	sdelay $0x2  }
0xb7: {  	s31 =	sshll.u32 s1, $0xD;
	s1 =	sshrl.u32 s1, $0x2  }
0xb8: {  	s3 =	sand.u32 $0x4000, s31;
	s1 =	sadd.s32 s1, s30  }
0xb9: {  	s0 =	sor.u32 s3, s0;
	s1 =	sshll.u32 s1, $0x11  }
0xba: {  	s0 =	sor.u32 s1, s0  }
0xbb: {  	s0 =	sadd.s32 $0x8F2B, s0  }
0xbc: {  	[sflag:s0] =	ssyncadd.remote.s32 $0x1  }
0xbd: {  	_ =	sfence.sel $0xFFFF  }
0xbe: {  	[dreg:$0x0] =	wrdreg $0xFFFFFFFF;
	(pc) =	sbr.abs _section_cstart, $3  }
0xbf: {  	[dreg:$0x1] =	wrdreg $0xFFFFFFFF  }
0xc0: {  	_ =	task.clear_ibuf [dreg:s6], $0x2FFFF;
	_ =	strace $0x9FFFFFFF  }
0xc1: {  	(tm) =	ssettm $0x7FFFFFFF  }
tec
execute0_lowered:
.L_overlay_start_1:
0x0: {  	(tag) =	ssettag $0x1  }
0x1: {  	v0 =	vimm.s32 $0x1C1B1A19;
	v2 =	vimm.s32 $0x14131211  }
0x2: {  	v3 =	vimm.s32 $0x18171615;
	vm4 =	vcmask $0x1F10;
	vm2 =	vmmov $0xffff  }
0x3: {  	v12 =	vimm.s32 $0x6D696561;
	v13 =	vimm.s32 $0x797571;
	v14 =	vimm.s32 $0x4D494541  }
0x4: {  	v15 =	vimm.s32 $0x5D595551;
	v16 =	vimm.s32 $0x6E6A6662;
	v17 =	vimm.s32 $0x7A7672  }
0x5: {  	v18 =	vimm.s32 $0x4E4A4642;
	v19 =	vimm.s32 $0x5E5A5652;
	v20 =	vimm.s32 $0x504C4844  }
0x6: {  	vm3 =	vmxor vm3, vm3;
	v1 =	vunpack.c.0.s8.s32 v0;
	v0 =	vimm.s32 $0x1F1F1E1D  }
0x7: {  	v2 =	vunpack.c.0.s8.s32 v2;
	v3 =	vunpack.c.0.s8.s32 v3;
	v12 =	vunpack.c.0.s8.s32 v12  }
0x8: {  	s0 =	srdreg.scid;
	s7 =	stileid.u32;
	v13 =	vunpack.c.0.s8.s32 v13;
	v14 =	vunpack.c.0.s8.s32 v14;
	v15 =	vunpack.c.0.s8.s32 v15  }
0x9: {  	s0 =	sand.u32 $0x1, s0;
	s1 =	sshll.u32 s7, $0x1;
	v16 =	vunpack.c.0.s8.s32 v16;
	v17 =	vunpack.c.0.s8.s32 v17;
	v18 =	vunpack.c.0.s8.s32 v18  }
0xa: {  	s2 =	rddreg [dreg:$0x0];
	s9 =	simm.s32 $0x0;
	v19 =	vunpack.c.0.s8.s32 v19;
	s8 =	sor.u32 s0, s1;
	v4 =	vunpack.c.0.s8.s32 v0;
	v0 =	vlaneseq.u32  }
0xb: {  	[smem:$0x7FF] =	sst s9;
	s20 =	sadd.s32 $0x1200, s2;
	v20 =	vunpack.c.0.s8.s32 v20;
	v10 =	vmov s8;
	v5 =	vadd.s32 $0x1, v0  }
0xc: {  	s24 =	sadd.s32 $0x1300, s2;
	s25 =	sadd.s32 $0x1400, s2;
	s1 =	sadd.s32 $0x1, s8;
	v2 =	vsel vm4, v3, v2;
	v3 =	vor.u32 $0x10, v0;
	v12 =	vsel vm4, v13, v12  }
0xd: {  	s4 =	sshll.u32 s8, $0x7;
	[dreg:$0x2] =	wrdreg s8;
	s8 =	sadd.s32 $0xFFFFFFF0, s8;
	v13 =	vsel vm4, v15, v14;
	v14 =	vsel vm4, v17, v16;
	v15 =	vsel vm4, v19, v18  }
0xe: {  	s3 =	sshrl.u32 s7, $0x2;
	v16 =	vimm.s32 $0x6F6B6763;
	v17 =	vimm.s32 $0x7B7773;
	v18 =	vimm.s32 $0x4F4B4743  }
0xf: {  	s31 =	sshll.u32 s7, $0x6;
	s6 =	sshll.u32 s3, $0xA;
	s18 =	sshll.u32 s3, $0xD;
	v1 =	vsel vm4, v4, v1;
	vm0 =	vlt.u32 v10, v5;
	v11 =	vmov s8  }
0x10: {  	s21 =	ssub.s32 $0x2, s0;
	_ =	strace $0x80000047;
	[dreg:$0x3] =	wrdreg s8;
	vm1 =	veq.s32 v10, v0;
	v16 =	vunpack.c.0.s8.s32 v16;
	v17 =	vunpack.c.0.s8.s32 v17  }
0x11: {  	s0 =	sshll.u32 s0, $0x5;
	s1 =	sand.u32 $0x1F, s1;
	[dreg:$0x4] =	wrdreg s20;
	v12 =	vcombine.low v13, v12;
	v13 =	vcombine.low v15, v14;
	v14 =	vimm.s32 $0x5F5B5753  }
0x12: {  	s22 =	sshrl.u32 s21, $0x1;
	s0 =	sor.u32 s0, s31;
	[dreg:$0x6] =	wrdreg s24;
	v15 =	vimm.s32 $0x706C6864;
	v4 =	vcombine.low v2, v1;
	v1 =	vmov s1  }
0x13: {  	s5 =	sand.u32 $0x380, s4;
	[dreg:$0x7] =	wrdreg s25;
	s28 =	sshrl.u32 s4, $0x2;
	v2 =	vsel vm0, v5, v0;
	vm0 =	vgt.u32 v10, v3;
	v10 =	vand.u32 $0x7, v0  }
0x14: {  	[dreg:$0xe] =	wrdreg s0;
	s19 =	sor.u32 s6, s5;
	s1 =	sor.u32 s18, s5;
	v21 =	vunpack.c.0.s8.s32 v15;
	v15 =	vimm.s32 $0x605C5854;
	v6 =	vor.u32 $0x100, v2  }
0x15: {  	s5 =	ssub.s32 s21, s22;
	[dreg:$0xb] =	wrdreg s28;
	s3 =	sshrl.u32 s19, $0x3;
	v8 =	vor.u32 $0x180, v2;
	v19 =	vsel vm4, v17, v16;
	v16 =	vimm.s32 $0x7C7874  }
0x16: {  	s1 =	sshrl.u32 s1, $0x3;
	s30 =	smax.u32 s5, $0x1;
	v17 =	vunpack.c.0.s8.s32 v18;
	v18 =	vunpack.c.0.s8.s32 v14;
	v14 =	vor.u32 $0x8, v0;
	s3 =	sadd.s32 s3, s2  }
0x17: {  	v22 =	vunpack.c.0.s8.s32 v15;
	v15 =	vor.u32 $0x80000000, v0;
	v3 =	vsel vm0, v3, v4;
	s1 =	sadd.s32 s1, s2;
	s2 =	sadd.s32 $0x1500, s2;
	[dreg:$0xd] =	wrdreg s30  }
0x18: {  	v4 =	vor.u32 $0x80, v2;
	vm0 =	veq.s32 v11, v0;
	v11 =	vshrl.u32 v0, $0x3;
	s23 =	sadd.s32 $0x23200, s3;
	[dreg:$0x8] =	wrdreg s2  }
0x19: {  	v16 =	vunpack.c.0.s8.s32 v16;
	v5 =	vor.u32 $0x80, v3;
	v7 =	vor.u32 $0x100, v3;
	s26 =	sadd.s32 $0x21200, s1;
	[dreg:$0x5] =	wrdreg s23  }
0x1a: {  	v9 =	vor.u32 $0x180, v3;
	s1 =	sadd.s32 $0x22200, s1;
	v11 =	vmul.u32 $0x8, v11;
	v18 =	vsel vm4, v18, v17;
	[dreg:$0x9] =	wrdreg s26  }
0x1b: {  	s29 =	sadd.s32 $0x23400, s3;
	v20 =	vsel vm4, v22, v20;
	v17 =	vimm.f32 $-1.000000020e+30;
	[dreg:$0xa] =	wrdreg s1;
	v21 =	vsel vm4, v16, v21  }
0x1c: {  	s5 =	simm.s32 $0x2;
	[dreg:$0xc] =	wrdreg s29;
	v16 =	vor.u32 $0x80000010, v0;
	v18 =	vcombine.low v18, v19;
	s1 =	simm.s32 $0x0;
	v19 =	vcombine.low v20, v21  }
.LBB2_1:
0x1d: {  	[dreg:$0xf] =	wrdreg s1  }
0x1e: {  	s0 =	rddreg [dreg:$0x5];
	s8 =	simm.s32 $0xC00  }
0x1f: {  	[tilespmem:s8], [sflag:$0x2] =	stream.linear.gather [hbm4b:s0+s9], $0x80, $0x38;
	[tilespmem:$0x10F00] =	vst v63  }
0x20: {  	_ =	swait.ge [sflag:s5], $0x80  }
0x21: {  	[sflag:s5] =	ssyncset.done $0x0  }
0x22: {  	[sflag:s5] =	ssyncadd.s32 $0xFFFFFF80  }
0x23: {  	v20 =	vld.idx.msk [tilespmem:v1+s8+$0x0], $0xffff  }
0x24: {  	v21 =	vld [tilespmem:$0xC00];
	_ =	sdelay $0x4  }
0x25: {  	v21 =	vsel vm1, v20, v21  }
0x26: {  	[tilespmem:$0xC00] =	vst v21  }
0x27: {  	v22 =	vld [tilespmem:$0xC00];
	_ =	sdelay $0x4  }
0x28: {  	v23 =	vshll.u32 v22, $0x3  }
0x29: {  	v22 =	vand.u32 $0x7, v22;
	v23 =	vand.u32 $0xFFFFFFC0, v23  }
0x2a: {  	v24 =	vld [tilespmem:$0xC10];
	v22 =	vor.u32 v22, v23  }
0x2b: {  	v23 =	vperm.xlane v22, v10;
	_ =	sdelay $0x1  }
0x2c: {  	v23 =	vadd.s32 v11, v23;
	_ =	sdelay $0x1  }
0x2d: {  	v20 =	vsel vm0, v20, v24;
	[tilespmem:$0xC80] =	vst v21  }
0x2e: {  	[tilespmem:$0xC10] =	vst v20  }
0x2f: {  	s11 =	simm.s32 $0xE80;
	s10 =	rddreg [dreg:$0x4];
	[tilespmem:$0xC90] =	vst v20  }
0x30: {  	[tilespmem:s11], [sflag:$0x1] =	stream.indirect_vreg.gather [hbm4b:s10+s9], $0x80, v23, vm2, $0xb8;
	[tilespmem:$0x10F00] =	vst v63  }
0x31: {  	s2 =	simm.s32 $0x1680;
	s12 =	rddreg [dreg:$0x6];
	v20 =	vperm.xlane v22, v14  }
0x32: {  	[tilespmem:s2], [sflag:$0x1] =	stream.indirect_vreg.gather [hbm4b:s12+s9], $0x80, v23, vm2, $0xb8;
	[tilespmem:$0x10F00] =	vst v63  }
0x33: {  	s3 =	simm.s32 $0x1E80;
	s13 =	rddreg [dreg:$0x7];
	v20 =	vadd.s32 v11, v20  }
0x34: {  	[tilespmem:s3], [sflag:$0x1] =	stream.indirect_vreg.gather [hbm4b:s13+s9], $0x80, v23, vm2, $0xb8;
	[tilespmem:$0x10F00] =	vst v63  }
0x35: {  	s4 =	simm.s32 $0x2680;
	s14 =	rddreg [dreg:$0x8]  }
0x36: {  	[tilespmem:s4], [sflag:$0x1] =	stream.indirect_vreg.gather [hbm4b:s14+s9], $0x80, v23, vm2, $0xb8;
	[tilespmem:$0x10F00] =	vst v63  }
0x37: {  	s15 =	simm.s32 $0x2E80  }
0x38: {  	[tilespmem:s15], [sflag:$0x1] =	stream.indirect_vreg.gather [hbm4b:s10+s9], $0x80, v20, vm2, $0xb8;
	[tilespmem:$0x10F00] =	vst v63  }
0x39: {  	s16 =	simm.s32 $0x3680  }
0x3a: {  	[tilespmem:s16], [sflag:$0x1] =	stream.indirect_vreg.gather [hbm4b:s12+s9], $0x80, v20, vm2, $0xb8;
	[tilespmem:$0x10F00] =	vst v63  }
0x3b: {  	s17 =	simm.s32 $0x3E80  }
0x3c: {  	[tilespmem:s17], [sflag:$0x1] =	stream.indirect_vreg.gather [hbm4b:s13+s9], $0x80, v20, vm2, $0xb8;
	[tilespmem:$0x10F00] =	vst v63  }
0x3d: {  	s18 =	simm.s32 $0x4680  }
0x3e: {  	[tilespmem:s18], [sflag:$0x1] =	stream.indirect_vreg.gather [hbm4b:s14+s9], $0x80, v20, vm2, $0xb8;
	[tilespmem:$0x10F00] =	vst v63  }
0x3f: {  	v20 =	vld [tilespmem:$0xC10];
	_ =	sdelay $0x4  }
0x40: {  	v21 =	vshll.u32 v20, $0x3  }
0x41: {  	v20 =	vand.u32 $0x7, v20;
	v21 =	vand.u32 $0xFFFFFFC0, v21  }
0x42: {  	v20 =	vor.u32 v20, v21  }
0x43: {  	v21 =	vperm.xlane v20, v10;
	_ =	sdelay $0x1  }
0x44: {  	v21 =	vadd.s32 v11, v21;
	_ =	sdelay $0x3  }
0x45: {  	s19 =	simm.s32 $0x4E80  }
0x46: {  	[tilespmem:s19], [sflag:$0x1] =	stream.indirect_vreg.gather [hbm4b:s10+s9], $0x80, v21, vm2, $0xb8;
	[tilespmem:$0x10F00] =	vst v63  }
0x47: {  	s20 =	simm.s32 $0x5680;
	v20 =	vperm.xlane v20, v14  }
0x48: {  	[tilespmem:s20], [sflag:$0x1] =	stream.indirect_vreg.gather [hbm4b:s12+s9], $0x80, v21, vm2, $0xb8;
	[tilespmem:$0x10F00] =	vst v63  }
0x49: {  	s21 =	simm.s32 $0x5E80;
	v20 =	vadd.s32 v11, v20  }
0x4a: {  	[tilespmem:s21], [sflag:$0x1] =	stream.indirect_vreg.gather [hbm4b:s13+s9], $0x80, v21, vm2, $0xb8;
	[tilespmem:$0x10F00] =	vst v63  }
0x4b: {  	s22 =	simm.s32 $0x6680  }
0x4c: {  	[tilespmem:s22], [sflag:$0x1] =	stream.indirect_vreg.gather [hbm4b:s14+s9], $0x80, v21, vm2, $0xb8;
	[tilespmem:$0x10F00] =	vst v63  }
0x4d: {  	s23 =	simm.s32 $0x6E80  }
0x4e: {  	[tilespmem:s23], [sflag:$0x1] =	stream.indirect_vreg.gather [hbm4b:s10+s9], $0x80, v20, vm2, $0xb8;
	[tilespmem:$0x10F00] =	vst v63  }
0x4f: {  	s24 =	simm.s32 $0x7680  }
0x50: {  	[tilespmem:s24], [sflag:$0x1] =	stream.indirect_vreg.gather [hbm4b:s12+s9], $0x80, v20, vm2, $0xb8;
	[tilespmem:$0x10F00] =	vst v63  }
0x51: {  	s25 =	simm.s32 $0x7E80  }
0x52: {  	[tilespmem:s25], [sflag:$0x1] =	stream.indirect_vreg.gather [hbm4b:s13+s9], $0x80, v20, vm2, $0xb8;
	[tilespmem:$0x10F00] =	vst v63  }
0x53: {  	s26 =	simm.s32 $0x8680  }
0x54: {  	[tilespmem:s26], [sflag:$0x1] =	stream.indirect_vreg.gather [hbm4b:s14+s9], $0x80, v20, vm2, $0xb8;
	[tilespmem:$0x10F00] =	vst v63  }
0x55: {  	s29 =	simm.s32 $0x80;
	s28 =	rddreg [dreg:$0x9];
	s10 =	simm.s32 $0x400  }
0x56: {  	[tilespmem:s9], [sflag:$0x2] =	stream.strided.gather [hbm4b:s28+s29], $0x400, s10, s29, $0x38;
	[tilespmem:$0x10F00] =	vst v63  }
0x57: {  	_ =	swait.ge [sflag:s5], $0x400  }
0x58: {  	[sflag:s5] =	ssyncset.done $0x0  }
0x59: {  	s30 =	rddreg [dreg:$0xa];
	[sflag:s5] =	ssyncadd.s32 $0xFFFFFC00  }
0x5a: {  	[tilespmem:s10], [sflag:$0x2] =	stream.strided.gather [hbm4b:s30+s29], $0x400, s10, s29, $0x38;
	[tilespmem:$0x10F00] =	vst v63  }
0x5b: {  	_ =	swait.ge [sflag:s5], $0x400  }
0x5c: {  	[sflag:s5] =	ssyncset.done $0x0  }
0x5d: {  	s31 =	simm.s32 $0x1;
	[sflag:s5] =	ssyncadd.s32 $0xFFFFFC00  }
0x5e: {  	s11 =	simm.s32 $0x800;
	_ =	swait.ge [sflag:s31], $0x8000  }
0x5f: {  	s21 =	simm.s32 $0xFFFFFFFF;
	s22 =	simm.s32 $0x0;
	[sflag:s31] =	ssyncset.done $0x0  }
0x60: {  	s23 =	simm.s32 $0x0;
	s24 =	simm.s32 $0x0;
	v20 =	vimm.s32 $0x0;
	[sflag:s31] =	ssyncadd.s32 $0xFFFF8000  }
.LBB2_2:
0x61: {  	s0 =	sand.u32 $0xC00, s22  }
0x62: {  	s26 =	sand.u32 $0x60, s23;
	s1 =	sadd.s32 $0xE80, s0  }
0x63: {  	[dreg:$0x19] =	wrdreg s1;
	s1 =	sor.u32 s26, s1  }
0x64: {  	v21 =	vld [tilespmem:s1+$0x0]  }
0x65: {  	v22 =	vld [tilespmem:s1+$0x80]  }
0x66: {  	v23 =	vld [tilespmem:s1+$0x100]  }
0x67: {  	v24 =	vld [tilespmem:s1+$0x180]  }
0x68: {  	v25 =	vld [tilespmem:s1+$0x200]  }
0x69: {  	v26 =	vld [tilespmem:s1+$0x280]  }
0x6a: {  	s2 =	sadd.s32 $0x2E80, s0;
	v27 =	vld [tilespmem:s1+$0x300]  }
0x6b: {  	s28 =	sadd.s32 $0x2F00, s0;
	s13 =	sor.u32 s26, s2;
	v28 =	vld [tilespmem:s1+$0x380]  }
0x6c: {  	s29 =	sadd.s32 $0x2F80, s0;
	s14 =	sor.u32 s26, s28;
	v29 =	vld [tilespmem:s13+$0x0]  }
0x6d: {  	s6 =	sor.u32 $0x3180, s0;
	s15 =	sor.u32 s26, s29;
	v30 =	vld [tilespmem:s14+$0x0]  }
0x6e: {  	s12 =	sadd.s32 $0x4E80, s0;
	s18 =	sor.u32 s26, s6;
	v31 =	vld [tilespmem:s15+$0x0]  }
0x6f: {  	s4 =	sadd.s32 $0x4F00, s0;
	s20 =	sor.u32 s26, s12;
	v35 =	vld [tilespmem:s18+$0x0]  }
0x70: {  	[dreg:$0x1b] =	wrdreg s2;
	s2 =	sor.u32 $0x3080, s0;
	s25 =	sor.u32 s26, s4;
	v37 =	vld [tilespmem:s20+$0x0]  }
0x71: {  	s14 =	sor.u32 $0x3000, s0;
	s16 =	sor.u32 s26, s2;
	v38 =	vld [tilespmem:s25+$0x0]  }
0x72: {  	s15 =	sor.u32 $0x3100, s0;
	s3 =	sor.u32 s26, s14;
	v33 =	vld [tilespmem:s16+$0x0]  }
0x73: {  	s13 =	sor.u32 $0x3200, s0;
	s17 =	sor.u32 s26, s15;
	v32 =	vld [tilespmem:s3+$0x0]  }
0x74: {  	s18 =	sadd.s32 $0x4F80, s0;
	s19 =	sor.u32 s26, s13;
	v34 =	vld [tilespmem:s17+$0x0]  }
0x75: {  	s25 =	sor.u32 $0x5080, s0;
	s30 =	sor.u32 s26, s18;
	v36 =	vld [tilespmem:s19+$0x0]  }
0x76: {  	s20 =	sor.u32 $0x5100, s0;
	s1 =	sor.u32 s26, s25;
	v39 =	vld [tilespmem:s30+$0x0]  }
0x77: {  	s5 =	sor.u32 s26, s20;
	s19 =	sor.u32 $0x5000, s0;
	v41 =	vld [tilespmem:s1+$0x0]  }
0x78: {  	s17 =	sor.u32 $0x5180, s0;
	v42 =	vld [tilespmem:s5+$0x0];
	s31 =	sor.u32 s26, s19  }
0x79: {  	s5 =	sor.u32 $0x5200, s0;
	s7 =	sor.u32 s26, s17;
	v40 =	vld [tilespmem:s31+$0x0]  }
0x7a: {  	s8 =	sor.u32 s26, s5;
	v43 =	vld [tilespmem:s7+$0x0];
	s7 =	sadd.s32 $0x6E80, s0  }
0x7b: {  	v44 =	vld [tilespmem:s8+$0x0];
	s8 =	sadd.s32 $0x6F00, s0;
	s9 =	sor.u32 s26, s7  }
0x7c: {  	s16 =	sor.u32 s26, s8;
	v45 =	vld [tilespmem:s9+$0x0];
	s9 =	sadd.s32 $0x6F80, s0  }
0x7d: {  	s3 =	sor.u32 $0x7000, s0;
	v46 =	vld [tilespmem:s16+$0x0];
	s16 =	sor.u32 s26, s9  }
0x7e: {  	s30 =	sor.u32 s26, s3;
	v47 =	vld [tilespmem:s16+$0x0];
	s16 =	sor.u32 $0x7080, s0  }
0x7f: {  	v48 =	vld [tilespmem:s30+$0x0];
	s30 =	sor.u32 $0x7100, s0;
	s31 =	sor.u32 s26, s16  }
0x80: {  	s1 =	sor.u32 s26, s30;
	v49 =	vld [tilespmem:s31+$0x0];
	s31 =	sor.u32 $0x7180, s0  }
0x81: {  	v21 =	vmax.f32 v21, v22;
	v50 =	vld [tilespmem:s1+$0x0];
	s0 =	sor.u32 $0x7200, s0;
	s1 =	sor.u32 s26, s31  }
0x82: {  	v22 =	vmax.f32 v23, v24;
	v23 =	vmax.f32 v25, v26;
	v58 =	vmax.f32 v27, v28;
	v51 =	vld [tilespmem:s1+$0x0];
	s1 =	sor.u32 s26, s0  }
0x83: {  	v59 =	vmax.f32 v29, v30;
	v63 =	vmax.f32 v37, v38;
	v21 =	vmax.f32 v21, v22;
	v52 =	vld [tilespmem:s1+$0x0]  }
0x84: {  	v22 =	vmax.f32 v23, v58;
	v60 =	vmax.f32 v31, v32;
	v61 =	vmax.f32 v33, v34  }
0x85: {  	v62 =	vmax.f32 v35, v36;
	v42 =	vmax.f32 v41, v42;
	v21 =	vmax.f32 v21, v22  }
0x86: {  	v23 =	vmax.f32 v59, v60;
	v40 =	vmax.f32 v39, v40;
	v44 =	vmax.f32 v43, v44  }
0x87: {  	v53 =	vmax.f32 v42, v44;
	v46 =	vmax.f32 v45, v46;
	v48 =	vmax.f32 v47, v48  }
0x88: {  	v54 =	vmax.f32 v46, v48;
	v49 =	vmax.f32 v49, v50;
	v50 =	vmax.f32 v51, v52  }
0x89: {  	v51 =	vmax.f32 v61, v62;
	v52 =	vmax.f32 v63, v40;
	v55 =	vmax.f32 v49, v50  }
0x8a: {  	v22 =	vmax.f32 v23, v51;
	v23 =	vmax.f32 v52, v53;
	v56 =	vmax.f32 v54, v55  }
0x8b: {  	v21 =	vmax.f32 v21, v22;
	v22 =	vmax.f32 v23, v56  }
0x8c: {  	v21 =	vmax.f32 v21, v22  }
0x8d: {  	v21 =	vsub.f32 $1.000000000e+00, v21;
	_ =	sdelay $0x1  }
0x8e: {  	v21 =	vmul.f32 $5.000000000e-01, v21  }
0x8f: {  	s26 =	sor.u32 $0x10, s26;
	s1 =	rddreg [dreg:$0x19]  }
0x90: {  	s1 =	sor.u32 s26, s1;
	[tilespmem:s11+$0x0] =	vst v21  }
0x91: {  	v22 =	vld [tilespmem:s1+$0x0]  }
0x92: {  	v23 =	vld [tilespmem:s1+$0x80]  }
0x93: {  	v24 =	vld [tilespmem:s1+$0x100]  }
0x94: {  	v25 =	vld [tilespmem:s1+$0x180]  }
0x95: {  	v26 =	vld [tilespmem:s1+$0x200]  }
0x96: {  	v57 =	vld [tilespmem:s1+$0x280]  }
0x97: {  	v28 =	vld [tilespmem:s1+$0x300]  }
0x98: {  	s28 =	sor.u32 s26, s28;
	v58 =	vld [tilespmem:s1+$0x380]  }
0x99: {  	s29 =	sor.u32 s26, s29;
	v59 =	vld [tilespmem:s28+$0x0]  }
0x9a: {  	s6 =	sor.u32 s26, s6;
	v32 =	vld [tilespmem:s29+$0x0]  }
0x9b: {  	s13 =	sor.u32 s26, s13;
	v36 =	vld [tilespmem:s6+$0x0]  }
0x9c: {  	s28 =	sor.u32 s26, s14;
	v62 =	vld [tilespmem:s13+$0x0]  }
0x9d: {  	s29 =	sor.u32 s26, s2;
	v60 =	vld [tilespmem:s28+$0x0]  }
0x9e: {  	s2 =	sor.u32 s26, s15;
	v34 =	vld [tilespmem:s29+$0x0]  }
0x9f: {  	s14 =	sor.u32 s26, s12;
	v61 =	vld [tilespmem:s2+$0x0]  }
0xa0: {  	s15 =	sor.u32 s26, s4;
	v38 =	vld [tilespmem:s14+$0x0]  }
0xa1: {  	s4 =	sor.u32 s26, s20;
	v63 =	vld [tilespmem:s15+$0x0]  }
0xa2: {  	s6 =	sor.u32 s26, s17;
	v43 =	vld [tilespmem:s4+$0x0]  }
0xa3: {  	s12 =	sor.u32 s26, s5;
	v44 =	vld [tilespmem:s6+$0x0]  }
0xa4: {  	s13 =	sor.u32 s26, s7;
	v45 =	vld [tilespmem:s12+$0x0]  }
0xa5: {  	s17 =	sor.u32 s26, s3;
	v46 =	vld [tilespmem:s13+$0x0]  }
0xa6: {  	s1 =	rddreg [dreg:$0x1b];
	s20 =	sor.u32 s26, s31;
	v49 =	vld [tilespmem:s17+$0x0]  }
0xa7: {  	s1 =	sor.u32 s26, s1;
	v56 =	vld [tilespmem:s20+$0x0]  }
0xa8: {  	s28 =	sor.u32 s26, s18;
	v30 =	vld [tilespmem:s1+$0x0]  }
0xa9: {  	s29 =	sor.u32 s26, s19;
	v40 =	vld [tilespmem:s28+$0x0]  }
0xaa: {  	s2 =	sor.u32 s26, s25;
	v41 =	vld [tilespmem:s29+$0x0]  }
0xab: {  	s14 =	sor.u32 s26, s8;
	v42 =	vld [tilespmem:s2+$0x0]  }
0xac: {  	s15 =	sor.u32 s26, s9;
	v47 =	vld [tilespmem:s14+$0x0]  }
0xad: {  	s18 =	sor.u32 s26, s16;
	v48 =	vld [tilespmem:s15+$0x0]  }
0xae: {  	s19 =	sor.u32 s26, s30;
	v50 =	vld [tilespmem:s18+$0x0];
	v22 =	vmax.f32 v22, v23  }
0xaf: {  	s0 =	sor.u32 s26, s0;
	v51 =	vld [tilespmem:s19+$0x0];
	v24 =	vmax.f32 v24, v25;
	v57 =	vmax.f32 v26, v57;
	v58 =	vmax.f32 v28, v58  }
0xb0: {  	v23 =	vld [tilespmem:s0+$0x0];
	v62 =	vmax.f32 v36, v62;
	v60 =	vmax.f32 v32, v60;
	v61 =	vmax.f32 v34, v61  }
0xb1: {  	v63 =	vmax.f32 v38, v63;
	v45 =	vmax.f32 v44, v45;
	v22 =	vmax.f32 v22, v24  }
0xb2: {  	v53 =	vmax.f32 v57, v58;
	v59 =	vmax.f32 v30, v59;
	v41 =	vmax.f32 v40, v41  }
0xb3: {  	v43 =	vmax.f32 v42, v43;
	v47 =	vmax.f32 v46, v47;
	v49 =	vmax.f32 v48, v49  }
0xb4: {  	v51 =	vmax.f32 v50, v51;
	v55 =	vmax.f32 v61, v62;
	v22 =	vmax.f32 v22, v53  }
0xb5: {  	v54 =	vmax.f32 v59, v60;
	v57 =	vmax.f32 v43, v45;
	v23 =	vmax.f32 v56, v23  }
0xb6: {  	v58 =	vmax.f32 v47, v49;
	v56 =	vmax.f32 v63, v41;
	v23 =	vmax.f32 v51, v23  }
0xb7: {  	s25 =	sand.u32 $0x180, s23;
	v59 =	vmax.f32 v54, v55;
	v60 =	vmax.f32 v56, v57;
	v23 =	vmax.f32 v58, v23  }
0xb8: {  	s0 =	sor.u32 s25, s26;
	v61 =	vld [tilespmem:s10+$0x0];
	v22 =	vmax.f32 v22, v59;
	v23 =	vmax.f32 v60, v23  }
0xb9: {  	v22 =	vmax.f32 v22, v23;
	v23 =	vld [tilespmem:s0+$0x400]  }
0xba: {  	v22 =	vsub.f32 $1.000000000e+00, v22;
	_ =	sdelay $0x1  }
0xbb: {  	v22 =	vmul.f32 $5.000000000e-01, v22  }
0xbc: {  	v21 =	vmul.f32 v21, v61  }
0xbd: {  	v23 =	vmul.f32 v22, v23  }
0xbe: {  	(xrf0) =	vmax.scan.msk.f32 $0xffff, v21  }
0xbf: {  	(xrf0) =	vmax.scan.msk.f32 $0xffff, v23;
	_ =	sdelay $0x4  }
0xc0: {  	v62, _, _ =	vpop (xrf0)  }
0xc1: {  	(v2sf) =	vpush v62, $0xF;
	v63, _, _ =	vpop (xrf0)  }
0xc2: {  	(v2sf) =	vpush v63, $0xF;
	_ =	sdelay $0xd  }
0xc3: {  	s26 =	spop (v2sf)  }
0xc4: {  	s28 =	spop (v2sf)  }
0xc5: {  	s1 =	smax.f32 s26, s28  }
0xc6: {  	vm4 =	veq.f32 v21, s1  }
0xc7: {  	v21 =	vnsel vm4, $0x8000270F, v15;
	vm4 =	veq.f32 v23, s1  }
0xc8: {  	(xrf0) =	vmin.scan.msk.u32 $0xffff, v21;
	v21 =	vnsel vm4, $0x8000270F, v16  }
0xc9: {  	(xrf0) =	vmin.scan.msk.u32 $0xffff, v21;
	_ =	sdelay $0x4  }
0xca: {  	v21, _, _ =	vpop (xrf0)  }
0xcb: {  	(v2sf) =	vpush v21, $0xF;
	v21, _, _ =	vpop (xrf0)  }
0xcc: {  	(v2sf) =	vpush v21, $0xF;
	_ =	sdelay $0xd  }
0xcd: {  	s29 =	spop (v2sf)  }
0xce: {  	s30 =	spop (v2sf)  }
0xcf: {  	s1 =	sxor.u32 $0x80000000, s29;
	s2 =	sxor.u32 $0x80000000, s30  }
0xd0: {  	p0 =	slt.s32 s1, s2  }
0xd1: {  	s2 =	smov.u32 @p0 s1  }
0xd2: {  	p0 =	slt.s32 s21, $0x0;
	s1 =	sadd.s32 s23, s2;
	s2 =	smov.u32 s21  }
0xd3: {  	s2 =	smov.u32 @p0 s1;
	p0 =	sne.s32 s23, $0x1E0  }
.Ltmp0:
0xd4: {  	s31 =	rddreg [dreg:$0xe];
	(pc) =	sbr.rel @p0 .LBB2_2-.Ltmp0, $4  }
0xd5: {  	p1 =	sne.s32 s31, s23;
	vm4 =	vmmov vm3;
	v21 =	vmov s24  }
0xd6: {  	vm4 =	vmneg @p1 vm4;
	vm5 =	veq.s32 v21, v0  }
0xd7: {  	s22 =	sadd.s32 $0x100, s22;
	s11 =	sadd.s32 $0x20, s11;
	s10 =	sadd.s32 $0x20, s10;
	vm4 =	vmand vm5, vm4  }
0xd8: {  	[tilespmem:s0+$0x800] =	vst v22;
	s24 =	sadd.s32 $0x1, s24;
	v20 =	vsel vm4, s1, v20;
	s23 =	sadd.s32 $0x20, s23;
	s21 =	smov.u32 @p1 s2  }
0xd9: {  	v20 =	vsel vm1, s21, v20  }
0xda: {  	v21 =	vshll.u32 v20, $0x3  }
0xdb: {  	v22 =	vand.u32 $0x7, v20;
	v21 =	vand.u32 $0xFFFFFFC0, v21  }
0xdc: {  	v21 =	vor.u32 v22, v21  }
0xdd: {  	v22 =	vperm.xlane v21, v10;
	_ =	sdelay $0x1  }
0xde: {  	v22 =	vadd.s32 v11, v22;
	_ =	sdelay $0x3  }
0xdf: {  	s0 =	simm.s32 $0x0;
	s1 =	rddreg [dreg:$0x4];
	s2 =	simm.s32 $0x8E80;
	[tilespmem:$0xC00] =	vst v20  }
0xe0: {  	[tilespmem:s2], [sflag:$0x1] =	stream.indirect_vreg.gather [hbm4b:s1+s0], $0x80, v22, vm2, $0xb8;
	[tilespmem:$0x10F00] =	vst v63  }
0xe1: {  	s24 =	rddreg [dreg:$0x6];
	s3 =	simm.s32 $0x9680;
	v21 =	vperm.xlane v21, v14  }
0xe2: {  	[tilespmem:s3], [sflag:$0x1] =	stream.indirect_vreg.gather [hbm4b:s24+s0], $0x80, v22, vm2, $0xb8;
	[tilespmem:$0x10F00] =	vst v63  }
0xe3: {  	s25 =	rddreg [dreg:$0x7];
	s4 =	simm.s32 $0x9E80;
	v21 =	vadd.s32 v11, v21  }
0xe4: {  	[tilespmem:s4], [sflag:$0x1] =	stream.indirect_vreg.gather [hbm4b:s25+s0], $0x80, v22, vm2, $0xb8;
	[tilespmem:$0x10F00] =	vst v63  }
0xe5: {  	s26 =	rddreg [dreg:$0x8];
	s5 =	simm.s32 $0xA680  }
0xe6: {  	[tilespmem:s5], [sflag:$0x1] =	stream.indirect_vreg.gather [hbm4b:s26+s0], $0x80, v22, vm2, $0xb8;
	[tilespmem:$0x10F00] =	vst v63  }
0xe7: {  	s28 =	simm.s32 $0xAE80  }
0xe8: {  	[tilespmem:s28], [sflag:$0x1] =	stream.indirect_vreg.gather [hbm4b:s1+s0], $0x80, v21, vm2, $0xb8;
	[tilespmem:$0x10F00] =	vst v63  }
0xe9: {  	s29 =	simm.s32 $0xB680;
	s30 =	simm.s32 $0xBE80;
	s31 =	simm.s32 $0xC680  }
0xea: {  	[tilespmem:s29], [sflag:$0x1] =	stream.indirect_vreg.gather [hbm4b:s24+s0], $0x80, v21, vm2, $0xb8;
	[tilespmem:$0x10F00] =	vst v63  }
0xeb: {  	s10 =	simm.s32 $0x10;
	s11 =	simm.s32 $0x1000;
	s22 =	simm.s32 $0x200  }
0xec: {  	[tilespmem:s30], [sflag:$0x1] =	stream.indirect_vreg.gather [hbm4b:s25+s0], $0x80, v21, vm2, $0xb8;
	[tilespmem:$0x10F00] =	vst v63  }
0xed: {  	s23 =	simm.s32 $0xA00;
	s2 =	rddreg [dreg:$0x3];
	s24 =	simm.s32 $0x600  }
0xee: {  	[tilespmem:s31], [sflag:$0x1] =	stream.indirect_vreg.gather [hbm4b:s26+s0], $0x80, v21, vm2, $0xb8;
	v21 =	vimm.s32 $0x0;
	[tilespmem:$0x10F00] =	vst v63  }
.LBB2_4:
0xef: {  	s0 =	sand.u32 $0x1C00, s11  }
0xf0: {  	s28 =	sand.u32 $0x60, s22;
	s1 =	sadd.s32 $0xE80, s0  }
0xf1: {  	[dreg:$0x1a] =	wrdreg s1;
	s1 =	sor.u32 s28, s1  }
0xf2: {  	v22 =	vld [tilespmem:s1+$0x0]  }
0xf3: {  	v23 =	vld [tilespmem:s1+$0x80]  }
0xf4: {  	v24 =	vld [tilespmem:s1+$0x100]  }
0xf5: {  	v25 =	vld [tilespmem:s1+$0x180]  }
0xf6: {  	v26 =	vld [tilespmem:s1+$0x200]  }
0xf7: {  	v27 =	vld [tilespmem:s1+$0x280]  }
0xf8: {  	s14 =	sadd.s32 $0x2E80, s0;
	v28 =	vld [tilespmem:s1+$0x300]  }
0xf9: {  	s29 =	sadd.s32 $0x2F00, s0;
	s15 =	sor.u32 s28, s14;
	v29 =	vld [tilespmem:s1+$0x380]  }
0xfa: {  	s30 =	sadd.s32 $0x2F80, s0;
	s16 =	sor.u32 s28, s29;
	v30 =	vld [tilespmem:s15+$0x0]  }
0xfb: {  	s26 =	sadd.s32 $0x3000, s0;
	s17 =	sor.u32 s28, s30;
	v31 =	vld [tilespmem:s16+$0x0]  }
0xfc: {  	s6 =	sadd.s32 $0x3180, s0;
	s18 =	sor.u32 s28, s26;
	v32 =	vld [tilespmem:s17+$0x0]  }
0xfd: {  	s13 =	sadd.s32 $0x3200, s0;
	s25 =	sor.u32 s28, s6;
	v33 =	vld [tilespmem:s18+$0x0]  }
0xfe: {  	s4 =	sadd.s32 $0x4F00, s0;
	s31 =	sor.u32 s28, s13;
	v36 =	vld [tilespmem:s25+$0x0]  }
0xff: {  	[dreg:$0x1c] =	wrdreg s14;
	s14 =	sadd.s32 $0x3080, s0;
	s3 =	sor.u32 s28, s4;
	v37 =	vld [tilespmem:s31+$0x0]  }
0x100: {  	s12 =	sadd.s32 $0x4E80, s0;
	s19 =	sor.u32 s28, s14;
	v39 =	vld [tilespmem:s3+$0x0]  }
0x101: {  	s15 =	sadd.s32 $0x3100, s0;
	s1 =	sor.u32 s28, s12;
	v34 =	vld [tilespmem:s19+$0x0]  }
0x102: {  	s18 =	sadd.s32 $0x4F80, s0;
	s20 =	sor.u32 s28, s15;
	v38 =	vld [tilespmem:s1+$0x0]  }
0x103: {  	s25 =	sadd.s32 $0x5080, s0;
	s5 =	sor.u32 s28, s18;
	v35 =	vld [tilespmem:s20+$0x0]  }
0x104: {  	s17 =	sadd.s32 $0x5180, s0;
	s8 =	sor.u32 s28, s25;
	v40 =	vld [tilespmem:s5+$0x0]  }
0x105: {  	s19 =	sadd.s32 $0x5000, s0;
	s16 =	sor.u32 s28, s17;
	v42 =	vld [tilespmem:s8+$0x0]  }
0x106: {  	s7 =	sor.u32 s28, s19;
	s20 =	sadd.s32 $0x5100, s0;
	v44 =	vld [tilespmem:s16+$0x0]  }
0x107: {  	s5 =	sadd.s32 $0x5200, s0;
	v41 =	vld [tilespmem:s7+$0x0];
	s9 =	sor.u32 s28, s20  }
0x108: {  	s8 =	sadd.s32 $0x6F00, s0;
	s31 =	sor.u32 s28, s5;
	v43 =	vld [tilespmem:s9+$0x0]  }
0x109: {  	s7 =	sadd.s32 $0x6E80, s0;
	s3 =	sor.u32 s28, s8;
	v45 =	vld [tilespmem:s31+$0x0]  }
0x10a: {  	s1 =	sor.u32 s28, s7;
	s9 =	sadd.s32 $0x6F80, s0;
	v47 =	vld [tilespmem:s3+$0x0]  }
0x10b: {  	s3 =	sadd.s32 $0x7000, s0;
	v46 =	vld [tilespmem:s1+$0x0];
	s16 =	sor.u32 s28, s9  }
0x10c: {  	s31 =	sor.u32 s28, s3;
	v48 =	vld [tilespmem:s16+$0x0];
	s16 =	sadd.s32 $0x7080, s0  }
0x10d: {  	v49 =	vld [tilespmem:s31+$0x0];
	s31 =	sadd.s32 $0x7100, s0;
	s1 =	sor.u32 s28, s16  }
0x10e: {  	[dreg:$0x12] =	wrdreg s2;
	s2 =	sadd.s32 $0x7180, s0;
	v50 =	vld [tilespmem:s1+$0x0];
	s1 =	sor.u32 s28, s31  }
0x10f: {  	v22 =	vmax.f32 v22, v23;
	s0 =	sadd.s32 $0x7200, s0;
	v51 =	vld [tilespmem:s1+$0x0];
	s1 =	sor.u32 s28, s2  }
0x110: {  	v23 =	vmax.f32 v24, v25;
	v57 =	vmax.f32 v26, v27;
	v58 =	vmax.f32 v28, v29;
	v52 =	vld [tilespmem:s1+$0x0];
	s1 =	sor.u32 s28, s0  }
0x111: {  	v59 =	vmax.f32 v30, v31;
	v60 =	vmax.f32 v32, v33;
	v62 =	vmax.f32 v36, v37;
	v53 =	vld [tilespmem:s1+$0x0]  }
0x112: {  	v63 =	vmax.f32 v38, v39;
	v22 =	vmax.f32 v22, v23;
	v23 =	vmax.f32 v57, v58  }
0x113: {  	v61 =	vmax.f32 v34, v35;
	v22 =	vmax.f32 v22, v23;
	v41 =	vmax.f32 v40, v41  }
0x114: {  	v43 =	vmax.f32 v42, v43;
	v44 =	vmax.f32 v44, v45;
	v45 =	vmax.f32 v46, v47  }
0x115: {  	v46 =	vmax.f32 v48, v49;
	v49 =	vmax.f32 v59, v60;
	v47 =	vmax.f32 v50, v51  }
0x116: {  	v50 =	vmax.f32 v61, v62;
	v51 =	vmax.f32 v63, v41;
	v48 =	vmax.f32 v52, v53  }
0x117: {  	v52 =	vmax.f32 v43, v44;
	v53 =	vmax.f32 v45, v46;
	v54 =	vmax.f32 v47, v48  }
0x118: {  	v23 =	vmax.f32 v49, v50;
	v55 =	vmax.f32 v51, v52;
	v56 =	vmax.f32 v53, v54  }
0x119: {  	v22 =	vmax.f32 v22, v23;
	v23 =	vmax.f32 v55, v56  }
0x11a: {  	v22 =	vmax.f32 v22, v23  }
0x11b: {  	v22 =	vsub.f32 $1.000000000e+00, v22;
	_ =	sdelay $0x1  }
0x11c: {  	v22 =	vmul.f32 $5.000000000e-01, v22  }
0x11d: {  	s28 =	sor.u32 $0x10, s28;
	s1 =	rddreg [dreg:$0x1a]  }
0x11e: {  	s1 =	sor.u32 s28, s1;
	[tilespmem:s23+$0x0] =	vst v22  }
0x11f: {  	v23 =	vld [tilespmem:s1+$0x0]  }
0x120: {  	v57 =	vld [tilespmem:s1+$0x80]  }
0x121: {  	v25 =	vld [tilespmem:s1+$0x100]  }
0x122: {  	v26 =	vld [tilespmem:s1+$0x180]  }
0x123: {  	v27 =	vld [tilespmem:s1+$0x200]  }
0x124: {  	v58 =	vld [tilespmem:s1+$0x280]  }
0x125: {  	v29 =	vld [tilespmem:s1+$0x300]  }
0x126: {  	s29 =	sor.u32 s28, s29;
	v59 =	vld [tilespmem:s1+$0x380]  }
0x127: {  	s30 =	sor.u32 s28, s30;
	v60 =	vld [tilespmem:s29+$0x0]  }
0x128: {  	s26 =	sor.u32 s28, s26;
	v33 =	vld [tilespmem:s30+$0x0]  }
0x129: {  	s6 =	sor.u32 s28, s6;
	v61 =	vld [tilespmem:s26+$0x0]  }
0x12a: {  	s13 =	sor.u32 s28, s13;
	v37 =	vld [tilespmem:s6+$0x0]  }
0x12b: {  	s18 =	sor.u32 s28, s18;
	v63 =	vld [tilespmem:s13+$0x0]  }
0x12c: {  	s29 =	sor.u32 s28, s14;
	v41 =	vld [tilespmem:s18+$0x0]  }
0x12d: {  	s30 =	sor.u32 s28, s15;
	v35 =	vld [tilespmem:s29+$0x0]  }
0x12e: {  	s14 =	sor.u32 s28, s12;
	v62 =	vld [tilespmem:s30+$0x0]  }
0x12f: {  	s15 =	sor.u32 s28, s4;
	v39 =	vld [tilespmem:s14+$0x0]  }
0x130: {  	s26 =	sor.u32 s28, s19;
	v40 =	vld [tilespmem:s15+$0x0]  }
0x131: {  	s4 =	sor.u32 s28, s17;
	v42 =	vld [tilespmem:s26+$0x0]  }
0x132: {  	s6 =	sor.u32 s28, s5;
	v45 =	vld [tilespmem:s4+$0x0]  }
0x133: {  	s12 =	sor.u32 s28, s7;
	v46 =	vld [tilespmem:s6+$0x0]  }
0x134: {  	s13 =	sor.u32 s28, s8;
	v47 =	vld [tilespmem:s12+$0x0]  }
0x135: {  	s17 =	sor.u32 s28, s16;
	v48 =	vld [tilespmem:s13+$0x0]  }
0x136: {  	s1 =	rddreg [dreg:$0x1c];
	s18 =	sor.u32 s28, s31;
	v51 =	vld [tilespmem:s17+$0x0]  }
0x137: {  	s1 =	sor.u32 s28, s1;
	v52 =	vld [tilespmem:s18+$0x0]  }
0x138: {  	s29 =	sor.u32 s28, s25;
	v31 =	vld [tilespmem:s1+$0x0]  }
0x139: {  	s30 =	sor.u32 s28, s20;
	v43 =	vld [tilespmem:s29+$0x0]  }
0x13a: {  	s14 =	sor.u32 s28, s9;
	v44 =	vld [tilespmem:s30+$0x0]  }
0x13b: {  	s15 =	sor.u32 s28, s3;
	v49 =	vld [tilespmem:s14+$0x0]  }
0x13c: {  	s19 =	sor.u32 s28, s2;
	v50 =	vld [tilespmem:s15+$0x0];
	v23 =	vmax.f32 v23, v57  }
0x13d: {  	s0 =	sor.u32 s28, s0;
	v56 =	vld [tilespmem:s19+$0x0];
	v25 =	vmax.f32 v25, v26;
	v58 =	vmax.f32 v27, v58;
	v59 =	vmax.f32 v29, v59  }
0x13e: {  	v57 =	vld [tilespmem:s0+$0x0];
	v61 =	vmax.f32 v33, v61;
	v63 =	vmax.f32 v37, v63;
	v62 =	vmax.f32 v35, v62  }
0x13f: {  	v40 =	vmax.f32 v39, v40;
	v42 =	vmax.f32 v41, v42;
	v46 =	vmax.f32 v45, v46  }
0x140: {  	v48 =	vmax.f32 v47, v48;
	v23 =	vmax.f32 v23, v25;
	v60 =	vmax.f32 v31, v60  }
0x141: {  	v44 =	vmax.f32 v43, v44;
	v49 =	vmax.f32 v49, v50;
	v50 =	vmax.f32 v51, v52  }
0x142: {  	v51 =	vmax.f32 v58, v59;
	v53 =	vmax.f32 v62, v63;
	v54 =	vmax.f32 v40, v42  }
0x143: {  	v52 =	vmax.f32 v60, v61;
	v55 =	vmax.f32 v44, v46;
	v24 =	vmax.f32 v56, v57  }
0x144: {  	v23 =	vmax.f32 v23, v51;
	v56 =	vmax.f32 v48, v49;
	v24 =	vmax.f32 v50, v24  }
0x145: {  	s20 =	sand.u32 $0x380, s22;
	v58 =	vmax.f32 v54, v55;
	v57 =	vmax.f32 v52, v53;
	v24 =	vmax.f32 v56, v24  }
0x146: {  	s0 =	sor.u32 s20, s28;
	v59 =	vld [tilespmem:s24+$0x0];
	v23 =	vmax.f32 v23, v57;
	v24 =	vmax.f32 v58, v24  }
0x147: {  	v60 =	vld [tilespmem:s0+$0x400];
	v23 =	vmax.f32 v23, v24  }
0x148: {  	v23 =	vsub.f32 $1.000000000e+00, v23;
	_ =	sdelay $0x1  }
0x149: {  	v23 =	vmul.f32 $5.000000000e-01, v23  }
0x14a: {  	v22 =	vmul.f32 v22, v59  }
0x14b: {  	v24 =	vmul.f32 v23, v60  }
0x14c: {  	(xrf0) =	vmax.scan.msk.f32 $0xffff, v22  }
0x14d: {  	(xrf0) =	vmax.scan.msk.f32 $0xffff, v24;
	_ =	sdelay $0x4  }
0x14e: {  	v61, _, _ =	vpop (xrf0)  }
0x14f: {  	(v2sf) =	vpush v61, $0xF;
	v62, _, _ =	vpop (xrf0)  }
0x150: {  	(v2sf) =	vpush v62, $0xF;
	_ =	sdelay $0xd  }
0x151: {  	s25 =	spop (v2sf)  }
0x152: {  	s26 =	spop (v2sf)  }
0x153: {  	s1 =	smax.f32 s25, s26  }
0x154: {  	vm4 =	veq.f32 v22, s1  }
0x155: {  	v22 =	vnsel vm4, $0x8000270F, v15;
	vm4 =	veq.f32 v24, s1  }
0x156: {  	(xrf0) =	vmin.scan.msk.u32 $0xffff, v22;
	v22 =	vnsel vm4, $0x8000270F, v16  }
0x157: {  	(xrf0) =	vmin.scan.msk.u32 $0xffff, v22;
	_ =	sdelay $0x4  }
0x158: {  	v22, _, _ =	vpop (xrf0)  }
0x159: {  	(v2sf) =	vpush v22, $0xF;
	v22, _, _ =	vpop (xrf0)  }
0x15a: {  	(v2sf) =	vpush v22, $0xF;
	_ =	sdelay $0xd  }
0x15b: {  	s28 =	spop (v2sf)  }
0x15c: {  	s29 =	spop (v2sf)  }
0x15d: {  	s1 =	sxor.u32 $0x80000000, s28;
	s2 =	sxor.u32 $0x80000000, s29  }
0x15e: {  	p0 =	slt.s32 s1, s2  }
0x15f: {  	s2 =	smov.u32 @p0 s1  }
0x160: {  	s3 =	smov.u32 s21;
	p0 =	slt.s32 s21, $0x0;
	s1 =	sadd.s32 s22, s2  }
0x161: {  	s3 =	smov.u32 @p0 s1;
	p0 =	sne.s32 s10, $0x1F  }
.Ltmp1:
0x162: {  	s31 =	rddreg [dreg:$0x12];
	s30 =	sadd.s32 $0xFFFFFFF0, s10;
	(pc) =	sbr.rel @p0 .LBB2_4-.Ltmp1, $4  }
0x163: {  	p1 =	sne.s32 s31, $0x0;
	v63 =	vmov s10;
	vm4 =	vmmov vm3;
	v22 =	vmov s30  }
0x164: {  	s11 =	sadd.s32 $0x100, s11;
	vm5 =	veq.s32 v63, v0;
	vm4 =	vmneg @p1 vm4;
	vm6 =	veq.s32 v22, v0  }
0x165: {  	s23 =	sadd.s32 $0x20, s23;
	s24 =	sadd.s32 $0x20, s24;
	vm5 =	vmand vm5, vm4;
	vm4 =	vmand vm4, vm6;
	s2 =	sadd.s32 $0xFFFFFFFF, s31  }
0x166: {  	[tilespmem:s0+$0x800] =	vst v23;
	s22 =	sadd.s32 $0x20, s22;
	v20 =	vsel vm5, s1, v20;
	v21 =	vsel vm4, s1, v21;
	s10 =	sadd.s32 $0x1, s10;
	s21 =	smov.u32 @p1 s3  }
0x167: {  	v21 =	vsel vm0, s21, v21  }
0x168: {  	[tilespmem:$0xC10] =	vst v21  }
0x169: {  	v22 =	vld [tilespmem:$0xC10];
	_ =	sdelay $0x4  }
0x16a: {  	v23 =	vshll.u32 v22, $0x3  }
0x16b: {  	v22 =	vand.u32 $0x7, v22;
	v23 =	vand.u32 $0xFFFFFFC0, v23  }
0x16c: {  	v22 =	vor.u32 v22, v23  }
0x16d: {  	v23 =	vperm.xlane v22, v10;
	_ =	sdelay $0x1  }
0x16e: {  	v23 =	vadd.s32 v11, v23  }
0x16f: {  	v20 =	vsel vm1, s21, v20  }
0x170: {  	[tilespmem:$0xC00] =	vst v20  }
0x171: {  	[tilespmem:$0xD00] =	vst v20  }
0x172: {  	s10 =	simm.s32 $0x0;
	s0 =	rddreg [dreg:$0x4];
	s1 =	simm.s32 $0xCE80;
	[tilespmem:$0xD10] =	vst v21  }
0x173: {  	[tilespmem:s1], [sflag:$0x1] =	stream.indirect_vreg.gather [hbm4b:s0+s10], $0x80, v23, vm2, $0xb8;
	[tilespmem:$0x10F00] =	vst v63  }
0x174: {  	s23 =	rddreg [dreg:$0x6];
	s2 =	simm.s32 $0xD680;
	v20 =	vperm.xlane v22, v14  }
0x175: {  	[tilespmem:s2], [sflag:$0x1] =	stream.indirect_vreg.gather [hbm4b:s23+s10], $0x80, v23, vm2, $0xb8;
	[tilespmem:$0x10F00] =	vst v63  }
0x176: {  	s24 =	rddreg [dreg:$0x7];
	s3 =	simm.s32 $0xDE80;
	v20 =	vadd.s32 v11, v20  }
0x177: {  	[tilespmem:s3], [sflag:$0x1] =	stream.indirect_vreg.gather [hbm4b:s24+s10], $0x80, v23, vm2, $0xb8;
	[tilespmem:$0x10F00] =	vst v63  }
0x178: {  	s25 =	rddreg [dreg:$0x8];
	s4 =	simm.s32 $0xE680  }
0x179: {  	[tilespmem:s4], [sflag:$0x1] =	stream.indirect_vreg.gather [hbm4b:s25+s10], $0x80, v23, vm2, $0xb8;
	[tilespmem:$0x10F00] =	vst v63  }
0x17a: {  	s26 =	simm.s32 $0xEE80  }
0x17b: {  	[tilespmem:s26], [sflag:$0x1] =	stream.indirect_vreg.gather [hbm4b:s0+s10], $0x80, v20, vm2, $0xb8;
	[tilespmem:$0x10F00] =	vst v63  }
0x17c: {  	s28 =	simm.s32 $0xF680  }
0x17d: {  	[tilespmem:s28], [sflag:$0x1] =	stream.indirect_vreg.gather [hbm4b:s23+s10], $0x80, v20, vm2, $0xb8;
	[tilespmem:$0x10F00] =	vst v63  }
0x17e: {  	s29 =	simm.s32 $0xFE80  }
0x17f: {  	[tilespmem:s29], [sflag:$0x1] =	stream.indirect_vreg.gather [hbm4b:s24+s10], $0x80, v20, vm2, $0xb8;
	[tilespmem:$0x10F00] =	vst v63  }
0x180: {  	s30 =	simm.s32 $0x10680;
	s31 =	simm.s32 $0x1  }
0x181: {  	[tilespmem:s30], [sflag:$0x1] =	stream.indirect_vreg.gather [hbm4b:s25+s10], $0x80, v20, vm2, $0xb8;
	[tilespmem:$0x10F00] =	vst v63  }
0x182: {  	_ =	swait.ge [sflag:s31], $0x4000  }
0x183: {  	[sflag:s31] =	ssyncset.done $0x0  }
0x184: {  	[sflag:s31] =	ssyncadd.s32 $0xFFFFC000  }
0x185: {  	s21 =	simm.s32 $0xFFFFFFFF;
	_ =	swait.ge [sflag:s31], $0x4000  }
0x186: {  	s11 =	simm.s32 $0x800;
	s22 =	simm.s32 $0x400;
	[sflag:s31] =	ssyncset.done $0x0  }
0x187: {  	s23 =	simm.s32 $0x0;
	s24 =	simm.s32 $0x0;
	v20 =	vimm.s32 $0x0;
	[sflag:s31] =	ssyncadd.s32 $0xFFFFC000  }
.LBB2_6:
0x188: {  	s0 =	sand.u32 $0xC00, s10  }
0x189: {  	s26 =	sand.u32 $0x60, s23;
	s1 =	sadd.s32 $0x8E80, s0  }
0x18a: {  	[dreg:$0x13] =	wrdreg s1;
	s1 =	sor.u32 s26, s1  }
0x18b: {  	v21 =	vld [tilespmem:s1+$0x0]  }
0x18c: {  	v22 =	vld [tilespmem:s1+$0x80]  }
0x18d: {  	v23 =	vld [tilespmem:s1+$0x100]  }
0x18e: {  	v24 =	vld [tilespmem:s1+$0x180]  }
0x18f: {  	v25 =	vld [tilespmem:s1+$0x200]  }
0x190: {  	v26 =	vld [tilespmem:s1+$0x280]  }
0x191: {  	s2 =	sadd.s32 $0xAE80, s0;
	v27 =	vld [tilespmem:s1+$0x300]  }
0x192: {  	s28 =	sadd.s32 $0xAF00, s0;
	s29 =	sor.u32 s26, s2;
	v28 =	vld [tilespmem:s1+$0x380]  }
0x193: {  	s15 =	sor.u32 $0xB200, s0;
	s30 =	sor.u32 s26, s28;
	v29 =	vld [tilespmem:s29+$0x0]  }
0x194: {  	s6 =	sadd.s32 $0xCE80, s0;
	s5 =	sor.u32 s26, s15;
	v30 =	vld [tilespmem:s30+$0x0]  }
0x195: {  	s13 =	sadd.s32 $0xCF00, s0;
	s7 =	sor.u32 s26, s6;
	v36 =	vld [tilespmem:s5+$0x0]  }
0x196: {  	s12 =	sadd.s32 $0xCF80, s0;
	s8 =	sor.u32 s26, s13;
	v37 =	vld [tilespmem:s7+$0x0]  }
0x197: {  	s18 =	sor.u32 $0xD080, s0;
	s9 =	sor.u32 s26, s12;
	v38 =	vld [tilespmem:s8+$0x0]  }
0x198: {  	s19 =	sor.u32 $0xD100, s0;
	s17 =	sor.u32 s26, s18;
	v39 =	vld [tilespmem:s9+$0x0]  }
0x199: {  	s25 =	sor.u32 $0xD180, s0;
	s20 =	sor.u32 s26, s19;
	v41 =	vld [tilespmem:s17+$0x0]  }
0x19a: {  	s29 =	sadd.s32 $0xAF80, s0;
	v42 =	vld [tilespmem:s20+$0x0];
	s1 =	sor.u32 s26, s25  }
0x19b: {  	s30 =	sor.u32 $0xB000, s0;
	s31 =	sor.u32 s26, s29;
	v43 =	vld [tilespmem:s1+$0x0]  }
0x19c: {  	[dreg:$0x16] =	wrdreg s2;
	s20 =	sor.u32 $0xD200, s0;
	s2 =	sor.u32 s26, s30;
	v31 =	vld [tilespmem:s31+$0x0]  }
0x19d: {  	s17 =	sadd.s32 $0xEE80, s0;
	s5 =	sor.u32 s26, s20;
	v32 =	vld [tilespmem:s2+$0x0]  }
0x19e: {  	s7 =	sor.u32 s26, s17;
	s31 =	sor.u32 $0xB080, s0;
	v44 =	vld [tilespmem:s5+$0x0]  }
0x19f: {  	s2 =	sor.u32 $0xB180, s0;
	v45 =	vld [tilespmem:s7+$0x0];
	s3 =	sor.u32 s26, s31  }
0x1a0: {  	s5 =	sadd.s32 $0xEF00, s0;
	s4 =	sor.u32 s26, s2;
	v33 =	vld [tilespmem:s3+$0x0]  }
0x1a1: {  	s7 =	sadd.s32 $0xEF80, s0;
	s8 =	sor.u32 s26, s5;
	v35 =	vld [tilespmem:s4+$0x0]  }
0x1a2: {  	s14 =	sor.u32 $0xB100, s0;
	s9 =	sor.u32 s26, s7;
	v46 =	vld [tilespmem:s8+$0x0]  }
0x1a3: {  	s3 =	sor.u32 s26, s14;
	s4 =	sor.u32 $0xD000, s0;
	v47 =	vld [tilespmem:s9+$0x0]  }
0x1a4: {  	s8 =	sor.u32 $0xF000, s0;
	v34 =	vld [tilespmem:s3+$0x0];
	s16 =	sor.u32 s26, s4  }
0x1a5: {  	s9 =	sor.u32 $0xF080, s0;
	v40 =	vld [tilespmem:s16+$0x0];
	s16 =	sor.u32 s26, s8  }
0x1a6: {  	s3 =	sor.u32 $0xF100, s0;
	v48 =	vld [tilespmem:s16+$0x0];
	s16 =	sor.u32 s26, s9  }
0x1a7: {  	s1 =	sor.u32 s26, s3;
	v49 =	vld [tilespmem:s16+$0x0];
	s16 =	sor.u32 $0xF180, s0  }
0x1a8: {  	v21 =	vmax.f32 v21, v22;
	v50 =	vld [tilespmem:s1+$0x0];
	s0 =	sor.u32 $0xF200, s0;
	s1 =	sor.u32 s26, s16  }
0x1a9: {  	v22 =	vmax.f32 v23, v24;
	v23 =	vmax.f32 v25, v26;
	v58 =	vmax.f32 v27, v28;
	v51 =	vld [tilespmem:s1+$0x0];
	s1 =	sor.u32 s26, s0  }
0x1aa: {  	v59 =	vmax.f32 v29, v30;
	v63 =	vmax.f32 v37, v38;
	v42 =	vmax.f32 v41, v42;
	v52 =	vld [tilespmem:s1+$0x0]  }
0x1ab: {  	v21 =	vmax.f32 v21, v22;
	v22 =	vmax.f32 v23, v58;
	v60 =	vmax.f32 v31, v32  }
0x1ac: {  	v44 =	vmax.f32 v43, v44;
	v21 =	vmax.f32 v21, v22;
	v23 =	vmax.f32 v59, v60  }
0x1ad: {  	v53 =	vmax.f32 v42, v44;
	v62 =	vmax.f32 v35, v36;
	v46 =	vmax.f32 v45, v46  }
0x1ae: {  	v61 =	vmax.f32 v33, v34;
	v40 =	vmax.f32 v39, v40;
	v48 =	vmax.f32 v47, v48  }
0x1af: {  	v49 =	vmax.f32 v49, v50;
	v54 =	vmax.f32 v46, v48;
	v50 =	vmax.f32 v51, v52  }
0x1b0: {  	v51 =	vmax.f32 v61, v62;
	v52 =	vmax.f32 v63, v40;
	v55 =	vmax.f32 v49, v50  }
0x1b1: {  	v22 =	vmax.f32 v23, v51;
	v23 =	vmax.f32 v52, v53;
	v56 =	vmax.f32 v54, v55  }
0x1b2: {  	v21 =	vmax.f32 v21, v22;
	v22 =	vmax.f32 v23, v56  }
0x1b3: {  	v21 =	vmax.f32 v21, v22;
	v22 =	vld [tilespmem:s11+$0x0]  }
0x1b4: {  	v21 =	vsub.f32 $1.000000000e+00, v21;
	_ =	sdelay $0x1  }
0x1b5: {  	v21 =	vmul.f32 $5.000000000e-01, v21;
	_ =	sdelay $0x1  }
0x1b6: {  	s26 =	sor.u32 $0x10, s26;
	s1 =	rddreg [dreg:$0x13];
	v21 =	vmin.f32 v22, v21  }
0x1b7: {  	s1 =	sor.u32 s26, s1;
	[tilespmem:s11+$0x0] =	vst v21  }
0x1b8: {  	v22 =	vld [tilespmem:s1+$0x0]  }
0x1b9: {  	v23 =	vld [tilespmem:s1+$0x80]  }
0x1ba: {  	v24 =	vld [tilespmem:s1+$0x100]  }
0x1bb: {  	v25 =	vld [tilespmem:s1+$0x180]  }
0x1bc: {  	v26 =	vld [tilespmem:s1+$0x200]  }
0x1bd: {  	v57 =	vld [tilespmem:s1+$0x280]  }
0x1be: {  	v28 =	vld [tilespmem:s1+$0x300]  }
0x1bf: {  	s28 =	sor.u32 s26, s28;
	v58 =	vld [tilespmem:s1+$0x380]  }
0x1c0: {  	s15 =	sor.u32 s26, s15;
	v59 =	vld [tilespmem:s28+$0x0]  }
0x1c1: {  	s28 =	sor.u32 s26, s29;
	v62 =	vld [tilespmem:s15+$0x0]  }
0x1c2: {  	s29 =	sor.u32 s26, s30;
	v32 =	vld [tilespmem:s28+$0x0]  }
0x1c3: {  	s30 =	sor.u32 s26, s31;
	v60 =	vld [tilespmem:s29+$0x0]  }
0x1c4: {  	s31 =	sor.u32 s26, s14;
	v34 =	vld [tilespmem:s30+$0x0]  }
0x1c5: {  	s14 =	sor.u32 s26, s2;
	v61 =	vld [tilespmem:s31+$0x0]  }
0x1c6: {  	s2 =	sor.u32 s26, s18;
	v36 =	vld [tilespmem:s14+$0x0]  }
0x1c7: {  	s15 =	sor.u32 s26, s7;
	v42 =	vld [tilespmem:s2+$0x0]  }
0x1c8: {  	s1 =	rddreg [dreg:$0x16];
	s18 =	sor.u32 s26, s9;
	v48 =	vld [tilespmem:s15+$0x0]  }
0x1c9: {  	s1 =	sor.u32 s26, s1;
	v50 =	vld [tilespmem:s18+$0x0]  }
0x1ca: {  	s28 =	sor.u32 s26, s6;
	v30 =	vld [tilespmem:s1+$0x0]  }
0x1cb: {  	s29 =	sor.u32 s26, s13;
	v38 =	vld [tilespmem:s28+$0x0]  }
0x1cc: {  	s30 =	sor.u32 s26, s12;
	v63 =	vld [tilespmem:s29+$0x0]  }
0x1cd: {  	s31 =	sor.u32 s26, s4;
	v40 =	vld [tilespmem:s30+$0x0]  }
0x1ce: {  	s4 =	sor.u32 s26, s19;
	v41 =	vld [tilespmem:s31+$0x0]  }
0x1cf: {  	s6 =	sor.u32 s26, s25;
	v43 =	vld [tilespmem:s4+$0x0]  }
0x1d0: {  	s12 =	sor.u32 s26, s20;
	v44 =	vld [tilespmem:s6+$0x0]  }
0x1d1: {  	s13 =	sor.u32 s26, s17;
	v45 =	vld [tilespmem:s12+$0x0]  }
0x1d2: {  	s14 =	sor.u32 s26, s5;
	v46 =	vld [tilespmem:s13+$0x0]  }
0x1d3: {  	s17 =	sor.u32 s26, s8;
	v47 =	vld [tilespmem:s14+$0x0]  }
0x1d4: {  	s19 =	sor.u32 s26, s3;
	v49 =	vld [tilespmem:s17+$0x0]  }
0x1d5: {  	s20 =	sor.u32 s26, s16;
	v51 =	vld [tilespmem:s19+$0x0];
	v22 =	vmax.f32 v22, v23  }
0x1d6: {  	s0 =	sor.u32 s26, s0;
	v56 =	vld [tilespmem:s20+$0x0];
	v24 =	vmax.f32 v24, v25;
	v57 =	vmax.f32 v26, v57;
	v58 =	vmax.f32 v28, v58  }
0x1d7: {  	v23 =	vld [tilespmem:s0+$0x0];
	v60 =	vmax.f32 v32, v60;
	v61 =	vmax.f32 v34, v61;
	v62 =	vmax.f32 v36, v62  }
0x1d8: {  	v22 =	vmax.f32 v22, v24;
	v52 =	vmax.f32 v57, v58;
	v59 =	vmax.f32 v30, v59  }
0x1d9: {  	v63 =	vmax.f32 v38, v63;
	v41 =	vmax.f32 v40, v41;
	v43 =	vmax.f32 v42, v43  }
0x1da: {  	v45 =	vmax.f32 v44, v45;
	v47 =	vmax.f32 v46, v47;
	v49 =	vmax.f32 v48, v49  }
0x1db: {  	v51 =	vmax.f32 v50, v51;
	v54 =	vmax.f32 v61, v62;
	v22 =	vmax.f32 v22, v52  }
0x1dc: {  	v53 =	vmax.f32 v59, v60;
	v55 =	vmax.f32 v63, v41;
	v23 =	vmax.f32 v56, v23  }
0x1dd: {  	v57 =	vmax.f32 v47, v49;
	v56 =	vmax.f32 v43, v45;
	v23 =	vmax.f32 v51, v23  }
0x1de: {  	s25 =	sand.u32 $0x180, s23;
	v58 =	vmax.f32 v53, v54;
	v59 =	vmax.f32 v55, v56;
	v23 =	vmax.f32 v57, v23  }
0x1df: {  	s0 =	sor.u32 s25, s26;
	v60 =	vld [tilespmem:s22+$0x0];
	v22 =	vmax.f32 v22, v58;
	v23 =	vmax.f32 v59, v23  }
0x1e0: {  	v22 =	vmax.f32 v22, v23;
	v23 =	vld [tilespmem:s0+$0x800]  }
0x1e1: {  	v61 =	vld [tilespmem:s0+$0x400];
	v22 =	vsub.f32 $1.000000000e+00, v22;
	_ =	sdelay $0x1  }
0x1e2: {  	v22 =	vmul.f32 $5.000000000e-01, v22;
	_ =	sdelay $0x1  }
0x1e3: {  	v21 =	vmul.f32 v21, v60;
	v22 =	vmin.f32 v23, v22  }
0x1e4: {  	v23 =	vmul.f32 v22, v61  }
0x1e5: {  	(xrf0) =	vmax.scan.msk.f32 $0xffff, v21  }
0x1e6: {  	(xrf0) =	vmax.scan.msk.f32 $0xffff, v23;
	_ =	sdelay $0x4  }
0x1e7: {  	v62, _, _ =	vpop (xrf0)  }
0x1e8: {  	(v2sf) =	vpush v62, $0xF;
	v63, _, _ =	vpop (xrf0)  }
0x1e9: {  	(v2sf) =	vpush v63, $0xF;
	_ =	sdelay $0xd  }
0x1ea: {  	s26 =	spop (v2sf)  }
0x1eb: {  	s28 =	spop (v2sf)  }
0x1ec: {  	s1 =	smax.f32 s26, s28  }
0x1ed: {  	vm4 =	veq.f32 v21, s1  }
0x1ee: {  	v21 =	vnsel vm4, $0x8000270F, v15;
	vm4 =	veq.f32 v23, s1  }
0x1ef: {  	(xrf0) =	vmin.scan.msk.u32 $0xffff, v21;
	v21 =	vnsel vm4, $0x8000270F, v16  }
0x1f0: {  	(xrf0) =	vmin.scan.msk.u32 $0xffff, v21;
	_ =	sdelay $0x4  }
0x1f1: {  	v21, _, _ =	vpop (xrf0)  }
0x1f2: {  	(v2sf) =	vpush v21, $0xF;
	v21, _, _ =	vpop (xrf0)  }
0x1f3: {  	(v2sf) =	vpush v21, $0xF;
	_ =	sdelay $0xd  }
0x1f4: {  	s29 =	spop (v2sf)  }
0x1f5: {  	s30 =	spop (v2sf)  }
0x1f6: {  	s1 =	sxor.u32 $0x80000000, s29;
	s2 =	sxor.u32 $0x80000000, s30  }
0x1f7: {  	p0 =	slt.s32 s1, s2  }
0x1f8: {  	s2 =	smov.u32 @p0 s1  }
0x1f9: {  	p0 =	slt.s32 s21, $0x0;
	s1 =	sadd.s32 s23, s2;
	s2 =	smov.u32 s21  }
0x1fa: {  	s2 =	smov.u32 @p0 s1;
	p0 =	sne.s32 s23, $0x1E0  }
.Ltmp2:
0x1fb: {  	s31 =	rddreg [dreg:$0xe];
	(pc) =	sbr.rel @p0 .LBB2_6-.Ltmp2, $4  }
0x1fc: {  	p1 =	sne.s32 s31, s23;
	vm4 =	vmmov vm3;
	v21 =	vmov s24  }
0x1fd: {  	vm4 =	vmneg @p1 vm4;
	vm5 =	veq.s32 v21, v0  }
0x1fe: {  	s10 =	sadd.s32 $0x100, s10;
	s11 =	sadd.s32 $0x20, s11;
	s22 =	sadd.s32 $0x20, s22;
	vm4 =	vmand vm5, vm4  }
0x1ff: {  	[tilespmem:s0+$0x800] =	vst v22;
	s24 =	sadd.s32 $0x1, s24;
	v20 =	vsel vm4, s1, v20;
	s23 =	sadd.s32 $0x20, s23;
	s21 =	smov.u32 @p1 s2  }
0x200: {  	v20 =	vsel vm1, s21, v20  }
0x201: {  	v21 =	vshll.u32 v20, $0x3  }
0x202: {  	v22 =	vand.u32 $0x7, v20;
	v21 =	vand.u32 $0xFFFFFFC0, v21  }
0x203: {  	v21 =	vor.u32 v22, v21  }
0x204: {  	v22 =	vperm.xlane v21, v10;
	_ =	sdelay $0x1  }
0x205: {  	v22 =	vadd.s32 v11, v22;
	_ =	sdelay $0x3  }
0x206: {  	s0 =	simm.s32 $0x0;
	s1 =	rddreg [dreg:$0x4];
	s2 =	simm.s32 $0xE80;
	[tilespmem:$0xC00] =	vst v20  }
0x207: {  	[tilespmem:s2], [sflag:$0x1] =	stream.indirect_vreg.gather [hbm4b:s1+s0], $0x80, v22, vm2, $0xb8;
	[tilespmem:$0x10F00] =	vst v63  }
0x208: {  	s24 =	rddreg [dreg:$0x6];
	s3 =	simm.s32 $0x1680;
	v21 =	vperm.xlane v21, v14  }
0x209: {  	[tilespmem:s3], [sflag:$0x1] =	stream.indirect_vreg.gather [hbm4b:s24+s0], $0x80, v22, vm2, $0xb8;
	[tilespmem:$0x10F00] =	vst v63  }
0x20a: {  	s25 =	rddreg [dreg:$0x7];
	s4 =	simm.s32 $0x1E80;
	v21 =	vadd.s32 v11, v21  }
0x20b: {  	[tilespmem:s4], [sflag:$0x1] =	stream.indirect_vreg.gather [hbm4b:s25+s0], $0x80, v22, vm2, $0xb8;
	[tilespmem:$0x10F00] =	vst v63  }
0x20c: {  	s26 =	rddreg [dreg:$0x8];
	s5 =	simm.s32 $0x2680  }
0x20d: {  	[tilespmem:s5], [sflag:$0x1] =	stream.indirect_vreg.gather [hbm4b:s26+s0], $0x80, v22, vm2, $0xb8;
	[tilespmem:$0x10F00] =	vst v63  }
0x20e: {  	s28 =	simm.s32 $0x2E80  }
0x20f: {  	[tilespmem:s28], [sflag:$0x1] =	stream.indirect_vreg.gather [hbm4b:s1+s0], $0x80, v21, vm2, $0xb8;
	[tilespmem:$0x10F00] =	vst v63  }
0x210: {  	s29 =	simm.s32 $0x3680;
	s30 =	simm.s32 $0x3E80;
	s31 =	simm.s32 $0x4680  }
0x211: {  	[tilespmem:s29], [sflag:$0x1] =	stream.indirect_vreg.gather [hbm4b:s24+s0], $0x80, v21, vm2, $0xb8;
	[tilespmem:$0x10F00] =	vst v63  }
0x212: {  	s10 =	simm.s32 $0x10;
	s11 =	simm.s32 $0x1000;
	s22 =	simm.s32 $0x200  }
0x213: {  	[tilespmem:s30], [sflag:$0x1] =	stream.indirect_vreg.gather [hbm4b:s25+s0], $0x80, v21, vm2, $0xb8;
	[tilespmem:$0x10F00] =	vst v63  }
0x214: {  	s23 =	simm.s32 $0xA00;
	s2 =	rddreg [dreg:$0x3];
	s24 =	simm.s32 $0x600  }
0x215: {  	[tilespmem:s31], [sflag:$0x1] =	stream.indirect_vreg.gather [hbm4b:s26+s0], $0x80, v21, vm2, $0xb8;
	v21 =	vimm.s32 $0x0;
	[tilespmem:$0x10F00] =	vst v63  }
.LBB2_8:
0x216: {  	s0 =	sand.u32 $0x1C00, s11  }
0x217: {  	s28 =	sand.u32 $0x60, s22;
	s1 =	sadd.s32 $0x8E80, s0  }
0x218: {  	[dreg:$0x14] =	wrdreg s1;
	s1 =	sor.u32 s28, s1  }
0x219: {  	v22 =	vld [tilespmem:s1+$0x0]  }
0x21a: {  	v23 =	vld [tilespmem:s1+$0x80]  }
0x21b: {  	v24 =	vld [tilespmem:s1+$0x100]  }
0x21c: {  	v25 =	vld [tilespmem:s1+$0x180]  }
0x21d: {  	v26 =	vld [tilespmem:s1+$0x200]  }
0x21e: {  	v27 =	vld [tilespmem:s1+$0x280]  }
0x21f: {  	s9 =	sadd.s32 $0xAE80, s0;
	v28 =	vld [tilespmem:s1+$0x300]  }
0x220: {  	s29 =	sadd.s32 $0xAF00, s0;
	s12 =	sor.u32 s28, s9;
	v29 =	vld [tilespmem:s1+$0x380]  }
0x221: {  	s30 =	sadd.s32 $0xAF80, s0;
	s13 =	sor.u32 s28, s29;
	v30 =	vld [tilespmem:s12+$0x0]  }
0x222: {  	s31 =	sadd.s32 $0xB000, s0;
	s14 =	sor.u32 s28, s30;
	v31 =	vld [tilespmem:s13+$0x0]  }
0x223: {  	s26 =	sadd.s32 $0xB080, s0;
	s15 =	sor.u32 s28, s31;
	v32 =	vld [tilespmem:s14+$0x0]  }
0x224: {  	s6 =	sadd.s32 $0xB200, s0;
	s16 =	sor.u32 s28, s26;
	v33 =	vld [tilespmem:s15+$0x0]  }
0x225: {  	s4 =	sadd.s32 $0xCF80, s0;
	s19 =	sor.u32 s28, s6;
	v34 =	vld [tilespmem:s16+$0x0]  }
0x226: {  	s14 =	sadd.s32 $0xB100, s0;
	v37 =	vld [tilespmem:s19+$0x0];
	s1 =	sor.u32 s28, s4  }
0x227: {  	s15 =	sadd.s32 $0xB180, s0;
	s17 =	sor.u32 s28, s14;
	v40 =	vld [tilespmem:s1+$0x0]  }
0x228: {  	s13 =	sadd.s32 $0xCE80, s0;
	s18 =	sor.u32 s28, s15;
	v35 =	vld [tilespmem:s17+$0x0]  }
0x229: {  	s12 =	sadd.s32 $0xCF00, s0;
	s20 =	sor.u32 s28, s13;
	v36 =	vld [tilespmem:s18+$0x0]  }
0x22a: {  	s19 =	sadd.s32 $0xD080, s0;
	s25 =	sor.u32 s28, s12;
	v38 =	vld [tilespmem:s20+$0x0]  }
0x22b: {  	s5 =	sor.u32 s28, s19;
	v39 =	vld [tilespmem:s25+$0x0];
	s18 =	sadd.s32 $0xD000, s0  }
0x22c: {  	s25 =	sadd.s32 $0xD100, s0;
	v42 =	vld [tilespmem:s5+$0x0];
	s3 =	sor.u32 s28, s18  }
0x22d: {  	s20 =	sadd.s32 $0xD180, s0;
	s7 =	sor.u32 s28, s25;
	v41 =	vld [tilespmem:s3+$0x0]  }
0x22e: {  	s17 =	sadd.s32 $0xD200, s0;
	s8 =	sor.u32 s28, s20;
	v43 =	vld [tilespmem:s7+$0x0]  }
0x22f: {  	[dreg:$0x17] =	wrdreg s9;
	s5 =	sadd.s32 $0xEE80, s0;
	s9 =	sor.u32 s28, s17;
	v44 =	vld [tilespmem:s8+$0x0]  }
0x230: {  	s16 =	sor.u32 s28, s5;
	v45 =	vld [tilespmem:s9+$0x0];
	s7 =	sadd.s32 $0xEF00, s0  }
0x231: {  	v46 =	vld [tilespmem:s16+$0x0];
	s8 =	sadd.s32 $0xEF80, s0;
	s1 =	sor.u32 s28, s7  }
0x232: {  	s9 =	sadd.s32 $0xF000, s0;
	s3 =	sor.u32 s28, s8;
	v47 =	vld [tilespmem:s1+$0x0]  }
0x233: {  	s16 =	sor.u32 s28, s9;
	v48 =	vld [tilespmem:s3+$0x0];
	s3 =	sadd.s32 $0xF080, s0  }
0x234: {  	v49 =	vld [tilespmem:s16+$0x0];
	s16 =	sadd.s32 $0xF100, s0;
	s1 =	sor.u32 s28, s3  }
0x235: {  	[dreg:$0x11] =	wrdreg s2;
	s2 =	sadd.s32 $0xF180, s0;
	v50 =	vld [tilespmem:s1+$0x0];
	s1 =	sor.u32 s28, s16  }
0x236: {  	v22 =	vmax.f32 v22, v23;
	s0 =	sadd.s32 $0xF200, s0;
	v51 =	vld [tilespmem:s1+$0x0];
	s1 =	sor.u32 s28, s2  }
0x237: {  	v23 =	vmax.f32 v24, v25;
	v57 =	vmax.f32 v26, v27;
	v58 =	vmax.f32 v28, v29;
	v52 =	vld [tilespmem:s1+$0x0];
	s1 =	sor.u32 s28, s0  }
0x238: {  	v59 =	vmax.f32 v30, v31;
	v60 =	vmax.f32 v32, v33;
	v22 =	vmax.f32 v22, v23;
	v53 =	vld [tilespmem:s1+$0x0]  }
0x239: {  	v23 =	vmax.f32 v57, v58;
	v61 =	vmax.f32 v34, v35;
	v62 =	vmax.f32 v36, v37  }
0x23a: {  	v63 =	vmax.f32 v38, v39;
	v22 =	vmax.f32 v22, v23;
	v41 =	vmax.f32 v40, v41  }
0x23b: {  	v43 =	vmax.f32 v42, v43;
	v44 =	vmax.f32 v44, v45;
	v45 =	vmax.f32 v46, v47  }
0x23c: {  	v46 =	vmax.f32 v48, v49;
	v49 =	vmax.f32 v59, v60;
	v47 =	vmax.f32 v50, v51  }
0x23d: {  	v50 =	vmax.f32 v61, v62;
	v51 =	vmax.f32 v63, v41;
	v48 =	vmax.f32 v52, v53  }
0x23e: {  	v52 =	vmax.f32 v43, v44;
	v53 =	vmax.f32 v45, v46;
	v54 =	vmax.f32 v47, v48  }
0x23f: {  	v23 =	vmax.f32 v49, v50;
	v55 =	vmax.f32 v51, v52;
	v56 =	vmax.f32 v53, v54  }
0x240: {  	v22 =	vmax.f32 v22, v23;
	v23 =	vmax.f32 v55, v56  }
0x241: {  	v22 =	vmax.f32 v22, v23;
	v23 =	vld [tilespmem:s23+$0x0]  }
0x242: {  	v22 =	vsub.f32 $1.000000000e+00, v22;
	_ =	sdelay $0x1  }
0x243: {  	v22 =	vmul.f32 $5.000000000e-01, v22;
	_ =	sdelay $0x1  }
0x244: {  	s28 =	sor.u32 $0x10, s28;
	s1 =	rddreg [dreg:$0x14];
	v22 =	vmin.f32 v23, v22  }
0x245: {  	s1 =	sor.u32 s28, s1;
	[tilespmem:s23+$0x0] =	vst v22  }
0x246: {  	v23 =	vld [tilespmem:s1+$0x0]  }
0x247: {  	v57 =	vld [tilespmem:s1+$0x80]  }
0x248: {  	v25 =	vld [tilespmem:s1+$0x100]  }
0x249: {  	v26 =	vld [tilespmem:s1+$0x180]  }
0x24a: {  	v27 =	vld [tilespmem:s1+$0x200]  }
0x24b: {  	v58 =	vld [tilespmem:s1+$0x280]  }
0x24c: {  	v29 =	vld [tilespmem:s1+$0x300]  }
0x24d: {  	s29 =	sor.u32 s28, s29;
	v59 =	vld [tilespmem:s1+$0x380]  }
0x24e: {  	s30 =	sor.u32 s28, s30;
	v60 =	vld [tilespmem:s29+$0x0]  }
0x24f: {  	s31 =	sor.u32 s28, s31;
	v33 =	vld [tilespmem:s30+$0x0]  }
0x250: {  	s6 =	sor.u32 s28, s6;
	v61 =	vld [tilespmem:s31+$0x0]  }
0x251: {  	s29 =	sor.u32 s28, s26;
	v63 =	vld [tilespmem:s6+$0x0]  }
0x252: {  	s30 =	sor.u32 s28, s14;
	v35 =	vld [tilespmem:s29+$0x0]  }
0x253: {  	s31 =	sor.u32 s28, s15;
	v62 =	vld [tilespmem:s30+$0x0]  }
0x254: {  	s14 =	sor.u32 s28, s13;
	v37 =	vld [tilespmem:s31+$0x0]  }
0x255: {  	s15 =	sor.u32 s28, s12;
	v39 =	vld [tilespmem:s14+$0x0]  }
0x256: {  	s26 =	sor.u32 s28, s4;
	v40 =	vld [tilespmem:s15+$0x0]  }
0x257: {  	s4 =	sor.u32 s28, s20;
	v41 =	vld [tilespmem:s26+$0x0]  }
0x258: {  	s6 =	sor.u32 s28, s17;
	v45 =	vld [tilespmem:s4+$0x0]  }
0x259: {  	s12 =	sor.u32 s28, s5;
	v46 =	vld [tilespmem:s6+$0x0]  }
0x25a: {  	s13 =	sor.u32 s28, s7;
	v47 =	vld [tilespmem:s12+$0x0]  }
0x25b: {  	s1 =	rddreg [dreg:$0x17];
	s17 =	sor.u32 s28, s3;
	v48 =	vld [tilespmem:s13+$0x0]  }
0x25c: {  	s1 =	sor.u32 s28, s1;
	v51 =	vld [tilespmem:s17+$0x0]  }
0x25d: {  	s29 =	sor.u32 s28, s18;
	v31 =	vld [tilespmem:s1+$0x0]  }
0x25e: {  	s30 =	sor.u32 s28, s19;
	v42 =	vld [tilespmem:s29+$0x0]  }
0x25f: {  	s31 =	sor.u32 s28, s25;
	v43 =	vld [tilespmem:s30+$0x0]  }
0x260: {  	s14 =	sor.u32 s28, s8;
	v44 =	vld [tilespmem:s31+$0x0]  }
0x261: {  	s15 =	sor.u32 s28, s9;
	v49 =	vld [tilespmem:s14+$0x0]  }
0x262: {  	s18 =	sor.u32 s28, s16;
	v50 =	vld [tilespmem:s15+$0x0]  }
0x263: {  	s19 =	sor.u32 s28, s2;
	v52 =	vld [tilespmem:s18+$0x0];
	v23 =	vmax.f32 v23, v57  }
0x264: {  	s0 =	sor.u32 s28, s0;
	v56 =	vld [tilespmem:s19+$0x0];
	v25 =	vmax.f32 v25, v26;
	v58 =	vmax.f32 v27, v58;
	v59 =	vmax.f32 v29, v59  }
0x265: {  	v57 =	vld [tilespmem:s0+$0x0];
	v61 =	vmax.f32 v33, v61;
	v62 =	vmax.f32 v35, v62;
	v63 =	vmax.f32 v37, v63  }
0x266: {  	v40 =	vmax.f32 v39, v40;
	v46 =	vmax.f32 v45, v46;
	v47 =	vmax.f32 v47, v48  }
0x267: {  	v23 =	vmax.f32 v23, v25;
	v60 =	vmax.f32 v31, v60;
	v42 =	vmax.f32 v41, v42  }
0x268: {  	v44 =	vmax.f32 v43, v44;
	v48 =	vmax.f32 v49, v50;
	v49 =	vmax.f32 v51, v52  }
0x269: {  	v50 =	vmax.f32 v58, v59;
	v52 =	vmax.f32 v62, v63;
	v51 =	vmax.f32 v60, v61  }
0x26a: {  	v53 =	vmax.f32 v40, v42;
	v54 =	vmax.f32 v44, v46;
	v24 =	vmax.f32 v56, v57  }
0x26b: {  	v55 =	vmax.f32 v47, v48;
	v23 =	vmax.f32 v23, v50;
	v24 =	vmax.f32 v49, v24  }
0x26c: {  	s20 =	sand.u32 $0x380, s22;
	v56 =	vmax.f32 v51, v52;
	v57 =	vmax.f32 v53, v54;
	v24 =	vmax.f32 v55, v24  }
0x26d: {  	s0 =	sor.u32 s20, s28;
	v58 =	vld [tilespmem:s24+$0x0];
	v23 =	vmax.f32 v23, v56;
	v24 =	vmax.f32 v57, v24  }
0x26e: {  	v59 =	vld [tilespmem:s0+$0x800];
	v23 =	vmax.f32 v23, v24  }
0x26f: {  	v60 =	vld [tilespmem:s0+$0x400];
	v23 =	vsub.f32 $1.000000000e+00, v23;
	_ =	sdelay $0x1  }
0x270: {  	v23 =	vmul.f32 $5.000000000e-01, v23;
	_ =	sdelay $0x1  }
0x271: {  	v22 =	vmul.f32 v22, v58;
	v23 =	vmin.f32 v59, v23  }
0x272: {  	v24 =	vmul.f32 v23, v60  }
0x273: {  	(xrf0) =	vmax.scan.msk.f32 $0xffff, v22  }
0x274: {  	(xrf0) =	vmax.scan.msk.f32 $0xffff, v24;
	_ =	sdelay $0x4  }
0x275: {  	v61, _, _ =	vpop (xrf0)  }
0x276: {  	(v2sf) =	vpush v61, $0xF;
	v62, _, _ =	vpop (xrf0)  }
0x277: {  	(v2sf) =	vpush v62, $0xF;
	_ =	sdelay $0xd  }
0x278: {  	s25 =	spop (v2sf)  }
0x279: {  	s26 =	spop (v2sf)  }
0x27a: {  	s1 =	smax.f32 s25, s26  }
0x27b: {  	vm4 =	veq.f32 v22, s1  }
0x27c: {  	v22 =	vnsel vm4, $0x8000270F, v15;
	vm4 =	veq.f32 v24, s1  }
0x27d: {  	(xrf0) =	vmin.scan.msk.u32 $0xffff, v22;
	v22 =	vnsel vm4, $0x8000270F, v16  }
0x27e: {  	(xrf0) =	vmin.scan.msk.u32 $0xffff, v22;
	_ =	sdelay $0x4  }
0x27f: {  	v22, _, _ =	vpop (xrf0)  }
0x280: {  	(v2sf) =	vpush v22, $0xF;
	v22, _, _ =	vpop (xrf0)  }
0x281: {  	(v2sf) =	vpush v22, $0xF;
	_ =	sdelay $0xd  }
0x282: {  	s28 =	spop (v2sf)  }
0x283: {  	s29 =	spop (v2sf)  }
0x284: {  	s1 =	sxor.u32 $0x80000000, s28;
	s2 =	sxor.u32 $0x80000000, s29  }
0x285: {  	p0 =	slt.s32 s1, s2  }
0x286: {  	s2 =	smov.u32 @p0 s1  }
0x287: {  	s3 =	smov.u32 s21;
	p0 =	slt.s32 s21, $0x0;
	s1 =	sadd.s32 s22, s2  }
0x288: {  	s3 =	smov.u32 @p0 s1;
	p0 =	sne.s32 s10, $0x1F  }
.Ltmp3:
0x289: {  	s30 =	sadd.s32 $0xFFFFFFF0, s10;
	s31 =	rddreg [dreg:$0x11];
	(pc) =	sbr.rel @p0 .LBB2_8-.Ltmp3, $4  }
0x28a: {  	p1 =	sne.s32 s31, $0x0;
	v63 =	vmov s10;
	vm4 =	vmmov vm3;
	v22 =	vmov s30  }
0x28b: {  	s11 =	sadd.s32 $0x100, s11;
	vm5 =	veq.s32 v63, v0;
	vm4 =	vmneg @p1 vm4;
	vm6 =	veq.s32 v22, v0  }
0x28c: {  	s23 =	sadd.s32 $0x20, s23;
	s24 =	sadd.s32 $0x20, s24;
	vm5 =	vmand vm5, vm4;
	vm4 =	vmand vm4, vm6;
	s2 =	sadd.s32 $0xFFFFFFFF, s31  }
0x28d: {  	[tilespmem:s0+$0x800] =	vst v23;
	s22 =	sadd.s32 $0x20, s22;
	v20 =	vsel vm5, s1, v20;
	v21 =	vsel vm4, s1, v21;
	s10 =	sadd.s32 $0x1, s10;
	s21 =	smov.u32 @p1 s3  }
0x28e: {  	v21 =	vsel vm0, s21, v21  }
0x28f: {  	[tilespmem:$0xC10] =	vst v21  }
0x290: {  	v22 =	vld [tilespmem:$0xC10];
	_ =	sdelay $0x4  }
0x291: {  	v23 =	vshll.u32 v22, $0x3  }
0x292: {  	v22 =	vand.u32 $0x7, v22;
	v23 =	vand.u32 $0xFFFFFFC0, v23  }
0x293: {  	v22 =	vor.u32 v22, v23  }
0x294: {  	v23 =	vperm.xlane v22, v10;
	_ =	sdelay $0x1  }
0x295: {  	v23 =	vadd.s32 v11, v23  }
0x296: {  	v20 =	vsel vm1, s21, v20  }
0x297: {  	[tilespmem:$0xC00] =	vst v20  }
0x298: {  	[tilespmem:$0xD80] =	vst v20  }
0x299: {  	s21 =	simm.s32 $0x0;
	s0 =	rddreg [dreg:$0x4];
	s1 =	simm.s32 $0x4E80;
	[tilespmem:$0xD90] =	vst v21  }
0x29a: {  	[tilespmem:s1], [sflag:$0x1] =	stream.indirect_vreg.gather [hbm4b:s0+s21], $0x80, v23, vm2, $0xb8;
	[tilespmem:$0x10F00] =	vst v63  }
0x29b: {  	s23 =	rddreg [dreg:$0x6];
	s2 =	simm.s32 $0x5680;
	v20 =	vperm.xlane v22, v14  }
0x29c: {  	[tilespmem:s2], [sflag:$0x1] =	stream.indirect_vreg.gather [hbm4b:s23+s21], $0x80, v23, vm2, $0xb8;
	[tilespmem:$0x10F00] =	vst v63  }
0x29d: {  	s24 =	rddreg [dreg:$0x7];
	s3 =	simm.s32 $0x5E80;
	v20 =	vadd.s32 v11, v20  }
0x29e: {  	[tilespmem:s3], [sflag:$0x1] =	stream.indirect_vreg.gather [hbm4b:s24+s21], $0x80, v23, vm2, $0xb8;
	[tilespmem:$0x10F00] =	vst v63  }
0x29f: {  	s25 =	rddreg [dreg:$0x8];
	s4 =	simm.s32 $0x6680  }
0x2a0: {  	[tilespmem:s4], [sflag:$0x1] =	stream.indirect_vreg.gather [hbm4b:s25+s21], $0x80, v23, vm2, $0xb8;
	[tilespmem:$0x10F00] =	vst v63  }
0x2a1: {  	s26 =	simm.s32 $0x6E80  }
0x2a2: {  	[tilespmem:s26], [sflag:$0x1] =	stream.indirect_vreg.gather [hbm4b:s0+s21], $0x80, v20, vm2, $0xb8;
	[tilespmem:$0x10F00] =	vst v63  }
0x2a3: {  	s28 =	simm.s32 $0x7680  }
0x2a4: {  	[tilespmem:s28], [sflag:$0x1] =	stream.indirect_vreg.gather [hbm4b:s23+s21], $0x80, v20, vm2, $0xb8;
	[tilespmem:$0x10F00] =	vst v63  }
0x2a5: {  	s29 =	simm.s32 $0x7E80  }
0x2a6: {  	[tilespmem:s29], [sflag:$0x1] =	stream.indirect_vreg.gather [hbm4b:s24+s21], $0x80, v20, vm2, $0xb8;
	[tilespmem:$0x10F00] =	vst v63  }
0x2a7: {  	s30 =	simm.s32 $0x8680;
	s31 =	simm.s32 $0x1  }
0x2a8: {  	[tilespmem:s30], [sflag:$0x1] =	stream.indirect_vreg.gather [hbm4b:s25+s21], $0x80, v20, vm2, $0xb8;
	[tilespmem:$0x10F00] =	vst v63  }
0x2a9: {  	_ =	swait.ge [sflag:s31], $0x4000  }
0x2aa: {  	[sflag:s31] =	ssyncset.done $0x0  }
0x2ab: {  	[sflag:s31] =	ssyncadd.s32 $0xFFFFC000  }
0x2ac: {  	s10 =	simm.s32 $0xFFFFFFFF;
	s11 =	simm.s32 $0x800;
	_ =	swait.ge [sflag:s31], $0x4000  }
0x2ad: {  	s22 =	simm.s32 $0x400;
	s23 =	simm.s32 $0x0;
	[sflag:s31] =	ssyncset.done $0x0  }
0x2ae: {  	v21 =	vimm.s32 $0x0;
	s24 =	simm.s32 $0x0;
	v20 =	vimm.s32 $0x0;
	s2 =	rddreg [dreg:$0x2];
	[sflag:s31] =	ssyncadd.s32 $0xFFFFC000  }
.LBB2_10:
0x2af: {  	s0 =	sand.u32 $0x1C00, s23  }
0x2b0: {  	s28 =	sand.u32 $0x60, s21;
	s1 =	sadd.s32 $0xE80, s0  }
0x2b1: {  	[dreg:$0x15] =	wrdreg s1;
	s1 =	sor.u32 s28, s1  }
0x2b2: {  	v22 =	vld [tilespmem:s1+$0x0]  }
0x2b3: {  	v23 =	vld [tilespmem:s1+$0x80]  }
0x2b4: {  	v24 =	vld [tilespmem:s1+$0x100]  }
0x2b5: {  	v25 =	vld [tilespmem:s1+$0x180]  }
0x2b6: {  	v26 =	vld [tilespmem:s1+$0x200]  }
0x2b7: {  	v27 =	vld [tilespmem:s1+$0x280]  }
0x2b8: {  	s9 =	sadd.s32 $0x2E80, s0;
	v28 =	vld [tilespmem:s1+$0x300]  }
0x2b9: {  	s29 =	sadd.s32 $0x2F00, s0;
	s12 =	sor.u32 s28, s9;
	v29 =	vld [tilespmem:s1+$0x380]  }
0x2ba: {  	s30 =	sadd.s32 $0x2F80, s0;
	s13 =	sor.u32 s28, s29;
	v30 =	vld [tilespmem:s12+$0x0]  }
0x2bb: {  	s31 =	sadd.s32 $0x3000, s0;
	s14 =	sor.u32 s28, s30;
	v31 =	vld [tilespmem:s13+$0x0]  }
0x2bc: {  	s26 =	sadd.s32 $0x3080, s0;
	s15 =	sor.u32 s28, s31;
	v32 =	vld [tilespmem:s14+$0x0]  }
0x2bd: {  	s6 =	sadd.s32 $0x3200, s0;
	s16 =	sor.u32 s28, s26;
	v33 =	vld [tilespmem:s15+$0x0]  }
0x2be: {  	s4 =	sadd.s32 $0x4F80, s0;
	s19 =	sor.u32 s28, s6;
	v34 =	vld [tilespmem:s16+$0x0]  }
0x2bf: {  	s14 =	sadd.s32 $0x3100, s0;
	v37 =	vld [tilespmem:s19+$0x0];
	s1 =	sor.u32 s28, s4  }
0x2c0: {  	s15 =	sadd.s32 $0x3180, s0;
	s17 =	sor.u32 s28, s14;
	v40 =	vld [tilespmem:s1+$0x0]  }
0x2c1: {  	s13 =	sadd.s32 $0x4E80, s0;
	s18 =	sor.u32 s28, s15;
	v35 =	vld [tilespmem:s17+$0x0]  }
0x2c2: {  	s12 =	sadd.s32 $0x4F00, s0;
	s20 =	sor.u32 s28, s13;
	v36 =	vld [tilespmem:s18+$0x0]  }
0x2c3: {  	s19 =	sadd.s32 $0x5080, s0;
	s25 =	sor.u32 s28, s12;
	v38 =	vld [tilespmem:s20+$0x0]  }
0x2c4: {  	s5 =	sor.u32 s28, s19;
	v39 =	vld [tilespmem:s25+$0x0];
	s18 =	sadd.s32 $0x5000, s0  }
0x2c5: {  	s25 =	sadd.s32 $0x5100, s0;
	v42 =	vld [tilespmem:s5+$0x0];
	s3 =	sor.u32 s28, s18  }
0x2c6: {  	s20 =	sadd.s32 $0x5180, s0;
	s7 =	sor.u32 s28, s25;
	v41 =	vld [tilespmem:s3+$0x0]  }
0x2c7: {  	s17 =	sadd.s32 $0x5200, s0;
	s8 =	sor.u32 s28, s20;
	v43 =	vld [tilespmem:s7+$0x0]  }
0x2c8: {  	[dreg:$0x18] =	wrdreg s9;
	s5 =	sadd.s32 $0x6E80, s0;
	s9 =	sor.u32 s28, s17;
	v44 =	vld [tilespmem:s8+$0x0]  }
0x2c9: {  	s16 =	sor.u32 s28, s5;
	v45 =	vld [tilespmem:s9+$0x0];
	s7 =	sadd.s32 $0x6F00, s0  }
0x2ca: {  	v46 =	vld [tilespmem:s16+$0x0];
	s8 =	sadd.s32 $0x6F80, s0;
	s1 =	sor.u32 s28, s7  }
0x2cb: {  	s9 =	sadd.s32 $0x7000, s0;
	s3 =	sor.u32 s28, s8;
	v47 =	vld [tilespmem:s1+$0x0]  }
0x2cc: {  	s16 =	sor.u32 s28, s9;
	v48 =	vld [tilespmem:s3+$0x0];
	s3 =	sadd.s32 $0x7080, s0  }
0x2cd: {  	v49 =	vld [tilespmem:s16+$0x0];
	s16 =	sadd.s32 $0x7100, s0;
	s1 =	sor.u32 s28, s3  }
0x2ce: {  	[dreg:$0x10] =	wrdreg s2;
	s2 =	sadd.s32 $0x7180, s0;
	v50 =	vld [tilespmem:s1+$0x0];
	s1 =	sor.u32 s28, s16  }
0x2cf: {  	v22 =	vmax.f32 v22, v23;
	s0 =	sadd.s32 $0x7200, s0;
	v51 =	vld [tilespmem:s1+$0x0];
	s1 =	sor.u32 s28, s2  }
0x2d0: {  	v23 =	vmax.f32 v24, v25;
	v57 =	vmax.f32 v26, v27;
	v58 =	vmax.f32 v28, v29;
	v52 =	vld [tilespmem:s1+$0x0];
	s1 =	sor.u32 s28, s0  }
0x2d1: {  	v59 =	vmax.f32 v30, v31;
	v60 =	vmax.f32 v32, v33;
	v22 =	vmax.f32 v22, v23;
	v53 =	vld [tilespmem:s1+$0x0]  }
0x2d2: {  	v23 =	vmax.f32 v57, v58;
	v61 =	vmax.f32 v34, v35;
	v62 =	vmax.f32 v36, v37  }
0x2d3: {  	v63 =	vmax.f32 v38, v39;
	v22 =	vmax.f32 v22, v23;
	v41 =	vmax.f32 v40, v41  }
0x2d4: {  	v43 =	vmax.f32 v42, v43;
	v44 =	vmax.f32 v44, v45;
	v45 =	vmax.f32 v46, v47  }
0x2d5: {  	v46 =	vmax.f32 v48, v49;
	v49 =	vmax.f32 v59, v60;
	v47 =	vmax.f32 v50, v51  }
0x2d6: {  	v50 =	vmax.f32 v61, v62;
	v51 =	vmax.f32 v63, v41;
	v48 =	vmax.f32 v52, v53  }
0x2d7: {  	v52 =	vmax.f32 v43, v44;
	v53 =	vmax.f32 v45, v46;
	v54 =	vmax.f32 v47, v48  }
0x2d8: {  	v23 =	vmax.f32 v49, v50;
	v55 =	vmax.f32 v51, v52;
	v56 =	vmax.f32 v53, v54  }
0x2d9: {  	v22 =	vmax.f32 v22, v23;
	v23 =	vmax.f32 v55, v56  }
0x2da: {  	v22 =	vmax.f32 v22, v23;
	v23 =	vld [tilespmem:s11+$0x0]  }
0x2db: {  	v22 =	vsub.f32 $1.000000000e+00, v22;
	_ =	sdelay $0x1  }
0x2dc: {  	v22 =	vmul.f32 $5.000000000e-01, v22;
	_ =	sdelay $0x1  }
0x2dd: {  	s28 =	sor.u32 $0x10, s28;
	s1 =	rddreg [dreg:$0x15];
	v22 =	vmin.f32 v23, v22  }
0x2de: {  	s1 =	sor.u32 s28, s1;
	[tilespmem:s11+$0x0] =	vst v22  }
0x2df: {  	v23 =	vld [tilespmem:s1+$0x0]  }
0x2e0: {  	v57 =	vld [tilespmem:s1+$0x80]  }
0x2e1: {  	v25 =	vld [tilespmem:s1+$0x100]  }
0x2e2: {  	v26 =	vld [tilespmem:s1+$0x180]  }
0x2e3: {  	v27 =	vld [tilespmem:s1+$0x200]  }
0x2e4: {  	v58 =	vld [tilespmem:s1+$0x280]  }
0x2e5: {  	v29 =	vld [tilespmem:s1+$0x300]  }
0x2e6: {  	s29 =	sor.u32 s28, s29;
	v59 =	vld [tilespmem:s1+$0x380]  }
0x2e7: {  	s30 =	sor.u32 s28, s30;
	v60 =	vld [tilespmem:s29+$0x0]  }
0x2e8: {  	s31 =	sor.u32 s28, s31;
	v33 =	vld [tilespmem:s30+$0x0]  }
0x2e9: {  	s6 =	sor.u32 s28, s6;
	v61 =	vld [tilespmem:s31+$0x0]  }
0x2ea: {  	s29 =	sor.u32 s28, s26;
	v63 =	vld [tilespmem:s6+$0x0]  }
0x2eb: {  	s30 =	sor.u32 s28, s14;
	v35 =	vld [tilespmem:s29+$0x0]  }
0x2ec: {  	s31 =	sor.u32 s28, s15;
	v62 =	vld [tilespmem:s30+$0x0]  }
0x2ed: {  	s14 =	sor.u32 s28, s13;
	v37 =	vld [tilespmem:s31+$0x0]  }
0x2ee: {  	s15 =	sor.u32 s28, s12;
	v39 =	vld [tilespmem:s14+$0x0]  }
0x2ef: {  	s26 =	sor.u32 s28, s4;
	v40 =	vld [tilespmem:s15+$0x0]  }
0x2f0: {  	s4 =	sor.u32 s28, s20;
	v41 =	vld [tilespmem:s26+$0x0]  }
0x2f1: {  	s6 =	sor.u32 s28, s17;
	v45 =	vld [tilespmem:s4+$0x0]  }
0x2f2: {  	s12 =	sor.u32 s28, s5;
	v46 =	vld [tilespmem:s6+$0x0]  }
0x2f3: {  	s13 =	sor.u32 s28, s7;
	v47 =	vld [tilespmem:s12+$0x0]  }
0x2f4: {  	s1 =	rddreg [dreg:$0x18];
	s17 =	sor.u32 s28, s3;
	v48 =	vld [tilespmem:s13+$0x0]  }
0x2f5: {  	s1 =	sor.u32 s28, s1;
	v51 =	vld [tilespmem:s17+$0x0]  }
0x2f6: {  	s29 =	sor.u32 s28, s18;
	v31 =	vld [tilespmem:s1+$0x0]  }
0x2f7: {  	s30 =	sor.u32 s28, s19;
	v42 =	vld [tilespmem:s29+$0x0]  }
0x2f8: {  	s31 =	sor.u32 s28, s25;
	v43 =	vld [tilespmem:s30+$0x0]  }
0x2f9: {  	s14 =	sor.u32 s28, s8;
	v44 =	vld [tilespmem:s31+$0x0]  }
0x2fa: {  	s15 =	sor.u32 s28, s9;
	v49 =	vld [tilespmem:s14+$0x0]  }
0x2fb: {  	s18 =	sor.u32 s28, s16;
	v50 =	vld [tilespmem:s15+$0x0]  }
0x2fc: {  	s19 =	sor.u32 s28, s2;
	v52 =	vld [tilespmem:s18+$0x0];
	v23 =	vmax.f32 v23, v57  }
0x2fd: {  	s0 =	sor.u32 s28, s0;
	v56 =	vld [tilespmem:s19+$0x0];
	v25 =	vmax.f32 v25, v26;
	v58 =	vmax.f32 v27, v58;
	v59 =	vmax.f32 v29, v59  }
0x2fe: {  	v57 =	vld [tilespmem:s0+$0x0];
	v61 =	vmax.f32 v33, v61;
	v62 =	vmax.f32 v35, v62;
	v63 =	vmax.f32 v37, v63  }
0x2ff: {  	v40 =	vmax.f32 v39, v40;
	v46 =	vmax.f32 v45, v46;
	v47 =	vmax.f32 v47, v48  }
0x300: {  	v23 =	vmax.f32 v23, v25;
	v60 =	vmax.f32 v31, v60;
	v42 =	vmax.f32 v41, v42  }
0x301: {  	v44 =	vmax.f32 v43, v44;
	v48 =	vmax.f32 v49, v50;
	v49 =	vmax.f32 v51, v52  }
0x302: {  	v50 =	vmax.f32 v58, v59;
	v52 =	vmax.f32 v62, v63;
	v51 =	vmax.f32 v60, v61  }
0x303: {  	v53 =	vmax.f32 v40, v42;
	v54 =	vmax.f32 v44, v46;
	v24 =	vmax.f32 v56, v57  }
0x304: {  	v55 =	vmax.f32 v47, v48;
	v23 =	vmax.f32 v23, v50;
	v24 =	vmax.f32 v49, v24  }
0x305: {  	s20 =	sand.u32 $0x380, s21;
	v56 =	vmax.f32 v51, v52;
	v57 =	vmax.f32 v53, v54;
	v24 =	vmax.f32 v55, v24  }
0x306: {  	s0 =	sor.u32 s20, s28;
	v58 =	vld [tilespmem:s22+$0x0];
	v23 =	vmax.f32 v23, v56;
	v24 =	vmax.f32 v57, v24  }
0x307: {  	v59 =	vld [tilespmem:s0+$0x800];
	v23 =	vmax.f32 v23, v24  }
0x308: {  	v60 =	vld [tilespmem:s0+$0x400];
	v23 =	vsub.f32 $1.000000000e+00, v23;
	_ =	sdelay $0x1  }
0x309: {  	v23 =	vmul.f32 $5.000000000e-01, v23;
	_ =	sdelay $0x1  }
0x30a: {  	v22 =	vmul.f32 v22, v58;
	v23 =	vmin.f32 v59, v23  }
0x30b: {  	v24 =	vmul.f32 v23, v60  }
0x30c: {  	(xrf0) =	vmax.scan.msk.f32 $0xffff, v22  }
0x30d: {  	(xrf0) =	vmax.scan.msk.f32 $0xffff, v24;
	_ =	sdelay $0x4  }
0x30e: {  	v61, _, _ =	vpop (xrf0)  }
0x30f: {  	(v2sf) =	vpush v61, $0xF;
	v62, _, _ =	vpop (xrf0)  }
0x310: {  	(v2sf) =	vpush v62, $0xF;
	_ =	sdelay $0xd  }
0x311: {  	s25 =	spop (v2sf)  }
0x312: {  	s26 =	spop (v2sf)  }
0x313: {  	s1 =	smax.f32 s25, s26  }
0x314: {  	vm4 =	veq.f32 v22, s1  }
0x315: {  	v22 =	vnsel vm4, $0x8000270F, v15;
	vm4 =	veq.f32 v24, s1  }
0x316: {  	(xrf0) =	vmin.scan.msk.u32 $0xffff, v22;
	v22 =	vnsel vm4, $0x8000270F, v16  }
0x317: {  	(xrf0) =	vmin.scan.msk.u32 $0xffff, v22;
	_ =	sdelay $0x4  }
0x318: {  	v22, _, _ =	vpop (xrf0)  }
0x319: {  	(v2sf) =	vpush v22, $0xF;
	v22, _, _ =	vpop (xrf0)  }
0x31a: {  	(v2sf) =	vpush v22, $0xF;
	_ =	sdelay $0xd  }
0x31b: {  	s28 =	spop (v2sf)  }
0x31c: {  	s29 =	spop (v2sf)  }
0x31d: {  	s1 =	sxor.u32 $0x80000000, s28;
	s2 =	sxor.u32 $0x80000000, s29  }
0x31e: {  	p0 =	slt.s32 s1, s2  }
0x31f: {  	s2 =	smov.u32 @p0 s1  }
0x320: {  	s3 =	smov.u32 s10;
	p0 =	slt.s32 s10, $0x0;
	s1 =	sadd.s32 s21, s2  }
0x321: {  	s3 =	smov.u32 @p0 s1;
	p0 =	sne.s32 s24, $0x1F  }
.Ltmp4:
0x322: {  	s30 =	sadd.s32 $0xFFFFFFF0, s24;
	s31 =	rddreg [dreg:$0x10];
	(pc) =	sbr.rel @p0 .LBB2_10-.Ltmp4, $4  }
0x323: {  	p1 =	sne.s32 s31, $0x0;
	v63 =	vmov s24;
	vm4 =	vmmov vm3;
	v22 =	vmov s30  }
0x324: {  	s23 =	sadd.s32 $0x100, s23;
	vm5 =	veq.s32 v63, v0;
	vm4 =	vmneg @p1 vm4;
	vm6 =	veq.s32 v22, v0  }
0x325: {  	s11 =	sadd.s32 $0x20, s11;
	s22 =	sadd.s32 $0x20, s22;
	vm5 =	vmand vm5, vm4;
	vm4 =	vmand vm4, vm6;
	s2 =	sadd.s32 $0xFFFFFFFF, s31  }
0x326: {  	[tilespmem:s0+$0x800] =	vst v23;
	s21 =	sadd.s32 $0x20, s21;
	v21 =	vsel vm5, s1, v21;
	v20 =	vsel vm4, s1, v20;
	s24 =	sadd.s32 $0x1, s24;
	s10 =	smov.u32 @p1 s3  }
0x327: {  	[tilespmem:$0x10E80] =	vst v17  }
0x328: {  	[tilespmem:$0x10E90] =	vst v17  }
0x329: {  	[tilespmem:$0x10EA0] =	vst v17  }
0x32a: {  	[tilespmem:$0x10EB0] =	vst v17  }
0x32b: {  	[tilespmem:$0x10EC0] =	vst v17  }
0x32c: {  	[tilespmem:$0x10ED0] =	vst v17  }
0x32d: {  	[tilespmem:$0x10EE0] =	vst v17  }
0x32e: {  	v21 =	vsel vm1, s10, v21;
	[tilespmem:$0x10EF0] =	vst v17  }
0x32f: {  	v20 =	vsel vm0, s10, v20;
	[tilespmem:$0xC00] =	vst v21  }
0x330: {  	[tilespmem:$0xC10] =	vst v20  }
0x331: {  	[tilespmem:$0xE00] =	vst v21  }
0x332: {  	s0 =	simm.s32 $0xC80;
	[tilespmem:$0xE10] =	vst v20  }
0x333: {  	v20 =	vld.idx.msk [tilespmem:v2+s0+$0x0], $0xffff;
	_ =	sdelay $0x5  }
0x334: {  	v61 =	vmul.u32 $0x4, v0  }
0x335: {  	s9 =	simm.s32 $0x0  }
0x336: {  	v22 =	vor.u32 $0x1, v61;
	v20 =	vld.idx.msk [tilespmem:v20+s9+$0x0], $0xffff;
	_ =	sdelay $0x3  }
0x337: {  	s2 =	simm.s32 $0x10E80  }
0x338: {  	[tilespmem:v22+s2+$0x0] =	vst.idx.msk $0xffff, v20  }
0x339: {  	v20 =	vld.idx.msk [tilespmem:v3+s0+$0x0], $0x7fff;
	_ =	sdelay $0x3  }
0x33a: {  	vm4 =	veq.s32 v0, $0xF  }
0x33b: {  	v20 =	vsel vm4, $0x0, v20;
	_ =	sdelay $0x4  }
0x33c: {  	v20 =	vld.idx.msk [tilespmem:v20+s9+$0x0], $0x7fff;
	_ =	sdelay $0x4  }
0x33d: {  	[tilespmem:v12+s2+$0x0] =	vst.idx.msk $0x7fff, v20  }
0x33e: {  	v20 =	vld.idx.msk [tilespmem:v4+s0+$0x0], $0xffff;
	_ =	sdelay $0x7  }
0x33f: {  	v62 =	vor.u32 $0x2, v61;
	v20 =	vld.idx.msk [tilespmem:v20+s9+$0x0], $0xffff;
	_ =	sdelay $0x4  }
0x340: {  	[tilespmem:v62+s2+$0x0] =	vst.idx.msk $0xffff, v20  }
0x341: {  	v20 =	vld.idx.msk [tilespmem:v5+s0+$0x0], $0x7fff;
	_ =	sdelay $0x4  }
0x342: {  	v20 =	vsel vm4, $0x0, v20;
	_ =	sdelay $0x4  }
0x343: {  	v20 =	vld.idx.msk [tilespmem:v20+s9+$0x0], $0x7fff;
	_ =	sdelay $0x4  }
0x344: {  	[tilespmem:v13+s2+$0x0] =	vst.idx.msk $0x7fff, v20  }
0x345: {  	v20 =	vld.idx.msk [tilespmem:v6+s0+$0x0], $0xffff;
	_ =	sdelay $0x7  }
0x346: {  	v63 =	vor.u32 $0x3, v61;
	v20 =	vld.idx.msk [tilespmem:v20+s9+$0x0], $0xffff;
	_ =	sdelay $0x4  }
0x347: {  	[tilespmem:v63+s2+$0x0] =	vst.idx.msk $0xffff, v20  }
0x348: {  	v20 =	vld.idx.msk [tilespmem:v7+s0+$0x0], $0x7fff;
	_ =	sdelay $0x4  }
0x349: {  	v20 =	vsel vm4, $0x0, v20;
	_ =	sdelay $0x4  }
0x34a: {  	v20 =	vld.idx.msk [tilespmem:v20+s9+$0x0], $0x7fff;
	_ =	sdelay $0x4  }
0x34b: {  	[tilespmem:v18+s2+$0x0] =	vst.idx.msk $0x7fff, v20  }
0x34c: {  	v20 =	vld.idx.msk [tilespmem:v8+s0+$0x0], $0xffff;
	_ =	sdelay $0x7  }
0x34d: {  	v21 =	vadd.s32 $0x4, v61;
	v20 =	vld.idx.msk [tilespmem:v20+s9+$0x0], $0xffff;
	_ =	sdelay $0x4  }
0x34e: {  	[tilespmem:v21+s2+$0x0] =	vst.idx.msk $0xffff, v20  }
0x34f: {  	v20 =	vld.idx.msk [tilespmem:v9+s0+$0x0], $0x7fff;
	_ =	sdelay $0x4  }
0x350: {  	v20 =	vsel vm4, $0x0, v20;
	_ =	sdelay $0x4  }
0x351: {  	v20 =	vld.idx.msk [tilespmem:v20+s9+$0x0], $0x7fff;
	_ =	sdelay $0x4  }
0x352: {  	s26 =	rddreg [dreg:$0xb];
	[tilespmem:v19+s2+$0x0] =	vst.idx.msk $0x7fff, v20  }
0x353: {  	v20 =	vld [tilespmem:s26+$0x0]  }
0x354: {  	v21 =	vld [tilespmem:s26+$0x10];
	_ =	sdelay $0x3  }
0x355: {  	(xrf0) =	vmax.scan.msk.f32 $0xffff, v20  }
0x356: {  	(xrf0) =	vmax.scan.msk.f32 $0xffff, v21;
	_ =	sdelay $0x4  }
0x357: {  	v20, _, _ =	vpop (xrf0)  }
0x358: {  	(v2sf) =	vpush v20, $0xF;
	v20, _, _ =	vpop (xrf0)  }
0x359: {  	(v2sf) =	vpush v20, $0xF;
	_ =	sdelay $0xb  }
0x35a: {  	v20 =	vld [tilespmem:$0x10E80];
	_ =	sdelay $0x1  }
0x35b: {  	s28 =	spop (v2sf)  }
0x35c: {  	s1 =	spop (v2sf)  }
0x35d: {  	vm4 =	veq.s32 v0, $0x0;
	s0 =	smax.f32 s28, s1  }
0x35e: {  	v20 =	vsel vm4, s0, v20  }
0x35f: {  	s29 =	rddreg [dreg:$0xc];
	s5 =	simm.s32 $0x2;
	[tilespmem:$0x10E80] =	vst v20  }
0x360: {  	[hbm4b:s29+s9] =	stream.linear.scatter [tilespmem:s2], [sflag:$0x2], $0x80, $0x38;
	[tilespmem:$0x10F00] =	vst v63  }
0x361: {  	_ =	swait.ge [sflag:s5], $0x80  }
0x362: {  	s30 =	rddreg [dreg:$0xf]  }
0x363: {  	s31 =	rddreg [dreg:$0xd];
	s1 =	sadd.s32 $0x1, s30  }
0x364: {  	p0 =	sne.s32 s1, s31  }
.Ltmp5:
0x365: {  	_ = 	snop;
	(pc) =	sbr.rel @p0 .LBB2_1-.Ltmp5, $3  }
0x366: {  	_ =	sdelay $0x1  }
0x367: {  	[sflag:s5] =	ssyncset.done $0x0  }
0x368: {  	[sflag:s5] =	ssyncadd.s32 $0xFFFFFF80  }
0x369: {  	_ =	sfence.sel $0x180000  }
0x36a: {  	[bflag:$0x0] =	sbarrier.arrive $0xFFFF  }
0x36b: {  	_ =	strace $0x90000047  }
0x36c: {  	s0 =	stileid.u32;
	[bflag:$0x2] =	sbarrier.arrive $0xFFFF  }
0x36d: {  	p0 =	sne.s32 s0, $0x0;
	s0 =	rddreg [dreg:$0x1]  }
0x36e: {  	s0 =	sadd.s32 @!p0 $0x100000, s0  }
0x36f: {  	[sflag:s0] =	ssyncadd.tile.s32 @!p0 $0x1;
	_ =	shalt  }
.Lfunc_end2:
_tile_overlayer_lowered:
.L_overlay_start_2:
0x370: {  	(tag) =	ssettag $0x2  }
0x371: {  	s0 =	rddreg [dreg:$0x0];
	s2 =	stileid.u32  }
0x372: {  	s1 =	rddreg [dreg:$0x1];
	p0 =	sne.s32 s2, $0x0  }
0x373: {  	s3 =	rddreg [dreg:$0x2];
	[bflag:$0x3] =	sbarrier.arrive $0xFFFF;
	s2 =	simm.s32 @!p0 $0x1C02  }
0x374: {  	[timem:s3], [sflag:s2] =	dma.local @!p0 [hbm:s0], s1  }
0x375: {  	s0 =	simm.s32 @!p0 $0x2  }
0x376: {  	_ =	swait.ge @!p0 [sflag:s0], s1  }
0x377: {  	s1 =	ssub.s32 @!p0 $0x0, s1;
	[sflag:s0] =	ssyncset.done @!p0 $0x0  }
0x378: {  	[sflag:s0] =	ssyncadd.s32 @!p0 s1  }
0x379: {  	[bflag:$0x3] =	sbarrier.arrive $0xFFFF  }
0x37a: {  	_ =	shalt  }

</sc_bundles>
